<compile_context>
chip_gen: v7x
topology: tpu7x:2x2x1
jax: 0.10.2.dev20260603
libtpu: 0.0.44.dev20260713+nightly
codegen_flags: <defaults>
</compile_context>

<pallas_src>
import functools

import jax
import jax.numpy as jnp
from jax import lax
from jax.experimental import pallas as pl
from jax.experimental.pallas import tpu as pltpu
from jax.experimental.pallas import tpu_sc as plsc

N = 10000
E = 320000
D = 128

NC = 2
NS = 16
NW = NC * NS
EDGES_PER_TILE = E // NW
CHUNK = 128
NCHUNK = 79
E_TILE = NCHUNK * CHUNK
SUP = 8
NSUP = NCHUNK // SUP
E_SRC = (NSUP + 1) * SUP * CHUNK
N_PAD = 10112
ROWS_PER_TILE = N_PAD // NS

BM = 2000

NBUF = 2


def _segment_sum_sc(p, src2, dst3, zeros):
    mesh = plsc.VectorSubcoreMesh(core_axis_name="c", subcore_axis_name="s",
                                  num_cores=NC, num_subcores=NS)

    @functools.partial(
        pl.kernel,
        out_type=jax.ShapeDtypeStruct((NC, N_PAD, D), jnp.float32),
        mesh=mesh,
        scratch_types=[
            pltpu.VMEM_SHARED((N_PAD, D), jnp.float32),
            pltpu.VMEM((2, SUP * CHUNK), jnp.int32),
            pltpu.VMEM((NCHUNK, CHUNK), jnp.int32),
            pltpu.VMEM((NBUF, CHUNK, D), jnp.float32),
            pltpu.SemaphoreType.DMA,
            pltpu.SemaphoreType.DMA,
        ],
    )
    def k(p_hbm, src_hbm, dst_hbm, zeros_hbm, out_hbm,
          acc, sring, didx, rows, gsem, isem):
        cid = lax.axis_index("c")
        sid = lax.axis_index("s")
        wid = cid * NS + sid
        row0 = sid * ROWS_PER_TILE
        SW = SUP * CHUNK
        pltpu.sync_copy(dst_hbm.at[wid], didx)
        pltpu.sync_copy(src_hbm.at[wid, pl.ds(0, SW)], sring.at[0])
        for b in range(NBUF):
            pltpu.async_copy(p_hbm.at[sring.at[0, pl.ds(b * CHUNK, CHUNK)]],
                             rows.at[b], gsem)
        pltpu.sync_copy(zeros_hbm, acc.at[pl.ds(row0, ROWS_PER_TILE)])
        plsc.subcore_barrier()

        def step(j, r, sb, prefetch):
            b = lax.rem(j, NBUF)
            pltpu.make_async_copy(p_hbm.at[sring.at[0, pl.ds(0, CHUNK)]],
                                  rows.at[b], gsem).wait()
            pltpu.sync_copy(rows.at[b], acc.at[didx.at[j]], add=True)
            if prefetch:
                rn = r + NBUF
                sbn = sb if rn < SUP else 1 - sb
                pltpu.async_copy(
                    p_hbm.at[sring.at[sbn, pl.ds((rn % SUP) * CHUNK, CHUNK)]],
                    rows.at[b], gsem)

        def super_body(s, carry):
            sb = lax.rem(s, 2)
            pltpu.async_copy(src_hbm.at[wid, pl.ds((s + 1) * SW, SW)],
                             sring.at[1 - sb], isem)
            step(s * SUP + 0, 0, sb, True)
            pltpu.make_async_copy(src_hbm.at[wid, pl.ds(0, SW)],
                                  sring.at[1 - sb], isem).wait()
            for r in range(1, SUP):
                step(s * SUP + r, r, sb, True)
            return carry

        lax.fori_loop(0, NSUP, super_body, 0)
        for jj in range(NSUP * SUP, NCHUNK):
            step(jj, jj - NSUP * SUP, NSUP % 2, jj + NBUF < NCHUNK)

        plsc.subcore_barrier()
        pltpu.sync_copy(acc.at[pl.ds(row0, ROWS_PER_TILE)],
                        out_hbm.at[cid, pl.ds(row0, ROWS_PER_TILE)])

    return k(p, src2, dst3, zeros)


def _mm(h, W):
    def body(h_ref, w_ref, o_ref):
        o_ref[...] = jnp.dot(h_ref[...], w_ref[...],
                             preferred_element_type=jnp.float32)

    return pl.pallas_call(
        body,
        grid=(N // BM,),
        in_specs=[pl.BlockSpec((BM, D), lambda i: (i, 0)),
                  pl.BlockSpec((D, D), lambda i: (0, 0))],
        out_specs=pl.BlockSpec((BM, D), lambda i: (i, 0)),
        out_shape=jax.ShapeDtypeStruct((N, D), jnp.float32),
    )(h, W)


def _elu(t):
    return jnp.where(t > 0, t, jnp.exp(jnp.minimum(t, 0.0)) - 1.0)


def _fused_elu_mm(p, s, b, W):
    def body(p_ref, s0_ref, s1_ref, b_ref, w_ref, o_ref):
        t = p_ref[...] + s0_ref[0] + s1_ref[0] + b_ref[...]
        o_ref[...] = jnp.dot(_elu(t), w_ref[...],
                             preferred_element_type=jnp.float32)

    return pl.pallas_call(
        body,
        grid=(N // BM,),
        in_specs=[pl.BlockSpec((BM, D), lambda i: (i, 0)),
                  pl.BlockSpec((1, BM, D), lambda i: (0, i, 0)),
                  pl.BlockSpec((1, BM, D), lambda i: (1, i, 0)),
                  pl.BlockSpec((1, D), lambda i: (0, 0)),
                  pl.BlockSpec((D, D), lambda i: (0, 0))],
        out_specs=pl.BlockSpec((BM, D), lambda i: (i, 0)),
        out_shape=jax.ShapeDtypeStruct((N, D), jnp.float32),
    )(p, s, s, b, W)


def _fused_elu(p, s, b):
    def body(p_ref, s0_ref, s1_ref, b_ref, o_ref):
        t = p_ref[...] + s0_ref[0] + s1_ref[0] + b_ref[...]
        o_ref[...] = _elu(t)

    return pl.pallas_call(
        body,
        grid=(N // BM,),
        in_specs=[pl.BlockSpec((BM, D), lambda i: (i, 0)),
                  pl.BlockSpec((1, BM, D), lambda i: (0, i, 0)),
                  pl.BlockSpec((1, BM, D), lambda i: (1, i, 0)),
                  pl.BlockSpec((1, D), lambda i: (0, 0))],
        out_specs=pl.BlockSpec((BM, D), lambda i: (i, 0)),
        out_shape=jax.ShapeDtypeStruct((N, D), jnp.float32),
    )(p, s, s, b)


def kernel(x, edge_index, x_param, W0, b0, W1, b1, W2, b2):
    src = jnp.pad(edge_index[0].reshape(NW, EDGES_PER_TILE),
                  ((0, 0), (0, E_SRC - EDGES_PER_TILE)))
    dst = jnp.pad(edge_index[1].reshape(NW, EDGES_PER_TILE),
                  ((0, 0), (0, E_TILE - EDGES_PER_TILE)),
                  constant_values=N).reshape(NW, NCHUNK, CHUNK)

    zeros = jnp.zeros((ROWS_PER_TILE, D), jnp.float32)
    b0r, b1r, b2r = (b.reshape(1, D) for b in (b0, b1, b2))

    p = _mm(x_param, W0)
    s = _segment_sum_sc(p, src, dst, zeros)
    p = _fused_elu_mm(p, s, b0r, W1)
    s = _segment_sum_sc(p, src, dst, zeros)
    p = _fused_elu_mm(p, s, b1r, W2)
    s = _segment_sum_sc(p, src, dst, zeros)
    return _fused_elu(p, s, b2r)

# --- scband reference (transcript-rebuilt; emitter-appended) ---
"""Pipeline reference for scband-gin-39376260170206 (READ-ONLY COPY).

The authoritative reference and input builder live on the scoring server;
editing this copy changes nothing except your own understanding.
"""

import jax, jax.numpy as jnp
import numpy as np

N = 10000
E = 320000
D_IN = 128
D_HID = 128
D_OUT = 128


def setup_inputs(seed: int = 0) -> dict:
    key = jax.random.key(seed)
    ks = jax.random.split(key, 10)
    x = jax.random.normal(ks[0], (N, D_IN), dtype=jnp.float32)
    edge_index = jax.random.randint(ks[1], (2, E), 0, N, dtype=jnp.int32)
    # learned node embedding parameter self.x
    x_param = jax.random.normal(ks[2], (N, D_IN), dtype=jnp.float32) * 0.1
    s0 = 1.0 / np.sqrt(D_IN)
    s1 = 1.0 / np.sqrt(D_HID)
    W0 = jax.random.normal(ks[3], (D_IN, D_HID), dtype=jnp.float32) * s0
    b0 = jnp.zeros((D_HID,), dtype=jnp.float32)
    W1 = jax.random.normal(ks[4], (D_HID, D_HID), dtype=jnp.float32) * s1
    b1 = jnp.zeros((D_HID,), dtype=jnp.float32)
    W2 = jax.random.normal(ks[5], (D_HID, D_OUT), dtype=jnp.float32) * s1
    b2 = jnp.zeros((D_OUT,), dtype=jnp.float32)
    return {"x": x, "edge_index": edge_index, "x_param": x_param,
            "W0": W0, "b0": b0, "W1": W1, "b1": b1, "W2": W2, "b2": b2}


def _gin_conv(h, src, dst, W, b, eps=0.0):
    # GIN aggregation: (1 + eps) * x_i + sum_{j in N(i)} x_j, then linear
    msgs = jnp.take(h, src, axis=0)
    agg = jax.ops.segment_sum(msgs, dst, num_segments=h.shape[0])
    out = (1.0 + eps) * h + agg
    return out @ W + b


def reference(x, edge_index, x_param, W0, b0, W1, b1, W2, b2):
    # Module ignores forward-arg x and uses the learned parameter self.x.
    # Dropout evaluated in eval mode (identity) for determinism.
    src = edge_index[0]
    dst = edge_index[1]
    h = x_param
    for W, b in ((W0, b0), (W1, b1), (W2, b2)):
        h = _gin_conv(h, src, dst, W, b)
        h = jax.nn.elu(h)
    return h

if __name__ == "__main__":
    import jax
    _d = setup_inputs()
    print(jax.jit(kernel)(*tuple(_d.values())))

</pallas_src>

<mosaic_0001>
#map = affine_map<(d0, d1) -> (0, 0)>
#map1 = affine_map<(d0, d1) -> (0, 0, 0)>
module attributes {stable_mosaic.version = 14 : i64} {
  func.func @k(%arg0: i32, %arg1: i32, %arg2: memref<10000x128xf32, #tpu.memory_space<hbm>>, %arg3: memref<32x10240xi32, #tpu.memory_space<hbm>>, %arg4: memref<32x79x128xi32, #tpu.memory_space<hbm>>, %arg5: memref<632x128xf32, #tpu.memory_space<hbm>>, %arg6: memref<2x10112x128xf32, #tpu.memory_space<hbm>>, %arg7: memref<10112x128xf32, #tpu.memory_space<vmem_shared>>, %arg8: memref<2x1024xi32, #tpu.memory_space<vmem>>, %arg9: memref<79x128xi32, #tpu.memory_space<vmem>>, %arg10: memref<2x128x128xf32, #tpu.memory_space<vmem>>, %arg11: memref<!tpu.dma_semaphore, #tpu.memory_space<semaphore_mem>>, %arg12: memref<!tpu.dma_semaphore, #tpu.memory_space<semaphore_mem>>) attributes {dimension_semantics = [#tpu.dimension_semantics<core_parallel>, #tpu.dimension_semantics<subcore_parallel>], iteration_bounds = array<i64: 2, 16>, scalar_prefetch = 0 : i64, scratch_operands = 6 : i64, tpu.core_type = #tpu.core_type<sc_vector_subcore>, window_params = [{transform_indices = #map}, {transform_indices = #map}, {transform_indices = #map1}, {transform_indices = #map}, {transform_indices = #map1}]} {
    %mul3A = arith.constant 16 : i32
    %mul3A_0 = arith.muli %arg0, %mul3A : i32
    %add3A = arith.addi %mul3A_0, %arg1 : i32
    %mul3A_1 = arith.constant 632 : i32
    %mul3A_2 = arith.muli %arg1, %mul3A_1 : i32
    "tpu.region"() ({
      %run_scoped3A_190 = tpu.sem_alloc : memref<!tpu.dma_semaphore, #tpu.memory_space<semaphore_mem>>
      %dma_start3A_191 = arith.constant 0 : i32
      %dma_start3A_192 = arith.constant 0 : i32
      %dma_start3A_193 = tpu.memref_slice %arg4[%add3A, %dma_start3A_191, %dma_start3A_192] : memref<32x79x128xi32, #tpu.memory_space<hbm>> -> memref<1x79x128xi32, #tpu.memory_space<hbm>>
      %dma_start3A_194 = tpu.memref_squeeze %dma_start3A_193 : memref<1x79x128xi32, #tpu.memory_space<hbm>> -> memref<79x128xi32, #tpu.memory_space<hbm>>
      %dma_start3A_195 = arith.constant 0 : i32
      %dma_start3A_196 = arith.constant 0 : i32
      %dma_start3A_197 = tpu.memref_slice %arg4[%add3A, %dma_start3A_195, %dma_start3A_196] : memref<32x79x128xi32, #tpu.memory_space<hbm>> -> memref<1x79x128xi32, #tpu.memory_space<hbm>>
      %dma_start3A_198 = tpu.memref_squeeze %dma_start3A_197 : memref<1x79x128xi32, #tpu.memory_space<hbm>> -> memref<79x128xi32, #tpu.memory_space<hbm>>
      tpu.enqueue_dma source(%dma_start3A_198 : memref<79x128xi32, #tpu.memory_space<hbm>>) target(%arg9 : memref<79x128xi32, #tpu.memory_space<vmem>>) target_semaphore(%run_scoped3A_190 : memref<!tpu.dma_semaphore, #tpu.memory_space<semaphore_mem>>)
      %dma_wait3A_199 = arith.constant 0 : i32
      %dma_wait3A_200 = arith.constant 0 : i32
      %dma_wait3A_201 = tpu.memref_slice %arg4[%add3A, %dma_wait3A_199, %dma_wait3A_200] : memref<32x79x128xi32, #tpu.memory_space<hbm>> -> memref<1x79x128xi32, #tpu.memory_space<hbm>>
      %dma_wait3A_202 = tpu.memref_squeeze %dma_wait3A_201 : memref<1x79x128xi32, #tpu.memory_space<hbm>> -> memref<79x128xi32, #tpu.memory_space<hbm>>
      %dma_wait3A_203 = arith.constant 0 : i32
      %dma_wait3A_204 = arith.constant 0 : i32
      %dma_wait3A_205 = tpu.memref_slice %arg4[%add3A, %dma_wait3A_203, %dma_wait3A_204] : memref<32x79x128xi32, #tpu.memory_space<hbm>> -> memref<1x79x128xi32, #tpu.memory_space<hbm>>
      %dma_wait3A_206 = tpu.memref_squeeze %dma_wait3A_205 : memref<1x79x128xi32, #tpu.memory_space<hbm>> -> memref<79x128xi32, #tpu.memory_space<hbm>>
      tpu.wait_dma2 semaphore(%run_scoped3A_190 : memref<!tpu.dma_semaphore, #tpu.memory_space<semaphore_mem>>) src(%dma_wait3A_206 : memref<79x128xi32, #tpu.memory_space<hbm>>) dst(%arg9 : memref<79x128xi32, #tpu.memory_space<vmem>>)
      tpu.yield
    }) : () -> ()
    %run_scoped3A = arith.constant 0 : i32
    "tpu.region"() ({
      %run_scoped3A_190 = tpu.sem_alloc : memref<!tpu.dma_semaphore, #tpu.memory_space<semaphore_mem>>
      %dma_start3A_191 = arith.constant 0 : i32
      %dma_start3A_192 = tpu.memref_slice %arg8[%run_scoped3A, %dma_start3A_191] : memref<2x1024xi32, #tpu.memory_space<vmem>> -> memref<1x1024xi32, #tpu.memory_space<vmem>>
      %dma_start3A_193 = tpu.memref_squeeze %dma_start3A_192 : memref<1x1024xi32, #tpu.memory_space<vmem>> -> memref<1024xi32, #tpu.memory_space<vmem>>
      %dma_start3A_194 = arith.constant 0 : i32
      %dma_start3A_195 = tpu.memref_slice %arg3[%add3A, %dma_start3A_194] : memref<32x10240xi32, #tpu.memory_space<hbm>> -> memref<1x1024xi32, #tpu.memory_space<hbm>>
      %dma_start3A_196 = tpu.memref_squeeze %dma_start3A_195 : memref<1x1024xi32, #tpu.memory_space<hbm>> -> memref<1024xi32, #tpu.memory_space<hbm>>
      %dma_start3A_197 = arith.constant 0 : i32
      %dma_start3A_198 = tpu.memref_slice %arg8[%run_scoped3A, %dma_start3A_197] : memref<2x1024xi32, #tpu.memory_space<vmem>> -> memref<1x1024xi32, #tpu.memory_space<vmem>>
      %dma_start3A_199 = tpu.memref_squeeze %dma_start3A_198 : memref<1x1024xi32, #tpu.memory_space<vmem>> -> memref<1024xi32, #tpu.memory_space<vmem>>
      %dma_start3A_200 = arith.constant 0 : i32
      %dma_start3A_201 = tpu.memref_slice %arg3[%add3A, %dma_start3A_200] : memref<32x10240xi32, #tpu.memory_space<hbm>> -> memref<1x1024xi32, #tpu.memory_space<hbm>>
      %dma_start3A_202 = tpu.memref_squeeze %dma_start3A_201 : memref<1x1024xi32, #tpu.memory_space<hbm>> -> memref<1024xi32, #tpu.memory_space<hbm>>
      tpu.enqueue_dma source(%dma_start3A_202 : memref<1024xi32, #tpu.memory_space<hbm>>) target(%dma_start3A_199 : memref<1024xi32, #tpu.memory_space<vmem>>) target_semaphore(%run_scoped3A_190 : memref<!tpu.dma_semaphore, #tpu.memory_space<semaphore_mem>>)
      %dma_wait3A_203 = arith.constant 0 : i32
      %dma_wait3A_204 = tpu.memref_slice %arg8[%run_scoped3A, %dma_wait3A_203] : memref<2x1024xi32, #tpu.memory_space<vmem>> -> memref<1x1024xi32, #tpu.memory_space<vmem>>
      %dma_wait3A_205 = tpu.memref_squeeze %dma_wait3A_204 : memref<1x1024xi32, #tpu.memory_space<vmem>> -> memref<1024xi32, #tpu.memory_space<vmem>>
      %dma_wait3A_206 = arith.constant 0 : i32
      %dma_wait3A_207 = tpu.memref_slice %arg3[%add3A, %dma_wait3A_206] : memref<32x10240xi32, #tpu.memory_space<hbm>> -> memref<1x1024xi32, #tpu.memory_space<hbm>>
      %dma_wait3A_208 = tpu.memref_squeeze %dma_wait3A_207 : memref<1x1024xi32, #tpu.memory_space<hbm>> -> memref<1024xi32, #tpu.memory_space<hbm>>
      %dma_wait3A_209 = arith.constant 0 : i32
      %dma_wait3A_210 = tpu.memref_slice %arg8[%run_scoped3A, %dma_wait3A_209] : memref<2x1024xi32, #tpu.memory_space<vmem>> -> memref<1x1024xi32, #tpu.memory_space<vmem>>
      %dma_wait3A_211 = tpu.memref_squeeze %dma_wait3A_210 : memref<1x1024xi32, #tpu.memory_space<vmem>> -> memref<1024xi32, #tpu.memory_space<vmem>>
      %dma_wait3A_212 = arith.constant 0 : i32
      %dma_wait3A_213 = tpu.memref_slice %arg3[%add3A, %dma_wait3A_212] : memref<32x10240xi32, #tpu.memory_space<hbm>> -> memref<1x1024xi32, #tpu.memory_space<hbm>>
      %dma_wait3A_214 = tpu.memref_squeeze %dma_wait3A_213 : memref<1x1024xi32, #tpu.memory_space<hbm>> -> memref<1024xi32, #tpu.memory_space<hbm>>
      tpu.wait_dma2 semaphore(%run_scoped3A_190 : memref<!tpu.dma_semaphore, #tpu.memory_space<semaphore_mem>>) src(%dma_wait3A_214 : memref<1024xi32, #tpu.memory_space<hbm>>) dst(%dma_wait3A_211 : memref<1024xi32, #tpu.memory_space<vmem>>)
      tpu.yield
    }) : () -> ()
    %dma_start3A = arith.constant 0 : i32
    %dma_start3A_3 = arith.constant 0 : i32
    %dma_start3A_4 = arith.constant 0 : i32
    %dma_start3A_5 = arith.constant 0 : i32
    %dma_start3A_6 = tpu.memref_slice %arg10[%dma_start3A_3, %dma_start3A_4, %dma_start3A_5] : memref<2x128x128xf32, #tpu.memory_space<vmem>> -> memref<1x128x128xf32, #tpu.memory_space<vmem>>
    %dma_start3A_7 = tpu.memref_squeeze %dma_start3A_6 : memref<1x128x128xf32, #tpu.memory_space<vmem>> -> memref<128x128xf32, #tpu.memory_space<vmem>>
    %dma_start3A_8 = arith.constant 0 : i32
    %dma_start3A_9 = tpu.memref_slice %arg8[%dma_start3A, %dma_start3A_8] : memref<2x1024xi32, #tpu.memory_space<vmem>> -> memref<1x128xi32, #tpu.memory_space<vmem>>
    %dma_start3A_10 = tpu.memref_squeeze %dma_start3A_9 : memref<1x128xi32, #tpu.memory_space<vmem>> -> memref<128xi32, #tpu.memory_space<vmem>>
    %dma_start3A_11 = arith.constant 0 : i32
    %dma_start3A_12 = arith.constant 0 : i32
    %dma_start3A_13 = tpu.memref_slice %arg2[%dma_start3A_11, %dma_start3A_12] : memref<10000x128xf32, #tpu.memory_space<hbm>> -> memref<10000x128xf32, #tpu.memory_space<hbm>>
    tpu.enqueue_indirect_dma source(%dma_start3A_13 : memref<10000x128xf32, #tpu.memory_space<hbm>>) target(%dma_start3A_7 : memref<128x128xf32, #tpu.memory_space<vmem>>) offsets(%dma_start3A_10 : memref<128xi32, #tpu.memory_space<vmem>>) semaphore(%arg11 : memref<!tpu.dma_semaphore, #tpu.memory_space<semaphore_mem>>)
    %dma_start3A_14 = arith.constant 0 : i32
    %dma_start3A_15 = arith.constant 1 : i32
    %dma_start3A_16 = arith.constant 0 : i32
    %dma_start3A_17 = arith.constant 0 : i32
    %dma_start3A_18 = tpu.memref_slice %arg10[%dma_start3A_15, %dma_start3A_16, %dma_start3A_17] : memref<2x128x128xf32, #tpu.memory_space<vmem>> -> memref<1x128x128xf32, #tpu.memory_space<vmem>>
    %dma_start3A_19 = tpu.memref_squeeze %dma_start3A_18 : memref<1x128x128xf32, #tpu.memory_space<vmem>> -> memref<128x128xf32, #tpu.memory_space<vmem>>
    %dma_start3A_20 = arith.constant 128 : i32
    %dma_start3A_21 = tpu.memref_slice %arg8[%dma_start3A_14, %dma_start3A_20] : memref<2x1024xi32, #tpu.memory_space<vmem>> -> memref<1x128xi32, #tpu.memory_space<vmem>>
    %dma_start3A_22 = tpu.memref_squeeze %dma_start3A_21 : memref<1x128xi32, #tpu.memory_space<vmem>> -> memref<128xi32, #tpu.memory_space<vmem>>
    %dma_start3A_23 = arith.constant 0 : i32
    %dma_start3A_24 = arith.constant 0 : i32
    %dma_start3A_25 = tpu.memref_slice %arg2[%dma_start3A_23, %dma_start3A_24] : memref<10000x128xf32, #tpu.memory_space<hbm>> -> memref<10000x128xf32, #tpu.memory_space<hbm>>
    tpu.enqueue_indirect_dma source(%dma_start3A_25 : memref<10000x128xf32, #tpu.memory_space<hbm>>) target(%dma_start3A_19 : memref<128x128xf32, #tpu.memory_space<vmem>>) offsets(%dma_start3A_22 : memref<128xi32, #tpu.memory_space<vmem>>) semaphore(%arg11 : memref<!tpu.dma_semaphore, #tpu.memory_space<semaphore_mem>>)
    "tpu.region"() ({
      %run_scoped3A_190 = tpu.sem_alloc : memref<!tpu.dma_semaphore, #tpu.memory_space<semaphore_mem>>
      %dma_start3A_191 = arith.constant 0 : i32
      %dma_start3A_192 = tpu.memref_slice %arg7[%mul3A_2, %dma_start3A_191] : memref<10112x128xf32, #tpu.memory_space<vmem_shared>> -> memref<632x128xf32, #tpu.memory_space<vmem_shared>>
      tpu.enqueue_dma source(%arg5 : memref<632x128xf32, #tpu.memory_space<hbm>>) target(%dma_start3A_192 : memref<632x128xf32, #tpu.memory_space<vmem_shared>>) target_semaphore(%run_scoped3A_190 : memref<!tpu.dma_semaphore, #tpu.memory_space<semaphore_mem>>)
      %dma_wait3A_193 = arith.constant 0 : i32
      %dma_wait3A_194 = tpu.memref_slice %arg7[%mul3A_2, %dma_wait3A_193] : memref<10112x128xf32, #tpu.memory_space<vmem_shared>> -> memref<632x128xf32, #tpu.memory_space<vmem_shared>>
      tpu.wait_dma2 semaphore(%run_scoped3A_190 : memref<!tpu.dma_semaphore, #tpu.memory_space<semaphore_mem>>) src(%arg5 : memref<632x128xf32, #tpu.memory_space<hbm>>) dst(%dma_wait3A_194 : memref<632x128xf32, #tpu.memory_space<vmem_shared>>)
      tpu.yield
    }) : () -> ()
    %barrier3A = arith.constant 0 : index
    tpu.barrier barrier_id(%barrier3A)
    %scan3A = arith.constant 0 : i32
    %scan3A_26 = arith.constant 0 : i32
    %scan3A_27 = arith.constant 9 : i32
    %scan3A_28 = arith.addi %scan3A_26, %scan3A_27 : i32
    %scan3A_29 = arith.constant 1 : i32
    scf.for %scan3A_190 = %scan3A_26 to %scan3A_28 step %scan3A_29  : i32 {
      %rem3A_191 = arith.constant 2 : i32
      %rem3A_192 = arith.remsi %scan3A_190, %rem3A_191 : i32
      %add3A_193 = arith.constant 1 : i32
      %add3A_194 = arith.addi %scan3A_190, %add3A_193 : i32
      %mul3A_195 = arith.constant 1024 : i32
      %mul3A_196 = arith.muli %add3A_194, %mul3A_195 : i32
      %sub3A = arith.constant 1 : i32
      %sub3A_197 = arith.subi %sub3A, %rem3A_192 : i32
      %dma_start3A_198 = arith.constant 0 : i32
      %dma_start3A_199 = tpu.memref_slice %arg8[%sub3A_197, %dma_start3A_198] : memref<2x1024xi32, #tpu.memory_space<vmem>> -> memref<1x1024xi32, #tpu.memory_space<vmem>>
      %dma_start3A_200 = tpu.memref_squeeze %dma_start3A_199 : memref<1x1024xi32, #tpu.memory_space<vmem>> -> memref<1024xi32, #tpu.memory_space<vmem>>
      %dma_start3A_201 = tpu.memref_slice %arg3[%add3A, %mul3A_196] : memref<32x10240xi32, #tpu.memory_space<hbm>> -> memref<1x1024xi32, #tpu.memory_space<hbm>>
      %dma_start3A_202 = tpu.memref_squeeze %dma_start3A_201 : memref<1x1024xi32, #tpu.memory_space<hbm>> -> memref<1024xi32, #tpu.memory_space<hbm>>
      %dma_start3A_203 = arith.constant 0 : i32
      %dma_start3A_204 = tpu.memref_slice %arg8[%sub3A_197, %dma_start3A_203] : memref<2x1024xi32, #tpu.memory_space<vmem>> -> memref<1x1024xi32, #tpu.memory_space<vmem>>
      %dma_start3A_205 = tpu.memref_squeeze %dma_start3A_204 : memref<1x1024xi32, #tpu.memory_space<vmem>> -> memref<1024xi32, #tpu.memory_space<vmem>>
      %dma_start3A_206 = tpu.memref_slice %arg3[%add3A, %mul3A_196] : memref<32x10240xi32, #tpu.memory_space<hbm>> -> memref<1x1024xi32, #tpu.memory_space<hbm>>
      %dma_start3A_207 = tpu.memref_squeeze %dma_start3A_206 : memref<1x1024xi32, #tpu.memory_space<hbm>> -> memref<1024xi32, #tpu.memory_space<hbm>>
      tpu.enqueue_dma source(%dma_start3A_207 : memref<1024xi32, #tpu.memory_space<hbm>>) target(%dma_start3A_205 : memref<1024xi32, #tpu.memory_space<vmem>>) target_semaphore(%arg12 : memref<!tpu.dma_semaphore, #tpu.memory_space<semaphore_mem>>)
      %mul3A_208 = arith.constant 8 : i32
      %mul3A_209 = arith.muli %scan3A_190, %mul3A_208 : i32
      %add3A_210 = arith.constant 0 : i32
      %add3A_211 = arith.addi %mul3A_209, %add3A_210 : i32
      %rem3A_212 = arith.constant 2 : i32
      %rem3A_213 = arith.remsi %add3A_211, %rem3A_212 : i32
      %dma_wait3A_214 = arith.constant 0 : i32
      %dma_wait3A_215 = arith.constant 0 : i32
      %dma_wait3A_216 = arith.constant 0 : i32
      %dma_wait3A_217 = tpu.memref_slice %arg10[%rem3A_213, %dma_wait3A_215, %dma_wait3A_216] : memref<2x128x128xf32, #tpu.memory_space<vmem>> -> memref<1x128x128xf32, #tpu.memory_space<vmem>>
      %dma_wait3A_218 = tpu.memref_squeeze %dma_wait3A_217 : memref<1x128x128xf32, #tpu.memory_space<vmem>> -> memref<128x128xf32, #tpu.memory_space<vmem>>
      %dma_wait3A_219 = arith.constant 0 : i32
      %dma_wait3A_220 = tpu.memref_slice %arg8[%dma_wait3A_214, %dma_wait3A_219] : memref<2x1024xi32, #tpu.memory_space<vmem>> -> memref<1x128xi32, #tpu.memory_space<vmem>>
      %dma_wait3A_221 = tpu.memref_squeeze %dma_wait3A_220 : memref<1x128xi32, #tpu.memory_space<vmem>> -> memref<128xi32, #tpu.memory_space<vmem>>
      %dma_wait3A_222 = arith.constant 0 : i32
      %dma_wait3A_223 = arith.constant 0 : i32
      %dma_wait3A_224 = tpu.memref_slice %arg2[%dma_wait3A_222, %dma_wait3A_223] : memref<10000x128xf32, #tpu.memory_space<hbm>> -> memref<10000x128xf32, #tpu.memory_space<hbm>>
      tpu.wait_indirect_dma semaphore(%arg11 : memref<!tpu.dma_semaphore, #tpu.memory_space<semaphore_mem>>) src(%dma_wait3A_224 : memref<10000x128xf32, #tpu.memory_space<hbm>>) dst(%dma_wait3A_218 : memref<128x128xf32, #tpu.memory_space<vmem>>)
      "tpu.region"() ({
        %run_scoped3A_442 = tpu.sem_alloc : memref<!tpu.dma_semaphore, #tpu.memory_space<semaphore_mem>>
        %dma_start3A_443 = arith.constant 0 : i32
        %dma_start3A_444 = arith.constant 0 : i32
        %dma_start3A_445 = tpu.memref_slice %arg10[%rem3A_213, %dma_start3A_443, %dma_start3A_444] : memref<2x128x128xf32, #tpu.memory_space<vmem>> -> memref<1x128x128xf32, #tpu.memory_space<vmem>>
        %dma_start3A_446 = tpu.memref_squeeze %dma_start3A_445 : memref<1x128x128xf32, #tpu.memory_space<vmem>> -> memref<128x128xf32, #tpu.memory_space<vmem>>
        %dma_start3A_447 = arith.constant 0 : i32
        %dma_start3A_448 = tpu.memref_slice %arg9[%add3A_211, %dma_start3A_447] : memref<79x128xi32, #tpu.memory_space<vmem>> -> memref<1x128xi32, #tpu.memory_space<vmem>>
        %dma_start3A_449 = tpu.memref_squeeze %dma_start3A_448 : memref<1x128xi32, #tpu.memory_space<vmem>> -> memref<128xi32, #tpu.memory_space<vmem>>
        %dma_start3A_450 = arith.constant 0 : i32
        %dma_start3A_451 = arith.constant 0 : i32
        %dma_start3A_452 = tpu.memref_slice %arg7[%dma_start3A_450, %dma_start3A_451] : memref<10112x128xf32, #tpu.memory_space<vmem_shared>> -> memref<10112x128xf32, #tpu.memory_space<vmem_shared>>
        tpu.enqueue_indirect_dma source(%dma_start3A_446 : memref<128x128xf32, #tpu.memory_space<vmem>>) target(%dma_start3A_452 : memref<10112x128xf32, #tpu.memory_space<vmem_shared>>) offsets(%dma_start3A_449 : memref<128xi32, #tpu.memory_space<vmem>>) semaphore(%run_scoped3A_442 : memref<!tpu.dma_semaphore, #tpu.memory_space<semaphore_mem>>) {add = true}
        %dma_wait3A_453 = arith.constant 0 : i32
        %dma_wait3A_454 = arith.constant 0 : i32
        %dma_wait3A_455 = tpu.memref_slice %arg10[%rem3A_213, %dma_wait3A_453, %dma_wait3A_454] : memref<2x128x128xf32, #tpu.memory_space<vmem>> -> memref<1x128x128xf32, #tpu.memory_space<vmem>>
        %dma_wait3A_456 = tpu.memref_squeeze %dma_wait3A_455 : memref<1x128x128xf32, #tpu.memory_space<vmem>> -> memref<128x128xf32, #tpu.memory_space<vmem>>
        %dma_wait3A_457 = arith.constant 0 : i32
        %dma_wait3A_458 = tpu.memref_slice %arg9[%add3A_211, %dma_wait3A_457] : memref<79x128xi32, #tpu.memory_space<vmem>> -> memref<1x128xi32, #tpu.memory_space<vmem>>
        %dma_wait3A_459 = tpu.memref_squeeze %dma_wait3A_458 : memref<1x128xi32, #tpu.memory_space<vmem>> -> memref<128xi32, #tpu.memory_space<vmem>>
        %dma_wait3A_460 = arith.constant 0 : i32
        %dma_wait3A_461 = arith.constant 0 : i32
        %dma_wait3A_462 = tpu.memref_slice %arg7[%dma_wait3A_460, %dma_wait3A_461] : memref<10112x128xf32, #tpu.memory_space<vmem_shared>> -> memref<10112x128xf32, #tpu.memory_space<vmem_shared>>
        tpu.wait_indirect_dma semaphore(%run_scoped3A_442 : memref<!tpu.dma_semaphore, #tpu.memory_space<semaphore_mem>>) src(%dma_wait3A_456 : memref<128x128xf32, #tpu.memory_space<vmem>>) dst(%dma_wait3A_462 : memref<10112x128xf32, #tpu.memory_space<vmem_shared>>)
        tpu.yield
      }) : () -> ()
      %dma_start3A_225 = arith.constant 0 : i32
      %dma_start3A_226 = arith.constant 0 : i32
      %dma_start3A_227 = tpu.memref_slice %arg10[%rem3A_213, %dma_start3A_225, %dma_start3A_226] : memref<2x128x128xf32, #tpu.memory_space<vmem>> -> memref<1x128x128xf32, #tpu.memory_space<vmem>>
      %dma_start3A_228 = tpu.memref_squeeze %dma_start3A_227 : memref<1x128x128xf32, #tpu.memory_space<vmem>> -> memref<128x128xf32, #tpu.memory_space<vmem>>
      %dma_start3A_229 = arith.constant 256 : i32
      %dma_start3A_230 = tpu.memref_slice %arg8[%rem3A_192, %dma_start3A_229] : memref<2x1024xi32, #tpu.memory_space<vmem>> -> memref<1x128xi32, #tpu.memory_space<vmem>>
      %dma_start3A_231 = tpu.memref_squeeze %dma_start3A_230 : memref<1x128xi32, #tpu.memory_space<vmem>> -> memref<128xi32, #tpu.memory_space<vmem>>
      %dma_start3A_232 = arith.constant 0 : i32
      %dma_start3A_233 = arith.constant 0 : i32
      %dma_start3A_234 = tpu.memref_slice %arg2[%dma_start3A_232, %dma_start3A_233] : memref<10000x128xf32, #tpu.memory_space<hbm>> -> memref<10000x128xf32, #tpu.memory_space<hbm>>
      tpu.enqueue_indirect_dma source(%dma_start3A_234 : memref<10000x128xf32, #tpu.memory_space<hbm>>) target(%dma_start3A_228 : memref<128x128xf32, #tpu.memory_space<vmem>>) offsets(%dma_start3A_231 : memref<128xi32, #tpu.memory_space<vmem>>) semaphore(%arg11 : memref<!tpu.dma_semaphore, #tpu.memory_space<semaphore_mem>>)
      %sub3A_235 = arith.constant 1 : i32
      %sub3A_236 = arith.subi %sub3A_235, %rem3A_192 : i32
      %dma_wait3A_237 = arith.constant 0 : i32
      %dma_wait3A_238 = tpu.memref_slice %arg8[%sub3A_236, %dma_wait3A_237] : memref<2x1024xi32, #tpu.memory_space<vmem>> -> memref<1x1024xi32, #tpu.memory_space<vmem>>
      %dma_wait3A_239 = tpu.memref_squeeze %dma_wait3A_238 : memref<1x1024xi32, #tpu.memory_space<vmem>> -> memref<1024xi32, #tpu.memory_space<vmem>>
      %dma_wait3A_240 = arith.constant 0 : i32
      %dma_wait3A_241 = tpu.memref_slice %arg3[%add3A, %dma_wait3A_240] : memref<32x10240xi32, #tpu.memory_space<hbm>> -> memref<1x1024xi32, #tpu.memory_space<hbm>>
      %dma_wait3A_242 = tpu.memref_squeeze %dma_wait3A_241 : memref<1x1024xi32, #tpu.memory_space<hbm>> -> memref<1024xi32, #tpu.memory_space<hbm>>
      %dma_wait3A_243 = arith.constant 0 : i32
      %dma_wait3A_244 = tpu.memref_slice %arg8[%sub3A_236, %dma_wait3A_243] : memref<2x1024xi32, #tpu.memory_space<vmem>> -> memref<1x1024xi32, #tpu.memory_space<vmem>>
      %dma_wait3A_245 = tpu.memref_squeeze %dma_wait3A_244 : memref<1x1024xi32, #tpu.memory_space<vmem>> -> memref<1024xi32, #tpu.memory_space<vmem>>
      %dma_wait3A_246 = arith.constant 0 : i32
      %dma_wait3A_247 = tpu.memref_slice %arg3[%add3A, %dma_wait3A_246] : memref<32x10240xi32, #tpu.memory_space<hbm>> -> memref<1x1024xi32, #tpu.memory_space<hbm>>
      %dma_wait3A_248 = tpu.memref_squeeze %dma_wait3A_247 : memref<1x1024xi32, #tpu.memory_space<hbm>> -> memref<1024xi32, #tpu.memory_space<hbm>>
      tpu.wait_dma2 semaphore(%arg12 : memref<!tpu.dma_semaphore, #tpu.memory_space<semaphore_mem>>) src(%dma_wait3A_248 : memref<1024xi32, #tpu.memory_space<hbm>>) dst(%dma_wait3A_245 : memref<1024xi32, #tpu.memory_space<vmem>>)
      %mul3A_249 = arith.constant 8 : i32
      %mul3A_250 = arith.muli %scan3A_190, %mul3A_249 : i32
      %add3A_251 = arith.constant 1 : i32
      %add3A_252 = arith.addi %mul3A_250, %add3A_251 : i32
      %rem3A_253 = arith.constant 2 : i32
      %rem3A_254 = arith.remsi %add3A_252, %rem3A_253 : i32
      %dma_wait3A_255 = arith.constant 0 : i32
      %dma_wait3A_256 = arith.constant 0 : i32
      %dma_wait3A_257 = arith.constant 0 : i32
      %dma_wait3A_258 = tpu.memref_slice %arg10[%rem3A_254, %dma_wait3A_256, %dma_wait3A_257] : memref<2x128x128xf32, #tpu.memory_space<vmem>> -> memref<1x128x128xf32, #tpu.memory_space<vmem>>
      %dma_wait3A_259 = tpu.memref_squeeze %dma_wait3A_258 : memref<1x128x128xf32, #tpu.memory_space<vmem>> -> memref<128x128xf32, #tpu.memory_space<vmem>>
      %dma_wait3A_260 = arith.constant 0 : i32
      %dma_wait3A_261 = tpu.memref_slice %arg8[%dma_wait3A_255, %dma_wait3A_260] : memref<2x1024xi32, #tpu.memory_space<vmem>> -> memref<1x128xi32, #tpu.memory_space<vmem>>
      %dma_wait3A_262 = tpu.memref_squeeze %dma_wait3A_261 : memref<1x128xi32, #tpu.memory_space<vmem>> -> memref<128xi32, #tpu.memory_space<vmem>>
      %dma_wait3A_263 = arith.constant 0 : i32
      %dma_wait3A_264 = arith.constant 0 : i32
      %dma_wait3A_265 = tpu.memref_slice %arg2[%dma_wait3A_263, %dma_wait3A_264] : memref<10000x128xf32, #tpu.memory_space<hbm>> -> memref<10000x128xf32, #tpu.memory_space<hbm>>
      tpu.wait_indirect_dma semaphore(%arg11 : memref<!tpu.dma_semaphore, #tpu.memory_space<semaphore_mem>>) src(%dma_wait3A_265 : memref<10000x128xf32, #tpu.memory_space<hbm>>) dst(%dma_wait3A_259 : memref<128x128xf32, #tpu.memory_space<vmem>>)
      "tpu.region"() ({
        %run_scoped3A_442 = tpu.sem_alloc : memref<!tpu.dma_semaphore, #tpu.memory_space<semaphore_mem>>
        %dma_start3A_443 = arith.constant 0 : i32
        %dma_start3A_444 = arith.constant 0 : i32
        %dma_start3A_445 = tpu.memref_slice %arg10[%rem3A_254, %dma_start3A_443, %dma_start3A_444] : memref<2x128x128xf32, #tpu.memory_space<vmem>> -> memref<1x128x128xf32, #tpu.memory_space<vmem>>
        %dma_start3A_446 = tpu.memref_squeeze %dma_start3A_445 : memref<1x128x128xf32, #tpu.memory_space<vmem>> -> memref<128x128xf32, #tpu.memory_space<vmem>>
        %dma_start3A_447 = arith.constant 0 : i32
        %dma_start3A_448 = tpu.memref_slice %arg9[%add3A_252, %dma_start3A_447] : memref<79x128xi32, #tpu.memory_space<vmem>> -> memref<1x128xi32, #tpu.memory_space<vmem>>
        %dma_start3A_449 = tpu.memref_squeeze %dma_start3A_448 : memref<1x128xi32, #tpu.memory_space<vmem>> -> memref<128xi32, #tpu.memory_space<vmem>>
        %dma_start3A_450 = arith.constant 0 : i32
        %dma_start3A_451 = arith.constant 0 : i32
        %dma_start3A_452 = tpu.memref_slice %arg7[%dma_start3A_450, %dma_start3A_451] : memref<10112x128xf32, #tpu.memory_space<vmem_shared>> -> memref<10112x128xf32, #tpu.memory_space<vmem_shared>>
        tpu.enqueue_indirect_dma source(%dma_start3A_446 : memref<128x128xf32, #tpu.memory_space<vmem>>) target(%dma_start3A_452 : memref<10112x128xf32, #tpu.memory_space<vmem_shared>>) offsets(%dma_start3A_449 : memref<128xi32, #tpu.memory_space<vmem>>) semaphore(%run_scoped3A_442 : memref<!tpu.dma_semaphore, #tpu.memory_space<semaphore_mem>>) {add = true}
        %dma_wait3A_453 = arith.constant 0 : i32
        %dma_wait3A_454 = arith.constant 0 : i32
        %dma_wait3A_455 = tpu.memref_slice %arg10[%rem3A_254, %dma_wait3A_453, %dma_wait3A_454] : memref<2x128x128xf32, #tpu.memory_space<vmem>> -> memref<1x128x128xf32, #tpu.memory_space<vmem>>
        %dma_wait3A_456 = tpu.memref_squeeze %dma_wait3A_455 : memref<1x128x128xf32, #tpu.memory_space<vmem>> -> memref<128x128xf32, #tpu.memory_space<vmem>>
        %dma_wait3A_457 = arith.constant 0 : i32
        %dma_wait3A_458 = tpu.memref_slice %arg9[%add3A_252, %dma_wait3A_457] : memref<79x128xi32, #tpu.memory_space<vmem>> -> memref<1x128xi32, #tpu.memory_space<vmem>>
        %dma_wait3A_459 = tpu.memref_squeeze %dma_wait3A_458 : memref<1x128xi32, #tpu.memory_space<vmem>> -> memref<128xi32, #tpu.memory_space<vmem>>
        %dma_wait3A_460 = arith.constant 0 : i32
        %dma_wait3A_461 = arith.constant 0 : i32
        %dma_wait3A_462 = tpu.memref_slice %arg7[%dma_wait3A_460, %dma_wait3A_461] : memref<10112x128xf32, #tpu.memory_space<vmem_shared>> -> memref<10112x128xf32, #tpu.memory_space<vmem_shared>>
        tpu.wait_indirect_dma semaphore(%run_scoped3A_442 : memref<!tpu.dma_semaphore, #tpu.memory_space<semaphore_mem>>) src(%dma_wait3A_456 : memref<128x128xf32, #tpu.memory_space<vmem>>) dst(%dma_wait3A_462 : memref<10112x128xf32, #tpu.memory_space<vmem_shared>>)
        tpu.yield
      }) : () -> ()
      %dma_start3A_266 = arith.constant 0 : i32
      %dma_start3A_267 = arith.constant 0 : i32
      %dma_start3A_268 = tpu.memref_slice %arg10[%rem3A_254, %dma_start3A_266, %dma_start3A_267] : memref<2x128x128xf32, #tpu.memory_space<vmem>> -> memref<1x128x128xf32, #tpu.memory_space<vmem>>
      %dma_start3A_269 = tpu.memref_squeeze %dma_start3A_268 : memref<1x128x128xf32, #tpu.memory_space<vmem>> -> memref<128x128xf32, #tpu.memory_space<vmem>>
      %dma_start3A_270 = arith.constant 384 : i32
      %dma_start3A_271 = tpu.memref_slice %arg8[%rem3A_192, %dma_start3A_270] : memref<2x1024xi32, #tpu.memory_space<vmem>> -> memref<1x128xi32, #tpu.memory_space<vmem>>
      %dma_start3A_272 = tpu.memref_squeeze %dma_start3A_271 : memref<1x128xi32, #tpu.memory_space<vmem>> -> memref<128xi32, #tpu.memory_space<vmem>>
      %dma_start3A_273 = arith.constant 0 : i32
      %dma_start3A_274 = arith.constant 0 : i32
      %dma_start3A_275 = tpu.memref_slice %arg2[%dma_start3A_273, %dma_start3A_274] : memref<10000x128xf32, #tpu.memory_space<hbm>> -> memref<10000x128xf32, #tpu.memory_space<hbm>>
      tpu.enqueue_indirect_dma source(%dma_start3A_275 : memref<10000x128xf32, #tpu.memory_space<hbm>>) target(%dma_start3A_269 : memref<128x128xf32, #tpu.memory_space<vmem>>) offsets(%dma_start3A_272 : memref<128xi32, #tpu.memory_space<vmem>>) semaphore(%arg11 : memref<!tpu.dma_semaphore, #tpu.memory_space<semaphore_mem>>)
      %mul3A_276 = arith.constant 8 : i32
      %mul3A_277 = arith.muli %scan3A_190, %mul3A_276 : i32
      %add3A_278 = arith.constant 2 : i32
      %add3A_279 = arith.addi %mul3A_277, %add3A_278 : i32
      %rem3A_280 = arith.constant 2 : i32
      %rem3A_281 = arith.remsi %add3A_279, %rem3A_280 : i32
      %dma_wait3A_282 = arith.constant 0 : i32
      %dma_wait3A_283 = arith.constant 0 : i32
      %dma_wait3A_284 = arith.constant 0 : i32
      %dma_wait3A_285 = tpu.memref_slice %arg10[%rem3A_281, %dma_wait3A_283, %dma_wait3A_284] : memref<2x128x128xf32, #tpu.memory_space<vmem>> -> memref<1x128x128xf32, #tpu.memory_space<vmem>>
      %dma_wait3A_286 = tpu.memref_squeeze %dma_wait3A_285 : memref<1x128x128xf32, #tpu.memory_space<vmem>> -> memref<128x128xf32, #tpu.memory_space<vmem>>
      %dma_wait3A_287 = arith.constant 0 : i32
      %dma_wait3A_288 = tpu.memref_slice %arg8[%dma_wait3A_282, %dma_wait3A_287] : memref<2x1024xi32, #tpu.memory_space<vmem>> -> memref<1x128xi32, #tpu.memory_space<vmem>>
      %dma_wait3A_289 = tpu.memref_squeeze %dma_wait3A_288 : memref<1x128xi32, #tpu.memory_space<vmem>> -> memref<128xi32, #tpu.memory_space<vmem>>
      %dma_wait3A_290 = arith.constant 0 : i32
      %dma_wait3A_291 = arith.constant 0 : i32
      %dma_wait3A_292 = tpu.memref_slice %arg2[%dma_wait3A_290, %dma_wait3A_291] : memref<10000x128xf32, #tpu.memory_space<hbm>> -> memref<10000x128xf32, #tpu.memory_space<hbm>>
      tpu.wait_indirect_dma semaphore(%arg11 : memref<!tpu.dma_semaphore, #tpu.memory_space<semaphore_mem>>) src(%dma_wait3A_292 : memref<10000x128xf32, #tpu.memory_space<hbm>>) dst(%dma_wait3A_286 : memref<128x128xf32, #tpu.memory_space<vmem>>)
      "tpu.region"() ({
        %run_scoped3A_442 = tpu.sem_alloc : memref<!tpu.dma_semaphore, #tpu.memory_space<semaphore_mem>>
        %dma_start3A_443 = arith.constant 0 : i32
        %dma_start3A_444 = arith.constant 0 : i32
        %dma_start3A_445 = tpu.memref_slice %arg10[%rem3A_281, %dma_start3A_443, %dma_start3A_444] : memref<2x128x128xf32, #tpu.memory_space<vmem>> -> memref<1x128x128xf32, #tpu.memory_space<vmem>>
        %dma_start3A_446 = tpu.memref_squeeze %dma_start3A_445 : memref<1x128x128xf32, #tpu.memory_space<vmem>> -> memref<128x128xf32, #tpu.memory_space<vmem>>
        %dma_start3A_447 = arith.constant 0 : i32
        %dma_start3A_448 = tpu.memref_slice %arg9[%add3A_279, %dma_start3A_447] : memref<79x128xi32, #tpu.memory_space<vmem>> -> memref<1x128xi32, #tpu.memory_space<vmem>>
        %dma_start3A_449 = tpu.memref_squeeze %dma_start3A_448 : memref<1x128xi32, #tpu.memory_space<vmem>> -> memref<128xi32, #tpu.memory_space<vmem>>
        %dma_start3A_450 = arith.constant 0 : i32
        %dma_start3A_451 = arith.constant 0 : i32
        %dma_start3A_452 = tpu.memref_slice %arg7[%dma_start3A_450, %dma_start3A_451] : memref<10112x128xf32, #tpu.memory_space<vmem_shared>> -> memref<10112x128xf32, #tpu.memory_space<vmem_shared>>
        tpu.enqueue_indirect_dma source(%dma_start3A_446 : memref<128x128xf32, #tpu.memory_space<vmem>>) target(%dma_start3A_452 : memref<10112x128xf32, #tpu.memory_space<vmem_shared>>) offsets(%dma_start3A_449 : memref<128xi32, #tpu.memory_space<vmem>>) semaphore(%run_scoped3A_442 : memref<!tpu.dma_semaphore, #tpu.memory_space<semaphore_mem>>) {add = true}
        %dma_wait3A_453 = arith.constant 0 : i32
        %dma_wait3A_454 = arith.constant 0 : i32
        %dma_wait3A_455 = tpu.memref_slice %arg10[%rem3A_281, %dma_wait3A_453, %dma_wait3A_454] : memref<2x128x128xf32, #tpu.memory_space<vmem>> -> memref<1x128x128xf32, #tpu.memory_space<vmem>>
        %dma_wait3A_456 = tpu.memref_squeeze %dma_wait3A_455 : memref<1x128x128xf32, #tpu.memory_space<vmem>> -> memref<128x128xf32, #tpu.memory_space<vmem>>
        %dma_wait3A_457 = arith.constant 0 : i32
        %dma_wait3A_458 = tpu.memref_slice %arg9[%add3A_279, %dma_wait3A_457] : memref<79x128xi32, #tpu.memory_space<vmem>> -> memref<1x128xi32, #tpu.memory_space<vmem>>
        %dma_wait3A_459 = tpu.memref_squeeze %dma_wait3A_458 : memref<1x128xi32, #tpu.memory_space<vmem>> -> memref<128xi32, #tpu.memory_space<vmem>>
        %dma_wait3A_460 = arith.constant 0 : i32
        %dma_wait3A_461 = arith.constant 0 : i32
        %dma_wait3A_462 = tpu.memref_slice %arg7[%dma_wait3A_460, %dma_wait3A_461] : memref<10112x128xf32, #tpu.memory_space<vmem_shared>> -> memref<10112x128xf32, #tpu.memory_space<vmem_shared>>
        tpu.wait_indirect_dma semaphore(%run_scoped3A_442 : memref<!tpu.dma_semaphore, #tpu.memory_space<semaphore_mem>>) src(%dma_wait3A_456 : memref<128x128xf32, #tpu.memory_space<vmem>>) dst(%dma_wait3A_462 : memref<10112x128xf32, #tpu.memory_space<vmem_shared>>)
        tpu.yield
      }) : () -> ()
      %dma_start3A_293 = arith.constant 0 : i32
      %dma_start3A_294 = arith.constant 0 : i32
      %dma_start3A_295 = tpu.memref_slice %arg10[%rem3A_281, %dma_start3A_293, %dma_start3A_294] : memref<2x128x128xf32, #tpu.memory_space<vmem>> -> memref<1x128x128xf32, #tpu.memory_space<vmem>>
      %dma_start3A_296 = tpu.memref_squeeze %dma_start3A_295 : memref<1x128x128xf32, #tpu.memory_space<vmem>> -> memref<128x128xf32, #tpu.memory_space<vmem>>
      %dma_start3A_297 = arith.constant 512 : i32
      %dma_start3A_298 = tpu.memref_slice %arg8[%rem3A_192, %dma_start3A_297] : memref<2x1024xi32, #tpu.memory_space<vmem>> -> memref<1x128xi32, #tpu.memory_space<vmem>>
      %dma_start3A_299 = tpu.memref_squeeze %dma_start3A_298 : memref<1x128xi32, #tpu.memory_space<vmem>> -> memref<128xi32, #tpu.memory_space<vmem>>
      %dma_start3A_300 = arith.constant 0 : i32
      %dma_start3A_301 = arith.constant 0 : i32
      %dma_start3A_302 = tpu.memref_slice %arg2[%dma_start3A_300, %dma_start3A_301] : memref<10000x128xf32, #tpu.memory_space<hbm>> -> memref<10000x128xf32, #tpu.memory_space<hbm>>
      tpu.enqueue_indirect_dma source(%dma_start3A_302 : memref<10000x128xf32, #tpu.memory_space<hbm>>) target(%dma_start3A_296 : memref<128x128xf32, #tpu.memory_space<vmem>>) offsets(%dma_start3A_299 : memref<128xi32, #tpu.memory_space<vmem>>) semaphore(%arg11 : memref<!tpu.dma_semaphore, #tpu.memory_space<semaphore_mem>>)
      %mul3A_303 = arith.constant 8 : i32
      %mul3A_304 = arith.muli %scan3A_190, %mul3A_303 : i32
      %add3A_305 = arith.constant 3 : i32
      %add3A_306 = arith.addi %mul3A_304, %add3A_305 : i32
      %rem3A_307 = arith.constant 2 : i32
      %rem3A_308 = arith.remsi %add3A_306, %rem3A_307 : i32
      %dma_wait3A_309 = arith.constant 0 : i32
      %dma_wait3A_310 = arith.constant 0 : i32
      %dma_wait3A_311 = arith.constant 0 : i32
      %dma_wait3A_312 = tpu.memref_slice %arg10[%rem3A_308, %dma_wait3A_310, %dma_wait3A_311] : memref<2x128x128xf32, #tpu.memory_space<vmem>> -> memref<1x128x128xf32, #tpu.memory_space<vmem>>
      %dma_wait3A_313 = tpu.memref_squeeze %dma_wait3A_312 : memref<1x128x128xf32, #tpu.memory_space<vmem>> -> memref<128x128xf32, #tpu.memory_space<vmem>>
      %dma_wait3A_314 = arith.constant 0 : i32
      %dma_wait3A_315 = tpu.memref_slice %arg8[%dma_wait3A_309, %dma_wait3A_314] : memref<2x1024xi32, #tpu.memory_space<vmem>> -> memref<1x128xi32, #tpu.memory_space<vmem>>
      %dma_wait3A_316 = tpu.memref_squeeze %dma_wait3A_315 : memref<1x128xi32, #tpu.memory_space<vmem>> -> memref<128xi32, #tpu.memory_space<vmem>>
      %dma_wait3A_317 = arith.constant 0 : i32
      %dma_wait3A_318 = arith.constant 0 : i32
      %dma_wait3A_319 = tpu.memref_slice %arg2[%dma_wait3A_317, %dma_wait3A_318] : memref<10000x128xf32, #tpu.memory_space<hbm>> -> memref<10000x128xf32, #tpu.memory_space<hbm>>
      tpu.wait_indirect_dma semaphore(%arg11 : memref<!tpu.dma_semaphore, #tpu.memory_space<semaphore_mem>>) src(%dma_wait3A_319 : memref<10000x128xf32, #tpu.memory_space<hbm>>) dst(%dma_wait3A_313 : memref<128x128xf32, #tpu.memory_space<vmem>>)
      "tpu.region"() ({
        %run_scoped3A_442 = tpu.sem_alloc : memref<!tpu.dma_semaphore, #tpu.memory_space<semaphore_mem>>
        %dma_start3A_443 = arith.constant 0 : i32
        %dma_start3A_444 = arith.constant 0 : i32
        %dma_start3A_445 = tpu.memref_slice %arg10[%rem3A_308, %dma_start3A_443, %dma_start3A_444] : memref<2x128x128xf32, #tpu.memory_space<vmem>> -> memref<1x128x128xf32, #tpu.memory_space<vmem>>
        %dma_start3A_446 = tpu.memref_squeeze %dma_start3A_445 : memref<1x128x128xf32, #tpu.memory_space<vmem>> -> memref<128x128xf32, #tpu.memory_space<vmem>>
        %dma_start3A_447 = arith.constant 0 : i32
        %dma_start3A_448 = tpu.memref_slice %arg9[%add3A_306, %dma_start3A_447] : memref<79x128xi32, #tpu.memory_space<vmem>> -> memref<1x128xi32, #tpu.memory_space<vmem>>
        %dma_start3A_449 = tpu.memref_squeeze %dma_start3A_448 : memref<1x128xi32, #tpu.memory_space<vmem>> -> memref<128xi32, #tpu.memory_space<vmem>>
        %dma_start3A_450 = arith.constant 0 : i32
        %dma_start3A_451 = arith.constant 0 : i32
        %dma_start3A_452 = tpu.memref_slice %arg7[%dma_start3A_450, %dma_start3A_451] : memref<10112x128xf32, #tpu.memory_space<vmem_shared>> -> memref<10112x128xf32, #tpu.memory_space<vmem_shared>>
        tpu.enqueue_indirect_dma source(%dma_start3A_446 : memref<128x128xf32, #tpu.memory_space<vmem>>) target(%dma_start3A_452 : memref<10112x128xf32, #tpu.memory_space<vmem_shared>>) offsets(%dma_start3A_449 : memref<128xi32, #tpu.memory_space<vmem>>) semaphore(%run_scoped3A_442 : memref<!tpu.dma_semaphore, #tpu.memory_space<semaphore_mem>>) {add = true}
        %dma_wait3A_453 = arith.constant 0 : i32
        %dma_wait3A_454 = arith.constant 0 : i32
        %dma_wait3A_455 = tpu.memref_slice %arg10[%rem3A_308, %dma_wait3A_453, %dma_wait3A_454] : memref<2x128x128xf32, #tpu.memory_space<vmem>> -> memref<1x128x128xf32, #tpu.memory_space<vmem>>
        %dma_wait3A_456 = tpu.memref_squeeze %dma_wait3A_455 : memref<1x128x128xf32, #tpu.memory_space<vmem>> -> memref<128x128xf32, #tpu.memory_space<vmem>>
        %dma_wait3A_457 = arith.constant 0 : i32
        %dma_wait3A_458 = tpu.memref_slice %arg9[%add3A_306, %dma_wait3A_457] : memref<79x128xi32, #tpu.memory_space<vmem>> -> memref<1x128xi32, #tpu.memory_space<vmem>>
        %dma_wait3A_459 = tpu.memref_squeeze %dma_wait3A_458 : memref<1x128xi32, #tpu.memory_space<vmem>> -> memref<128xi32, #tpu.memory_space<vmem>>
        %dma_wait3A_460 = arith.constant 0 : i32
        %dma_wait3A_461 = arith.constant 0 : i32
        %dma_wait3A_462 = tpu.memref_slice %arg7[%dma_wait3A_460, %dma_wait3A_461] : memref<10112x128xf32, #tpu.memory_space<vmem_shared>> -> memref<10112x128xf32, #tpu.memory_space<vmem_shared>>
        tpu.wait_indirect_dma semaphore(%run_scoped3A_442 : memref<!tpu.dma_semaphore, #tpu.memory_space<semaphore_mem>>) src(%dma_wait3A_456 : memref<128x128xf32, #tpu.memory_space<vmem>>) dst(%dma_wait3A_462 : memref<10112x128xf32, #tpu.memory_space<vmem_shared>>)
        tpu.yield
      }) : () -> ()
      %dma_start3A_320 = arith.constant 0 : i32
      %dma_start3A_321 = arith.constant 0 : i32
      %dma_start3A_322 = tpu.memref_slice %arg10[%rem3A_308, %dma_start3A_320, %dma_start3A_321] : memref<2x128x128xf32, #tpu.memory_space<vmem>> -> memref<1x128x128xf32, #tpu.memory_space<vmem>>
      %dma_start3A_323 = tpu.memref_squeeze %dma_start3A_322 : memref<1x128x128xf32, #tpu.memory_space<vmem>> -> memref<128x128xf32, #tpu.memory_space<vmem>>
      %dma_start3A_324 = arith.constant 640 : i32
      %dma_start3A_325 = tpu.memref_slice %arg8[%rem3A_192, %dma_start3A_324] : memref<2x1024xi32, #tpu.memory_space<vmem>> -> memref<1x128xi32, #tpu.memory_space<vmem>>
      %dma_start3A_326 = tpu.memref_squeeze %dma_start3A_325 : memref<1x128xi32, #tpu.memory_space<vmem>> -> memref<128xi32, #tpu.memory_space<vmem>>
      %dma_start3A_327 = arith.constant 0 : i32
      %dma_start3A_328 = arith.constant 0 : i32
      %dma_start3A_329 = tpu.memref_slice %arg2[%dma_start3A_327, %dma_start3A_328] : memref<10000x128xf32, #tpu.memory_space<hbm>> -> memref<10000x128xf32, #tpu.memory_space<hbm>>
      tpu.enqueue_indirect_dma source(%dma_start3A_329 : memref<10000x128xf32, #tpu.memory_space<hbm>>) target(%dma_start3A_323 : memref<128x128xf32, #tpu.memory_space<vmem>>) offsets(%dma_start3A_326 : memref<128xi32, #tpu.memory_space<vmem>>) semaphore(%arg11 : memref<!tpu.dma_semaphore, #tpu.memory_space<semaphore_mem>>)
      %mul3A_330 = arith.constant 8 : i32
      %mul3A_331 = arith.muli %scan3A_190, %mul3A_330 : i32
      %add3A_332 = arith.constant 4 : i32
      %add3A_333 = arith.addi %mul3A_331, %add3A_332 : i32
      %rem3A_334 = arith.constant 2 : i32
      %rem3A_335 = arith.remsi %add3A_333, %rem3A_334 : i32
      %dma_wait3A_336 = arith.constant 0 : i32
      %dma_wait3A_337 = arith.constant 0 : i32
      %dma_wait3A_338 = arith.constant 0 : i32
      %dma_wait3A_339 = tpu.memref_slice %arg10[%rem3A_335, %dma_wait3A_337, %dma_wait3A_338] : memref<2x128x128xf32, #tpu.memory_space<vmem>> -> memref<1x128x128xf32, #tpu.memory_space<vmem>>
      %dma_wait3A_340 = tpu.memref_squeeze %dma_wait3A_339 : memref<1x128x128xf32, #tpu.memory_space<vmem>> -> memref<128x128xf32, #tpu.memory_space<vmem>>
      %dma_wait3A_341 = arith.constant 0 : i32
      %dma_wait3A_342 = tpu.memref_slice %arg8[%dma_wait3A_336, %dma_wait3A_341] : memref<2x1024xi32, #tpu.memory_space<vmem>> -> memref<1x128xi32, #tpu.memory_space<vmem>>
      %dma_wait3A_343 = tpu.memref_squeeze %dma_wait3A_342 : memref<1x128xi32, #tpu.memory_space<vmem>> -> memref<128xi32, #tpu.memory_space<vmem>>
      %dma_wait3A_344 = arith.constant 0 : i32
      %dma_wait3A_345 = arith.constant 0 : i32
      %dma_wait3A_346 = tpu.memref_slice %arg2[%dma_wait3A_344, %dma_wait3A_345] : memref<10000x128xf32, #tpu.memory_space<hbm>> -> memref<10000x128xf32, #tpu.memory_space<hbm>>
      tpu.wait_indirect_dma semaphore(%arg11 : memref<!tpu.dma_semaphore, #tpu.memory_space<semaphore_mem>>) src(%dma_wait3A_346 : memref<10000x128xf32, #tpu.memory_space<hbm>>) dst(%dma_wait3A_340 : memref<128x128xf32, #tpu.memory_space<vmem>>)
      "tpu.region"() ({
        %run_scoped3A_442 = tpu.sem_alloc : memref<!tpu.dma_semaphore, #tpu.memory_space<semaphore_mem>>
        %dma_start3A_443 = arith.constant 0 : i32
        %dma_start3A_444 = arith.constant 0 : i32
        %dma_start3A_445 = tpu.memref_slice %arg10[%rem3A_335, %dma_start3A_443, %dma_start3A_444] : memref<2x128x128xf32, #tpu.memory_space<vmem>> -> memref<1x128x128xf32, #tpu.memory_space<vmem>>
        %dma_start3A_446 = tpu.memref_squeeze %dma_start3A_445 : memref<1x128x128xf32, #tpu.memory_space<vmem>> -> memref<128x128xf32, #tpu.memory_space<vmem>>
        %dma_start3A_447 = arith.constant 0 : i32
        %dma_start3A_448 = tpu.memref_slice %arg9[%add3A_333, %dma_start3A_447] : memref<79x128xi32, #tpu.memory_space<vmem>> -> memref<1x128xi32, #tpu.memory_space<vmem>>
        %dma_start3A_449 = tpu.memref_squeeze %dma_start3A_448 : memref<1x128xi32, #tpu.memory_space<vmem>> -> memref<128xi32, #tpu.memory_space<vmem>>
        %dma_start3A_450 = arith.constant 0 : i32
        %dma_start3A_451 = arith.constant 0 : i32
        %dma_start3A_452 = tpu.memref_slice %arg7[%dma_start3A_450, %dma_start3A_451] : memref<10112x128xf32, #tpu.memory_space<vmem_shared>> -> memref<10112x128xf32, #tpu.memory_space<vmem_shared>>
        tpu.enqueue_indirect_dma source(%dma_start3A_446 : memref<128x128xf32, #tpu.memory_space<vmem>>) target(%dma_start3A_452 : memref<10112x128xf32, #tpu.memory_space<vmem_shared>>) offsets(%dma_start3A_449 : memref<128xi32, #tpu.memory_space<vmem>>) semaphore(%run_scoped3A_442 : memref<!tpu.dma_semaphore, #tpu.memory_space<semaphore_mem>>) {add = true}
        %dma_wait3A_453 = arith.constant 0 : i32
        %dma_wait3A_454 = arith.constant 0 : i32
        %dma_wait3A_455 = tpu.memref_slice %arg10[%rem3A_335, %dma_wait3A_453, %dma_wait3A_454] : memref<2x128x128xf32, #tpu.memory_space<vmem>> -> memref<1x128x128xf32, #tpu.memory_space<vmem>>
        %dma_wait3A_456 = tpu.memref_squeeze %dma_wait3A_455 : memref<1x128x128xf32, #tpu.memory_space<vmem>> -> memref<128x128xf32, #tpu.memory_space<vmem>>
        %dma_wait3A_457 = arith.constant 0 : i32
        %dma_wait3A_458 = tpu.memref_slice %arg9[%add3A_333, %dma_wait3A_457] : memref<79x128xi32, #tpu.memory_space<vmem>> -> memref<1x128xi32, #tpu.memory_space<vmem>>
        %dma_wait3A_459 = tpu.memref_squeeze %dma_wait3A_458 : memref<1x128xi32, #tpu.memory_space<vmem>> -> memref<128xi32, #tpu.memory_space<vmem>>
        %dma_wait3A_460 = arith.constant 0 : i32
        %dma_wait3A_461 = arith.constant 0 : i32
        %dma_wait3A_462 = tpu.memref_slice %arg7[%dma_wait3A_460, %dma_wait3A_461] : memref<10112x128xf32, #tpu.memory_space<vmem_shared>> -> memref<10112x128xf32, #tpu.memory_space<vmem_shared>>
        tpu.wait_indirect_dma semaphore(%run_scoped3A_442 : memref<!tpu.dma_semaphore, #tpu.memory_space<semaphore_mem>>) src(%dma_wait3A_456 : memref<128x128xf32, #tpu.memory_space<vmem>>) dst(%dma_wait3A_462 : memref<10112x128xf32, #tpu.memory_space<vmem_shared>>)
        tpu.yield
      }) : () -> ()
      %dma_start3A_347 = arith.constant 0 : i32
      %dma_start3A_348 = arith.constant 0 : i32
      %dma_start3A_349 = tpu.memref_slice %arg10[%rem3A_335, %dma_start3A_347, %dma_start3A_348] : memref<2x128x128xf32, #tpu.memory_space<vmem>> -> memref<1x128x128xf32, #tpu.memory_space<vmem>>
      %dma_start3A_350 = tpu.memref_squeeze %dma_start3A_349 : memref<1x128x128xf32, #tpu.memory_space<vmem>> -> memref<128x128xf32, #tpu.memory_space<vmem>>
      %dma_start3A_351 = arith.constant 768 : i32
      %dma_start3A_352 = tpu.memref_slice %arg8[%rem3A_192, %dma_start3A_351] : memref<2x1024xi32, #tpu.memory_space<vmem>> -> memref<1x128xi32, #tpu.memory_space<vmem>>
      %dma_start3A_353 = tpu.memref_squeeze %dma_start3A_352 : memref<1x128xi32, #tpu.memory_space<vmem>> -> memref<128xi32, #tpu.memory_space<vmem>>
      %dma_start3A_354 = arith.constant 0 : i32
      %dma_start3A_355 = arith.constant 0 : i32
      %dma_start3A_356 = tpu.memref_slice %arg2[%dma_start3A_354, %dma_start3A_355] : memref<10000x128xf32, #tpu.memory_space<hbm>> -> memref<10000x128xf32, #tpu.memory_space<hbm>>
      tpu.enqueue_indirect_dma source(%dma_start3A_356 : memref<10000x128xf32, #tpu.memory_space<hbm>>) target(%dma_start3A_350 : memref<128x128xf32, #tpu.memory_space<vmem>>) offsets(%dma_start3A_353 : memref<128xi32, #tpu.memory_space<vmem>>) semaphore(%arg11 : memref<!tpu.dma_semaphore, #tpu.memory_space<semaphore_mem>>)
      %mul3A_357 = arith.constant 8 : i32
      %mul3A_358 = arith.muli %scan3A_190, %mul3A_357 : i32
      %add3A_359 = arith.constant 5 : i32
      %add3A_360 = arith.addi %mul3A_358, %add3A_359 : i32
      %rem3A_361 = arith.constant 2 : i32
      %rem3A_362 = arith.remsi %add3A_360, %rem3A_361 : i32
      %dma_wait3A_363 = arith.constant 0 : i32
      %dma_wait3A_364 = arith.constant 0 : i32
      %dma_wait3A_365 = arith.constant 0 : i32
      %dma_wait3A_366 = tpu.memref_slice %arg10[%rem3A_362, %dma_wait3A_364, %dma_wait3A_365] : memref<2x128x128xf32, #tpu.memory_space<vmem>> -> memref<1x128x128xf32, #tpu.memory_space<vmem>>
      %dma_wait3A_367 = tpu.memref_squeeze %dma_wait3A_366 : memref<1x128x128xf32, #tpu.memory_space<vmem>> -> memref<128x128xf32, #tpu.memory_space<vmem>>
      %dma_wait3A_368 = arith.constant 0 : i32
      %dma_wait3A_369 = tpu.memref_slice %arg8[%dma_wait3A_363, %dma_wait3A_368] : memref<2x1024xi32, #tpu.memory_space<vmem>> -> memref<1x128xi32, #tpu.memory_space<vmem>>
      %dma_wait3A_370 = tpu.memref_squeeze %dma_wait3A_369 : memref<1x128xi32, #tpu.memory_space<vmem>> -> memref<128xi32, #tpu.memory_space<vmem>>
      %dma_wait3A_371 = arith.constant 0 : i32
      %dma_wait3A_372 = arith.constant 0 : i32
      %dma_wait3A_373 = tpu.memref_slice %arg2[%dma_wait3A_371, %dma_wait3A_372] : memref<10000x128xf32, #tpu.memory_space<hbm>> -> memref<10000x128xf32, #tpu.memory_space<hbm>>
      tpu.wait_indirect_dma semaphore(%arg11 : memref<!tpu.dma_semaphore, #tpu.memory_space<semaphore_mem>>) src(%dma_wait3A_373 : memref<10000x128xf32, #tpu.memory_space<hbm>>) dst(%dma_wait3A_367 : memref<128x128xf32, #tpu.memory_space<vmem>>)
      "tpu.region"() ({
        %run_scoped3A_442 = tpu.sem_alloc : memref<!tpu.dma_semaphore, #tpu.memory_space<semaphore_mem>>
        %dma_start3A_443 = arith.constant 0 : i32
        %dma_start3A_444 = arith.constant 0 : i32
        %dma_start3A_445 = tpu.memref_slice %arg10[%rem3A_362, %dma_start3A_443, %dma_start3A_444] : memref<2x128x128xf32, #tpu.memory_space<vmem>> -> memref<1x128x128xf32, #tpu.memory_space<vmem>>
        %dma_start3A_446 = tpu.memref_squeeze %dma_start3A_445 : memref<1x128x128xf32, #tpu.memory_space<vmem>> -> memref<128x128xf32, #tpu.memory_space<vmem>>
        %dma_start3A_447 = arith.constant 0 : i32
        %dma_start3A_448 = tpu.memref_slice %arg9[%add3A_360, %dma_start3A_447] : memref<79x128xi32, #tpu.memory_space<vmem>> -> memref<1x128xi32, #tpu.memory_space<vmem>>
        %dma_start3A_449 = tpu.memref_squeeze %dma_start3A_448 : memref<1x128xi32, #tpu.memory_space<vmem>> -> memref<128xi32, #tpu.memory_space<vmem>>
        %dma_start3A_450 = arith.constant 0 : i32
        %dma_start3A_451 = arith.constant 0 : i32
        %dma_start3A_452 = tpu.memref_slice %arg7[%dma_start3A_450, %dma_start3A_451] : memref<10112x128xf32, #tpu.memory_space<vmem_shared>> -> memref<10112x128xf32, #tpu.memory_space<vmem_shared>>
        tpu.enqueue_indirect_dma source(%dma_start3A_446 : memref<128x128xf32, #tpu.memory_space<vmem>>) target(%dma_start3A_452 : memref<10112x128xf32, #tpu.memory_space<vmem_shared>>) offsets(%dma_start3A_449 : memref<128xi32, #tpu.memory_space<vmem>>) semaphore(%run_scoped3A_442 : memref<!tpu.dma_semaphore, #tpu.memory_space<semaphore_mem>>) {add = true}
        %dma_wait3A_453 = arith.constant 0 : i32
        %dma_wait3A_454 = arith.constant 0 : i32
        %dma_wait3A_455 = tpu.memref_slice %arg10[%rem3A_362, %dma_wait3A_453, %dma_wait3A_454] : memref<2x128x128xf32, #tpu.memory_space<vmem>> -> memref<1x128x128xf32, #tpu.memory_space<vmem>>
        %dma_wait3A_456 = tpu.memref_squeeze %dma_wait3A_455 : memref<1x128x128xf32, #tpu.memory_space<vmem>> -> memref<128x128xf32, #tpu.memory_space<vmem>>
        %dma_wait3A_457 = arith.constant 0 : i32
        %dma_wait3A_458 = tpu.memref_slice %arg9[%add3A_360, %dma_wait3A_457] : memref<79x128xi32, #tpu.memory_space<vmem>> -> memref<1x128xi32, #tpu.memory_space<vmem>>
        %dma_wait3A_459 = tpu.memref_squeeze %dma_wait3A_458 : memref<1x128xi32, #tpu.memory_space<vmem>> -> memref<128xi32, #tpu.memory_space<vmem>>
        %dma_wait3A_460 = arith.constant 0 : i32
        %dma_wait3A_461 = arith.constant 0 : i32
        %dma_wait3A_462 = tpu.memref_slice %arg7[%dma_wait3A_460, %dma_wait3A_461] : memref<10112x128xf32, #tpu.memory_space<vmem_shared>> -> memref<10112x128xf32, #tpu.memory_space<vmem_shared>>
        tpu.wait_indirect_dma semaphore(%run_scoped3A_442 : memref<!tpu.dma_semaphore, #tpu.memory_space<semaphore_mem>>) src(%dma_wait3A_456 : memref<128x128xf32, #tpu.memory_space<vmem>>) dst(%dma_wait3A_462 : memref<10112x128xf32, #tpu.memory_space<vmem_shared>>)
        tpu.yield
      }) : () -> ()
      %dma_start3A_374 = arith.constant 0 : i32
      %dma_start3A_375 = arith.constant 0 : i32
      %dma_start3A_376 = tpu.memref_slice %arg10[%rem3A_362, %dma_start3A_374, %dma_start3A_375] : memref<2x128x128xf32, #tpu.memory_space<vmem>> -> memref<1x128x128xf32, #tpu.memory_space<vmem>>
      %dma_start3A_377 = tpu.memref_squeeze %dma_start3A_376 : memref<1x128x128xf32, #tpu.memory_space<vmem>> -> memref<128x128xf32, #tpu.memory_space<vmem>>
      %dma_start3A_378 = arith.constant 896 : i32
      %dma_start3A_379 = tpu.memref_slice %arg8[%rem3A_192, %dma_start3A_378] : memref<2x1024xi32, #tpu.memory_space<vmem>> -> memref<1x128xi32, #tpu.memory_space<vmem>>
      %dma_start3A_380 = tpu.memref_squeeze %dma_start3A_379 : memref<1x128xi32, #tpu.memory_space<vmem>> -> memref<128xi32, #tpu.memory_space<vmem>>
      %dma_start3A_381 = arith.constant 0 : i32
      %dma_start3A_382 = arith.constant 0 : i32
      %dma_start3A_383 = tpu.memref_slice %arg2[%dma_start3A_381, %dma_start3A_382] : memref<10000x128xf32, #tpu.memory_space<hbm>> -> memref<10000x128xf32, #tpu.memory_space<hbm>>
      tpu.enqueue_indirect_dma source(%dma_start3A_383 : memref<10000x128xf32, #tpu.memory_space<hbm>>) target(%dma_start3A_377 : memref<128x128xf32, #tpu.memory_space<vmem>>) offsets(%dma_start3A_380 : memref<128xi32, #tpu.memory_space<vmem>>) semaphore(%arg11 : memref<!tpu.dma_semaphore, #tpu.memory_space<semaphore_mem>>)
      %mul3A_384 = arith.constant 8 : i32
      %mul3A_385 = arith.muli %scan3A_190, %mul3A_384 : i32
      %add3A_386 = arith.constant 6 : i32
      %add3A_387 = arith.addi %mul3A_385, %add3A_386 : i32
      %rem3A_388 = arith.constant 2 : i32
      %rem3A_389 = arith.remsi %add3A_387, %rem3A_388 : i32
      %dma_wait3A_390 = arith.constant 0 : i32
      %dma_wait3A_391 = arith.constant 0 : i32
      %dma_wait3A_392 = arith.constant 0 : i32
      %dma_wait3A_393 = tpu.memref_slice %arg10[%rem3A_389, %dma_wait3A_391, %dma_wait3A_392] : memref<2x128x128xf32, #tpu.memory_space<vmem>> -> memref<1x128x128xf32, #tpu.memory_space<vmem>>
      %dma_wait3A_394 = tpu.memref_squeeze %dma_wait3A_393 : memref<1x128x128xf32, #tpu.memory_space<vmem>> -> memref<128x128xf32, #tpu.memory_space<vmem>>
      %dma_wait3A_395 = arith.constant 0 : i32
      %dma_wait3A_396 = tpu.memref_slice %arg8[%dma_wait3A_390, %dma_wait3A_395] : memref<2x1024xi32, #tpu.memory_space<vmem>> -> memref<1x128xi32, #tpu.memory_space<vmem>>
      %dma_wait3A_397 = tpu.memref_squeeze %dma_wait3A_396 : memref<1x128xi32, #tpu.memory_space<vmem>> -> memref<128xi32, #tpu.memory_space<vmem>>
      %dma_wait3A_398 = arith.constant 0 : i32
      %dma_wait3A_399 = arith.constant 0 : i32
      %dma_wait3A_400 = tpu.memref_slice %arg2[%dma_wait3A_398, %dma_wait3A_399] : memref<10000x128xf32, #tpu.memory_space<hbm>> -> memref<10000x128xf32, #tpu.memory_space<hbm>>
      tpu.wait_indirect_dma semaphore(%arg11 : memref<!tpu.dma_semaphore, #tpu.memory_space<semaphore_mem>>) src(%dma_wait3A_400 : memref<10000x128xf32, #tpu.memory_space<hbm>>) dst(%dma_wait3A_394 : memref<128x128xf32, #tpu.memory_space<vmem>>)
      "tpu.region"() ({
        %run_scoped3A_442 = tpu.sem_alloc : memref<!tpu.dma_semaphore, #tpu.memory_space<semaphore_mem>>
        %dma_start3A_443 = arith.constant 0 : i32
        %dma_start3A_444 = arith.constant 0 : i32
        %dma_start3A_445 = tpu.memref_slice %arg10[%rem3A_389, %dma_start3A_443, %dma_start3A_444] : memref<2x128x128xf32, #tpu.memory_space<vmem>> -> memref<1x128x128xf32, #tpu.memory_space<vmem>>
        %dma_start3A_446 = tpu.memref_squeeze %dma_start3A_445 : memref<1x128x128xf32, #tpu.memory_space<vmem>> -> memref<128x128xf32, #tpu.memory_space<vmem>>
        %dma_start3A_447 = arith.constant 0 : i32
        %dma_start3A_448 = tpu.memref_slice %arg9[%add3A_387, %dma_start3A_447] : memref<79x128xi32, #tpu.memory_space<vmem>> -> memref<1x128xi32, #tpu.memory_space<vmem>>
        %dma_start3A_449 = tpu.memref_squeeze %dma_start3A_448 : memref<1x128xi32, #tpu.memory_space<vmem>> -> memref<128xi32, #tpu.memory_space<vmem>>
        %dma_start3A_450 = arith.constant 0 : i32
        %dma_start3A_451 = arith.constant 0 : i32
        %dma_start3A_452 = tpu.memref_slice %arg7[%dma_start3A_450, %dma_start3A_451] : memref<10112x128xf32, #tpu.memory_space<vmem_shared>> -> memref<10112x128xf32, #tpu.memory_space<vmem_shared>>
        tpu.enqueue_indirect_dma source(%dma_start3A_446 : memref<128x128xf32, #tpu.memory_space<vmem>>) target(%dma_start3A_452 : memref<10112x128xf32, #tpu.memory_space<vmem_shared>>) offsets(%dma_start3A_449 : memref<128xi32, #tpu.memory_space<vmem>>) semaphore(%run_scoped3A_442 : memref<!tpu.dma_semaphore, #tpu.memory_space<semaphore_mem>>) {add = true}
        %dma_wait3A_453 = arith.constant 0 : i32
        %dma_wait3A_454 = arith.constant 0 : i32
        %dma_wait3A_455 = tpu.memref_slice %arg10[%rem3A_389, %dma_wait3A_453, %dma_wait3A_454] : memref<2x128x128xf32, #tpu.memory_space<vmem>> -> memref<1x128x128xf32, #tpu.memory_space<vmem>>
        %dma_wait3A_456 = tpu.memref_squeeze %dma_wait3A_455 : memref<1x128x128xf32, #tpu.memory_space<vmem>> -> memref<128x128xf32, #tpu.memory_space<vmem>>
        %dma_wait3A_457 = arith.constant 0 : i32
        %dma_wait3A_458 = tpu.memref_slice %arg9[%add3A_387, %dma_wait3A_457] : memref<79x128xi32, #tpu.memory_space<vmem>> -> memref<1x128xi32, #tpu.memory_space<vmem>>
        %dma_wait3A_459 = tpu.memref_squeeze %dma_wait3A_458 : memref<1x128xi32, #tpu.memory_space<vmem>> -> memref<128xi32, #tpu.memory_space<vmem>>
        %dma_wait3A_460 = arith.constant 0 : i32
        %dma_wait3A_461 = arith.constant 0 : i32
        %dma_wait3A_462 = tpu.memref_slice %arg7[%dma_wait3A_460, %dma_wait3A_461] : memref<10112x128xf32, #tpu.memory_space<vmem_shared>> -> memref<10112x128xf32, #tpu.memory_space<vmem_shared>>
        tpu.wait_indirect_dma semaphore(%run_scoped3A_442 : memref<!tpu.dma_semaphore, #tpu.memory_space<semaphore_mem>>) src(%dma_wait3A_456 : memref<128x128xf32, #tpu.memory_space<vmem>>) dst(%dma_wait3A_462 : memref<10112x128xf32, #tpu.memory_space<vmem_shared>>)
        tpu.yield
      }) : () -> ()
      %sub3A_401 = arith.constant 1 : i32
      %sub3A_402 = arith.subi %sub3A_401, %rem3A_192 : i32
      %dma_start3A_403 = arith.constant 0 : i32
      %dma_start3A_404 = arith.constant 0 : i32
      %dma_start3A_405 = tpu.memref_slice %arg10[%rem3A_389, %dma_start3A_403, %dma_start3A_404] : memref<2x128x128xf32, #tpu.memory_space<vmem>> -> memref<1x128x128xf32, #tpu.memory_space<vmem>>
      %dma_start3A_406 = tpu.memref_squeeze %dma_start3A_405 : memref<1x128x128xf32, #tpu.memory_space<vmem>> -> memref<128x128xf32, #tpu.memory_space<vmem>>
      %dma_start3A_407 = arith.constant 0 : i32
      %dma_start3A_408 = tpu.memref_slice %arg8[%sub3A_402, %dma_start3A_407] : memref<2x1024xi32, #tpu.memory_space<vmem>> -> memref<1x128xi32, #tpu.memory_space<vmem>>
      %dma_start3A_409 = tpu.memref_squeeze %dma_start3A_408 : memref<1x128xi32, #tpu.memory_space<vmem>> -> memref<128xi32, #tpu.memory_space<vmem>>
      %dma_start3A_410 = arith.constant 0 : i32
      %dma_start3A_411 = arith.constant 0 : i32
      %dma_start3A_412 = tpu.memref_slice %arg2[%dma_start3A_410, %dma_start3A_411] : memref<10000x128xf32, #tpu.memory_space<hbm>> -> memref<10000x128xf32, #tpu.memory_space<hbm>>
      tpu.enqueue_indirect_dma source(%dma_start3A_412 : memref<10000x128xf32, #tpu.memory_space<hbm>>) target(%dma_start3A_406 : memref<128x128xf32, #tpu.memory_space<vmem>>) offsets(%dma_start3A_409 : memref<128xi32, #tpu.memory_space<vmem>>) semaphore(%arg11 : memref<!tpu.dma_semaphore, #tpu.memory_space<semaphore_mem>>)
      %mul3A_413 = arith.constant 8 : i32
      %mul3A_414 = arith.muli %scan3A_190, %mul3A_413 : i32
      %add3A_415 = arith.constant 7 : i32
      %add3A_416 = arith.addi %mul3A_414, %add3A_415 : i32
      %rem3A_417 = arith.constant 2 : i32
      %rem3A_418 = arith.remsi %add3A_416, %rem3A_417 : i32
      %dma_wait3A_419 = arith.constant 0 : i32
      %dma_wait3A_420 = arith.constant 0 : i32
      %dma_wait3A_421 = arith.constant 0 : i32
      %dma_wait3A_422 = tpu.memref_slice %arg10[%rem3A_418, %dma_wait3A_420, %dma_wait3A_421] : memref<2x128x128xf32, #tpu.memory_space<vmem>> -> memref<1x128x128xf32, #tpu.memory_space<vmem>>
      %dma_wait3A_423 = tpu.memref_squeeze %dma_wait3A_422 : memref<1x128x128xf32, #tpu.memory_space<vmem>> -> memref<128x128xf32, #tpu.memory_space<vmem>>
      %dma_wait3A_424 = arith.constant 0 : i32
      %dma_wait3A_425 = tpu.memref_slice %arg8[%dma_wait3A_419, %dma_wait3A_424] : memref<2x1024xi32, #tpu.memory_space<vmem>> -> memref<1x128xi32, #tpu.memory_space<vmem>>
      %dma_wait3A_426 = tpu.memref_squeeze %dma_wait3A_425 : memref<1x128xi32, #tpu.memory_space<vmem>> -> memref<128xi32, #tpu.memory_space<vmem>>
      %dma_wait3A_427 = arith.constant 0 : i32
      %dma_wait3A_428 = arith.constant 0 : i32
      %dma_wait3A_429 = tpu.memref_slice %arg2[%dma_wait3A_427, %dma_wait3A_428] : memref<10000x128xf32, #tpu.memory_space<hbm>> -> memref<10000x128xf32, #tpu.memory_space<hbm>>
      tpu.wait_indirect_dma semaphore(%arg11 : memref<!tpu.dma_semaphore, #tpu.memory_space<semaphore_mem>>) src(%dma_wait3A_429 : memref<10000x128xf32, #tpu.memory_space<hbm>>) dst(%dma_wait3A_423 : memref<128x128xf32, #tpu.memory_space<vmem>>)
      "tpu.region"() ({
        %run_scoped3A_442 = tpu.sem_alloc : memref<!tpu.dma_semaphore, #tpu.memory_space<semaphore_mem>>
        %dma_start3A_443 = arith.constant 0 : i32
        %dma_start3A_444 = arith.constant 0 : i32
        %dma_start3A_445 = tpu.memref_slice %arg10[%rem3A_418, %dma_start3A_443, %dma_start3A_444] : memref<2x128x128xf32, #tpu.memory_space<vmem>> -> memref<1x128x128xf32, #tpu.memory_space<vmem>>
        %dma_start3A_446 = tpu.memref_squeeze %dma_start3A_445 : memref<1x128x128xf32, #tpu.memory_space<vmem>> -> memref<128x128xf32, #tpu.memory_space<vmem>>
        %dma_start3A_447 = arith.constant 0 : i32
        %dma_start3A_448 = tpu.memref_slice %arg9[%add3A_416, %dma_start3A_447] : memref<79x128xi32, #tpu.memory_space<vmem>> -> memref<1x128xi32, #tpu.memory_space<vmem>>
        %dma_start3A_449 = tpu.memref_squeeze %dma_start3A_448 : memref<1x128xi32, #tpu.memory_space<vmem>> -> memref<128xi32, #tpu.memory_space<vmem>>
        %dma_start3A_450 = arith.constant 0 : i32
        %dma_start3A_451 = arith.constant 0 : i32
        %dma_start3A_452 = tpu.memref_slice %arg7[%dma_start3A_450, %dma_start3A_451] : memref<10112x128xf32, #tpu.memory_space<vmem_shared>> -> memref<10112x128xf32, #tpu.memory_space<vmem_shared>>
        tpu.enqueue_indirect_dma source(%dma_start3A_446 : memref<128x128xf32, #tpu.memory_space<vmem>>) target(%dma_start3A_452 : memref<10112x128xf32, #tpu.memory_space<vmem_shared>>) offsets(%dma_start3A_449 : memref<128xi32, #tpu.memory_space<vmem>>) semaphore(%run_scoped3A_442 : memref<!tpu.dma_semaphore, #tpu.memory_space<semaphore_mem>>) {add = true}
        %dma_wait3A_453 = arith.constant 0 : i32
        %dma_wait3A_454 = arith.constant 0 : i32
        %dma_wait3A_455 = tpu.memref_slice %arg10[%rem3A_418, %dma_wait3A_453, %dma_wait3A_454] : memref<2x128x128xf32, #tpu.memory_space<vmem>> -> memref<1x128x128xf32, #tpu.memory_space<vmem>>
        %dma_wait3A_456 = tpu.memref_squeeze %dma_wait3A_455 : memref<1x128x128xf32, #tpu.memory_space<vmem>> -> memref<128x128xf32, #tpu.memory_space<vmem>>
        %dma_wait3A_457 = arith.constant 0 : i32
        %dma_wait3A_458 = tpu.memref_slice %arg9[%add3A_416, %dma_wait3A_457] : memref<79x128xi32, #tpu.memory_space<vmem>> -> memref<1x128xi32, #tpu.memory_space<vmem>>
        %dma_wait3A_459 = tpu.memref_squeeze %dma_wait3A_458 : memref<1x128xi32, #tpu.memory_space<vmem>> -> memref<128xi32, #tpu.memory_space<vmem>>
        %dma_wait3A_460 = arith.constant 0 : i32
        %dma_wait3A_461 = arith.constant 0 : i32
        %dma_wait3A_462 = tpu.memref_slice %arg7[%dma_wait3A_460, %dma_wait3A_461] : memref<10112x128xf32, #tpu.memory_space<vmem_shared>> -> memref<10112x128xf32, #tpu.memory_space<vmem_shared>>
        tpu.wait_indirect_dma semaphore(%run_scoped3A_442 : memref<!tpu.dma_semaphore, #tpu.memory_space<semaphore_mem>>) src(%dma_wait3A_456 : memref<128x128xf32, #tpu.memory_space<vmem>>) dst(%dma_wait3A_462 : memref<10112x128xf32, #tpu.memory_space<vmem_shared>>)
        tpu.yield
      }) : () -> ()
      %sub3A_430 = arith.constant 1 : i32
      %sub3A_431 = arith.subi %sub3A_430, %rem3A_192 : i32
      %dma_start3A_432 = arith.constant 0 : i32
      %dma_start3A_433 = arith.constant 0 : i32
      %dma_start3A_434 = tpu.memref_slice %arg10[%rem3A_418, %dma_start3A_432, %dma_start3A_433] : memref<2x128x128xf32, #tpu.memory_space<vmem>> -> memref<1x128x128xf32, #tpu.memory_space<vmem>>
      %dma_start3A_435 = tpu.memref_squeeze %dma_start3A_434 : memref<1x128x128xf32, #tpu.memory_space<vmem>> -> memref<128x128xf32, #tpu.memory_space<vmem>>
      %dma_start3A_436 = arith.constant 128 : i32
      %dma_start3A_437 = tpu.memref_slice %arg8[%sub3A_431, %dma_start3A_436] : memref<2x1024xi32, #tpu.memory_space<vmem>> -> memref<1x128xi32, #tpu.memory_space<vmem>>
      %dma_start3A_438 = tpu.memref_squeeze %dma_start3A_437 : memref<1x128xi32, #tpu.memory_space<vmem>> -> memref<128xi32, #tpu.memory_space<vmem>>
      %dma_start3A_439 = arith.constant 0 : i32
      %dma_start3A_440 = arith.constant 0 : i32
      %dma_start3A_441 = tpu.memref_slice %arg2[%dma_start3A_439, %dma_start3A_440] : memref<10000x128xf32, #tpu.memory_space<hbm>> -> memref<10000x128xf32, #tpu.memory_space<hbm>>
      tpu.enqueue_indirect_dma source(%dma_start3A_441 : memref<10000x128xf32, #tpu.memory_space<hbm>>) target(%dma_start3A_435 : memref<128x128xf32, #tpu.memory_space<vmem>>) offsets(%dma_start3A_438 : memref<128xi32, #tpu.memory_space<vmem>>) semaphore(%arg11 : memref<!tpu.dma_semaphore, #tpu.memory_space<semaphore_mem>>)
    }
    %scan3A_30 = arith.constant 9 : i32
    %rem3A = arith.constant 72 : i32
    %rem3A_31 = arith.constant 2 : i32
    %rem3A_32 = arith.remsi %rem3A, %rem3A_31 : i32
    %dma_wait3A = arith.constant 0 : i32
    %dma_wait3A_33 = arith.constant 0 : i32
    %dma_wait3A_34 = arith.constant 0 : i32
    %dma_wait3A_35 = tpu.memref_slice %arg10[%rem3A_32, %dma_wait3A_33, %dma_wait3A_34] : memref<2x128x128xf32, #tpu.memory_space<vmem>> -> memref<1x128x128xf32, #tpu.memory_space<vmem>>
    %dma_wait3A_36 = tpu.memref_squeeze %dma_wait3A_35 : memref<1x128x128xf32, #tpu.memory_space<vmem>> -> memref<128x128xf32, #tpu.memory_space<vmem>>
    %dma_wait3A_37 = arith.constant 0 : i32
    %dma_wait3A_38 = tpu.memref_slice %arg8[%dma_wait3A, %dma_wait3A_37] : memref<2x1024xi32, #tpu.memory_space<vmem>> -> memref<1x128xi32, #tpu.memory_space<vmem>>
    %dma_wait3A_39 = tpu.memref_squeeze %dma_wait3A_38 : memref<1x128xi32, #tpu.memory_space<vmem>> -> memref<128xi32, #tpu.memory_space<vmem>>
    %dma_wait3A_40 = arith.constant 0 : i32
    %dma_wait3A_41 = arith.constant 0 : i32
    %dma_wait3A_42 = tpu.memref_slice %arg2[%dma_wait3A_40, %dma_wait3A_41] : memref<10000x128xf32, #tpu.memory_space<hbm>> -> memref<10000x128xf32, #tpu.memory_space<hbm>>
    tpu.wait_indirect_dma semaphore(%arg11 : memref<!tpu.dma_semaphore, #tpu.memory_space<semaphore_mem>>) src(%dma_wait3A_42 : memref<10000x128xf32, #tpu.memory_space<hbm>>) dst(%dma_wait3A_36 : memref<128x128xf32, #tpu.memory_space<vmem>>)
    %run_scoped3A_43 = arith.constant 72 : i32
    "tpu.region"() ({
      %run_scoped3A_190 = tpu.sem_alloc : memref<!tpu.dma_semaphore, #tpu.memory_space<semaphore_mem>>
      %dma_start3A_191 = arith.constant 0 : i32
      %dma_start3A_192 = arith.constant 0 : i32
      %dma_start3A_193 = tpu.memref_slice %arg10[%rem3A_32, %dma_start3A_191, %dma_start3A_192] : memref<2x128x128xf32, #tpu.memory_space<vmem>> -> memref<1x128x128xf32, #tpu.memory_space<vmem>>
      %dma_start3A_194 = tpu.memref_squeeze %dma_start3A_193 : memref<1x128x128xf32, #tpu.memory_space<vmem>> -> memref<128x128xf32, #tpu.memory_space<vmem>>
      %dma_start3A_195 = arith.constant 0 : i32
      %dma_start3A_196 = tpu.memref_slice %arg9[%run_scoped3A_43, %dma_start3A_195] : memref<79x128xi32, #tpu.memory_space<vmem>> -> memref<1x128xi32, #tpu.memory_space<vmem>>
      %dma_start3A_197 = tpu.memref_squeeze %dma_start3A_196 : memref<1x128xi32, #tpu.memory_space<vmem>> -> memref<128xi32, #tpu.memory_space<vmem>>
      %dma_start3A_198 = arith.constant 0 : i32
      %dma_start3A_199 = arith.constant 0 : i32
      %dma_start3A_200 = tpu.memref_slice %arg7[%dma_start3A_198, %dma_start3A_199] : memref<10112x128xf32, #tpu.memory_space<vmem_shared>> -> memref<10112x128xf32, #tpu.memory_space<vmem_shared>>
      tpu.enqueue_indirect_dma source(%dma_start3A_194 : memref<128x128xf32, #tpu.memory_space<vmem>>) target(%dma_start3A_200 : memref<10112x128xf32, #tpu.memory_space<vmem_shared>>) offsets(%dma_start3A_197 : memref<128xi32, #tpu.memory_space<vmem>>) semaphore(%run_scoped3A_190 : memref<!tpu.dma_semaphore, #tpu.memory_space<semaphore_mem>>) {add = true}
      %dma_wait3A_201 = arith.constant 0 : i32
      %dma_wait3A_202 = arith.constant 0 : i32
      %dma_wait3A_203 = tpu.memref_slice %arg10[%rem3A_32, %dma_wait3A_201, %dma_wait3A_202] : memref<2x128x128xf32, #tpu.memory_space<vmem>> -> memref<1x128x128xf32, #tpu.memory_space<vmem>>
      %dma_wait3A_204 = tpu.memref_squeeze %dma_wait3A_203 : memref<1x128x128xf32, #tpu.memory_space<vmem>> -> memref<128x128xf32, #tpu.memory_space<vmem>>
      %dma_wait3A_205 = arith.constant 0 : i32
      %dma_wait3A_206 = tpu.memref_slice %arg9[%run_scoped3A_43, %dma_wait3A_205] : memref<79x128xi32, #tpu.memory_space<vmem>> -> memref<1x128xi32, #tpu.memory_space<vmem>>
      %dma_wait3A_207 = tpu.memref_squeeze %dma_wait3A_206 : memref<1x128xi32, #tpu.memory_space<vmem>> -> memref<128xi32, #tpu.memory_space<vmem>>
      %dma_wait3A_208 = arith.constant 0 : i32
      %dma_wait3A_209 = arith.constant 0 : i32
      %dma_wait3A_210 = tpu.memref_slice %arg7[%dma_wait3A_208, %dma_wait3A_209] : memref<10112x128xf32, #tpu.memory_space<vmem_shared>> -> memref<10112x128xf32, #tpu.memory_space<vmem_shared>>
      tpu.wait_indirect_dma semaphore(%run_scoped3A_190 : memref<!tpu.dma_semaphore, #tpu.memory_space<semaphore_mem>>) src(%dma_wait3A_204 : memref<128x128xf32, #tpu.memory_space<vmem>>) dst(%dma_wait3A_210 : memref<10112x128xf32, #tpu.memory_space<vmem_shared>>)
      tpu.yield
    }) : () -> ()
    %dma_start3A_44 = arith.constant 1 : i32
    %dma_start3A_45 = arith.constant 0 : i32
    %dma_start3A_46 = arith.constant 0 : i32
    %dma_start3A_47 = tpu.memref_slice %arg10[%rem3A_32, %dma_start3A_45, %dma_start3A_46] : memref<2x128x128xf32, #tpu.memory_space<vmem>> -> memref<1x128x128xf32, #tpu.memory_space<vmem>>
    %dma_start3A_48 = tpu.memref_squeeze %dma_start3A_47 : memref<1x128x128xf32, #tpu.memory_space<vmem>> -> memref<128x128xf32, #tpu.memory_space<vmem>>
    %dma_start3A_49 = arith.constant 256 : i32
    %dma_start3A_50 = tpu.memref_slice %arg8[%dma_start3A_44, %dma_start3A_49] : memref<2x1024xi32, #tpu.memory_space<vmem>> -> memref<1x128xi32, #tpu.memory_space<vmem>>
    %dma_start3A_51 = tpu.memref_squeeze %dma_start3A_50 : memref<1x128xi32, #tpu.memory_space<vmem>> -> memref<128xi32, #tpu.memory_space<vmem>>
    %dma_start3A_52 = arith.constant 0 : i32
    %dma_start3A_53 = arith.constant 0 : i32
    %dma_start3A_54 = tpu.memref_slice %arg2[%dma_start3A_52, %dma_start3A_53] : memref<10000x128xf32, #tpu.memory_space<hbm>> -> memref<10000x128xf32, #tpu.memory_space<hbm>>
    tpu.enqueue_indirect_dma source(%dma_start3A_54 : memref<10000x128xf32, #tpu.memory_space<hbm>>) target(%dma_start3A_48 : memref<128x128xf32, #tpu.memory_space<vmem>>) offsets(%dma_start3A_51 : memref<128xi32, #tpu.memory_space<vmem>>) semaphore(%arg11 : memref<!tpu.dma_semaphore, #tpu.memory_space<semaphore_mem>>)
    %rem3A_55 = arith.constant 73 : i32
    %rem3A_56 = arith.constant 2 : i32
    %rem3A_57 = arith.remsi %rem3A_55, %rem3A_56 : i32
    %dma_wait3A_58 = arith.constant 0 : i32
    %dma_wait3A_59 = arith.constant 0 : i32
    %dma_wait3A_60 = arith.constant 0 : i32
    %dma_wait3A_61 = tpu.memref_slice %arg10[%rem3A_57, %dma_wait3A_59, %dma_wait3A_60] : memref<2x128x128xf32, #tpu.memory_space<vmem>> -> memref<1x128x128xf32, #tpu.memory_space<vmem>>
    %dma_wait3A_62 = tpu.memref_squeeze %dma_wait3A_61 : memref<1x128x128xf32, #tpu.memory_space<vmem>> -> memref<128x128xf32, #tpu.memory_space<vmem>>
    %dma_wait3A_63 = arith.constant 0 : i32
    %dma_wait3A_64 = tpu.memref_slice %arg8[%dma_wait3A_58, %dma_wait3A_63] : memref<2x1024xi32, #tpu.memory_space<vmem>> -> memref<1x128xi32, #tpu.memory_space<vmem>>
    %dma_wait3A_65 = tpu.memref_squeeze %dma_wait3A_64 : memref<1x128xi32, #tpu.memory_space<vmem>> -> memref<128xi32, #tpu.memory_space<vmem>>
    %dma_wait3A_66 = arith.constant 0 : i32
    %dma_wait3A_67 = arith.constant 0 : i32
    %dma_wait3A_68 = tpu.memref_slice %arg2[%dma_wait3A_66, %dma_wait3A_67] : memref<10000x128xf32, #tpu.memory_space<hbm>> -> memref<10000x128xf32, #tpu.memory_space<hbm>>
    tpu.wait_indirect_dma semaphore(%arg11 : memref<!tpu.dma_semaphore, #tpu.memory_space<semaphore_mem>>) src(%dma_wait3A_68 : memref<10000x128xf32, #tpu.memory_space<hbm>>) dst(%dma_wait3A_62 : memref<128x128xf32, #tpu.memory_space<vmem>>)
    %run_scoped3A_69 = arith.constant 73 : i32
    "tpu.region"() ({
      %run_scoped3A_190 = tpu.sem_alloc : memref<!tpu.dma_semaphore, #tpu.memory_space<semaphore_mem>>
      %dma_start3A_191 = arith.constant 0 : i32
      %dma_start3A_192 = arith.constant 0 : i32
      %dma_start3A_193 = tpu.memref_slice %arg10[%rem3A_57, %dma_start3A_191, %dma_start3A_192] : memref<2x128x128xf32, #tpu.memory_space<vmem>> -> memref<1x128x128xf32, #tpu.memory_space<vmem>>
      %dma_start3A_194 = tpu.memref_squeeze %dma_start3A_193 : memref<1x128x128xf32, #tpu.memory_space<vmem>> -> memref<128x128xf32, #tpu.memory_space<vmem>>
      %dma_start3A_195 = arith.constant 0 : i32
      %dma_start3A_196 = tpu.memref_slice %arg9[%run_scoped3A_69, %dma_start3A_195] : memref<79x128xi32, #tpu.memory_space<vmem>> -> memref<1x128xi32, #tpu.memory_space<vmem>>
      %dma_start3A_197 = tpu.memref_squeeze %dma_start3A_196 : memref<1x128xi32, #tpu.memory_space<vmem>> -> memref<128xi32, #tpu.memory_space<vmem>>
      %dma_start3A_198 = arith.constant 0 : i32
      %dma_start3A_199 = arith.constant 0 : i32
      %dma_start3A_200 = tpu.memref_slice %arg7[%dma_start3A_198, %dma_start3A_199] : memref<10112x128xf32, #tpu.memory_space<vmem_shared>> -> memref<10112x128xf32, #tpu.memory_space<vmem_shared>>
      tpu.enqueue_indirect_dma source(%dma_start3A_194 : memref<128x128xf32, #tpu.memory_space<vmem>>) target(%dma_start3A_200 : memref<10112x128xf32, #tpu.memory_space<vmem_shared>>) offsets(%dma_start3A_197 : memref<128xi32, #tpu.memory_space<vmem>>) semaphore(%run_scoped3A_190 : memref<!tpu.dma_semaphore, #tpu.memory_space<semaphore_mem>>) {add = true}
      %dma_wait3A_201 = arith.constant 0 : i32
      %dma_wait3A_202 = arith.constant 0 : i32
      %dma_wait3A_203 = tpu.memref_slice %arg10[%rem3A_57, %dma_wait3A_201, %dma_wait3A_202] : memref<2x128x128xf32, #tpu.memory_space<vmem>> -> memref<1x128x128xf32, #tpu.memory_space<vmem>>
      %dma_wait3A_204 = tpu.memref_squeeze %dma_wait3A_203 : memref<1x128x128xf32, #tpu.memory_space<vmem>> -> memref<128x128xf32, #tpu.memory_space<vmem>>
      %dma_wait3A_205 = arith.constant 0 : i32
      %dma_wait3A_206 = tpu.memref_slice %arg9[%run_scoped3A_69, %dma_wait3A_205] : memref<79x128xi32, #tpu.memory_space<vmem>> -> memref<1x128xi32, #tpu.memory_space<vmem>>
      %dma_wait3A_207 = tpu.memref_squeeze %dma_wait3A_206 : memref<1x128xi32, #tpu.memory_space<vmem>> -> memref<128xi32, #tpu.memory_space<vmem>>
      %dma_wait3A_208 = arith.constant 0 : i32
      %dma_wait3A_209 = arith.constant 0 : i32
      %dma_wait3A_210 = tpu.memref_slice %arg7[%dma_wait3A_208, %dma_wait3A_209] : memref<10112x128xf32, #tpu.memory_space<vmem_shared>> -> memref<10112x128xf32, #tpu.memory_space<vmem_shared>>
      tpu.wait_indirect_dma semaphore(%run_scoped3A_190 : memref<!tpu.dma_semaphore, #tpu.memory_space<semaphore_mem>>) src(%dma_wait3A_204 : memref<128x128xf32, #tpu.memory_space<vmem>>) dst(%dma_wait3A_210 : memref<10112x128xf32, #tpu.memory_space<vmem_shared>>)
      tpu.yield
    }) : () -> ()
    %dma_start3A_70 = arith.constant 1 : i32
    %dma_start3A_71 = arith.constant 0 : i32
    %dma_start3A_72 = arith.constant 0 : i32
    %dma_start3A_73 = tpu.memref_slice %arg10[%rem3A_57, %dma_start3A_71, %dma_start3A_72] : memref<2x128x128xf32, #tpu.memory_space<vmem>> -> memref<1x128x128xf32, #tpu.memory_space<vmem>>
    %dma_start3A_74 = tpu.memref_squeeze %dma_start3A_73 : memref<1x128x128xf32, #tpu.memory_space<vmem>> -> memref<128x128xf32, #tpu.memory_space<vmem>>
    %dma_start3A_75 = arith.constant 384 : i32
    %dma_start3A_76 = tpu.memref_slice %arg8[%dma_start3A_70, %dma_start3A_75] : memref<2x1024xi32, #tpu.memory_space<vmem>> -> memref<1x128xi32, #tpu.memory_space<vmem>>
    %dma_start3A_77 = tpu.memref_squeeze %dma_start3A_76 : memref<1x128xi32, #tpu.memory_space<vmem>> -> memref<128xi32, #tpu.memory_space<vmem>>
    %dma_start3A_78 = arith.constant 0 : i32
    %dma_start3A_79 = arith.constant 0 : i32
    %dma_start3A_80 = tpu.memref_slice %arg2[%dma_start3A_78, %dma_start3A_79] : memref<10000x128xf32, #tpu.memory_space<hbm>> -> memref<10000x128xf32, #tpu.memory_space<hbm>>
    tpu.enqueue_indirect_dma source(%dma_start3A_80 : memref<10000x128xf32, #tpu.memory_space<hbm>>) target(%dma_start3A_74 : memref<128x128xf32, #tpu.memory_space<vmem>>) offsets(%dma_start3A_77 : memref<128xi32, #tpu.memory_space<vmem>>) semaphore(%arg11 : memref<!tpu.dma_semaphore, #tpu.memory_space<semaphore_mem>>)
    %rem3A_81 = arith.constant 74 : i32
    %rem3A_82 = arith.constant 2 : i32
    %rem3A_83 = arith.remsi %rem3A_81, %rem3A_82 : i32
    %dma_wait3A_84 = arith.constant 0 : i32
    %dma_wait3A_85 = arith.constant 0 : i32
    %dma_wait3A_86 = arith.constant 0 : i32
    %dma_wait3A_87 = tpu.memref_slice %arg10[%rem3A_83, %dma_wait3A_85, %dma_wait3A_86] : memref<2x128x128xf32, #tpu.memory_space<vmem>> -> memref<1x128x128xf32, #tpu.memory_space<vmem>>
    %dma_wait3A_88 = tpu.memref_squeeze %dma_wait3A_87 : memref<1x128x128xf32, #tpu.memory_space<vmem>> -> memref<128x128xf32, #tpu.memory_space<vmem>>
    %dma_wait3A_89 = arith.constant 0 : i32
    %dma_wait3A_90 = tpu.memref_slice %arg8[%dma_wait3A_84, %dma_wait3A_89] : memref<2x1024xi32, #tpu.memory_space<vmem>> -> memref<1x128xi32, #tpu.memory_space<vmem>>
    %dma_wait3A_91 = tpu.memref_squeeze %dma_wait3A_90 : memref<1x128xi32, #tpu.memory_space<vmem>> -> memref<128xi32, #tpu.memory_space<vmem>>
    %dma_wait3A_92 = arith.constant 0 : i32
    %dma_wait3A_93 = arith.constant 0 : i32
    %dma_wait3A_94 = tpu.memref_slice %arg2[%dma_wait3A_92, %dma_wait3A_93] : memref<10000x128xf32, #tpu.memory_space<hbm>> -> memref<10000x128xf32, #tpu.memory_space<hbm>>
    tpu.wait_indirect_dma semaphore(%arg11 : memref<!tpu.dma_semaphore, #tpu.memory_space<semaphore_mem>>) src(%dma_wait3A_94 : memref<10000x128xf32, #tpu.memory_space<hbm>>) dst(%dma_wait3A_88 : memref<128x128xf32, #tpu.memory_space<vmem>>)
    %run_scoped3A_95 = arith.constant 74 : i32
    "tpu.region"() ({
      %run_scoped3A_190 = tpu.sem_alloc : memref<!tpu.dma_semaphore, #tpu.memory_space<semaphore_mem>>
      %dma_start3A_191 = arith.constant 0 : i32
      %dma_start3A_192 = arith.constant 0 : i32
      %dma_start3A_193 = tpu.memref_slice %arg10[%rem3A_83, %dma_start3A_191, %dma_start3A_192] : memref<2x128x128xf32, #tpu.memory_space<vmem>> -> memref<1x128x128xf32, #tpu.memory_space<vmem>>
      %dma_start3A_194 = tpu.memref_squeeze %dma_start3A_193 : memref<1x128x128xf32, #tpu.memory_space<vmem>> -> memref<128x128xf32, #tpu.memory_space<vmem>>
      %dma_start3A_195 = arith.constant 0 : i32
      %dma_start3A_196 = tpu.memref_slice %arg9[%run_scoped3A_95, %dma_start3A_195] : memref<79x128xi32, #tpu.memory_space<vmem>> -> memref<1x128xi32, #tpu.memory_space<vmem>>
      %dma_start3A_197 = tpu.memref_squeeze %dma_start3A_196 : memref<1x128xi32, #tpu.memory_space<vmem>> -> memref<128xi32, #tpu.memory_space<vmem>>
      %dma_start3A_198 = arith.constant 0 : i32
      %dma_start3A_199 = arith.constant 0 : i32
      %dma_start3A_200 = tpu.memref_slice %arg7[%dma_start3A_198, %dma_start3A_199] : memref<10112x128xf32, #tpu.memory_space<vmem_shared>> -> memref<10112x128xf32, #tpu.memory_space<vmem_shared>>
      tpu.enqueue_indirect_dma source(%dma_start3A_194 : memref<128x128xf32, #tpu.memory_space<vmem>>) target(%dma_start3A_200 : memref<10112x128xf32, #tpu.memory_space<vmem_shared>>) offsets(%dma_start3A_197 : memref<128xi32, #tpu.memory_space<vmem>>) semaphore(%run_scoped3A_190 : memref<!tpu.dma_semaphore, #tpu.memory_space<semaphore_mem>>) {add = true}
      %dma_wait3A_201 = arith.constant 0 : i32
      %dma_wait3A_202 = arith.constant 0 : i32
      %dma_wait3A_203 = tpu.memref_slice %arg10[%rem3A_83, %dma_wait3A_201, %dma_wait3A_202] : memref<2x128x128xf32, #tpu.memory_space<vmem>> -> memref<1x128x128xf32, #tpu.memory_space<vmem>>
      %dma_wait3A_204 = tpu.memref_squeeze %dma_wait3A_203 : memref<1x128x128xf32, #tpu.memory_space<vmem>> -> memref<128x128xf32, #tpu.memory_space<vmem>>
      %dma_wait3A_205 = arith.constant 0 : i32
      %dma_wait3A_206 = tpu.memref_slice %arg9[%run_scoped3A_95, %dma_wait3A_205] : memref<79x128xi32, #tpu.memory_space<vmem>> -> memref<1x128xi32, #tpu.memory_space<vmem>>
      %dma_wait3A_207 = tpu.memref_squeeze %dma_wait3A_206 : memref<1x128xi32, #tpu.memory_space<vmem>> -> memref<128xi32, #tpu.memory_space<vmem>>
      %dma_wait3A_208 = arith.constant 0 : i32
      %dma_wait3A_209 = arith.constant 0 : i32
      %dma_wait3A_210 = tpu.memref_slice %arg7[%dma_wait3A_208, %dma_wait3A_209] : memref<10112x128xf32, #tpu.memory_space<vmem_shared>> -> memref<10112x128xf32, #tpu.memory_space<vmem_shared>>
      tpu.wait_indirect_dma semaphore(%run_scoped3A_190 : memref<!tpu.dma_semaphore, #tpu.memory_space<semaphore_mem>>) src(%dma_wait3A_204 : memref<128x128xf32, #tpu.memory_space<vmem>>) dst(%dma_wait3A_210 : memref<10112x128xf32, #tpu.memory_space<vmem_shared>>)
      tpu.yield
    }) : () -> ()
    %dma_start3A_96 = arith.constant 1 : i32
    %dma_start3A_97 = arith.constant 0 : i32
    %dma_start3A_98 = arith.constant 0 : i32
    %dma_start3A_99 = tpu.memref_slice %arg10[%rem3A_83, %dma_start3A_97, %dma_start3A_98] : memref<2x128x128xf32, #tpu.memory_space<vmem>> -> memref<1x128x128xf32, #tpu.memory_space<vmem>>
    %dma_start3A_100 = tpu.memref_squeeze %dma_start3A_99 : memref<1x128x128xf32, #tpu.memory_space<vmem>> -> memref<128x128xf32, #tpu.memory_space<vmem>>
    %dma_start3A_101 = arith.constant 512 : i32
    %dma_start3A_102 = tpu.memref_slice %arg8[%dma_start3A_96, %dma_start3A_101] : memref<2x1024xi32, #tpu.memory_space<vmem>> -> memref<1x128xi32, #tpu.memory_space<vmem>>
    %dma_start3A_103 = tpu.memref_squeeze %dma_start3A_102 : memref<1x128xi32, #tpu.memory_space<vmem>> -> memref<128xi32, #tpu.memory_space<vmem>>
    %dma_start3A_104 = arith.constant 0 : i32
    %dma_start3A_105 = arith.constant 0 : i32
    %dma_start3A_106 = tpu.memref_slice %arg2[%dma_start3A_104, %dma_start3A_105] : memref<10000x128xf32, #tpu.memory_space<hbm>> -> memref<10000x128xf32, #tpu.memory_space<hbm>>
    tpu.enqueue_indirect_dma source(%dma_start3A_106 : memref<10000x128xf32, #tpu.memory_space<hbm>>) target(%dma_start3A_100 : memref<128x128xf32, #tpu.memory_space<vmem>>) offsets(%dma_start3A_103 : memref<128xi32, #tpu.memory_space<vmem>>) semaphore(%arg11 : memref<!tpu.dma_semaphore, #tpu.memory_space<semaphore_mem>>)
    %rem3A_107 = arith.constant 75 : i32
    %rem3A_108 = arith.constant 2 : i32
    %rem3A_109 = arith.remsi %rem3A_107, %rem3A_108 : i32
    %dma_wait3A_110 = arith.constant 0 : i32
    %dma_wait3A_111 = arith.constant 0 : i32
    %dma_wait3A_112 = arith.constant 0 : i32
    %dma_wait3A_113 = tpu.memref_slice %arg10[%rem3A_109, %dma_wait3A_111, %dma_wait3A_112] : memref<2x128x128xf32, #tpu.memory_space<vmem>> -> memref<1x128x128xf32, #tpu.memory_space<vmem>>
    %dma_wait3A_114 = tpu.memref_squeeze %dma_wait3A_113 : memref<1x128x128xf32, #tpu.memory_space<vmem>> -> memref<128x128xf32, #tpu.memory_space<vmem>>
    %dma_wait3A_115 = arith.constant 0 : i32
    %dma_wait3A_116 = tpu.memref_slice %arg8[%dma_wait3A_110, %dma_wait3A_115] : memref<2x1024xi32, #tpu.memory_space<vmem>> -> memref<1x128xi32, #tpu.memory_space<vmem>>
    %dma_wait3A_117 = tpu.memref_squeeze %dma_wait3A_116 : memref<1x128xi32, #tpu.memory_space<vmem>> -> memref<128xi32, #tpu.memory_space<vmem>>
    %dma_wait3A_118 = arith.constant 0 : i32
    %dma_wait3A_119 = arith.constant 0 : i32
    %dma_wait3A_120 = tpu.memref_slice %arg2[%dma_wait3A_118, %dma_wait3A_119] : memref<10000x128xf32, #tpu.memory_space<hbm>> -> memref<10000x128xf32, #tpu.memory_space<hbm>>
    tpu.wait_indirect_dma semaphore(%arg11 : memref<!tpu.dma_semaphore, #tpu.memory_space<semaphore_mem>>) src(%dma_wait3A_120 : memref<10000x128xf32, #tpu.memory_space<hbm>>) dst(%dma_wait3A_114 : memref<128x128xf32, #tpu.memory_space<vmem>>)
    %run_scoped3A_121 = arith.constant 75 : i32
    "tpu.region"() ({
      %run_scoped3A_190 = tpu.sem_alloc : memref<!tpu.dma_semaphore, #tpu.memory_space<semaphore_mem>>
      %dma_start3A_191 = arith.constant 0 : i32
      %dma_start3A_192 = arith.constant 0 : i32
      %dma_start3A_193 = tpu.memref_slice %arg10[%rem3A_109, %dma_start3A_191, %dma_start3A_192] : memref<2x128x128xf32, #tpu.memory_space<vmem>> -> memref<1x128x128xf32, #tpu.memory_space<vmem>>
      %dma_start3A_194 = tpu.memref_squeeze %dma_start3A_193 : memref<1x128x128xf32, #tpu.memory_space<vmem>> -> memref<128x128xf32, #tpu.memory_space<vmem>>
      %dma_start3A_195 = arith.constant 0 : i32
      %dma_start3A_196 = tpu.memref_slice %arg9[%run_scoped3A_121, %dma_start3A_195] : memref<79x128xi32, #tpu.memory_space<vmem>> -> memref<1x128xi32, #tpu.memory_space<vmem>>
      %dma_start3A_197 = tpu.memref_squeeze %dma_start3A_196 : memref<1x128xi32, #tpu.memory_space<vmem>> -> memref<128xi32, #tpu.memory_space<vmem>>
      %dma_start3A_198 = arith.constant 0 : i32
      %dma_start3A_199 = arith.constant 0 : i32
      %dma_start3A_200 = tpu.memref_slice %arg7[%dma_start3A_198, %dma_start3A_199] : memref<10112x128xf32, #tpu.memory_space<vmem_shared>> -> memref<10112x128xf32, #tpu.memory_space<vmem_shared>>
      tpu.enqueue_indirect_dma source(%dma_start3A_194 : memref<128x128xf32, #tpu.memory_space<vmem>>) target(%dma_start3A_200 : memref<10112x128xf32, #tpu.memory_space<vmem_shared>>) offsets(%dma_start3A_197 : memref<128xi32, #tpu.memory_space<vmem>>) semaphore(%run_scoped3A_190 : memref<!tpu.dma_semaphore, #tpu.memory_space<semaphore_mem>>) {add = true}
      %dma_wait3A_201 = arith.constant 0 : i32
      %dma_wait3A_202 = arith.constant 0 : i32
      %dma_wait3A_203 = tpu.memref_slice %arg10[%rem3A_109, %dma_wait3A_201, %dma_wait3A_202] : memref<2x128x128xf32, #tpu.memory_space<vmem>> -> memref<1x128x128xf32, #tpu.memory_space<vmem>>
      %dma_wait3A_204 = tpu.memref_squeeze %dma_wait3A_203 : memref<1x128x128xf32, #tpu.memory_space<vmem>> -> memref<128x128xf32, #tpu.memory_space<vmem>>
      %dma_wait3A_205 = arith.constant 0 : i32
      %dma_wait3A_206 = tpu.memref_slice %arg9[%run_scoped3A_121, %dma_wait3A_205] : memref<79x128xi32, #tpu.memory_space<vmem>> -> memref<1x128xi32, #tpu.memory_space<vmem>>
      %dma_wait3A_207 = tpu.memref_squeeze %dma_wait3A_206 : memref<1x128xi32, #tpu.memory_space<vmem>> -> memref<128xi32, #tpu.memory_space<vmem>>
      %dma_wait3A_208 = arith.constant 0 : i32
      %dma_wait3A_209 = arith.constant 0 : i32
      %dma_wait3A_210 = tpu.memref_slice %arg7[%dma_wait3A_208, %dma_wait3A_209] : memref<10112x128xf32, #tpu.memory_space<vmem_shared>> -> memref<10112x128xf32, #tpu.memory_space<vmem_shared>>
      tpu.wait_indirect_dma semaphore(%run_scoped3A_190 : memref<!tpu.dma_semaphore, #tpu.memory_space<semaphore_mem>>) src(%dma_wait3A_204 : memref<128x128xf32, #tpu.memory_space<vmem>>) dst(%dma_wait3A_210 : memref<10112x128xf32, #tpu.memory_space<vmem_shared>>)
      tpu.yield
    }) : () -> ()
    %dma_start3A_122 = arith.constant 1 : i32
    %dma_start3A_123 = arith.constant 0 : i32
    %dma_start3A_124 = arith.constant 0 : i32
    %dma_start3A_125 = tpu.memref_slice %arg10[%rem3A_109, %dma_start3A_123, %dma_start3A_124] : memref<2x128x128xf32, #tpu.memory_space<vmem>> -> memref<1x128x128xf32, #tpu.memory_space<vmem>>
    %dma_start3A_126 = tpu.memref_squeeze %dma_start3A_125 : memref<1x128x128xf32, #tpu.memory_space<vmem>> -> memref<128x128xf32, #tpu.memory_space<vmem>>
    %dma_start3A_127 = arith.constant 640 : i32
    %dma_start3A_128 = tpu.memref_slice %arg8[%dma_start3A_122, %dma_start3A_127] : memref<2x1024xi32, #tpu.memory_space<vmem>> -> memref<1x128xi32, #tpu.memory_space<vmem>>
    %dma_start3A_129 = tpu.memref_squeeze %dma_start3A_128 : memref<1x128xi32, #tpu.memory_space<vmem>> -> memref<128xi32, #tpu.memory_space<vmem>>
    %dma_start3A_130 = arith.constant 0 : i32
    %dma_start3A_131 = arith.constant 0 : i32
    %dma_start3A_132 = tpu.memref_slice %arg2[%dma_start3A_130, %dma_start3A_131] : memref<10000x128xf32, #tpu.memory_space<hbm>> -> memref<10000x128xf32, #tpu.memory_space<hbm>>
    tpu.enqueue_indirect_dma source(%dma_start3A_132 : memref<10000x128xf32, #tpu.memory_space<hbm>>) target(%dma_start3A_126 : memref<128x128xf32, #tpu.memory_space<vmem>>) offsets(%dma_start3A_129 : memref<128xi32, #tpu.memory_space<vmem>>) semaphore(%arg11 : memref<!tpu.dma_semaphore, #tpu.memory_space<semaphore_mem>>)
    %rem3A_133 = arith.constant 76 : i32
    %rem3A_134 = arith.constant 2 : i32
    %rem3A_135 = arith.remsi %rem3A_133, %rem3A_134 : i32
    %dma_wait3A_136 = arith.constant 0 : i32
    %dma_wait3A_137 = arith.constant 0 : i32
    %dma_wait3A_138 = arith.constant 0 : i32
    %dma_wait3A_139 = tpu.memref_slice %arg10[%rem3A_135, %dma_wait3A_137, %dma_wait3A_138] : memref<2x128x128xf32, #tpu.memory_space<vmem>> -> memref<1x128x128xf32, #tpu.memory_space<vmem>>
    %dma_wait3A_140 = tpu.memref_squeeze %dma_wait3A_139 : memref<1x128x128xf32, #tpu.memory_space<vmem>> -> memref<128x128xf32, #tpu.memory_space<vmem>>
    %dma_wait3A_141 = arith.constant 0 : i32
    %dma_wait3A_142 = tpu.memref_slice %arg8[%dma_wait3A_136, %dma_wait3A_141] : memref<2x1024xi32, #tpu.memory_space<vmem>> -> memref<1x128xi32, #tpu.memory_space<vmem>>
    %dma_wait3A_143 = tpu.memref_squeeze %dma_wait3A_142 : memref<1x128xi32, #tpu.memory_space<vmem>> -> memref<128xi32, #tpu.memory_space<vmem>>
    %dma_wait3A_144 = arith.constant 0 : i32
    %dma_wait3A_145 = arith.constant 0 : i32
    %dma_wait3A_146 = tpu.memref_slice %arg2[%dma_wait3A_144, %dma_wait3A_145] : memref<10000x128xf32, #tpu.memory_space<hbm>> -> memref<10000x128xf32, #tpu.memory_space<hbm>>
    tpu.wait_indirect_dma semaphore(%arg11 : memref<!tpu.dma_semaphore, #tpu.memory_space<semaphore_mem>>) src(%dma_wait3A_146 : memref<10000x128xf32, #tpu.memory_space<hbm>>) dst(%dma_wait3A_140 : memref<128x128xf32, #tpu.memory_space<vmem>>)
    %run_scoped3A_147 = arith.constant 76 : i32
    "tpu.region"() ({
      %run_scoped3A_190 = tpu.sem_alloc : memref<!tpu.dma_semaphore, #tpu.memory_space<semaphore_mem>>
      %dma_start3A_191 = arith.constant 0 : i32
      %dma_start3A_192 = arith.constant 0 : i32
      %dma_start3A_193 = tpu.memref_slice %arg10[%rem3A_135, %dma_start3A_191, %dma_start3A_192] : memref<2x128x128xf32, #tpu.memory_space<vmem>> -> memref<1x128x128xf32, #tpu.memory_space<vmem>>
      %dma_start3A_194 = tpu.memref_squeeze %dma_start3A_193 : memref<1x128x128xf32, #tpu.memory_space<vmem>> -> memref<128x128xf32, #tpu.memory_space<vmem>>
      %dma_start3A_195 = arith.constant 0 : i32
      %dma_start3A_196 = tpu.memref_slice %arg9[%run_scoped3A_147, %dma_start3A_195] : memref<79x128xi32, #tpu.memory_space<vmem>> -> memref<1x128xi32, #tpu.memory_space<vmem>>
      %dma_start3A_197 = tpu.memref_squeeze %dma_start3A_196 : memref<1x128xi32, #tpu.memory_space<vmem>> -> memref<128xi32, #tpu.memory_space<vmem>>
      %dma_start3A_198 = arith.constant 0 : i32
      %dma_start3A_199 = arith.constant 0 : i32
      %dma_start3A_200 = tpu.memref_slice %arg7[%dma_start3A_198, %dma_start3A_199] : memref<10112x128xf32, #tpu.memory_space<vmem_shared>> -> memref<10112x128xf32, #tpu.memory_space<vmem_shared>>
      tpu.enqueue_indirect_dma source(%dma_start3A_194 : memref<128x128xf32, #tpu.memory_space<vmem>>) target(%dma_start3A_200 : memref<10112x128xf32, #tpu.memory_space<vmem_shared>>) offsets(%dma_start3A_197 : memref<128xi32, #tpu.memory_space<vmem>>) semaphore(%run_scoped3A_190 : memref<!tpu.dma_semaphore, #tpu.memory_space<semaphore_mem>>) {add = true}
      %dma_wait3A_201 = arith.constant 0 : i32
      %dma_wait3A_202 = arith.constant 0 : i32
      %dma_wait3A_203 = tpu.memref_slice %arg10[%rem3A_135, %dma_wait3A_201, %dma_wait3A_202] : memref<2x128x128xf32, #tpu.memory_space<vmem>> -> memref<1x128x128xf32, #tpu.memory_space<vmem>>
      %dma_wait3A_204 = tpu.memref_squeeze %dma_wait3A_203 : memref<1x128x128xf32, #tpu.memory_space<vmem>> -> memref<128x128xf32, #tpu.memory_space<vmem>>
      %dma_wait3A_205 = arith.constant 0 : i32
      %dma_wait3A_206 = tpu.memref_slice %arg9[%run_scoped3A_147, %dma_wait3A_205] : memref<79x128xi32, #tpu.memory_space<vmem>> -> memref<1x128xi32, #tpu.memory_space<vmem>>
      %dma_wait3A_207 = tpu.memref_squeeze %dma_wait3A_206 : memref<1x128xi32, #tpu.memory_space<vmem>> -> memref<128xi32, #tpu.memory_space<vmem>>
      %dma_wait3A_208 = arith.constant 0 : i32
      %dma_wait3A_209 = arith.constant 0 : i32
      %dma_wait3A_210 = tpu.memref_slice %arg7[%dma_wait3A_208, %dma_wait3A_209] : memref<10112x128xf32, #tpu.memory_space<vmem_shared>> -> memref<10112x128xf32, #tpu.memory_space<vmem_shared>>
      tpu.wait_indirect_dma semaphore(%run_scoped3A_190 : memref<!tpu.dma_semaphore, #tpu.memory_space<semaphore_mem>>) src(%dma_wait3A_204 : memref<128x128xf32, #tpu.memory_space<vmem>>) dst(%dma_wait3A_210 : memref<10112x128xf32, #tpu.memory_space<vmem_shared>>)
      tpu.yield
    }) : () -> ()
    %dma_start3A_148 = arith.constant 1 : i32
    %dma_start3A_149 = arith.constant 0 : i32
    %dma_start3A_150 = arith.constant 0 : i32
    %dma_start3A_151 = tpu.memref_slice %arg10[%rem3A_135, %dma_start3A_149, %dma_start3A_150] : memref<2x128x128xf32, #tpu.memory_space<vmem>> -> memref<1x128x128xf32, #tpu.memory_space<vmem>>
    %dma_start3A_152 = tpu.memref_squeeze %dma_start3A_151 : memref<1x128x128xf32, #tpu.memory_space<vmem>> -> memref<128x128xf32, #tpu.memory_space<vmem>>
    %dma_start3A_153 = arith.constant 768 : i32
    %dma_start3A_154 = tpu.memref_slice %arg8[%dma_start3A_148, %dma_start3A_153] : memref<2x1024xi32, #tpu.memory_space<vmem>> -> memref<1x128xi32, #tpu.memory_space<vmem>>
    %dma_start3A_155 = tpu.memref_squeeze %dma_start3A_154 : memref<1x128xi32, #tpu.memory_space<vmem>> -> memref<128xi32, #tpu.memory_space<vmem>>
    %dma_start3A_156 = arith.constant 0 : i32
    %dma_start3A_157 = arith.constant 0 : i32
    %dma_start3A_158 = tpu.memref_slice %arg2[%dma_start3A_156, %dma_start3A_157] : memref<10000x128xf32, #tpu.memory_space<hbm>> -> memref<10000x128xf32, #tpu.memory_space<hbm>>
    tpu.enqueue_indirect_dma source(%dma_start3A_158 : memref<10000x128xf32, #tpu.memory_space<hbm>>) target(%dma_start3A_152 : memref<128x128xf32, #tpu.memory_space<vmem>>) offsets(%dma_start3A_155 : memref<128xi32, #tpu.memory_space<vmem>>) semaphore(%arg11 : memref<!tpu.dma_semaphore, #tpu.memory_space<semaphore_mem>>)
    %rem3A_159 = arith.constant 77 : i32
    %rem3A_160 = arith.constant 2 : i32
    %rem3A_161 = arith.remsi %rem3A_159, %rem3A_160 : i32
    %dma_wait3A_162 = arith.constant 0 : i32
    %dma_wait3A_163 = arith.constant 0 : i32
    %dma_wait3A_164 = arith.constant 0 : i32
    %dma_wait3A_165 = tpu.memref_slice %arg10[%rem3A_161, %dma_wait3A_163, %dma_wait3A_164] : memref<2x128x128xf32, #tpu.memory_space<vmem>> -> memref<1x128x128xf32, #tpu.memory_space<vmem>>
    %dma_wait3A_166 = tpu.memref_squeeze %dma_wait3A_165 : memref<1x128x128xf32, #tpu.memory_space<vmem>> -> memref<128x128xf32, #tpu.memory_space<vmem>>
    %dma_wait3A_167 = arith.constant 0 : i32
    %dma_wait3A_168 = tpu.memref_slice %arg8[%dma_wait3A_162, %dma_wait3A_167] : memref<2x1024xi32, #tpu.memory_space<vmem>> -> memref<1x128xi32, #tpu.memory_space<vmem>>
    %dma_wait3A_169 = tpu.memref_squeeze %dma_wait3A_168 : memref<1x128xi32, #tpu.memory_space<vmem>> -> memref<128xi32, #tpu.memory_space<vmem>>
    %dma_wait3A_170 = arith.constant 0 : i32
    %dma_wait3A_171 = arith.constant 0 : i32
    %dma_wait3A_172 = tpu.memref_slice %arg2[%dma_wait3A_170, %dma_wait3A_171] : memref<10000x128xf32, #tpu.memory_space<hbm>> -> memref<10000x128xf32, #tpu.memory_space<hbm>>
    tpu.wait_indirect_dma semaphore(%arg11 : memref<!tpu.dma_semaphore, #tpu.memory_space<semaphore_mem>>) src(%dma_wait3A_172 : memref<10000x128xf32, #tpu.memory_space<hbm>>) dst(%dma_wait3A_166 : memref<128x128xf32, #tpu.memory_space<vmem>>)
    %run_scoped3A_173 = arith.constant 77 : i32
    "tpu.region"() ({
      %run_scoped3A_190 = tpu.sem_alloc : memref<!tpu.dma_semaphore, #tpu.memory_space<semaphore_mem>>
      %dma_start3A_191 = arith.constant 0 : i32
      %dma_start3A_192 = arith.constant 0 : i32
      %dma_start3A_193 = tpu.memref_slice %arg10[%rem3A_161, %dma_start3A_191, %dma_start3A_192] : memref<2x128x128xf32, #tpu.memory_space<vmem>> -> memref<1x128x128xf32, #tpu.memory_space<vmem>>
      %dma_start3A_194 = tpu.memref_squeeze %dma_start3A_193 : memref<1x128x128xf32, #tpu.memory_space<vmem>> -> memref<128x128xf32, #tpu.memory_space<vmem>>
      %dma_start3A_195 = arith.constant 0 : i32
      %dma_start3A_196 = tpu.memref_slice %arg9[%run_scoped3A_173, %dma_start3A_195] : memref<79x128xi32, #tpu.memory_space<vmem>> -> memref<1x128xi32, #tpu.memory_space<vmem>>
      %dma_start3A_197 = tpu.memref_squeeze %dma_start3A_196 : memref<1x128xi32, #tpu.memory_space<vmem>> -> memref<128xi32, #tpu.memory_space<vmem>>
      %dma_start3A_198 = arith.constant 0 : i32
      %dma_start3A_199 = arith.constant 0 : i32
      %dma_start3A_200 = tpu.memref_slice %arg7[%dma_start3A_198, %dma_start3A_199] : memref<10112x128xf32, #tpu.memory_space<vmem_shared>> -> memref<10112x128xf32, #tpu.memory_space<vmem_shared>>
      tpu.enqueue_indirect_dma source(%dma_start3A_194 : memref<128x128xf32, #tpu.memory_space<vmem>>) target(%dma_start3A_200 : memref<10112x128xf32, #tpu.memory_space<vmem_shared>>) offsets(%dma_start3A_197 : memref<128xi32, #tpu.memory_space<vmem>>) semaphore(%run_scoped3A_190 : memref<!tpu.dma_semaphore, #tpu.memory_space<semaphore_mem>>) {add = true}
      %dma_wait3A_201 = arith.constant 0 : i32
      %dma_wait3A_202 = arith.constant 0 : i32
      %dma_wait3A_203 = tpu.memref_slice %arg10[%rem3A_161, %dma_wait3A_201, %dma_wait3A_202] : memref<2x128x128xf32, #tpu.memory_space<vmem>> -> memref<1x128x128xf32, #tpu.memory_space<vmem>>
      %dma_wait3A_204 = tpu.memref_squeeze %dma_wait3A_203 : memref<1x128x128xf32, #tpu.memory_space<vmem>> -> memref<128x128xf32, #tpu.memory_space<vmem>>
      %dma_wait3A_205 = arith.constant 0 : i32
      %dma_wait3A_206 = tpu.memref_slice %arg9[%run_scoped3A_173, %dma_wait3A_205] : memref<79x128xi32, #tpu.memory_space<vmem>> -> memref<1x128xi32, #tpu.memory_space<vmem>>
      %dma_wait3A_207 = tpu.memref_squeeze %dma_wait3A_206 : memref<1x128xi32, #tpu.memory_space<vmem>> -> memref<128xi32, #tpu.memory_space<vmem>>
      %dma_wait3A_208 = arith.constant 0 : i32
      %dma_wait3A_209 = arith.constant 0 : i32
      %dma_wait3A_210 = tpu.memref_slice %arg7[%dma_wait3A_208, %dma_wait3A_209] : memref<10112x128xf32, #tpu.memory_space<vmem_shared>> -> memref<10112x128xf32, #tpu.memory_space<vmem_shared>>
      tpu.wait_indirect_dma semaphore(%run_scoped3A_190 : memref<!tpu.dma_semaphore, #tpu.memory_space<semaphore_mem>>) src(%dma_wait3A_204 : memref<128x128xf32, #tpu.memory_space<vmem>>) dst(%dma_wait3A_210 : memref<10112x128xf32, #tpu.memory_space<vmem_shared>>)
      tpu.yield
    }) : () -> ()
    %rem3A_174 = arith.constant 78 : i32
    %rem3A_175 = arith.constant 2 : i32
    %rem3A_176 = arith.remsi %rem3A_174, %rem3A_175 : i32
    %dma_wait3A_177 = arith.constant 0 : i32
    %dma_wait3A_178 = arith.constant 0 : i32
    %dma_wait3A_179 = arith.constant 0 : i32
    %dma_wait3A_180 = tpu.memref_slice %arg10[%rem3A_176, %dma_wait3A_178, %dma_wait3A_179] : memref<2x128x128xf32, #tpu.memory_space<vmem>> -> memref<1x128x128xf32, #tpu.memory_space<vmem>>
    %dma_wait3A_181 = tpu.memref_squeeze %dma_wait3A_180 : memref<1x128x128xf32, #tpu.memory_space<vmem>> -> memref<128x128xf32, #tpu.memory_space<vmem>>
    %dma_wait3A_182 = arith.constant 0 : i32
    %dma_wait3A_183 = tpu.memref_slice %arg8[%dma_wait3A_177, %dma_wait3A_182] : memref<2x1024xi32, #tpu.memory_space<vmem>> -> memref<1x128xi32, #tpu.memory_space<vmem>>
    %dma_wait3A_184 = tpu.memref_squeeze %dma_wait3A_183 : memref<1x128xi32, #tpu.memory_space<vmem>> -> memref<128xi32, #tpu.memory_space<vmem>>
    %dma_wait3A_185 = arith.constant 0 : i32
    %dma_wait3A_186 = arith.constant 0 : i32
    %dma_wait3A_187 = tpu.memref_slice %arg2[%dma_wait3A_185, %dma_wait3A_186] : memref<10000x128xf32, #tpu.memory_space<hbm>> -> memref<10000x128xf32, #tpu.memory_space<hbm>>
    tpu.wait_indirect_dma semaphore(%arg11 : memref<!tpu.dma_semaphore, #tpu.memory_space<semaphore_mem>>) src(%dma_wait3A_187 : memref<10000x128xf32, #tpu.memory_space<hbm>>) dst(%dma_wait3A_181 : memref<128x128xf32, #tpu.memory_space<vmem>>)
    %run_scoped3A_188 = arith.constant 78 : i32
    "tpu.region"() ({
      %run_scoped3A_190 = tpu.sem_alloc : memref<!tpu.dma_semaphore, #tpu.memory_space<semaphore_mem>>
      %dma_start3A_191 = arith.constant 0 : i32
      %dma_start3A_192 = arith.constant 0 : i32
      %dma_start3A_193 = tpu.memref_slice %arg10[%rem3A_176, %dma_start3A_191, %dma_start3A_192] : memref<2x128x128xf32, #tpu.memory_space<vmem>> -> memref<1x128x128xf32, #tpu.memory_space<vmem>>
      %dma_start3A_194 = tpu.memref_squeeze %dma_start3A_193 : memref<1x128x128xf32, #tpu.memory_space<vmem>> -> memref<128x128xf32, #tpu.memory_space<vmem>>
      %dma_start3A_195 = arith.constant 0 : i32
      %dma_start3A_196 = tpu.memref_slice %arg9[%run_scoped3A_188, %dma_start3A_195] : memref<79x128xi32, #tpu.memory_space<vmem>> -> memref<1x128xi32, #tpu.memory_space<vmem>>
      %dma_start3A_197 = tpu.memref_squeeze %dma_start3A_196 : memref<1x128xi32, #tpu.memory_space<vmem>> -> memref<128xi32, #tpu.memory_space<vmem>>
      %dma_start3A_198 = arith.constant 0 : i32
      %dma_start3A_199 = arith.constant 0 : i32
      %dma_start3A_200 = tpu.memref_slice %arg7[%dma_start3A_198, %dma_start3A_199] : memref<10112x128xf32, #tpu.memory_space<vmem_shared>> -> memref<10112x128xf32, #tpu.memory_space<vmem_shared>>
      tpu.enqueue_indirect_dma source(%dma_start3A_194 : memref<128x128xf32, #tpu.memory_space<vmem>>) target(%dma_start3A_200 : memref<10112x128xf32, #tpu.memory_space<vmem_shared>>) offsets(%dma_start3A_197 : memref<128xi32, #tpu.memory_space<vmem>>) semaphore(%run_scoped3A_190 : memref<!tpu.dma_semaphore, #tpu.memory_space<semaphore_mem>>) {add = true}
      %dma_wait3A_201 = arith.constant 0 : i32
      %dma_wait3A_202 = arith.constant 0 : i32
      %dma_wait3A_203 = tpu.memref_slice %arg10[%rem3A_176, %dma_wait3A_201, %dma_wait3A_202] : memref<2x128x128xf32, #tpu.memory_space<vmem>> -> memref<1x128x128xf32, #tpu.memory_space<vmem>>
      %dma_wait3A_204 = tpu.memref_squeeze %dma_wait3A_203 : memref<1x128x128xf32, #tpu.memory_space<vmem>> -> memref<128x128xf32, #tpu.memory_space<vmem>>
      %dma_wait3A_205 = arith.constant 0 : i32
      %dma_wait3A_206 = tpu.memref_slice %arg9[%run_scoped3A_188, %dma_wait3A_205] : memref<79x128xi32, #tpu.memory_space<vmem>> -> memref<1x128xi32, #tpu.memory_space<vmem>>
      %dma_wait3A_207 = tpu.memref_squeeze %dma_wait3A_206 : memref<1x128xi32, #tpu.memory_space<vmem>> -> memref<128xi32, #tpu.memory_space<vmem>>
      %dma_wait3A_208 = arith.constant 0 : i32
      %dma_wait3A_209 = arith.constant 0 : i32
      %dma_wait3A_210 = tpu.memref_slice %arg7[%dma_wait3A_208, %dma_wait3A_209] : memref<10112x128xf32, #tpu.memory_space<vmem_shared>> -> memref<10112x128xf32, #tpu.memory_space<vmem_shared>>
      tpu.wait_indirect_dma semaphore(%run_scoped3A_190 : memref<!tpu.dma_semaphore, #tpu.memory_space<semaphore_mem>>) src(%dma_wait3A_204 : memref<128x128xf32, #tpu.memory_space<vmem>>) dst(%dma_wait3A_210 : memref<10112x128xf32, #tpu.memory_space<vmem_shared>>)
      tpu.yield
    }) : () -> ()
    %barrier3A_189 = arith.constant 0 : index
    tpu.barrier barrier_id(%barrier3A_189)
    "tpu.region"() ({
      %run_scoped3A_190 = tpu.sem_alloc : memref<!tpu.dma_semaphore, #tpu.memory_space<semaphore_mem>>
      %dma_start3A_191 = arith.constant 0 : i32
      %dma_start3A_192 = tpu.memref_slice %arg6[%arg0, %mul3A_2, %dma_start3A_191] : memref<2x10112x128xf32, #tpu.memory_space<hbm>> -> memref<1x632x128xf32, #tpu.memory_space<hbm>>
      %dma_start3A_193 = tpu.memref_squeeze %dma_start3A_192 : memref<1x632x128xf32, #tpu.memory_space<hbm>> -> memref<632x128xf32, #tpu.memory_space<hbm>>
      %dma_start3A_194 = arith.constant 0 : i32
      %dma_start3A_195 = tpu.memref_slice %arg7[%mul3A_2, %dma_start3A_194] : memref<10112x128xf32, #tpu.memory_space<vmem_shared>> -> memref<632x128xf32, #tpu.memory_space<vmem_shared>>
      tpu.enqueue_dma source(%dma_start3A_195 : memref<632x128xf32, #tpu.memory_space<vmem_shared>>) target(%dma_start3A_193 : memref<632x128xf32, #tpu.memory_space<hbm>>) target_semaphore(%run_scoped3A_190 : memref<!tpu.dma_semaphore, #tpu.memory_space<semaphore_mem>>)
      %dma_wait3A_196 = arith.constant 0 : i32
      %dma_wait3A_197 = tpu.memref_slice %arg6[%arg0, %mul3A_2, %dma_wait3A_196] : memref<2x10112x128xf32, #tpu.memory_space<hbm>> -> memref<1x632x128xf32, #tpu.memory_space<hbm>>
      %dma_wait3A_198 = tpu.memref_squeeze %dma_wait3A_197 : memref<1x632x128xf32, #tpu.memory_space<hbm>> -> memref<632x128xf32, #tpu.memory_space<hbm>>
      %dma_wait3A_199 = arith.constant 0 : i32
      %dma_wait3A_200 = tpu.memref_slice %arg7[%mul3A_2, %dma_wait3A_199] : memref<10112x128xf32, #tpu.memory_space<vmem_shared>> -> memref<632x128xf32, #tpu.memory_space<vmem_shared>>
      tpu.wait_dma2 semaphore(%run_scoped3A_190 : memref<!tpu.dma_semaphore, #tpu.memory_space<semaphore_mem>>) src(%dma_wait3A_200 : memref<632x128xf32, #tpu.memory_space<vmem_shared>>) dst(%dma_wait3A_198 : memref<632x128xf32, #tpu.memory_space<hbm>>)
      tpu.yield
    }) : () -> ()
    return
  }
}

#map = affine_map<(d0, d1) -> (0, 0)>
#map1 = affine_map<(d0, d1) -> (0, 0, 0)>
module attributes {stable_mosaic.version = 14 : i64} {
  func.func @k(%arg0: i32, %arg1: i32, %arg2: memref<10000x128xf32, #tpu.memory_space<hbm>>, %arg3: memref<32x10240xi32, #tpu.memory_space<hbm>>, %arg4: memref<32x79x128xi32, #tpu.memory_space<hbm>>, %arg5: memref<632x128xf32, #tpu.memory_space<hbm>>, %arg6: memref<2x10112x128xf32, #tpu.memory_space<hbm>>, %arg7: memref<10112x128xf32, #tpu.memory_space<vmem_shared>>, %arg8: memref<2x1024xi32, #tpu.memory_space<vmem>>, %arg9: memref<79x128xi32, #tpu.memory_space<vmem>>, %arg10: memref<2x128x128xf32, #tpu.memory_space<vmem>>, %arg11: memref<!tpu.dma_semaphore, #tpu.memory_space<semaphore_mem>>, %arg12: memref<!tpu.dma_semaphore, #tpu.memory_space<semaphore_mem>>) attributes {dimension_semantics = [#tpu.dimension_semantics<core_parallel>, #tpu.dimension_semantics<subcore_parallel>], iteration_bounds = array<i64: 2, 16>, scalar_prefetch = 0 : i64, scratch_operands = 6 : i64, tpu.core_type = #tpu.core_type<sc_vector_subcore>, window_params = [{transform_indices = #map}, {transform_indices = #map}, {transform_indices = #map1}, {transform_indices = #map}, {transform_indices = #map1}]} {
    %mul3A = arith.constant 16 : i32
    %mul3A_0 = arith.muli %arg0, %mul3A : i32
    %add3A = arith.addi %mul3A_0, %arg1 : i32
    %mul3A_1 = arith.constant 632 : i32
    %mul3A_2 = arith.muli %arg1, %mul3A_1 : i32
    "tpu.region"() ({
      %run_scoped3A_190 = tpu.sem_alloc : memref<!tpu.dma_semaphore, #tpu.memory_space<semaphore_mem>>
      %dma_start3A_191 = arith.constant 0 : i32
      %dma_start3A_192 = arith.constant 0 : i32
      %dma_start3A_193 = tpu.memref_slice %arg4[%add3A, %dma_start3A_191, %dma_start3A_192] : memref<32x79x128xi32, #tpu.memory_space<hbm>> -> memref<1x79x128xi32, #tpu.memory_space<hbm>>
      %dma_start3A_194 = tpu.memref_squeeze %dma_start3A_193 : memref<1x79x128xi32, #tpu.memory_space<hbm>> -> memref<79x128xi32, #tpu.memory_space<hbm>>
      %dma_start3A_195 = arith.constant 0 : i32
      %dma_start3A_196 = arith.constant 0 : i32
      %dma_start3A_197 = tpu.memref_slice %arg4[%add3A, %dma_start3A_195, %dma_start3A_196] : memref<32x79x128xi32, #tpu.memory_space<hbm>> -> memref<1x79x128xi32, #tpu.memory_space<hbm>>
      %dma_start3A_198 = tpu.memref_squeeze %dma_start3A_197 : memref<1x79x128xi32, #tpu.memory_space<hbm>> -> memref<79x128xi32, #tpu.memory_space<hbm>>
      tpu.enqueue_dma source(%dma_start3A_198 : memref<79x128xi32, #tpu.memory_space<hbm>>) target(%arg9 : memref<79x128xi32, #tpu.memory_space<vmem>>) target_semaphore(%run_scoped3A_190 : memref<!tpu.dma_semaphore, #tpu.memory_space<semaphore_mem>>)
      %dma_wait3A_199 = arith.constant 0 : i32
      %dma_wait3A_200 = arith.constant 0 : i32
      %dma_wait3A_201 = tpu.memref_slice %arg4[%add3A, %dma_wait3A_199, %dma_wait3A_200] : memref<32x79x128xi32, #tpu.memory_space<hbm>> -> memref<1x79x128xi32, #tpu.memory_space<hbm>>
      %dma_wait3A_202 = tpu.memref_squeeze %dma_wait3A_201 : memref<1x79x128xi32, #tpu.memory_space<hbm>> -> memref<79x128xi32, #tpu.memory_space<hbm>>
      %dma_wait3A_203 = arith.constant 0 : i32
      %dma_wait3A_204 = arith.constant 0 : i32
      %dma_wait3A_205 = tpu.memref_slice %arg4[%add3A, %dma_wait3A_203, %dma_wait3A_204] : memref<32x79x128xi32, #tpu.memory_space<hbm>> -> memref<1x79x128xi32, #tpu.memory_space<hbm>>
      %dma_wait3A_206 = tpu.memref_squeeze %dma_wait3A_205 : memref<1x79x128xi32, #tpu.memory_space<hbm>> -> memref<79x128xi32, #tpu.memory_space<hbm>>
      tpu.wait_dma2 semaphore(%run_scoped3A_190 : memref<!tpu.dma_semaphore, #tpu.memory_space<semaphore_mem>>) src(%dma_wait3A_206 : memref<79x128xi32, #tpu.memory_space<hbm>>) dst(%arg9 : memref<79x128xi32, #tpu.memory_space<vmem>>)
      tpu.yield
    }) : () -> ()
    %run_scoped3A = arith.constant 0 : i32
    "tpu.region"() ({
      %run_scoped3A_190 = tpu.sem_alloc : memref<!tpu.dma_semaphore, #tpu.memory_space<semaphore_mem>>
      %dma_start3A_191 = arith.constant 0 : i32
      %dma_start3A_192 = tpu.memref_slice %arg8[%run_scoped3A, %dma_start3A_191] : memref<2x1024xi32, #tpu.memory_space<vmem>> -> memref<1x1024xi32, #tpu.memory_space<vmem>>
      %dma_start3A_193 = tpu.memref_squeeze %dma_start3A_192 : memref<1x1024xi32, #tpu.memory_space<vmem>> -> memref<1024xi32, #tpu.memory_space<vmem>>
      %dma_start3A_194 = arith.constant 0 : i32
      %dma_start3A_195 = tpu.memref_slice %arg3[%add3A, %dma_start3A_194] : memref<32x10240xi32, #tpu.memory_space<hbm>> -> memref<1x1024xi32, #tpu.memory_space<hbm>>
      %dma_start3A_196 = tpu.memref_squeeze %dma_start3A_195 : memref<1x1024xi32, #tpu.memory_space<hbm>> -> memref<1024xi32, #tpu.memory_space<hbm>>
      %dma_start3A_197 = arith.constant 0 : i32
      %dma_start3A_198 = tpu.memref_slice %arg8[%run_scoped3A, %dma_start3A_197] : memref<2x1024xi32, #tpu.memory_space<vmem>> -> memref<1x1024xi32, #tpu.memory_space<vmem>>
      %dma_start3A_199 = tpu.memref_squeeze %dma_start3A_198 : memref<1x1024xi32, #tpu.memory_space<vmem>> -> memref<1024xi32, #tpu.memory_space<vmem>>
      %dma_start3A_200 = arith.constant 0 : i32
      %dma_start3A_201 = tpu.memref_slice %arg3[%add3A, %dma_start3A_200] : memref<32x10240xi32, #tpu.memory_space<hbm>> -> memref<1x1024xi32, #tpu.memory_space<hbm>>
      %dma_start3A_202 = tpu.memref_squeeze %dma_start3A_201 : memref<1x1024xi32, #tpu.memory_space<hbm>> -> memref<1024xi32, #tpu.memory_space<hbm>>
      tpu.enqueue_dma source(%dma_start3A_202 : memref<1024xi32, #tpu.memory_space<hbm>>) target(%dma_start3A_199 : memref<1024xi32, #tpu.memory_space<vmem>>) target_semaphore(%run_scoped3A_190 : memref<!tpu.dma_semaphore, #tpu.memory_space<semaphore_mem>>)
      %dma_wait3A_203 = arith.constant 0 : i32
      %dma_wait3A_204 = tpu.memref_slice %arg8[%run_scoped3A, %dma_wait3A_203] : memref<2x1024xi32, #tpu.memory_space<vmem>> -> memref<1x1024xi32, #tpu.memory_space<vmem>>
      %dma_wait3A_205 = tpu.memref_squeeze %dma_wait3A_204 : memref<1x1024xi32, #tpu.memory_space<vmem>> -> memref<1024xi32, #tpu.memory_space<vmem>>
      %dma_wait3A_206 = arith.constant 0 : i32
      %dma_wait3A_207 = tpu.memref_slice %arg3[%add3A, %dma_wait3A_206] : memref<32x10240xi32, #tpu.memory_space<hbm>> -> memref<1x1024xi32, #tpu.memory_space<hbm>>
      %dma_wait3A_208 = tpu.memref_squeeze %dma_wait3A_207 : memref<1x1024xi32, #tpu.memory_space<hbm>> -> memref<1024xi32, #tpu.memory_space<hbm>>
      %dma_wait3A_209 = arith.constant 0 : i32
      %dma_wait3A_210 = tpu.memref_slice %arg8[%run_scoped3A, %dma_wait3A_209] : memref<2x1024xi32, #tpu.memory_space<vmem>> -> memref<1x1024xi32, #tpu.memory_space<vmem>>
      %dma_wait3A_211 = tpu.memref_squeeze %dma_wait3A_210 : memref<1x1024xi32, #tpu.memory_space<vmem>> -> memref<1024xi32, #tpu.memory_space<vmem>>
      %dma_wait3A_212 = arith.constant 0 : i32
      %dma_wait3A_213 = tpu.memref_slice %arg3[%add3A, %dma_wait3A_212] : memref<32x10240xi32, #tpu.memory_space<hbm>> -> memref<1x1024xi32, #tpu.memory_space<hbm>>
      %dma_wait3A_214 = tpu.memref_squeeze %dma_wait3A_213 : memref<1x1024xi32, #tpu.memory_space<hbm>> -> memref<1024xi32, #tpu.memory_space<hbm>>
      tpu.wait_dma2 semaphore(%run_scoped3A_190 : memref<!tpu.dma_semaphore, #tpu.memory_space<semaphore_mem>>) src(%dma_wait3A_214 : memref<1024xi32, #tpu.memory_space<hbm>>) dst(%dma_wait3A_211 : memref<1024xi32, #tpu.memory_space<vmem>>)
      tpu.yield
    }) : () -> ()
    %dma_start3A = arith.constant 0 : i32
    %dma_start3A_3 = arith.constant 0 : i32
    %dma_start3A_4 = arith.constant 0 : i32
    %dma_start3A_5 = arith.constant 0 : i32
    %dma_start3A_6 = tpu.memref_slice %arg10[%dma_start3A_3, %dma_start3A_4, %dma_start3A_5] : memref<2x128x128xf32, #tpu.memory_space<vmem>> -> memref<1x128x128xf32, #tpu.memory_space<vmem>>
    %dma_start3A_7 = tpu.memref_squeeze %dma_start3A_6 : memref<1x128x128xf32, #tpu.memory_space<vmem>> -> memref<128x128xf32, #tpu.memory_space<vmem>>
    %dma_start3A_8 = arith.constant 0 : i32
    %dma_start3A_9 = tpu.memref_slice %arg8[%dma_start3A, %dma_start3A_8] : memref<2x1024xi32, #tpu.memory_space<vmem>> -> memref<1x128xi32, #tpu.memory_space<vmem>>
    %dma_start3A_10 = tpu.memref_squeeze %dma_start3A_9 : memref<1x128xi32, #tpu.memory_space<vmem>> -> memref<128xi32, #tpu.memory_space<vmem>>
    %dma_start3A_11 = arith.constant 0 : i32
    %dma_start3A_12 = arith.constant 0 : i32
    %dma_start3A_13 = tpu.memref_slice %arg2[%dma_start3A_11, %dma_start3A_12] : memref<10000x128xf32, #tpu.memory_space<hbm>> -> memref<10000x128xf32, #tpu.memory_space<hbm>>
    tpu.enqueue_indirect_dma source(%dma_start3A_13 : memref<10000x128xf32, #tpu.memory_space<hbm>>) target(%dma_start3A_7 : memref<128x128xf32, #tpu.memory_space<vmem>>) offsets(%dma_start3A_10 : memref<128xi32, #tpu.memory_space<vmem>>) semaphore(%arg11 : memref<!tpu.dma_semaphore, #tpu.memory_space<semaphore_mem>>)
    %dma_start3A_14 = arith.constant 0 : i32
    %dma_start3A_15 = arith.constant 1 : i32
    %dma_start3A_16 = arith.constant 0 : i32
    %dma_start3A_17 = arith.constant 0 : i32
    %dma_start3A_18 = tpu.memref_slice %arg10[%dma_start3A_15, %dma_start3A_16, %dma_start3A_17] : memref<2x128x128xf32, #tpu.memory_space<vmem>> -> memref<1x128x128xf32, #tpu.memory_space<vmem>>
    %dma_start3A_19 = tpu.memref_squeeze %dma_start3A_18 : memref<1x128x128xf32, #tpu.memory_space<vmem>> -> memref<128x128xf32, #tpu.memory_space<vmem>>
    %dma_start3A_20 = arith.constant 128 : i32
    %dma_start3A_21 = tpu.memref_slice %arg8[%dma_start3A_14, %dma_start3A_20] : memref<2x1024xi32, #tpu.memory_space<vmem>> -> memref<1x128xi32, #tpu.memory_space<vmem>>
    %dma_start3A_22 = tpu.memref_squeeze %dma_start3A_21 : memref<1x128xi32, #tpu.memory_space<vmem>> -> memref<128xi32, #tpu.memory_space<vmem>>
    %dma_start3A_23 = arith.constant 0 : i32
    %dma_start3A_24 = arith.constant 0 : i32
    %dma_start3A_25 = tpu.memref_slice %arg2[%dma_start3A_23, %dma_start3A_24] : memref<10000x128xf32, #tpu.memory_space<hbm>> -> memref<10000x128xf32, #tpu.memory_space<hbm>>
    tpu.enqueue_indirect_dma source(%dma_start3A_25 : memref<10000x128xf32, #tpu.memory_space<hbm>>) target(%dma_start3A_19 : memref<128x128xf32, #tpu.memory_space<vmem>>) offsets(%dma_start3A_22 : memref<128xi32, #tpu.memory_space<vmem>>) semaphore(%arg11 : memref<!tpu.dma_semaphore, #tpu.memory_space<semaphore_mem>>)
    "tpu.region"() ({
      %run_scoped3A_190 = tpu.sem_alloc : memref<!tpu.dma_semaphore, #tpu.memory_space<semaphore_mem>>
      %dma_start3A_191 = arith.constant 0 : i32
      %dma_start3A_192 = tpu.memref_slice %arg7[%mul3A_2, %dma_start3A_191] : memref<10112x128xf32, #tpu.memory_space<vmem_shared>> -> memref<632x128xf32, #tpu.memory_space<vmem_shared>>
      tpu.enqueue_dma source(%arg5 : memref<632x128xf32, #tpu.memory_space<hbm>>) target(%dma_start3A_192 : memref<632x128xf32, #tpu.memory_space<vmem_shared>>) target_semaphore(%run_scoped3A_190 : memref<!tpu.dma_semaphore, #tpu.memory_space<semaphore_mem>>)
      %dma_wait3A_193 = arith.constant 0 : i32
      %dma_wait3A_194 = tpu.memref_slice %arg7[%mul3A_2, %dma_wait3A_193] : memref<10112x128xf32, #tpu.memory_space<vmem_shared>> -> memref<632x128xf32, #tpu.memory_space<vmem_shared>>
      tpu.wait_dma2 semaphore(%run_scoped3A_190 : memref<!tpu.dma_semaphore, #tpu.memory_space<semaphore_mem>>) src(%arg5 : memref<632x128xf32, #tpu.memory_space<hbm>>) dst(%dma_wait3A_194 : memref<632x128xf32, #tpu.memory_space<vmem_shared>>)
      tpu.yield
    }) : () -> ()
    %barrier3A = arith.constant 0 : index
    tpu.barrier barrier_id(%barrier3A)
    %scan3A = arith.constant 0 : i32
    %scan3A_26 = arith.constant 0 : i32
    %scan3A_27 = arith.constant 9 : i32
    %scan3A_28 = arith.addi %scan3A_26, %scan3A_27 : i32
    %scan3A_29 = arith.constant 1 : i32
    scf.for %scan3A_190 = %scan3A_26 to %scan3A_28 step %scan3A_29  : i32 {
      %rem3A_191 = arith.constant 2 : i32
      %rem3A_192 = arith.remsi %scan3A_190, %rem3A_191 : i32
      %add3A_193 = arith.constant 1 : i32
      %add3A_194 = arith.addi %scan3A_190, %add3A_193 : i32
      %mul3A_195 = arith.constant 1024 : i32
      %mul3A_196 = arith.muli %add3A_194, %mul3A_195 : i32
      %sub3A = arith.constant 1 : i32
      %sub3A_197 = arith.subi %sub3A, %rem3A_192 : i32
      %dma_start3A_198 = arith.constant 0 : i32
      %dma_start3A_199 = tpu.memref_slice %arg8[%sub3A_197, %dma_start3A_198] : memref<2x1024xi32, #tpu.memory_space<vmem>> -> memref<1x1024xi32, #tpu.memory_space<vmem>>
      %dma_start3A_200 = tpu.memref_squeeze %dma_start3A_199 : memref<1x1024xi32, #tpu.memory_space<vmem>> -> memref<1024xi32, #tpu.memory_space<vmem>>
      %dma_start3A_201 = tpu.memref_slice %arg3[%add3A, %mul3A_196] : memref<32x10240xi32, #tpu.memory_space<hbm>> -> memref<1x1024xi32, #tpu.memory_space<hbm>>
      %dma_start3A_202 = tpu.memref_squeeze %dma_start3A_201 : memref<1x1024xi32, #tpu.memory_space<hbm>> -> memref<1024xi32, #tpu.memory_space<hbm>>
      %dma_start3A_203 = arith.constant 0 : i32
      %dma_start3A_204 = tpu.memref_slice %arg8[%sub3A_197, %dma_start3A_203] : memref<2x1024xi32, #tpu.memory_space<vmem>> -> memref<1x1024xi32, #tpu.memory_space<vmem>>
      %dma_start3A_205 = tpu.memref_squeeze %dma_start3A_204 : memref<1x1024xi32, #tpu.memory_space<vmem>> -> memref<1024xi32, #tpu.memory_space<vmem>>
      %dma_start3A_206 = tpu.memref_slice %arg3[%add3A, %mul3A_196] : memref<32x10240xi32, #tpu.memory_space<hbm>> -> memref<1x1024xi32, #tpu.memory_space<hbm>>
      %dma_start3A_207 = tpu.memref_squeeze %dma_start3A_206 : memref<1x1024xi32, #tpu.memory_space<hbm>> -> memref<1024xi32, #tpu.memory_space<hbm>>
      tpu.enqueue_dma source(%dma_start3A_207 : memref<1024xi32, #tpu.memory_space<hbm>>) target(%dma_start3A_205 : memref<1024xi32, #tpu.memory_space<vmem>>) target_semaphore(%arg12 : memref<!tpu.dma_semaphore, #tpu.memory_space<semaphore_mem>>)
      %mul3A_208 = arith.constant 8 : i32
      %mul3A_209 = arith.muli %scan3A_190, %mul3A_208 : i32
      %add3A_210 = arith.constant 0 : i32
      %add3A_211 = arith.addi %mul3A_209, %add3A_210 : i32
      %rem3A_212 = arith.constant 2 : i32
      %rem3A_213 = arith.remsi %add3A_211, %rem3A_212 : i32
      %dma_wait3A_214 = arith.constant 0 : i32
      %dma_wait3A_215 = arith.constant 0 : i32
      %dma_wait3A_216 = arith.constant 0 : i32
      %dma_wait3A_217 = tpu.memref_slice %arg10[%rem3A_213, %dma_wait3A_215, %dma_wait3A_216] : memref<2x128x128xf32, #tpu.memory_space<vmem>> -> memref<1x128x128xf32, #tpu.memory_space<vmem>>
      %dma_wait3A_218 = tpu.memref_squeeze %dma_wait3A_217 : memref<1x128x128xf32, #tpu.memory_space<vmem>> -> memref<128x128xf32, #tpu.memory_space<vmem>>
      %dma_wait3A_219 = arith.constant 0 : i32
      %dma_wait3A_220 = tpu.memref_slice %arg8[%dma_wait3A_214, %dma_wait3A_219] : memref<2x1024xi32, #tpu.memory_space<vmem>> -> memref<1x128xi32, #tpu.memory_space<vmem>>
      %dma_wait3A_221 = tpu.memref_squeeze %dma_wait3A_220 : memref<1x128xi32, #tpu.memory_space<vmem>> -> memref<128xi32, #tpu.memory_space<vmem>>
      %dma_wait3A_222 = arith.constant 0 : i32
      %dma_wait3A_223 = arith.constant 0 : i32
      %dma_wait3A_224 = tpu.memref_slice %arg2[%dma_wait3A_222, %dma_wait3A_223] : memref<10000x128xf32, #tpu.memory_space<hbm>> -> memref<10000x128xf32, #tpu.memory_space<hbm>>
      tpu.wait_indirect_dma semaphore(%arg11 : memref<!tpu.dma_semaphore, #tpu.memory_space<semaphore_mem>>) src(%dma_wait3A_224 : memref<10000x128xf32, #tpu.memory_space<hbm>>) dst(%dma_wait3A_218 : memref<128x128xf32, #tpu.memory_space<vmem>>)
      "tpu.region"() ({
        %run_scoped3A_442 = tpu.sem_alloc : memref<!tpu.dma_semaphore, #tpu.memory_space<semaphore_mem>>
        %dma_start3A_443 = arith.constant 0 : i32
        %dma_start3A_444 = arith.constant 0 : i32
        %dma_start3A_445 = tpu.memref_slice %arg10[%rem3A_213, %dma_start3A_443, %dma_start3A_444] : memref<2x128x128xf32, #tpu.memory_space<vmem>> -> memref<1x128x128xf32, #tpu.memory_space<vmem>>
        %dma_start3A_446 = tpu.memref_squeeze %dma_start3A_445 : memref<1x128x128xf32, #tpu.memory_space<vmem>> -> memref<128x128xf32, #tpu.memory_space<vmem>>
        %dma_start3A_447 = arith.constant 0 : i32
        %dma_start3A_448 = tpu.memref_slice %arg9[%add3A_211, %dma_start3A_447] : memref<79x128xi32, #tpu.memory_space<vmem>> -> memref<1x128xi32, #tpu.memory_space<vmem>>
        %dma_start3A_449 = tpu.memref_squeeze %dma_start3A_448 : memref<1x128xi32, #tpu.memory_space<vmem>> -> memref<128xi32, #tpu.memory_space<vmem>>
        %dma_start3A_450 = arith.constant 0 : i32
        %dma_start3A_451 = arith.constant 0 : i32
        %dma_start3A_452 = tpu.memref_slice %arg7[%dma_start3A_450, %dma_start3A_451] : memref<10112x128xf32, #tpu.memory_space<vmem_shared>> -> memref<10112x128xf32, #tpu.memory_space<vmem_shared>>
        tpu.enqueue_indirect_dma source(%dma_start3A_446 : memref<128x128xf32, #tpu.memory_space<vmem>>) target(%dma_start3A_452 : memref<10112x128xf32, #tpu.memory_space<vmem_shared>>) offsets(%dma_start3A_449 : memref<128xi32, #tpu.memory_space<vmem>>) semaphore(%run_scoped3A_442 : memref<!tpu.dma_semaphore, #tpu.memory_space<semaphore_mem>>) {add = true}
        %dma_wait3A_453 = arith.constant 0 : i32
        %dma_wait3A_454 = arith.constant 0 : i32
        %dma_wait3A_455 = tpu.memref_slice %arg10[%rem3A_213, %dma_wait3A_453, %dma_wait3A_454] : memref<2x128x128xf32, #tpu.memory_space<vmem>> -> memref<1x128x128xf32, #tpu.memory_space<vmem>>
        %dma_wait3A_456 = tpu.memref_squeeze %dma_wait3A_455 : memref<1x128x128xf32, #tpu.memory_space<vmem>> -> memref<128x128xf32, #tpu.memory_space<vmem>>
        %dma_wait3A_457 = arith.constant 0 : i32
        %dma_wait3A_458 = tpu.memref_slice %arg9[%add3A_211, %dma_wait3A_457] : memref<79x128xi32, #tpu.memory_space<vmem>> -> memref<1x128xi32, #tpu.memory_space<vmem>>
        %dma_wait3A_459 = tpu.memref_squeeze %dma_wait3A_458 : memref<1x128xi32, #tpu.memory_space<vmem>> -> memref<128xi32, #tpu.memory_space<vmem>>
        %dma_wait3A_460 = arith.constant 0 : i32
        %dma_wait3A_461 = arith.constant 0 : i32
        %dma_wait3A_462 = tpu.memref_slice %arg7[%dma_wait3A_460, %dma_wait3A_461] : memref<10112x128xf32, #tpu.memory_space<vmem_shared>> -> memref<10112x128xf32, #tpu.memory_space<vmem_shared>>
        tpu.wait_indirect_dma semaphore(%run_scoped3A_442 : memref<!tpu.dma_semaphore, #tpu.memory_space<semaphore_mem>>) src(%dma_wait3A_456 : memref<128x128xf32, #tpu.memory_space<vmem>>) dst(%dma_wait3A_462 : memref<10112x128xf32, #tpu.memory_space<vmem_shared>>)
        tpu.yield
      }) : () -> ()
      %dma_start3A_225 = arith.constant 0 : i32
      %dma_start3A_226 = arith.constant 0 : i32
      %dma_start3A_227 = tpu.memref_slice %arg10[%rem3A_213, %dma_start3A_225, %dma_start3A_226] : memref<2x128x128xf32, #tpu.memory_space<vmem>> -> memref<1x128x128xf32, #tpu.memory_space<vmem>>
      %dma_start3A_228 = tpu.memref_squeeze %dma_start3A_227 : memref<1x128x128xf32, #tpu.memory_space<vmem>> -> memref<128x128xf32, #tpu.memory_space<vmem>>
      %dma_start3A_229 = arith.constant 256 : i32
      %dma_start3A_230 = tpu.memref_slice %arg8[%rem3A_192, %dma_start3A_229] : memref<2x1024xi32, #tpu.memory_space<vmem>> -> memref<1x128xi32, #tpu.memory_space<vmem>>
      %dma_start3A_231 = tpu.memref_squeeze %dma_start3A_230 : memref<1x128xi32, #tpu.memory_space<vmem>> -> memref<128xi32, #tpu.memory_space<vmem>>
      %dma_start3A_232 = arith.constant 0 : i32
      %dma_start3A_233 = arith.constant 0 : i32
      %dma_start3A_234 = tpu.memref_slice %arg2[%dma_start3A_232, %dma_start3A_233] : memref<10000x128xf32, #tpu.memory_space<hbm>> -> memref<10000x128xf32, #tpu.memory_space<hbm>>
      tpu.enqueue_indirect_dma source(%dma_start3A_234 : memref<10000x128xf32, #tpu.memory_space<hbm>>) target(%dma_start3A_228 : memref<128x128xf32, #tpu.memory_space<vmem>>) offsets(%dma_start3A_231 : memref<128xi32, #tpu.memory_space<vmem>>) semaphore(%arg11 : memref<!tpu.dma_semaphore, #tpu.memory_space<semaphore_mem>>)
      %sub3A_235 = arith.constant 1 : i32
      %sub3A_236 = arith.subi %sub3A_235, %rem3A_192 : i32
      %dma_wait3A_237 = arith.constant 0 : i32
      %dma_wait3A_238 = tpu.memref_slice %arg8[%sub3A_236, %dma_wait3A_237] : memref<2x1024xi32, #tpu.memory_space<vmem>> -> memref<1x1024xi32, #tpu.memory_space<vmem>>
      %dma_wait3A_239 = tpu.memref_squeeze %dma_wait3A_238 : memref<1x1024xi32, #tpu.memory_space<vmem>> -> memref<1024xi32, #tpu.memory_space<vmem>>
      %dma_wait3A_240 = arith.constant 0 : i32
      %dma_wait3A_241 = tpu.memref_slice %arg3[%add3A, %dma_wait3A_240] : memref<32x10240xi32, #tpu.memory_space<hbm>> -> memref<1x1024xi32, #tpu.memory_space<hbm>>
      %dma_wait3A_242 = tpu.memref_squeeze %dma_wait3A_241 : memref<1x1024xi32, #tpu.memory_space<hbm>> -> memref<1024xi32, #tpu.memory_space<hbm>>
      %dma_wait3A_243 = arith.constant 0 : i32
      %dma_wait3A_244 = tpu.memref_slice %arg8[%sub3A_236, %dma_wait3A_243] : memref<2x1024xi32, #tpu.memory_space<vmem>> -> memref<1x1024xi32, #tpu.memory_space<vmem>>
      %dma_wait3A_245 = tpu.memref_squeeze %dma_wait3A_244 : memref<1x1024xi32, #tpu.memory_space<vmem>> -> memref<1024xi32, #tpu.memory_space<vmem>>
      %dma_wait3A_246 = arith.constant 0 : i32
      %dma_wait3A_247 = tpu.memref_slice %arg3[%add3A, %dma_wait3A_246] : memref<32x10240xi32, #tpu.memory_space<hbm>> -> memref<1x1024xi32, #tpu.memory_space<hbm>>
      %dma_wait3A_248 = tpu.memref_squeeze %dma_wait3A_247 : memref<1x1024xi32, #tpu.memory_space<hbm>> -> memref<1024xi32, #tpu.memory_space<hbm>>
      tpu.wait_dma2 semaphore(%arg12 : memref<!tpu.dma_semaphore, #tpu.memory_space<semaphore_mem>>) src(%dma_wait3A_248 : memref<1024xi32, #tpu.memory_space<hbm>>) dst(%dma_wait3A_245 : memref<1024xi32, #tpu.memory_space<vmem>>)
      %mul3A_249 = arith.constant 8 : i32
      %mul3A_250 = arith.muli %scan3A_190, %mul3A_249 : i32
      %add3A_251 = arith.constant 1 : i32
      %add3A_252 = arith.addi %mul3A_250, %add3A_251 : i32
      %rem3A_253 = arith.constant 2 : i32
      %rem3A_254 = arith.remsi %add3A_252, %rem3A_253 : i32
      %dma_wait3A_255 = arith.constant 0 : i32
      %dma_wait3A_256 = arith.constant 0 : i32
      %dma_wait3A_257 = arith.constant 0 : i32
      %dma_wait3A_258 = tpu.memref_slice %arg10[%rem3A_254, %dma_wait3A_256, %dma_wait3A_257] : memref<2x128x128xf32, #tpu.memory_space<vmem>> -> memref<1x128x128xf32, #tpu.memory_space<vmem>>
      %dma_wait3A_259 = tpu.memref_squeeze %dma_wait3A_258 : memref<1x128x128xf32, #tpu.memory_space<vmem>> -> memref<128x128xf32, #tpu.memory_space<vmem>>
      %dma_wait3A_260 = arith.constant 0 : i32
      %dma_wait3A_261 = tpu.memref_slice %arg8[%dma_wait3A_255, %dma_wait3A_260] : memref<2x1024xi32, #tpu.memory_space<vmem>> -> memref<1x128xi32, #tpu.memory_space<vmem>>
      %dma_wait3A_262 = tpu.memref_squeeze %dma_wait3A_261 : memref<1x128xi32, #tpu.memory_space<vmem>> -> memref<128xi32, #tpu.memory_space<vmem>>
      %dma_wait3A_263 = arith.constant 0 : i32
      %dma_wait3A_264 = arith.constant 0 : i32
      %dma_wait3A_265 = tpu.memref_slice %arg2[%dma_wait3A_263, %dma_wait3A_264] : memref<10000x128xf32, #tpu.memory_space<hbm>> -> memref<10000x128xf32, #tpu.memory_space<hbm>>
      tpu.wait_indirect_dma semaphore(%arg11 : memref<!tpu.dma_semaphore, #tpu.memory_space<semaphore_mem>>) src(%dma_wait3A_265 : memref<10000x128xf32, #tpu.memory_space<hbm>>) dst(%dma_wait3A_259 : memref<128x128xf32, #tpu.memory_space<vmem>>)
      "tpu.region"() ({
        %run_scoped3A_442 = tpu.sem_alloc : memref<!tpu.dma_semaphore, #tpu.memory_space<semaphore_mem>>
        %dma_start3A_443 = arith.constant 0 : i32
        %dma_start3A_444 = arith.constant 0 : i32
        %dma_start3A_445 = tpu.memref_slice %arg10[%rem3A_254, %dma_start3A_443, %dma_start3A_444] : memref<2x128x128xf32, #tpu.memory_space<vmem>> -> memref<1x128x128xf32, #tpu.memory_space<vmem>>
        %dma_start3A_446 = tpu.memref_squeeze %dma_start3A_445 : memref<1x128x128xf32, #tpu.memory_space<vmem>> -> memref<128x128xf32, #tpu.memory_space<vmem>>
        %dma_start3A_447 = arith.constant 0 : i32
        %dma_start3A_448 = tpu.memref_slice %arg9[%add3A_252, %dma_start3A_447] : memref<79x128xi32, #tpu.memory_space<vmem>> -> memref<1x128xi32, #tpu.memory_space<vmem>>
        %dma_start3A_449 = tpu.memref_squeeze %dma_start3A_448 : memref<1x128xi32, #tpu.memory_space<vmem>> -> memref<128xi32, #tpu.memory_space<vmem>>
        %dma_start3A_450 = arith.constant 0 : i32
        %dma_start3A_451 = arith.constant 0 : i32
        %dma_start3A_452 = tpu.memref_slice %arg7[%dma_start3A_450, %dma_start3A_451] : memref<10112x128xf32, #tpu.memory_space<vmem_shared>> -> memref<10112x128xf32, #tpu.memory_space<vmem_shared>>
        tpu.enqueue_indirect_dma source(%dma_start3A_446 : memref<128x128xf32, #tpu.memory_space<vmem>>) target(%dma_start3A_452 : memref<10112x128xf32, #tpu.memory_space<vmem_shared>>) offsets(%dma_start3A_449 : memref<128xi32, #tpu.memory_space<vmem>>) semaphore(%run_scoped3A_442 : memref<!tpu.dma_semaphore, #tpu.memory_space<semaphore_mem>>) {add = true}
        %dma_wait3A_453 = arith.constant 0 : i32
        %dma_wait3A_454 = arith.constant 0 : i32
        %dma_wait3A_455 = tpu.memref_slice %arg10[%rem3A_254, %dma_wait3A_453, %dma_wait3A_454] : memref<2x128x128xf32, #tpu.memory_space<vmem>> -> memref<1x128x128xf32, #tpu.memory_space<vmem>>
        %dma_wait3A_456 = tpu.memref_squeeze %dma_wait3A_455 : memref<1x128x128xf32, #tpu.memory_space<vmem>> -> memref<128x128xf32, #tpu.memory_space<vmem>>
        %dma_wait3A_457 = arith.constant 0 : i32
        %dma_wait3A_458 = tpu.memref_slice %arg9[%add3A_252, %dma_wait3A_457] : memref<79x128xi32, #tpu.memory_space<vmem>> -> memref<1x128xi32, #tpu.memory_space<vmem>>
        %dma_wait3A_459 = tpu.memref_squeeze %dma_wait3A_458 : memref<1x128xi32, #tpu.memory_space<vmem>> -> memref<128xi32, #tpu.memory_space<vmem>>
        %dma_wait3A_460 = arith.constant 0 : i32
        %dma_wait3A_461 = arith.constant 0 : i32
        %dma_wait3A_462 = tpu.memref_slice %arg7[%dma_wait3A_460, %dma_wait3A_461] : memref<10112x128xf32, #tpu.memory_space<vmem_shared>> -> memref<10112x128xf32, #tpu.memory_space<vmem_shared>>
        tpu.wait_indirect_dma semaphore(%run_scoped3A_442 : memref<!tpu.dma_semaphore, #tpu.memory_space<semaphore_mem>>) src(%dma_wait3A_456 : memref<128x128xf32, #tpu.memory_space<vmem>>) dst(%dma_wait3A_462 : memref<10112x128xf32, #tpu.memory_space<vmem_shared>>)
        tpu.yield
      }) : () -> ()
      %dma_start3A_266 = arith.constant 0 : i32
      %dma_start3A_267 = arith.constant 0 : i32
      %dma_start3A_268 = tpu.memref_slice %arg10[%rem3A_254, %dma_start3A_266, %dma_start3A_267] : memref<2x128x128xf32, #tpu.memory_space<vmem>> -> memref<1x128x128xf32, #tpu.memory_space<vmem>>
      %dma_start3A_269 = tpu.memref_squeeze %dma_start3A_268 : memref<1x128x128xf32, #tpu.memory_space<vmem>> -> memref<128x128xf32, #tpu.memory_space<vmem>>
      %dma_start3A_270 = arith.constant 384 : i32
      %dma_start3A_271 = tpu.memref_slice %arg8[%rem3A_192, %dma_start3A_270] : memref<2x1024xi32, #tpu.memory_space<vmem>> -> memref<1x128xi32, #tpu.memory_space<vmem>>
      %dma_start3A_272 = tpu.memref_squeeze %dma_start3A_271 : memref<1x128xi32, #tpu.memory_space<vmem>> -> memref<128xi32, #tpu.memory_space<vmem>>
      %dma_start3A_273 = arith.constant 0 : i32
      %dma_start3A_274 = arith.constant 0 : i32
      %dma_start3A_275 = tpu.memref_slice %arg2[%dma_start3A_273, %dma_start3A_274] : memref<10000x128xf32, #tpu.memory_space<hbm>> -> memref<10000x128xf32, #tpu.memory_space<hbm>>
      tpu.enqueue_indirect_dma source(%dma_start3A_275 : memref<10000x128xf32, #tpu.memory_space<hbm>>) target(%dma_start3A_269 : memref<128x128xf32, #tpu.memory_space<vmem>>) offsets(%dma_start3A_272 : memref<128xi32, #tpu.memory_space<vmem>>) semaphore(%arg11 : memref<!tpu.dma_semaphore, #tpu.memory_space<semaphore_mem>>)
      %mul3A_276 = arith.constant 8 : i32
      %mul3A_277 = arith.muli %scan3A_190, %mul3A_276 : i32
      %add3A_278 = arith.constant 2 : i32
      %add3A_279 = arith.addi %mul3A_277, %add3A_278 : i32
      %rem3A_280 = arith.constant 2 : i32
      %rem3A_281 = arith.remsi %add3A_279, %rem3A_280 : i32
      %dma_wait3A_282 = arith.constant 0 : i32
      %dma_wait3A_283 = arith.constant 0 : i32
      %dma_wait3A_284 = arith.constant 0 : i32
      %dma_wait3A_285 = tpu.memref_slice %arg10[%rem3A_281, %dma_wait3A_283, %dma_wait3A_284] : memref<2x128x128xf32, #tpu.memory_space<vmem>> -> memref<1x128x128xf32, #tpu.memory_space<vmem>>
      %dma_wait3A_286 = tpu.memref_squeeze %dma_wait3A_285 : memref<1x128x128xf32, #tpu.memory_space<vmem>> -> memref<128x128xf32, #tpu.memory_space<vmem>>
      %dma_wait3A_287 = arith.constant 0 : i32
      %dma_wait3A_288 = tpu.memref_slice %arg8[%dma_wait3A_282, %dma_wait3A_287] : memref<2x1024xi32, #tpu.memory_space<vmem>> -> memref<1x128xi32, #tpu.memory_space<vmem>>
      %dma_wait3A_289 = tpu.memref_squeeze %dma_wait3A_288 : memref<1x128xi32, #tpu.memory_space<vmem>> -> memref<128xi32, #tpu.memory_space<vmem>>
      %dma_wait3A_290 = arith.constant 0 : i32
      %dma_wait3A_291 = arith.constant 0 : i32
      %dma_wait3A_292 = tpu.memref_slice %arg2[%dma_wait3A_290, %dma_wait3A_291] : memref<10000x128xf32, #tpu.memory_space<hbm>> -> memref<10000x128xf32, #tpu.memory_space<hbm>>
      tpu.wait_indirect_dma semaphore(%arg11 : memref<!tpu.dma_semaphore, #tpu.memory_space<semaphore_mem>>) src(%dma_wait3A_292 : memref<10000x128xf32, #tpu.memory_space<hbm>>) dst(%dma_wait3A_286 : memref<128x128xf32, #tpu.memory_space<vmem>>)
      "tpu.region"() ({
        %run_scoped3A_442 = tpu.sem_alloc : memref<!tpu.dma_semaphore, #tpu.memory_space<semaphore_mem>>
        %dma_start3A_443 = arith.constant 0 : i32
        %dma_start3A_444 = arith.constant 0 : i32
        %dma_start3A_445 = tpu.memref_slice %arg10[%rem3A_281, %dma_start3A_443, %dma_start3A_444] : memref<2x128x128xf32, #tpu.memory_space<vmem>> -> memref<1x128x128xf32, #tpu.memory_space<vmem>>
        %dma_start3A_446 = tpu.memref_squeeze %dma_start3A_445 : memref<1x128x128xf32, #tpu.memory_space<vmem>> -> memref<128x128xf32, #tpu.memory_space<vmem>>
        %dma_start3A_447 = arith.constant 0 : i32
        %dma_start3A_448 = tpu.memref_slice %arg9[%add3A_279, %dma_start3A_447] : memref<79x128xi32, #tpu.memory_space<vmem>> -> memref<1x128xi32, #tpu.memory_space<vmem>>
        %dma_start3A_449 = tpu.memref_squeeze %dma_start3A_448 : memref<1x128xi32, #tpu.memory_space<vmem>> -> memref<128xi32, #tpu.memory_space<vmem>>
        %dma_start3A_450 = arith.constant 0 : i32
        %dma_start3A_451 = arith.constant 0 : i32
        %dma_start3A_452 = tpu.memref_slice %arg7[%dma_start3A_450, %dma_start3A_451] : memref<10112x128xf32, #tpu.memory_space<vmem_shared>> -> memref<10112x128xf32, #tpu.memory_space<vmem_shared>>
        tpu.enqueue_indirect_dma source(%dma_start3A_446 : memref<128x128xf32, #tpu.memory_space<vmem>>) target(%dma_start3A_452 : memref<10112x128xf32, #tpu.memory_space<vmem_shared>>) offsets(%dma_start3A_449 : memref<128xi32, #tpu.memory_space<vmem>>) semaphore(%run_scoped3A_442 : memref<!tpu.dma_semaphore, #tpu.memory_space<semaphore_mem>>) {add = true}
        %dma_wait3A_453 = arith.constant 0 : i32
        %dma_wait3A_454 = arith.constant 0 : i32
        %dma_wait3A_455 = tpu.memref_slice %arg10[%rem3A_281, %dma_wait3A_453, %dma_wait3A_454] : memref<2x128x128xf32, #tpu.memory_space<vmem>> -> memref<1x128x128xf32, #tpu.memory_space<vmem>>
        %dma_wait3A_456 = tpu.memref_squeeze %dma_wait3A_455 : memref<1x128x128xf32, #tpu.memory_space<vmem>> -> memref<128x128xf32, #tpu.memory_space<vmem>>
        %dma_wait3A_457 = arith.constant 0 : i32
        %dma_wait3A_458 = tpu.memref_slice %arg9[%add3A_279, %dma_wait3A_457] : memref<79x128xi32, #tpu.memory_space<vmem>> -> memref<1x128xi32, #tpu.memory_space<vmem>>
        %dma_wait3A_459 = tpu.memref_squeeze %dma_wait3A_458 : memref<1x128xi32, #tpu.memory_space<vmem>> -> memref<128xi32, #tpu.memory_space<vmem>>
        %dma_wait3A_460 = arith.constant 0 : i32
        %dma_wait3A_461 = arith.constant 0 : i32
        %dma_wait3A_462 = tpu.memref_slice %arg7[%dma_wait3A_460, %dma_wait3A_461] : memref<10112x128xf32, #tpu.memory_space<vmem_shared>> -> memref<10112x128xf32, #tpu.memory_space<vmem_shared>>
        tpu.wait_indirect_dma semaphore(%run_scoped3A_442 : memref<!tpu.dma_semaphore, #tpu.memory_space<semaphore_mem>>) src(%dma_wait3A_456 : memref<128x128xf32, #tpu.memory_space<vmem>>) dst(%dma_wait3A_462 : memref<10112x128xf32, #tpu.memory_space<vmem_shared>>)
        tpu.yield
      }) : () -> ()
      %dma_start3A_293 = arith.constant 0 : i32
      %dma_start3A_294 = arith.constant 0 : i32
      %dma_start3A_295 = tpu.memref_slice %arg10[%rem3A_281, %dma_start3A_293, %dma_start3A_294] : memref<2x128x128xf32, #tpu.memory_space<vmem>> -> memref<1x128x128xf32, #tpu.memory_space<vmem>>
      %dma_start3A_296 = tpu.memref_squeeze %dma_start3A_295 : memref<1x128x128xf32, #tpu.memory_space<vmem>> -> memref<128x128xf32, #tpu.memory_space<vmem>>
      %dma_start3A_297 = arith.constant 512 : i32
      %dma_start3A_298 = tpu.memref_slice %arg8[%rem3A_192, %dma_start3A_297] : memref<2x1024xi32, #tpu.memory_space<vmem>> -> memref<1x128xi32, #tpu.memory_space<vmem>>
      %dma_start3A_299 = tpu.memref_squeeze %dma_start3A_298 : memref<1x128xi32, #tpu.memory_space<vmem>> -> memref<128xi32, #tpu.memory_space<vmem>>
      %dma_start3A_300 = arith.constant 0 : i32
      %dma_start3A_301 = arith.constant 0 : i32
      %dma_start3A_302 = tpu.memref_slice %arg2[%dma_start3A_300, %dma_start3A_301] : memref<10000x128xf32, #tpu.memory_space<hbm>> -> memref<10000x128xf32, #tpu.memory_space<hbm>>
      tpu.enqueue_indirect_dma source(%dma_start3A_302 : memref<10000x128xf32, #tpu.memory_space<hbm>>) target(%dma_start3A_296 : memref<128x128xf32, #tpu.memory_space<vmem>>) offsets(%dma_start3A_299 : memref<128xi32, #tpu.memory_space<vmem>>) semaphore(%arg11 : memref<!tpu.dma_semaphore, #tpu.memory_space<semaphore_mem>>)
      %mul3A_303 = arith.constant 8 : i32
      %mul3A_304 = arith.muli %scan3A_190, %mul3A_303 : i32
      %add3A_305 = arith.constant 3 : i32
      %add3A_306 = arith.addi %mul3A_304, %add3A_305 : i32
      %rem3A_307 = arith.constant 2 : i32
      %rem3A_308 = arith.remsi %add3A_306, %rem3A_307 : i32
      %dma_wait3A_309 = arith.constant 0 : i32
      %dma_wait3A_310 = arith.constant 0 : i32
      %dma_wait3A_311 = arith.constant 0 : i32
      %dma_wait3A_312 = tpu.memref_slice %arg10[%rem3A_308, %dma_wait3A_310, %dma_wait3A_311] : memref<2x128x128xf32, #tpu.memory_space<vmem>> -> memref<1x128x128xf32, #tpu.memory_space<vmem>>
      %dma_wait3A_313 = tpu.memref_squeeze %dma_wait3A_312 : memref<1x128x128xf32, #tpu.memory_space<vmem>> -> memref<128x128xf32, #tpu.memory_space<vmem>>
      %dma_wait3A_314 = arith.constant 0 : i32
      %dma_wait3A_315 = tpu.memref_slice %arg8[%dma_wait3A_309, %dma_wait3A_314] : memref<2x1024xi32, #tpu.memory_space<vmem>> -> memref<1x128xi32, #tpu.memory_space<vmem>>
      %dma_wait3A_316 = tpu.memref_squeeze %dma_wait3A_315 : memref<1x128xi32, #tpu.memory_space<vmem>> -> memref<128xi32, #tpu.memory_space<vmem>>
      %dma_wait3A_317 = arith.constant 0 : i32
      %dma_wait3A_318 = arith.constant 0 : i32
      %dma_wait3A_319 = tpu.memref_slice %arg2[%dma_wait3A_317, %dma_wait3A_318] : memref<10000x128xf32, #tpu.memory_space<hbm>> -> memref<10000x128xf32, #tpu.memory_space<hbm>>
      tpu.wait_indirect_dma semaphore(%arg11 : memref<!tpu.dma_semaphore, #tpu.memory_space<semaphore_mem>>) src(%dma_wait3A_319 : memref<10000x128xf32, #tpu.memory_space<hbm>>) dst(%dma_wait3A_313 : memref<128x128xf32, #tpu.memory_space<vmem>>)
      "tpu.region"() ({
        %run_scoped3A_442 = tpu.sem_alloc : memref<!tpu.dma_semaphore, #tpu.memory_space<semaphore_mem>>
        %dma_start3A_443 = arith.constant 0 : i32
        %dma_start3A_444 = arith.constant 0 : i32
        %dma_start3A_445 = tpu.memref_slice %arg10[%rem3A_308, %dma_start3A_443, %dma_start3A_444] : memref<2x128x128xf32, #tpu.memory_space<vmem>> -> memref<1x128x128xf32, #tpu.memory_space<vmem>>
        %dma_start3A_446 = tpu.memref_squeeze %dma_start3A_445 : memref<1x128x128xf32, #tpu.memory_space<vmem>> -> memref<128x128xf32, #tpu.memory_space<vmem>>
        %dma_start3A_447 = arith.constant 0 : i32
        %dma_start3A_448 = tpu.memref_slice %arg9[%add3A_306, %dma_start3A_447] : memref<79x128xi32, #tpu.memory_space<vmem>> -> memref<1x128xi32, #tpu.memory_space<vmem>>
        %dma_start3A_449 = tpu.memref_squeeze %dma_start3A_448 : memref<1x128xi32, #tpu.memory_space<vmem>> -> memref<128xi32, #tpu.memory_space<vmem>>
        %dma_start3A_450 = arith.constant 0 : i32
        %dma_start3A_451 = arith.constant 0 : i32
        %dma_start3A_452 = tpu.memref_slice %arg7[%dma_start3A_450, %dma_start3A_451] : memref<10112x128xf32, #tpu.memory_space<vmem_shared>> -> memref<10112x128xf32, #tpu.memory_space<vmem_shared>>
        tpu.enqueue_indirect_dma source(%dma_start3A_446 : memref<128x128xf32, #tpu.memory_space<vmem>>) target(%dma_start3A_452 : memref<10112x128xf32, #tpu.memory_space<vmem_shared>>) offsets(%dma_start3A_449 : memref<128xi32, #tpu.memory_space<vmem>>) semaphore(%run_scoped3A_442 : memref<!tpu.dma_semaphore, #tpu.memory_space<semaphore_mem>>) {add = true}
        %dma_wait3A_453 = arith.constant 0 : i32
        %dma_wait3A_454 = arith.constant 0 : i32
        %dma_wait3A_455 = tpu.memref_slice %arg10[%rem3A_308, %dma_wait3A_453, %dma_wait3A_454] : memref<2x128x128xf32, #tpu.memory_space<vmem>> -> memref<1x128x128xf32, #tpu.memory_space<vmem>>
        %dma_wait3A_456 = tpu.memref_squeeze %dma_wait3A_455 : memref<1x128x128xf32, #tpu.memory_space<vmem>> -> memref<128x128xf32, #tpu.memory_space<vmem>>
        %dma_wait3A_457 = arith.constant 0 : i32
        %dma_wait3A_458 = tpu.memref_slice %arg9[%add3A_306, %dma_wait3A_457] : memref<79x128xi32, #tpu.memory_space<vmem>> -> memref<1x128xi32, #tpu.memory_space<vmem>>
        %dma_wait3A_459 = tpu.memref_squeeze %dma_wait3A_458 : memref<1x128xi32, #tpu.memory_space<vmem>> -> memref<128xi32, #tpu.memory_space<vmem>>
        %dma_wait3A_460 = arith.constant 0 : i32
        %dma_wait3A_461 = arith.constant 0 : i32
        %dma_wait3A_462 = tpu.memref_slice %arg7[%dma_wait3A_460, %dma_wait3A_461] : memref<10112x128xf32, #tpu.memory_space<vmem_shared>> -> memref<10112x128xf32, #tpu.memory_space<vmem_shared>>
        tpu.wait_indirect_dma semaphore(%run_scoped3A_442 : memref<!tpu.dma_semaphore, #tpu.memory_space<semaphore_mem>>) src(%dma_wait3A_456 : memref<128x128xf32, #tpu.memory_space<vmem>>) dst(%dma_wait3A_462 : memref<10112x128xf32, #tpu.memory_space<vmem_shared>>)
        tpu.yield
      }) : () -> ()
      %dma_start3A_320 = arith.constant 0 : i32
      %dma_start3A_321 = arith.constant 0 : i32
      %dma_start3A_322 = tpu.memref_slice %arg10[%rem3A_308, %dma_start3A_320, %dma_start3A_321] : memref<2x128x128xf32, #tpu.memory_space<vmem>> -> memref<1x128x128xf32, #tpu.memory_space<vmem>>
      %dma_start3A_323 = tpu.memref_squeeze %dma_start3A_322 : memref<1x128x128xf32, #tpu.memory_space<vmem>> -> memref<128x128xf32, #tpu.memory_space<vmem>>
      %dma_start3A_324 = arith.constant 640 : i32
      %dma_start3A_325 = tpu.memref_slice %arg8[%rem3A_192, %dma_start3A_324] : memref<2x1024xi32, #tpu.memory_space<vmem>> -> memref<1x128xi32, #tpu.memory_space<vmem>>
      %dma_start3A_326 = tpu.memref_squeeze %dma_start3A_325 : memref<1x128xi32, #tpu.memory_space<vmem>> -> memref<128xi32, #tpu.memory_space<vmem>>
      %dma_start3A_327 = arith.constant 0 : i32
      %dma_start3A_328 = arith.constant 0 : i32
      %dma_start3A_329 = tpu.memref_slice %arg2[%dma_start3A_327, %dma_start3A_328] : memref<10000x128xf32, #tpu.memory_space<hbm>> -> memref<10000x128xf32, #tpu.memory_space<hbm>>
      tpu.enqueue_indirect_dma source(%dma_start3A_329 : memref<10000x128xf32, #tpu.memory_space<hbm>>) target(%dma_start3A_323 : memref<128x128xf32, #tpu.memory_space<vmem>>) offsets(%dma_start3A_326 : memref<128xi32, #tpu.memory_space<vmem>>) semaphore(%arg11 : memref<!tpu.dma_semaphore, #tpu.memory_space<semaphore_mem>>)
      %mul3A_330 = arith.constant 8 : i32
      %mul3A_331 = arith.muli %scan3A_190, %mul3A_330 : i32
      %add3A_332 = arith.constant 4 : i32
      %add3A_333 = arith.addi %mul3A_331, %add3A_332 : i32
      %rem3A_334 = arith.constant 2 : i32
      %rem3A_335 = arith.remsi %add3A_333, %rem3A_334 : i32
      %dma_wait3A_336 = arith.constant 0 : i32
      %dma_wait3A_337 = arith.constant 0 : i32
      %dma_wait3A_338 = arith.constant 0 : i32
      %dma_wait3A_339 = tpu.memref_slice %arg10[%rem3A_335, %dma_wait3A_337, %dma_wait3A_338] : memref<2x128x128xf32, #tpu.memory_space<vmem>> -> memref<1x128x128xf32, #tpu.memory_space<vmem>>
      %dma_wait3A_340 = tpu.memref_squeeze %dma_wait3A_339 : memref<1x128x128xf32, #tpu.memory_space<vmem>> -> memref<128x128xf32, #tpu.memory_space<vmem>>
      %dma_wait3A_341 = arith.constant 0 : i32
      %dma_wait3A_342 = tpu.memref_slice %arg8[%dma_wait3A_336, %dma_wait3A_341] : memref<2x1024xi32, #tpu.memory_space<vmem>> -> memref<1x128xi32, #tpu.memory_space<vmem>>
      %dma_wait3A_343 = tpu.memref_squeeze %dma_wait3A_342 : memref<1x128xi32, #tpu.memory_space<vmem>> -> memref<128xi32, #tpu.memory_space<vmem>>
      %dma_wait3A_344 = arith.constant 0 : i32
      %dma_wait3A_345 = arith.constant 0 : i32
      %dma_wait3A_346 = tpu.memref_slice %arg2[%dma_wait3A_344, %dma_wait3A_345] : memref<10000x128xf32, #tpu.memory_space<hbm>> -> memref<10000x128xf32, #tpu.memory_space<hbm>>
      tpu.wait_indirect_dma semaphore(%arg11 : memref<!tpu.dma_semaphore, #tpu.memory_space<semaphore_mem>>) src(%dma_wait3A_346 : memref<10000x128xf32, #tpu.memory_space<hbm>>) dst(%dma_wait3A_340 : memref<128x128xf32, #tpu.memory_space<vmem>>)
      "tpu.region"() ({
        %run_scoped3A_442 = tpu.sem_alloc : memref<!tpu.dma_semaphore, #tpu.memory_space<semaphore_mem>>
        %dma_start3A_443 = arith.constant 0 : i32
        %dma_start3A_444 = arith.constant 0 : i32
        %dma_start3A_445 = tpu.memref_slice %arg10[%rem3A_335, %dma_start3A_443, %dma_start3A_444] : memref<2x128x128xf32, #tpu.memory_space<vmem>> -> memref<1x128x128xf32, #tpu.memory_space<vmem>>
        %dma_start3A_446 = tpu.memref_squeeze %dma_start3A_445 : memref<1x128x128xf32, #tpu.memory_space<vmem>> -> memref<128x128xf32, #tpu.memory_space<vmem>>
        %dma_start3A_447 = arith.constant 0 : i32
        %dma_start3A_448 = tpu.memref_slice %arg9[%add3A_333, %dma_start3A_447] : memref<79x128xi32, #tpu.memory_space<vmem>> -> memref<1x128xi32, #tpu.memory_space<vmem>>
        %dma_start3A_449 = tpu.memref_squeeze %dma_start3A_448 : memref<1x128xi32, #tpu.memory_space<vmem>> -> memref<128xi32, #tpu.memory_space<vmem>>
        %dma_start3A_450 = arith.constant 0 : i32
        %dma_start3A_451 = arith.constant 0 : i32
        %dma_start3A_452 = tpu.memref_slice %arg7[%dma_start3A_450, %dma_start3A_451] : memref<10112x128xf32, #tpu.memory_space<vmem_shared>> -> memref<10112x128xf32, #tpu.memory_space<vmem_shared>>
        tpu.enqueue_indirect_dma source(%dma_start3A_446 : memref<128x128xf32, #tpu.memory_space<vmem>>) target(%dma_start3A_452 : memref<10112x128xf32, #tpu.memory_space<vmem_shared>>) offsets(%dma_start3A_449 : memref<128xi32, #tpu.memory_space<vmem>>) semaphore(%run_scoped3A_442 : memref<!tpu.dma_semaphore, #tpu.memory_space<semaphore_mem>>) {add = true}
        %dma_wait3A_453 = arith.constant 0 : i32
        %dma_wait3A_454 = arith.constant 0 : i32
        %dma_wait3A_455 = tpu.memref_slice %arg10[%rem3A_335, %dma_wait3A_453, %dma_wait3A_454] : memref<2x128x128xf32, #tpu.memory_space<vmem>> -> memref<1x128x128xf32, #tpu.memory_space<vmem>>
        %dma_wait3A_456 = tpu.memref_squeeze %dma_wait3A_455 : memref<1x128x128xf32, #tpu.memory_space<vmem>> -> memref<128x128xf32, #tpu.memory_space<vmem>>
        %dma_wait3A_457 = arith.constant 0 : i32
        %dma_wait3A_458 = tpu.memref_slice %arg9[%add3A_333, %dma_wait3A_457] : memref<79x128xi32, #tpu.memory_space<vmem>> -> memref<1x128xi32, #tpu.memory_space<vmem>>
        %dma_wait3A_459 = tpu.memref_squeeze %dma_wait3A_458 : memref<1x128xi32, #tpu.memory_space<vmem>> -> memref<128xi32, #tpu.memory_space<vmem>>
        %dma_wait3A_460 = arith.constant 0 : i32
        %dma_wait3A_461 = arith.constant 0 : i32
        %dma_wait3A_462 = tpu.memref_slice %arg7[%dma_wait3A_460, %dma_wait3A_461] : memref<10112x128xf32, #tpu.memory_space<vmem_shared>> -> memref<10112x128xf32, #tpu.memory_space<vmem_shared>>
        tpu.wait_indirect_dma semaphore(%run_scoped3A_442 : memref<!tpu.dma_semaphore, #tpu.memory_space<semaphore_mem>>) src(%dma_wait3A_456 : memref<128x128xf32, #tpu.memory_space<vmem>>) dst(%dma_wait3A_462 : memref<10112x128xf32, #tpu.memory_space<vmem_shared>>)
        tpu.yield
      }) : () -> ()
      %dma_start3A_347 = arith.constant 0 : i32
      %dma_start3A_348 = arith.constant 0 : i32
      %dma_start3A_349 = tpu.memref_slice %arg10[%rem3A_335, %dma_start3A_347, %dma_start3A_348] : memref<2x128x128xf32, #tpu.memory_space<vmem>> -> memref<1x128x128xf32, #tpu.memory_space<vmem>>
      %dma_start3A_350 = tpu.memref_squeeze %dma_start3A_349 : memref<1x128x128xf32, #tpu.memory_space<vmem>> -> memref<128x128xf32, #tpu.memory_space<vmem>>
      %dma_start3A_351 = arith.constant 768 : i32
      %dma_start3A_352 = tpu.memref_slice %arg8[%rem3A_192, %dma_start3A_351] : memref<2x1024xi32, #tpu.memory_space<vmem>> -> memref<1x128xi32, #tpu.memory_space<vmem>>
      %dma_start3A_353 = tpu.memref_squeeze %dma_start3A_352 : memref<1x128xi32, #tpu.memory_space<vmem>> -> memref<128xi32, #tpu.memory_space<vmem>>
      %dma_start3A_354 = arith.constant 0 : i32
      %dma_start3A_355 = arith.constant 0 : i32
      %dma_start3A_356 = tpu.memref_slice %arg2[%dma_start3A_354, %dma_start3A_355] : memref<10000x128xf32, #tpu.memory_space<hbm>> -> memref<10000x128xf32, #tpu.memory_space<hbm>>
      tpu.enqueue_indirect_dma source(%dma_start3A_356 : memref<10000x128xf32, #tpu.memory_space<hbm>>) target(%dma_start3A_350 : memref<128x128xf32, #tpu.memory_space<vmem>>) offsets(%dma_start3A_353 : memref<128xi32, #tpu.memory_space<vmem>>) semaphore(%arg11 : memref<!tpu.dma_semaphore, #tpu.memory_space<semaphore_mem>>)
      %mul3A_357 = arith.constant 8 : i32
      %mul3A_358 = arith.muli %scan3A_190, %mul3A_357 : i32
      %add3A_359 = arith.constant 5 : i32
      %add3A_360 = arith.addi %mul3A_358, %add3A_359 : i32
      %rem3A_361 = arith.constant 2 : i32
      %rem3A_362 = arith.remsi %add3A_360, %rem3A_361 : i32
      %dma_wait3A_363 = arith.constant 0 : i32
      %dma_wait3A_364 = arith.constant 0 : i32
      %dma_wait3A_365 = arith.constant 0 : i32
      %dma_wait3A_366 = tpu.memref_slice %arg10[%rem3A_362, %dma_wait3A_364, %dma_wait3A_365] : memref<2x128x128xf32, #tpu.memory_space<vmem>> -> memref<1x128x128xf32, #tpu.memory_space<vmem>>
      %dma_wait3A_367 = tpu.memref_squeeze %dma_wait3A_366 : memref<1x128x128xf32, #tpu.memory_space<vmem>> -> memref<128x128xf32, #tpu.memory_space<vmem>>
      %dma_wait3A_368 = arith.constant 0 : i32
      %dma_wait3A_369 = tpu.memref_slice %arg8[%dma_wait3A_363, %dma_wait3A_368] : memref<2x1024xi32, #tpu.memory_space<vmem>> -> memref<1x128xi32, #tpu.memory_space<vmem>>
      %dma_wait3A_370 = tpu.memref_squeeze %dma_wait3A_369 : memref<1x128xi32, #tpu.memory_space<vmem>> -> memref<128xi32, #tpu.memory_space<vmem>>
      %dma_wait3A_371 = arith.constant 0 : i32
      %dma_wait3A_372 = arith.constant 0 : i32
      %dma_wait3A_373 = tpu.memref_slice %arg2[%dma_wait3A_371, %dma_wait3A_372] : memref<10000x128xf32, #tpu.memory_space<hbm>> -> memref<10000x128xf32, #tpu.memory_space<hbm>>
      tpu.wait_indirect_dma semaphore(%arg11 : memref<!tpu.dma_semaphore, #tpu.memory_space<semaphore_mem>>) src(%dma_wait3A_373 : memref<10000x128xf32, #tpu.memory_space<hbm>>) dst(%dma_wait3A_367 : memref<128x128xf32, #tpu.memory_space<vmem>>)
      "tpu.region"() ({
        %run_scoped3A_442 = tpu.sem_alloc : memref<!tpu.dma_semaphore, #tpu.memory_space<semaphore_mem>>
        %dma_start3A_443 = arith.constant 0 : i32
        %dma_start3A_444 = arith.constant 0 : i32
        %dma_start3A_445 = tpu.memref_slice %arg10[%rem3A_362, %dma_start3A_443, %dma_start3A_444] : memref<2x128x128xf32, #tpu.memory_space<vmem>> -> memref<1x128x128xf32, #tpu.memory_space<vmem>>
        %dma_start3A_446 = tpu.memref_squeeze %dma_start3A_445 : memref<1x128x128xf32, #tpu.memory_space<vmem>> -> memref<128x128xf32, #tpu.memory_space<vmem>>
        %dma_start3A_447 = arith.constant 0 : i32
        %dma_start3A_448 = tpu.memref_slice %arg9[%add3A_360, %dma_start3A_447] : memref<79x128xi32, #tpu.memory_space<vmem>> -> memref<1x128xi32, #tpu.memory_space<vmem>>
        %dma_start3A_449 = tpu.memref_squeeze %dma_start3A_448 : memref<1x128xi32, #tpu.memory_space<vmem>> -> memref<128xi32, #tpu.memory_space<vmem>>
        %dma_start3A_450 = arith.constant 0 : i32
        %dma_start3A_451 = arith.constant 0 : i32
        %dma_start3A_452 = tpu.memref_slice %arg7[%dma_start3A_450, %dma_start3A_451] : memref<10112x128xf32, #tpu.memory_space<vmem_shared>> -> memref<10112x128xf32, #tpu.memory_space<vmem_shared>>
        tpu.enqueue_indirect_dma source(%dma_start3A_446 : memref<128x128xf32, #tpu.memory_space<vmem>>) target(%dma_start3A_452 : memref<10112x128xf32, #tpu.memory_space<vmem_shared>>) offsets(%dma_start3A_449 : memref<128xi32, #tpu.memory_space<vmem>>) semaphore(%run_scoped3A_442 : memref<!tpu.dma_semaphore, #tpu.memory_space<semaphore_mem>>) {add = true}
        %dma_wait3A_453 = arith.constant 0 : i32
        %dma_wait3A_454 = arith.constant 0 : i32
        %dma_wait3A_455 = tpu.memref_slice %arg10[%rem3A_362, %dma_wait3A_453, %dma_wait3A_454] : memref<2x128x128xf32, #tpu.memory_space<vmem>> -> memref<1x128x128xf32, #tpu.memory_space<vmem>>
        %dma_wait3A_456 = tpu.memref_squeeze %dma_wait3A_455 : memref<1x128x128xf32, #tpu.memory_space<vmem>> -> memref<128x128xf32, #tpu.memory_space<vmem>>
        %dma_wait3A_457 = arith.constant 0 : i32
        %dma_wait3A_458 = tpu.memref_slice %arg9[%add3A_360, %dma_wait3A_457] : memref<79x128xi32, #tpu.memory_space<vmem>> -> memref<1x128xi32, #tpu.memory_space<vmem>>
        %dma_wait3A_459 = tpu.memref_squeeze %dma_wait3A_458 : memref<1x128xi32, #tpu.memory_space<vmem>> -> memref<128xi32, #tpu.memory_space<vmem>>
        %dma_wait3A_460 = arith.constant 0 : i32
        %dma_wait3A_461 = arith.constant 0 : i32
        %dma_wait3A_462 = tpu.memref_slice %arg7[%dma_wait3A_460, %dma_wait3A_461] : memref<10112x128xf32, #tpu.memory_space<vmem_shared>> -> memref<10112x128xf32, #tpu.memory_space<vmem_shared>>
        tpu.wait_indirect_dma semaphore(%run_scoped3A_442 : memref<!tpu.dma_semaphore, #tpu.memory_space<semaphore_mem>>) src(%dma_wait3A_456 : memref<128x128xf32, #tpu.memory_space<vmem>>) dst(%dma_wait3A_462 : memref<10112x128xf32, #tpu.memory_space<vmem_shared>>)
        tpu.yield
      }) : () -> ()
      %dma_start3A_374 = arith.constant 0 : i32
      %dma_start3A_375 = arith.constant 0 : i32
      %dma_start3A_376 = tpu.memref_slice %arg10[%rem3A_362, %dma_start3A_374, %dma_start3A_375] : memref<2x128x128xf32, #tpu.memory_space<vmem>> -> memref<1x128x128xf32, #tpu.memory_space<vmem>>
      %dma_start3A_377 = tpu.memref_squeeze %dma_start3A_376 : memref<1x128x128xf32, #tpu.memory_space<vmem>> -> memref<128x128xf32, #tpu.memory_space<vmem>>
      %dma_start3A_378 = arith.constant 896 : i32
      %dma_start3A_379 = tpu.memref_slice %arg8[%rem3A_192, %dma_start3A_378] : memref<2x1024xi32, #tpu.memory_space<vmem>> -> memref<1x128xi32, #tpu.memory_space<vmem>>
      %dma_start3A_380 = tpu.memref_squeeze %dma_start3A_379 : memref<1x128xi32, #tpu.memory_space<vmem>> -> memref<128xi32, #tpu.memory_space<vmem>>
      %dma_start3A_381 = arith.constant 0 : i32
      %dma_start3A_382 = arith.constant 0 : i32
      %dma_start3A_383 = tpu.memref_slice %arg2[%dma_start3A_381, %dma_start3A_382] : memref<10000x128xf32, #tpu.memory_space<hbm>> -> memref<10000x128xf32, #tpu.memory_space<hbm>>
      tpu.enqueue_indirect_dma source(%dma_start3A_383 : memref<10000x128xf32, #tpu.memory_space<hbm>>) target(%dma_start3A_377 : memref<128x128xf32, #tpu.memory_space<vmem>>) offsets(%dma_start3A_380 : memref<128xi32, #tpu.memory_space<vmem>>) semaphore(%arg11 : memref<!tpu.dma_semaphore, #tpu.memory_space<semaphore_mem>>)
      %mul3A_384 = arith.constant 8 : i32
      %mul3A_385 = arith.muli %scan3A_190, %mul3A_384 : i32
      %add3A_386 = arith.constant 6 : i32
      %add3A_387 = arith.addi %mul3A_385, %add3A_386 : i32
      %rem3A_388 = arith.constant 2 : i32
      %rem3A_389 = arith.remsi %add3A_387, %rem3A_388 : i32
      %dma_wait3A_390 = arith.constant 0 : i32
      %dma_wait3A_391 = arith.constant 0 : i32
      %dma_wait3A_392 = arith.constant 0 : i32
      %dma_wait3A_393 = tpu.memref_slice %arg10[%rem3A_389, %dma_wait3A_391, %dma_wait3A_392] : memref<2x128x128xf32, #tpu.memory_space<vmem>> -> memref<1x128x128xf32, #tpu.memory_space<vmem>>
      %dma_wait3A_394 = tpu.memref_squeeze %dma_wait3A_393 : memref<1x128x128xf32, #tpu.memory_space<vmem>> -> memref<128x128xf32, #tpu.memory_space<vmem>>
      %dma_wait3A_395 = arith.constant 0 : i32
      %dma_wait3A_396 = tpu.memref_slice %arg8[%dma_wait3A_390, %dma_wait3A_395] : memref<2x1024xi32, #tpu.memory_space<vmem>> -> memref<1x128xi32, #tpu.memory_space<vmem>>
      %dma_wait3A_397 = tpu.memref_squeeze %dma_wait3A_396 : memref<1x128xi32, #tpu.memory_space<vmem>> -> memref<128xi32, #tpu.memory_space<vmem>>
      %dma_wait3A_398 = arith.constant 0 : i32
      %dma_wait3A_399 = arith.constant 0 : i32
      %dma_wait3A_400 = tpu.memref_slice %arg2[%dma_wait3A_398, %dma_wait3A_399] : memref<10000x128xf32, #tpu.memory_space<hbm>> -> memref<10000x128xf32, #tpu.memory_space<hbm>>
      tpu.wait_indirect_dma semaphore(%arg11 : memref<!tpu.dma_semaphore, #tpu.memory_space<semaphore_mem>>) src(%dma_wait3A_400 : memref<10000x128xf32, #tpu.memory_space<hbm>>) dst(%dma_wait3A_394 : memref<128x128xf32, #tpu.memory_space<vmem>>)
      "tpu.region"() ({
        %run_scoped3A_442 = tpu.sem_alloc : memref<!tpu.dma_semaphore, #tpu.memory_space<semaphore_mem>>
        %dma_start3A_443 = arith.constant 0 : i32
        %dma_start3A_444 = arith.constant 0 : i32
        %dma_start3A_445 = tpu.memref_slice %arg10[%rem3A_389, %dma_start3A_443, %dma_start3A_444] : memref<2x128x128xf32, #tpu.memory_space<vmem>> -> memref<1x128x128xf32, #tpu.memory_space<vmem>>
        %dma_start3A_446 = tpu.memref_squeeze %dma_start3A_445 : memref<1x128x128xf32, #tpu.memory_space<vmem>> -> memref<128x128xf32, #tpu.memory_space<vmem>>
        %dma_start3A_447 = arith.constant 0 : i32
        %dma_start3A_448 = tpu.memref_slice %arg9[%add3A_387, %dma_start3A_447] : memref<79x128xi32, #tpu.memory_space<vmem>> -> memref<1x128xi32, #tpu.memory_space<vmem>>
        %dma_start3A_449 = tpu.memref_squeeze %dma_start3A_448 : memref<1x128xi32, #tpu.memory_space<vmem>> -> memref<128xi32, #tpu.memory_space<vmem>>
        %dma_start3A_450 = arith.constant 0 : i32
        %dma_start3A_451 = arith.constant 0 : i32
        %dma_start3A_452 = tpu.memref_slice %arg7[%dma_start3A_450, %dma_start3A_451] : memref<10112x128xf32, #tpu.memory_space<vmem_shared>> -> memref<10112x128xf32, #tpu.memory_space<vmem_shared>>
        tpu.enqueue_indirect_dma source(%dma_start3A_446 : memref<128x128xf32, #tpu.memory_space<vmem>>) target(%dma_start3A_452 : memref<10112x128xf32, #tpu.memory_space<vmem_shared>>) offsets(%dma_start3A_449 : memref<128xi32, #tpu.memory_space<vmem>>) semaphore(%run_scoped3A_442 : memref<!tpu.dma_semaphore, #tpu.memory_space<semaphore_mem>>) {add = true}
        %dma_wait3A_453 = arith.constant 0 : i32
        %dma_wait3A_454 = arith.constant 0 : i32
        %dma_wait3A_455 = tpu.memref_slice %arg10[%rem3A_389, %dma_wait3A_453, %dma_wait3A_454] : memref<2x128x128xf32, #tpu.memory_space<vmem>> -> memref<1x128x128xf32, #tpu.memory_space<vmem>>
        %dma_wait3A_456 = tpu.memref_squeeze %dma_wait3A_455 : memref<1x128x128xf32, #tpu.memory_space<vmem>> -> memref<128x128xf32, #tpu.memory_space<vmem>>
        %dma_wait3A_457 = arith.constant 0 : i32
        %dma_wait3A_458 = tpu.memref_slice %arg9[%add3A_387, %dma_wait3A_457] : memref<79x128xi32, #tpu.memory_space<vmem>> -> memref<1x128xi32, #tpu.memory_space<vmem>>
        %dma_wait3A_459 = tpu.memref_squeeze %dma_wait3A_458 : memref<1x128xi32, #tpu.memory_space<vmem>> -> memref<128xi32, #tpu.memory_space<vmem>>
        %dma_wait3A_460 = arith.constant 0 : i32
        %dma_wait3A_461 = arith.constant 0 : i32
        %dma_wait3A_462 = tpu.memref_slice %arg7[%dma_wait3A_460, %dma_wait3A_461] : memref<10112x128xf32, #tpu.memory_space<vmem_shared>> -> memref<10112x128xf32, #tpu.memory_space<vmem_shared>>
        tpu.wait_indirect_dma semaphore(%run_scoped3A_442 : memref<!tpu.dma_semaphore, #tpu.memory_space<semaphore_mem>>) src(%dma_wait3A_456 : memref<128x128xf32, #tpu.memory_space<vmem>>) dst(%dma_wait3A_462 : memref<10112x128xf32, #tpu.memory_space<vmem_shared>>)
        tpu.yield
      }) : () -> ()
      %sub3A_401 = arith.constant 1 : i32
      %sub3A_402 = arith.subi %sub3A_401, %rem3A_192 : i32
      %dma_start3A_403 = arith.constant 0 : i32
      %dma_start3A_404 = arith.constant 0 : i32
      %dma_start3A_405 = tpu.memref_slice %arg10[%rem3A_389, %dma_start3A_403, %dma_start3A_404] : memref<2x128x128xf32, #tpu.memory_space<vmem>> -> memref<1x128x128xf32, #tpu.memory_space<vmem>>
      %dma_start3A_406 = tpu.memref_squeeze %dma_start3A_405 : memref<1x128x128xf32, #tpu.memory_space<vmem>> -> memref<128x128xf32, #tpu.memory_space<vmem>>
      %dma_start3A_407 = arith.constant 0 : i32
      %dma_start3A_408 = tpu.memref_slice %arg8[%sub3A_402, %dma_start3A_407] : memref<2x1024xi32, #tpu.memory_space<vmem>> -> memref<1x128xi32, #tpu.memory_space<vmem>>
      %dma_start3A_409 = tpu.memref_squeeze %dma_start3A_408 : memref<1x128xi32, #tpu.memory_space<vmem>> -> memref<128xi32, #tpu.memory_space<vmem>>
      %dma_start3A_410 = arith.constant 0 : i32
      %dma_start3A_411 = arith.constant 0 : i32
      %dma_start3A_412 = tpu.memref_slice %arg2[%dma_start3A_410, %dma_start3A_411] : memref<10000x128xf32, #tpu.memory_space<hbm>> -> memref<10000x128xf32, #tpu.memory_space<hbm>>
      tpu.enqueue_indirect_dma source(%dma_start3A_412 : memref<10000x128xf32, #tpu.memory_space<hbm>>) target(%dma_start3A_406 : memref<128x128xf32, #tpu.memory_space<vmem>>) offsets(%dma_start3A_409 : memref<128xi32, #tpu.memory_space<vmem>>) semaphore(%arg11 : memref<!tpu.dma_semaphore, #tpu.memory_space<semaphore_mem>>)
      %mul3A_413 = arith.constant 8 : i32
      %mul3A_414 = arith.muli %scan3A_190, %mul3A_413 : i32
      %add3A_415 = arith.constant 7 : i32
      %add3A_416 = arith.addi %mul3A_414, %add3A_415 : i32
      %rem3A_417 = arith.constant 2 : i32
      %rem3A_418 = arith.remsi %add3A_416, %rem3A_417 : i32
      %dma_wait3A_419 = arith.constant 0 : i32
      %dma_wait3A_420 = arith.constant 0 : i32
      %dma_wait3A_421 = arith.constant 0 : i32
      %dma_wait3A_422 = tpu.memref_slice %arg10[%rem3A_418, %dma_wait3A_420, %dma_wait3A_421] : memref<2x128x128xf32, #tpu.memory_space<vmem>> -> memref<1x128x128xf32, #tpu.memory_space<vmem>>
      %dma_wait3A_423 = tpu.memref_squeeze %dma_wait3A_422 : memref<1x128x128xf32, #tpu.memory_space<vmem>> -> memref<128x128xf32, #tpu.memory_space<vmem>>
      %dma_wait3A_424 = arith.constant 0 : i32
      %dma_wait3A_425 = tpu.memref_slice %arg8[%dma_wait3A_419, %dma_wait3A_424] : memref<2x1024xi32, #tpu.memory_space<vmem>> -> memref<1x128xi32, #tpu.memory_space<vmem>>
      %dma_wait3A_426 = tpu.memref_squeeze %dma_wait3A_425 : memref<1x128xi32, #tpu.memory_space<vmem>> -> memref<128xi32, #tpu.memory_space<vmem>>
      %dma_wait3A_427 = arith.constant 0 : i32
      %dma_wait3A_428 = arith.constant 0 : i32
      %dma_wait3A_429 = tpu.memref_slice %arg2[%dma_wait3A_427, %dma_wait3A_428] : memref<10000x128xf32, #tpu.memory_space<hbm>> -> memref<10000x128xf32, #tpu.memory_space<hbm>>
      tpu.wait_indirect_dma semaphore(%arg11 : memref<!tpu.dma_semaphore, #tpu.memory_space<semaphore_mem>>) src(%dma_wait3A_429 : memref<10000x128xf32, #tpu.memory_space<hbm>>) dst(%dma_wait3A_423 : memref<128x128xf32, #tpu.memory_space<vmem>>)
      "tpu.region"() ({
        %run_scoped3A_442 = tpu.sem_alloc : memref<!tpu.dma_semaphore, #tpu.memory_space<semaphore_mem>>
        %dma_start3A_443 = arith.constant 0 : i32
        %dma_start3A_444 = arith.constant 0 : i32
        %dma_start3A_445 = tpu.memref_slice %arg10[%rem3A_418, %dma_start3A_443, %dma_start3A_444] : memref<2x128x128xf32, #tpu.memory_space<vmem>> -> memref<1x128x128xf32, #tpu.memory_space<vmem>>
        %dma_start3A_446 = tpu.memref_squeeze %dma_start3A_445 : memref<1x128x128xf32, #tpu.memory_space<vmem>> -> memref<128x128xf32, #tpu.memory_space<vmem>>
        %dma_start3A_447 = arith.constant 0 : i32
        %dma_start3A_448 = tpu.memref_slice %arg9[%add3A_416, %dma_start3A_447] : memref<79x128xi32, #tpu.memory_space<vmem>> -> memref<1x128xi32, #tpu.memory_space<vmem>>
        %dma_start3A_449 = tpu.memref_squeeze %dma_start3A_448 : memref<1x128xi32, #tpu.memory_space<vmem>> -> memref<128xi32, #tpu.memory_space<vmem>>
        %dma_start3A_450 = arith.constant 0 : i32
        %dma_start3A_451 = arith.constant 0 : i32
        %dma_start3A_452 = tpu.memref_slice %arg7[%dma_start3A_450, %dma_start3A_451] : memref<10112x128xf32, #tpu.memory_space<vmem_shared>> -> memref<10112x128xf32, #tpu.memory_space<vmem_shared>>
        tpu.enqueue_indirect_dma source(%dma_start3A_446 : memref<128x128xf32, #tpu.memory_space<vmem>>) target(%dma_start3A_452 : memref<10112x128xf32, #tpu.memory_space<vmem_shared>>) offsets(%dma_start3A_449 : memref<128xi32, #tpu.memory_space<vmem>>) semaphore(%run_scoped3A_442 : memref<!tpu.dma_semaphore, #tpu.memory_space<semaphore_mem>>) {add = true}
        %dma_wait3A_453 = arith.constant 0 : i32
        %dma_wait3A_454 = arith.constant 0 : i32
        %dma_wait3A_455 = tpu.memref_slice %arg10[%rem3A_418, %dma_wait3A_453, %dma_wait3A_454] : memref<2x128x128xf32, #tpu.memory_space<vmem>> -> memref<1x128x128xf32, #tpu.memory_space<vmem>>
        %dma_wait3A_456 = tpu.memref_squeeze %dma_wait3A_455 : memref<1x128x128xf32, #tpu.memory_space<vmem>> -> memref<128x128xf32, #tpu.memory_space<vmem>>
        %dma_wait3A_457 = arith.constant 0 : i32
        %dma_wait3A_458 = tpu.memref_slice %arg9[%add3A_416, %dma_wait3A_457] : memref<79x128xi32, #tpu.memory_space<vmem>> -> memref<1x128xi32, #tpu.memory_space<vmem>>
        %dma_wait3A_459 = tpu.memref_squeeze %dma_wait3A_458 : memref<1x128xi32, #tpu.memory_space<vmem>> -> memref<128xi32, #tpu.memory_space<vmem>>
        %dma_wait3A_460 = arith.constant 0 : i32
        %dma_wait3A_461 = arith.constant 0 : i32
        %dma_wait3A_462 = tpu.memref_slice %arg7[%dma_wait3A_460, %dma_wait3A_461] : memref<10112x128xf32, #tpu.memory_space<vmem_shared>> -> memref<10112x128xf32, #tpu.memory_space<vmem_shared>>
        tpu.wait_indirect_dma semaphore(%run_scoped3A_442 : memref<!tpu.dma_semaphore, #tpu.memory_space<semaphore_mem>>) src(%dma_wait3A_456 : memref<128x128xf32, #tpu.memory_space<vmem>>) dst(%dma_wait3A_462 : memref<10112x128xf32, #tpu.memory_space<vmem_shared>>)
        tpu.yield
      }) : () -> ()
      %sub3A_430 = arith.constant 1 : i32
      %sub3A_431 = arith.subi %sub3A_430, %rem3A_192 : i32
      %dma_start3A_432 = arith.constant 0 : i32
      %dma_start3A_433 = arith.constant 0 : i32
      %dma_start3A_434 = tpu.memref_slice %arg10[%rem3A_418, %dma_start3A_432, %dma_start3A_433] : memref<2x128x128xf32, #tpu.memory_space<vmem>> -> memref<1x128x128xf32, #tpu.memory_space<vmem>>
      %dma_start3A_435 = tpu.memref_squeeze %dma_start3A_434 : memref<1x128x128xf32, #tpu.memory_space<vmem>> -> memref<128x128xf32, #tpu.memory_space<vmem>>
      %dma_start3A_436 = arith.constant 128 : i32
      %dma_start3A_437 = tpu.memref_slice %arg8[%sub3A_431, %dma_start3A_436] : memref<2x1024xi32, #tpu.memory_space<vmem>> -> memref<1x128xi32, #tpu.memory_space<vmem>>
      %dma_start3A_438 = tpu.memref_squeeze %dma_start3A_437 : memref<1x128xi32, #tpu.memory_space<vmem>> -> memref<128xi32, #tpu.memory_space<vmem>>
      %dma_start3A_439 = arith.constant 0 : i32
      %dma_start3A_440 = arith.constant 0 : i32
      %dma_start3A_441 = tpu.memref_slice %arg2[%dma_start3A_439, %dma_start3A_440] : memref<10000x128xf32, #tpu.memory_space<hbm>> -> memref<10000x128xf32, #tpu.memory_space<hbm>>
      tpu.enqueue_indirect_dma source(%dma_start3A_441 : memref<10000x128xf32, #tpu.memory_space<hbm>>) target(%dma_start3A_435 : memref<128x128xf32, #tpu.memory_space<vmem>>) offsets(%dma_start3A_438 : memref<128xi32, #tpu.memory_space<vmem>>) semaphore(%arg11 : memref<!tpu.dma_semaphore, #tpu.memory_space<semaphore_mem>>)
    }
    %scan3A_30 = arith.constant 9 : i32
    %rem3A = arith.constant 72 : i32
    %rem3A_31 = arith.constant 2 : i32
    %rem3A_32 = arith.remsi %rem3A, %rem3A_31 : i32
    %dma_wait3A = arith.constant 0 : i32
    %dma_wait3A_33 = arith.constant 0 : i32
    %dma_wait3A_34 = arith.constant 0 : i32
    %dma_wait3A_35 = tpu.memref_slice %arg10[%rem3A_32, %dma_wait3A_33, %dma_wait3A_34] : memref<2x128x128xf32, #tpu.memory_space<vmem>> -> memref<1x128x128xf32, #tpu.memory_space<vmem>>
    %dma_wait3A_36 = tpu.memref_squeeze %dma_wait3A_35 : memref<1x128x128xf32, #tpu.memory_space<vmem>> -> memref<128x128xf32, #tpu.memory_space<vmem>>
    %dma_wait3A_37 = arith.constant 0 : i32
    %dma_wait3A_38 = tpu.memref_slice %arg8[%dma_wait3A, %dma_wait3A_37] : memref<2x1024xi32, #tpu.memory_space<vmem>> -> memref<1x128xi32, #tpu.memory_space<vmem>>
    %dma_wait3A_39 = tpu.memref_squeeze %dma_wait3A_38 : memref<1x128xi32, #tpu.memory_space<vmem>> -> memref<128xi32, #tpu.memory_space<vmem>>
    %dma_wait3A_40 = arith.constant 0 : i32
    %dma_wait3A_41 = arith.constant 0 : i32
    %dma_wait3A_42 = tpu.memref_slice %arg2[%dma_wait3A_40, %dma_wait3A_41] : memref<10000x128xf32, #tpu.memory_space<hbm>> -> memref<10000x128xf32, #tpu.memory_space<hbm>>
    tpu.wait_indirect_dma semaphore(%arg11 : memref<!tpu.dma_semaphore, #tpu.memory_space<semaphore_mem>>) src(%dma_wait3A_42 : memref<10000x128xf32, #tpu.memory_space<hbm>>) dst(%dma_wait3A_36 : memref<128x128xf32, #tpu.memory_space<vmem>>)
    %run_scoped3A_43 = arith.constant 72 : i32
    "tpu.region"() ({
      %run_scoped3A_190 = tpu.sem_alloc : memref<!tpu.dma_semaphore, #tpu.memory_space<semaphore_mem>>
      %dma_start3A_191 = arith.constant 0 : i32
      %dma_start3A_192 = arith.constant 0 : i32
      %dma_start3A_193 = tpu.memref_slice %arg10[%rem3A_32, %dma_start3A_191, %dma_start3A_192] : memref<2x128x128xf32, #tpu.memory_space<vmem>> -> memref<1x128x128xf32, #tpu.memory_space<vmem>>
      %dma_start3A_194 = tpu.memref_squeeze %dma_start3A_193 : memref<1x128x128xf32, #tpu.memory_space<vmem>> -> memref<128x128xf32, #tpu.memory_space<vmem>>
      %dma_start3A_195 = arith.constant 0 : i32
      %dma_start3A_196 = tpu.memref_slice %arg9[%run_scoped3A_43, %dma_start3A_195] : memref<79x128xi32, #tpu.memory_space<vmem>> -> memref<1x128xi32, #tpu.memory_space<vmem>>
      %dma_start3A_197 = tpu.memref_squeeze %dma_start3A_196 : memref<1x128xi32, #tpu.memory_space<vmem>> -> memref<128xi32, #tpu.memory_space<vmem>>
      %dma_start3A_198 = arith.constant 0 : i32
      %dma_start3A_199 = arith.constant 0 : i32
      %dma_start3A_200 = tpu.memref_slice %arg7[%dma_start3A_198, %dma_start3A_199] : memref<10112x128xf32, #tpu.memory_space<vmem_shared>> -> memref<10112x128xf32, #tpu.memory_space<vmem_shared>>
      tpu.enqueue_indirect_dma source(%dma_start3A_194 : memref<128x128xf32, #tpu.memory_space<vmem>>) target(%dma_start3A_200 : memref<10112x128xf32, #tpu.memory_space<vmem_shared>>) offsets(%dma_start3A_197 : memref<128xi32, #tpu.memory_space<vmem>>) semaphore(%run_scoped3A_190 : memref<!tpu.dma_semaphore, #tpu.memory_space<semaphore_mem>>) {add = true}
      %dma_wait3A_201 = arith.constant 0 : i32
      %dma_wait3A_202 = arith.constant 0 : i32
      %dma_wait3A_203 = tpu.memref_slice %arg10[%rem3A_32, %dma_wait3A_201, %dma_wait3A_202] : memref<2x128x128xf32, #tpu.memory_space<vmem>> -> memref<1x128x128xf32, #tpu.memory_space<vmem>>
      %dma_wait3A_204 = tpu.memref_squeeze %dma_wait3A_203 : memref<1x128x128xf32, #tpu.memory_space<vmem>> -> memref<128x128xf32, #tpu.memory_space<vmem>>
      %dma_wait3A_205 = arith.constant 0 : i32
      %dma_wait3A_206 = tpu.memref_slice %arg9[%run_scoped3A_43, %dma_wait3A_205] : memref<79x128xi32, #tpu.memory_space<vmem>> -> memref<1x128xi32, #tpu.memory_space<vmem>>
      %dma_wait3A_207 = tpu.memref_squeeze %dma_wait3A_206 : memref<1x128xi32, #tpu.memory_space<vmem>> -> memref<128xi32, #tpu.memory_space<vmem>>
      %dma_wait3A_208 = arith.constant 0 : i32
      %dma_wait3A_209 = arith.constant 0 : i32
      %dma_wait3A_210 = tpu.memref_slice %arg7[%dma_wait3A_208, %dma_wait3A_209] : memref<10112x128xf32, #tpu.memory_space<vmem_shared>> -> memref<10112x128xf32, #tpu.memory_space<vmem_shared>>
      tpu.wait_indirect_dma semaphore(%run_scoped3A_190 : memref<!tpu.dma_semaphore, #tpu.memory_space<semaphore_mem>>) src(%dma_wait3A_204 : memref<128x128xf32, #tpu.memory_space<vmem>>) dst(%dma_wait3A_210 : memref<10112x128xf32, #tpu.memory_space<vmem_shared>>)
      tpu.yield
    }) : () -> ()
    %dma_start3A_44 = arith.constant 1 : i32
    %dma_start3A_45 = arith.constant 0 : i32
    %dma_start3A_46 = arith.constant 0 : i32
    %dma_start3A_47 = tpu.memref_slice %arg10[%rem3A_32, %dma_start3A_45, %dma_start3A_46] : memref<2x128x128xf32, #tpu.memory_space<vmem>> -> memref<1x128x128xf32, #tpu.memory_space<vmem>>
    %dma_start3A_48 = tpu.memref_squeeze %dma_start3A_47 : memref<1x128x128xf32, #tpu.memory_space<vmem>> -> memref<128x128xf32, #tpu.memory_space<vmem>>
    %dma_start3A_49 = arith.constant 256 : i32
    %dma_start3A_50 = tpu.memref_slice %arg8[%dma_start3A_44, %dma_start3A_49] : memref<2x1024xi32, #tpu.memory_space<vmem>> -> memref<1x128xi32, #tpu.memory_space<vmem>>
    %dma_start3A_51 = tpu.memref_squeeze %dma_start3A_50 : memref<1x128xi32, #tpu.memory_space<vmem>> -> memref<128xi32, #tpu.memory_space<vmem>>
    %dma_start3A_52 = arith.constant 0 : i32
    %dma_start3A_53 = arith.constant 0 : i32
    %dma_start3A_54 = tpu.memref_slice %arg2[%dma_start3A_52, %dma_start3A_53] : memref<10000x128xf32, #tpu.memory_space<hbm>> -> memref<10000x128xf32, #tpu.memory_space<hbm>>
    tpu.enqueue_indirect_dma source(%dma_start3A_54 : memref<10000x128xf32, #tpu.memory_space<hbm>>) target(%dma_start3A_48 : memref<128x128xf32, #tpu.memory_space<vmem>>) offsets(%dma_start3A_51 : memref<128xi32, #tpu.memory_space<vmem>>) semaphore(%arg11 : memref<!tpu.dma_semaphore, #tpu.memory_space<semaphore_mem>>)
    %rem3A_55 = arith.constant 73 : i32
    %rem3A_56 = arith.constant 2 : i32
    %rem3A_57 = arith.remsi %rem3A_55, %rem3A_56 : i32
    %dma_wait3A_58 = arith.constant 0 : i32
    %dma_wait3A_59 = arith.constant 0 : i32
    %dma_wait3A_60 = arith.constant 0 : i32
    %dma_wait3A_61 = tpu.memref_slice %arg10[%rem3A_57, %dma_wait3A_59, %dma_wait3A_60] : memref<2x128x128xf32, #tpu.memory_space<vmem>> -> memref<1x128x128xf32, #tpu.memory_space<vmem>>
    %dma_wait3A_62 = tpu.memref_squeeze %dma_wait3A_61 : memref<1x128x128xf32, #tpu.memory_space<vmem>> -> memref<128x128xf32, #tpu.memory_space<vmem>>
    %dma_wait3A_63 = arith.constant 0 : i32
    %dma_wait3A_64 = tpu.memref_slice %arg8[%dma_wait3A_58, %dma_wait3A_63] : memref<2x1024xi32, #tpu.memory_space<vmem>> -> memref<1x128xi32, #tpu.memory_space<vmem>>
    %dma_wait3A_65 = tpu.memref_squeeze %dma_wait3A_64 : memref<1x128xi32, #tpu.memory_space<vmem>> -> memref<128xi32, #tpu.memory_space<vmem>>
    %dma_wait3A_66 = arith.constant 0 : i32
    %dma_wait3A_67 = arith.constant 0 : i32
    %dma_wait3A_68 = tpu.memref_slice %arg2[%dma_wait3A_66, %dma_wait3A_67] : memref<10000x128xf32, #tpu.memory_space<hbm>> -> memref<10000x128xf32, #tpu.memory_space<hbm>>
    tpu.wait_indirect_dma semaphore(%arg11 : memref<!tpu.dma_semaphore, #tpu.memory_space<semaphore_mem>>) src(%dma_wait3A_68 : memref<10000x128xf32, #tpu.memory_space<hbm>>) dst(%dma_wait3A_62 : memref<128x128xf32, #tpu.memory_space<vmem>>)
    %run_scoped3A_69 = arith.constant 73 : i32
    "tpu.region"() ({
      %run_scoped3A_190 = tpu.sem_alloc : memref<!tpu.dma_semaphore, #tpu.memory_space<semaphore_mem>>
      %dma_start3A_191 = arith.constant 0 : i32
      %dma_start3A_192 = arith.constant 0 : i32
      %dma_start3A_193 = tpu.memref_slice %arg10[%rem3A_57, %dma_start3A_191, %dma_start3A_192] : memref<2x128x128xf32, #tpu.memory_space<vmem>> -> memref<1x128x128xf32, #tpu.memory_space<vmem>>
      %dma_start3A_194 = tpu.memref_squeeze %dma_start3A_193 : memref<1x128x128xf32, #tpu.memory_space<vmem>> -> memref<128x128xf32, #tpu.memory_space<vmem>>
      %dma_start3A_195 = arith.constant 0 : i32
      %dma_start3A_196 = tpu.memref_slice %arg9[%run_scoped3A_69, %dma_start3A_195] : memref<79x128xi32, #tpu.memory_space<vmem>> -> memref<1x128xi32, #tpu.memory_space<vmem>>
      %dma_start3A_197 = tpu.memref_squeeze %dma_start3A_196 : memref<1x128xi32, #tpu.memory_space<vmem>> -> memref<128xi32, #tpu.memory_space<vmem>>
      %dma_start3A_198 = arith.constant 0 : i32
      %dma_start3A_199 = arith.constant 0 : i32
      %dma_start3A_200 = tpu.memref_slice %arg7[%dma_start3A_198, %dma_start3A_199] : memref<10112x128xf32, #tpu.memory_space<vmem_shared>> -> memref<10112x128xf32, #tpu.memory_space<vmem_shared>>
      tpu.enqueue_indirect_dma source(%dma_start3A_194 : memref<128x128xf32, #tpu.memory_space<vmem>>) target(%dma_start3A_200 : memref<10112x128xf32, #tpu.memory_space<vmem_shared>>) offsets(%dma_start3A_197 : memref<128xi32, #tpu.memory_space<vmem>>) semaphore(%run_scoped3A_190 : memref<!tpu.dma_semaphore, #tpu.memory_space<semaphore_mem>>) {add = true}
      %dma_wait3A_201 = arith.constant 0 : i32
      %dma_wait3A_202 = arith.constant 0 : i32
      %dma_wait3A_203 = tpu.memref_slice %arg10[%rem3A_57, %dma_wait3A_201, %dma_wait3A_202] : memref<2x128x128xf32, #tpu.memory_space<vmem>> -> memref<1x128x128xf32, #tpu.memory_space<vmem>>
      %dma_wait3A_204 = tpu.memref_squeeze %dma_wait3A_203 : memref<1x128x128xf32, #tpu.memory_space<vmem>> -> memref<128x128xf32, #tpu.memory_space<vmem>>
      %dma_wait3A_205 = arith.constant 0 : i32
      %dma_wait3A_206 = tpu.memref_slice %arg9[%run_scoped3A_69, %dma_wait3A_205] : memref<79x128xi32, #tpu.memory_space<vmem>> -> memref<1x128xi32, #tpu.memory_space<vmem>>
      %dma_wait3A_207 = tpu.memref_squeeze %dma_wait3A_206 : memref<1x128xi32, #tpu.memory_space<vmem>> -> memref<128xi32, #tpu.memory_space<vmem>>
      %dma_wait3A_208 = arith.constant 0 : i32
      %dma_wait3A_209 = arith.constant 0 : i32
      %dma_wait3A_210 = tpu.memref_slice %arg7[%dma_wait3A_208, %dma_wait3A_209] : memref<10112x128xf32, #tpu.memory_space<vmem_shared>> -> memref<10112x128xf32, #tpu.memory_space<vmem_shared>>
      tpu.wait_indirect_dma semaphore(%run_scoped3A_190 : memref<!tpu.dma_semaphore, #tpu.memory_space<semaphore_mem>>) src(%dma_wait3A_204 : memref<128x128xf32, #tpu.memory_space<vmem>>) dst(%dma_wait3A_210 : memref<10112x128xf32, #tpu.memory_space<vmem_shared>>)
      tpu.yield
    }) : () -> ()
    %dma_start3A_70 = arith.constant 1 : i32
    %dma_start3A_71 = arith.constant 0 : i32
    %dma_start3A_72 = arith.constant 0 : i32
    %dma_start3A_73 = tpu.memref_slice %arg10[%rem3A_57, %dma_start3A_71, %dma_start3A_72] : memref<2x128x128xf32, #tpu.memory_space<vmem>> -> memref<1x128x128xf32, #tpu.memory_space<vmem>>
    %dma_start3A_74 = tpu.memref_squeeze %dma_start3A_73 : memref<1x128x128xf32, #tpu.memory_space<vmem>> -> memref<128x128xf32, #tpu.memory_space<vmem>>
    %dma_start3A_75 = arith.constant 384 : i32
    %dma_start3A_76 = tpu.memref_slice %arg8[%dma_start3A_70, %dma_start3A_75] : memref<2x1024xi32, #tpu.memory_space<vmem>> -> memref<1x128xi32, #tpu.memory_space<vmem>>
    %dma_start3A_77 = tpu.memref_squeeze %dma_start3A_76 : memref<1x128xi32, #tpu.memory_space<vmem>> -> memref<128xi32, #tpu.memory_space<vmem>>
    %dma_start3A_78 = arith.constant 0 : i32
    %dma_start3A_79 = arith.constant 0 : i32
    %dma_start3A_80 = tpu.memref_slice %arg2[%dma_start3A_78, %dma_start3A_79] : memref<10000x128xf32, #tpu.memory_space<hbm>> -> memref<10000x128xf32, #tpu.memory_space<hbm>>
    tpu.enqueue_indirect_dma source(%dma_start3A_80 : memref<10000x128xf32, #tpu.memory_space<hbm>>) target(%dma_start3A_74 : memref<128x128xf32, #tpu.memory_space<vmem>>) offsets(%dma_start3A_77 : memref<128xi32, #tpu.memory_space<vmem>>) semaphore(%arg11 : memref<!tpu.dma_semaphore, #tpu.memory_space<semaphore_mem>>)
    %rem3A_81 = arith.constant 74 : i32
    %rem3A_82 = arith.constant 2 : i32
    %rem3A_83 = arith.remsi %rem3A_81, %rem3A_82 : i32
    %dma_wait3A_84 = arith.constant 0 : i32
    %dma_wait3A_85 = arith.constant 0 : i32
    %dma_wait3A_86 = arith.constant 0 : i32
    %dma_wait3A_87 = tpu.memref_slice %arg10[%rem3A_83, %dma_wait3A_85, %dma_wait3A_86] : memref<2x128x128xf32, #tpu.memory_space<vmem>> -> memref<1x128x128xf32, #tpu.memory_space<vmem>>
    %dma_wait3A_88 = tpu.memref_squeeze %dma_wait3A_87 : memref<1x128x128xf32, #tpu.memory_space<vmem>> -> memref<128x128xf32, #tpu.memory_space<vmem>>
    %dma_wait3A_89 = arith.constant 0 : i32
    %dma_wait3A_90 = tpu.memref_slice %arg8[%dma_wait3A_84, %dma_wait3A_89] : memref<2x1024xi32, #tpu.memory_space<vmem>> -> memref<1x128xi32, #tpu.memory_space<vmem>>
    %dma_wait3A_91 = tpu.memref_squeeze %dma_wait3A_90 : memref<1x128xi32, #tpu.memory_space<vmem>> -> memref<128xi32, #tpu.memory_space<vmem>>
    %dma_wait3A_92 = arith.constant 0 : i32
    %dma_wait3A_93 = arith.constant 0 : i32
    %dma_wait3A_94 = tpu.memref_slice %arg2[%dma_wait3A_92, %dma_wait3A_93] : memref<10000x128xf32, #tpu.memory_space<hbm>> -> memref<10000x128xf32, #tpu.memory_space<hbm>>
    tpu.wait_indirect_dma semaphore(%arg11 : memref<!tpu.dma_semaphore, #tpu.memory_space<semaphore_mem>>) src(%dma_wait3A_94 : memref<10000x128xf32, #tpu.memory_space<hbm>>) dst(%dma_wait3A_88 : memref<128x128xf32, #tpu.memory_space<vmem>>)
    %run_scoped3A_95 = arith.constant 74 : i32
    "tpu.region"() ({
      %run_scoped3A_190 = tpu.sem_alloc : memref<!tpu.dma_semaphore, #tpu.memory_space<semaphore_mem>>
      %dma_start3A_191 = arith.constant 0 : i32
      %dma_start3A_192 = arith.constant 0 : i32
      %dma_start3A_193 = tpu.memref_slice %arg10[%rem3A_83, %dma_start3A_191, %dma_start3A_192] : memref<2x128x128xf32, #tpu.memory_space<vmem>> -> memref<1x128x128xf32, #tpu.memory_space<vmem>>
      %dma_start3A_194 = tpu.memref_squeeze %dma_start3A_193 : memref<1x128x128xf32, #tpu.memory_space<vmem>> -> memref<128x128xf32, #tpu.memory_space<vmem>>
      %dma_start3A_195 = arith.constant 0 : i32
      %dma_start3A_196 = tpu.memref_slice %arg9[%run_scoped3A_95, %dma_start3A_195] : memref<79x128xi32, #tpu.memory_space<vmem>> -> memref<1x128xi32, #tpu.memory_space<vmem>>
      %dma_start3A_197 = tpu.memref_squeeze %dma_start3A_196 : memref<1x128xi32, #tpu.memory_space<vmem>> -> memref<128xi32, #tpu.memory_space<vmem>>
      %dma_start3A_198 = arith.constant 0 : i32
      %dma_start3A_199 = arith.constant 0 : i32
      %dma_start3A_200 = tpu.memref_slice %arg7[%dma_start3A_198, %dma_start3A_199] : memref<10112x128xf32, #tpu.memory_space<vmem_shared>> -> memref<10112x128xf32, #tpu.memory_space<vmem_shared>>
      tpu.enqueue_indirect_dma source(%dma_start3A_194 : memref<128x128xf32, #tpu.memory_space<vmem>>) target(%dma_start3A_200 : memref<10112x128xf32, #tpu.memory_space<vmem_shared>>) offsets(%dma_start3A_197 : memref<128xi32, #tpu.memory_space<vmem>>) semaphore(%run_scoped3A_190 : memref<!tpu.dma_semaphore, #tpu.memory_space<semaphore_mem>>) {add = true}
      %dma_wait3A_201 = arith.constant 0 : i32
      %dma_wait3A_202 = arith.constant 0 : i32
      %dma_wait3A_203 = tpu.memref_slice %arg10[%rem3A_83, %dma_wait3A_201, %dma_wait3A_202] : memref<2x128x128xf32, #tpu.memory_space<vmem>> -> memref<1x128x128xf32, #tpu.memory_space<vmem>>
      %dma_wait3A_204 = tpu.memref_squeeze %dma_wait3A_203 : memref<1x128x128xf32, #tpu.memory_space<vmem>> -> memref<128x128xf32, #tpu.memory_space<vmem>>
      %dma_wait3A_205 = arith.constant 0 : i32
      %dma_wait3A_206 = tpu.memref_slice %arg9[%run_scoped3A_95, %dma_wait3A_205] : memref<79x128xi32, #tpu.memory_space<vmem>> -> memref<1x128xi32, #tpu.memory_space<vmem>>
      %dma_wait3A_207 = tpu.memref_squeeze %dma_wait3A_206 : memref<1x128xi32, #tpu.memory_space<vmem>> -> memref<128xi32, #tpu.memory_space<vmem>>
      %dma_wait3A_208 = arith.constant 0 : i32
      %dma_wait3A_209 = arith.constant 0 : i32
      %dma_wait3A_210 = tpu.memref_slice %arg7[%dma_wait3A_208, %dma_wait3A_209] : memref<10112x128xf32, #tpu.memory_space<vmem_shared>> -> memref<10112x128xf32, #tpu.memory_space<vmem_shared>>
      tpu.wait_indirect_dma semaphore(%run_scoped3A_190 : memref<!tpu.dma_semaphore, #tpu.memory_space<semaphore_mem>>) src(%dma_wait3A_204 : memref<128x128xf32, #tpu.memory_space<vmem>>) dst(%dma_wait3A_210 : memref<10112x128xf32, #tpu.memory_space<vmem_shared>>)
      tpu.yield
    }) : () -> ()
    %dma_start3A_96 = arith.constant 1 : i32
    %dma_start3A_97 = arith.constant 0 : i32
    %dma_start3A_98 = arith.constant 0 : i32
    %dma_start3A_99 = tpu.memref_slice %arg10[%rem3A_83, %dma_start3A_97, %dma_start3A_98] : memref<2x128x128xf32, #tpu.memory_space<vmem>> -> memref<1x128x128xf32, #tpu.memory_space<vmem>>
    %dma_start3A_100 = tpu.memref_squeeze %dma_start3A_99 : memref<1x128x128xf32, #tpu.memory_space<vmem>> -> memref<128x128xf32, #tpu.memory_space<vmem>>
    %dma_start3A_101 = arith.constant 512 : i32
    %dma_start3A_102 = tpu.memref_slice %arg8[%dma_start3A_96, %dma_start3A_101] : memref<2x1024xi32, #tpu.memory_space<vmem>> -> memref<1x128xi32, #tpu.memory_space<vmem>>
    %dma_start3A_103 = tpu.memref_squeeze %dma_start3A_102 : memref<1x128xi32, #tpu.memory_space<vmem>> -> memref<128xi32, #tpu.memory_space<vmem>>
    %dma_start3A_104 = arith.constant 0 : i32
    %dma_start3A_105 = arith.constant 0 : i32
    %dma_start3A_106 = tpu.memref_slice %arg2[%dma_start3A_104, %dma_start3A_105] : memref<10000x128xf32, #tpu.memory_space<hbm>> -> memref<10000x128xf32, #tpu.memory_space<hbm>>
    tpu.enqueue_indirect_dma source(%dma_start3A_106 : memref<10000x128xf32, #tpu.memory_space<hbm>>) target(%dma_start3A_100 : memref<128x128xf32, #tpu.memory_space<vmem>>) offsets(%dma_start3A_103 : memref<128xi32, #tpu.memory_space<vmem>>) semaphore(%arg11 : memref<!tpu.dma_semaphore, #tpu.memory_space<semaphore_mem>>)
    %rem3A_107 = arith.constant 75 : i32
    %rem3A_108 = arith.constant 2 : i32
    %rem3A_109 = arith.remsi %rem3A_107, %rem3A_108 : i32
    %dma_wait3A_110 = arith.constant 0 : i32
    %dma_wait3A_111 = arith.constant 0 : i32
    %dma_wait3A_112 = arith.constant 0 : i32
    %dma_wait3A_113 = tpu.memref_slice %arg10[%rem3A_109, %dma_wait3A_111, %dma_wait3A_112] : memref<2x128x128xf32, #tpu.memory_space<vmem>> -> memref<1x128x128xf32, #tpu.memory_space<vmem>>
    %dma_wait3A_114 = tpu.memref_squeeze %dma_wait3A_113 : memref<1x128x128xf32, #tpu.memory_space<vmem>> -> memref<128x128xf32, #tpu.memory_space<vmem>>
    %dma_wait3A_115 = arith.constant 0 : i32
    %dma_wait3A_116 = tpu.memref_slice %arg8[%dma_wait3A_110, %dma_wait3A_115] : memref<2x1024xi32, #tpu.memory_space<vmem>> -> memref<1x128xi32, #tpu.memory_space<vmem>>
    %dma_wait3A_117 = tpu.memref_squeeze %dma_wait3A_116 : memref<1x128xi32, #tpu.memory_space<vmem>> -> memref<128xi32, #tpu.memory_space<vmem>>
    %dma_wait3A_118 = arith.constant 0 : i32
    %dma_wait3A_119 = arith.constant 0 : i32
    %dma_wait3A_120 = tpu.memref_slice %arg2[%dma_wait3A_118, %dma_wait3A_119] : memref<10000x128xf32, #tpu.memory_space<hbm>> -> memref<10000x128xf32, #tpu.memory_space<hbm>>
    tpu.wait_indirect_dma semaphore(%arg11 : memref<!tpu.dma_semaphore, #tpu.memory_space<semaphore_mem>>) src(%dma_wait3A_120 : memref<10000x128xf32, #tpu.memory_space<hbm>>) dst(%dma_wait3A_114 : memref<128x128xf32, #tpu.memory_space<vmem>>)
    %run_scoped3A_121 = arith.constant 75 : i32
    "tpu.region"() ({
      %run_scoped3A_190 = tpu.sem_alloc : memref<!tpu.dma_semaphore, #tpu.memory_space<semaphore_mem>>
      %dma_start3A_191 = arith.constant 0 : i32
      %dma_start3A_192 = arith.constant 0 : i32
      %dma_start3A_193 = tpu.memref_slice %arg10[%rem3A_109, %dma_start3A_191, %dma_start3A_192] : memref<2x128x128xf32, #tpu.memory_space<vmem>> -> memref<1x128x128xf32, #tpu.memory_space<vmem>>
      %dma_start3A_194 = tpu.memref_squeeze %dma_start3A_193 : memref<1x128x128xf32, #tpu.memory_space<vmem>> -> memref<128x128xf32, #tpu.memory_space<vmem>>
      %dma_start3A_195 = arith.constant 0 : i32
      %dma_start3A_196 = tpu.memref_slice %arg9[%run_scoped3A_121, %dma_start3A_195] : memref<79x128xi32, #tpu.memory_space<vmem>> -> memref<1x128xi32, #tpu.memory_space<vmem>>
      %dma_start3A_197 = tpu.memref_squeeze %dma_start3A_196 : memref<1x128xi32, #tpu.memory_space<vmem>> -> memref<128xi32, #tpu.memory_space<vmem>>
      %dma_start3A_198 = arith.constant 0 : i32
      %dma_start3A_199 = arith.constant 0 : i32
      %dma_start3A_200 = tpu.memref_slice %arg7[%dma_start3A_198, %dma_start3A_199] : memref<10112x128xf32, #tpu.memory_space<vmem_shared>> -> memref<10112x128xf32, #tpu.memory_space<vmem_shared>>
      tpu.enqueue_indirect_dma source(%dma_start3A_194 : memref<128x128xf32, #tpu.memory_space<vmem>>) target(%dma_start3A_200 : memref<10112x128xf32, #tpu.memory_space<vmem_shared>>) offsets(%dma_start3A_197 : memref<128xi32, #tpu.memory_space<vmem>>) semaphore(%run_scoped3A_190 : memref<!tpu.dma_semaphore, #tpu.memory_space<semaphore_mem>>) {add = true}
      %dma_wait3A_201 = arith.constant 0 : i32
      %dma_wait3A_202 = arith.constant 0 : i32
      %dma_wait3A_203 = tpu.memref_slice %arg10[%rem3A_109, %dma_wait3A_201, %dma_wait3A_202] : memref<2x128x128xf32, #tpu.memory_space<vmem>> -> memref<1x128x128xf32, #tpu.memory_space<vmem>>
      %dma_wait3A_204 = tpu.memref_squeeze %dma_wait3A_203 : memref<1x128x128xf32, #tpu.memory_space<vmem>> -> memref<128x128xf32, #tpu.memory_space<vmem>>
      %dma_wait3A_205 = arith.constant 0 : i32
      %dma_wait3A_206 = tpu.memref_slice %arg9[%run_scoped3A_121, %dma_wait3A_205] : memref<79x128xi32, #tpu.memory_space<vmem>> -> memref<1x128xi32, #tpu.memory_space<vmem>>
      %dma_wait3A_207 = tpu.memref_squeeze %dma_wait3A_206 : memref<1x128xi32, #tpu.memory_space<vmem>> -> memref<128xi32, #tpu.memory_space<vmem>>
      %dma_wait3A_208 = arith.constant 0 : i32
      %dma_wait3A_209 = arith.constant 0 : i32
      %dma_wait3A_210 = tpu.memref_slice %arg7[%dma_wait3A_208, %dma_wait3A_209] : memref<10112x128xf32, #tpu.memory_space<vmem_shared>> -> memref<10112x128xf32, #tpu.memory_space<vmem_shared>>
      tpu.wait_indirect_dma semaphore(%run_scoped3A_190 : memref<!tpu.dma_semaphore, #tpu.memory_space<semaphore_mem>>) src(%dma_wait3A_204 : memref<128x128xf32, #tpu.memory_space<vmem>>) dst(%dma_wait3A_210 : memref<10112x128xf32, #tpu.memory_space<vmem_shared>>)
      tpu.yield
    }) : () -> ()
    %dma_start3A_122 = arith.constant 1 : i32
    %dma_start3A_123 = arith.constant 0 : i32
    %dma_start3A_124 = arith.constant 0 : i32
    %dma_start3A_125 = tpu.memref_slice %arg10[%rem3A_109, %dma_start3A_123, %dma_start3A_124] : memref<2x128x128xf32, #tpu.memory_space<vmem>> -> memref<1x128x128xf32, #tpu.memory_space<vmem>>
    %dma_start3A_126 = tpu.memref_squeeze %dma_start3A_125 : memref<1x128x128xf32, #tpu.memory_space<vmem>> -> memref<128x128xf32, #tpu.memory_space<vmem>>
    %dma_start3A_127 = arith.constant 640 : i32
    %dma_start3A_128 = tpu.memref_slice %arg8[%dma_start3A_122, %dma_start3A_127] : memref<2x1024xi32, #tpu.memory_space<vmem>> -> memref<1x128xi32, #tpu.memory_space<vmem>>
    %dma_start3A_129 = tpu.memref_squeeze %dma_start3A_128 : memref<1x128xi32, #tpu.memory_space<vmem>> -> memref<128xi32, #tpu.memory_space<vmem>>
    %dma_start3A_130 = arith.constant 0 : i32
    %dma_start3A_131 = arith.constant 0 : i32
    %dma_start3A_132 = tpu.memref_slice %arg2[%dma_start3A_130, %dma_start3A_131] : memref<10000x128xf32, #tpu.memory_space<hbm>> -> memref<10000x128xf32, #tpu.memory_space<hbm>>
    tpu.enqueue_indirect_dma source(%dma_start3A_132 : memref<10000x128xf32, #tpu.memory_space<hbm>>) target(%dma_start3A_126 : memref<128x128xf32, #tpu.memory_space<vmem>>) offsets(%dma_start3A_129 : memref<128xi32, #tpu.memory_space<vmem>>) semaphore(%arg11 : memref<!tpu.dma_semaphore, #tpu.memory_space<semaphore_mem>>)
    %rem3A_133 = arith.constant 76 : i32
    %rem3A_134 = arith.constant 2 : i32
    %rem3A_135 = arith.remsi %rem3A_133, %rem3A_134 : i32
    %dma_wait3A_136 = arith.constant 0 : i32
    %dma_wait3A_137 = arith.constant 0 : i32
    %dma_wait3A_138 = arith.constant 0 : i32
    %dma_wait3A_139 = tpu.memref_slice %arg10[%rem3A_135, %dma_wait3A_137, %dma_wait3A_138] : memref<2x128x128xf32, #tpu.memory_space<vmem>> -> memref<1x128x128xf32, #tpu.memory_space<vmem>>
    %dma_wait3A_140 = tpu.memref_squeeze %dma_wait3A_139 : memref<1x128x128xf32, #tpu.memory_space<vmem>> -> memref<128x128xf32, #tpu.memory_space<vmem>>
    %dma_wait3A_141 = arith.constant 0 : i32
    %dma_wait3A_142 = tpu.memref_slice %arg8[%dma_wait3A_136, %dma_wait3A_141] : memref<2x1024xi32, #tpu.memory_space<vmem>> -> memref<1x128xi32, #tpu.memory_space<vmem>>
    %dma_wait3A_143 = tpu.memref_squeeze %dma_wait3A_142 : memref<1x128xi32, #tpu.memory_space<vmem>> -> memref<128xi32, #tpu.memory_space<vmem>>
    %dma_wait3A_144 = arith.constant 0 : i32
    %dma_wait3A_145 = arith.constant 0 : i32
    %dma_wait3A_146 = tpu.memref_slice %arg2[%dma_wait3A_144, %dma_wait3A_145] : memref<10000x128xf32, #tpu.memory_space<hbm>> -> memref<10000x128xf32, #tpu.memory_space<hbm>>
    tpu.wait_indirect_dma semaphore(%arg11 : memref<!tpu.dma_semaphore, #tpu.memory_space<semaphore_mem>>) src(%dma_wait3A_146 : memref<10000x128xf32, #tpu.memory_space<hbm>>) dst(%dma_wait3A_140 : memref<128x128xf32, #tpu.memory_space<vmem>>)
    %run_scoped3A_147 = arith.constant 76 : i32
    "tpu.region"() ({
      %run_scoped3A_190 = tpu.sem_alloc : memref<!tpu.dma_semaphore, #tpu.memory_space<semaphore_mem>>
      %dma_start3A_191 = arith.constant 0 : i32
      %dma_start3A_192 = arith.constant 0 : i32
      %dma_start3A_193 = tpu.memref_slice %arg10[%rem3A_135, %dma_start3A_191, %dma_start3A_192] : memref<2x128x128xf32, #tpu.memory_space<vmem>> -> memref<1x128x128xf32, #tpu.memory_space<vmem>>
      %dma_start3A_194 = tpu.memref_squeeze %dma_start3A_193 : memref<1x128x128xf32, #tpu.memory_space<vmem>> -> memref<128x128xf32, #tpu.memory_space<vmem>>
      %dma_start3A_195 = arith.constant 0 : i32
      %dma_start3A_196 = tpu.memref_slice %arg9[%run_scoped3A_147, %dma_start3A_195] : memref<79x128xi32, #tpu.memory_space<vmem>> -> memref<1x128xi32, #tpu.memory_space<vmem>>
      %dma_start3A_197 = tpu.memref_squeeze %dma_start3A_196 : memref<1x128xi32, #tpu.memory_space<vmem>> -> memref<128xi32, #tpu.memory_space<vmem>>
      %dma_start3A_198 = arith.constant 0 : i32
      %dma_start3A_199 = arith.constant 0 : i32
      %dma_start3A_200 = tpu.memref_slice %arg7[%dma_start3A_198, %dma_start3A_199] : memref<10112x128xf32, #tpu.memory_space<vmem_shared>> -> memref<10112x128xf32, #tpu.memory_space<vmem_shared>>
      tpu.enqueue_indirect_dma source(%dma_start3A_194 : memref<128x128xf32, #tpu.memory_space<vmem>>) target(%dma_start3A_200 : memref<10112x128xf32, #tpu.memory_space<vmem_shared>>) offsets(%dma_start3A_197 : memref<128xi32, #tpu.memory_space<vmem>>) semaphore(%run_scoped3A_190 : memref<!tpu.dma_semaphore, #tpu.memory_space<semaphore_mem>>) {add = true}
      %dma_wait3A_201 = arith.constant 0 : i32
      %dma_wait3A_202 = arith.constant 0 : i32
      %dma_wait3A_203 = tpu.memref_slice %arg10[%rem3A_135, %dma_wait3A_201, %dma_wait3A_202] : memref<2x128x128xf32, #tpu.memory_space<vmem>> -> memref<1x128x128xf32, #tpu.memory_space<vmem>>
      %dma_wait3A_204 = tpu.memref_squeeze %dma_wait3A_203 : memref<1x128x128xf32, #tpu.memory_space<vmem>> -> memref<128x128xf32, #tpu.memory_space<vmem>>
      %dma_wait3A_205 = arith.constant 0 : i32
      %dma_wait3A_206 = tpu.memref_slice %arg9[%run_scoped3A_147, %dma_wait3A_205] : memref<79x128xi32, #tpu.memory_space<vmem>> -> memref<1x128xi32, #tpu.memory_space<vmem>>
      %dma_wait3A_207 = tpu.memref_squeeze %dma_wait3A_206 : memref<1x128xi32, #tpu.memory_space<vmem>> -> memref<128xi32, #tpu.memory_space<vmem>>
      %dma_wait3A_208 = arith.constant 0 : i32
      %dma_wait3A_209 = arith.constant 0 : i32
      %dma_wait3A_210 = tpu.memref_slice %arg7[%dma_wait3A_208, %dma_wait3A_209] : memref<10112x128xf32, #tpu.memory_space<vmem_shared>> -> memref<10112x128xf32, #tpu.memory_space<vmem_shared>>
      tpu.wait_indirect_dma semaphore(%run_scoped3A_190 : memref<!tpu.dma_semaphore, #tpu.memory_space<semaphore_mem>>) src(%dma_wait3A_204 : memref<128x128xf32, #tpu.memory_space<vmem>>) dst(%dma_wait3A_210 : memref<10112x128xf32, #tpu.memory_space<vmem_shared>>)
      tpu.yield
    }) : () -> ()
    %dma_start3A_148 = arith.constant 1 : i32
    %dma_start3A_149 = arith.constant 0 : i32
    %dma_start3A_150 = arith.constant 0 : i32
    %dma_start3A_151 = tpu.memref_slice %arg10[%rem3A_135, %dma_start3A_149, %dma_start3A_150] : memref<2x128x128xf32, #tpu.memory_space<vmem>> -> memref<1x128x128xf32, #tpu.memory_space<vmem>>
    %dma_start3A_152 = tpu.memref_squeeze %dma_start3A_151 : memref<1x128x128xf32, #tpu.memory_space<vmem>> -> memref<128x128xf32, #tpu.memory_space<vmem>>
    %dma_start3A_153 = arith.constant 768 : i32
    %dma_start3A_154 = tpu.memref_slice %arg8[%dma_start3A_148, %dma_start3A_153] : memref<2x1024xi32, #tpu.memory_space<vmem>> -> memref<1x128xi32, #tpu.memory_space<vmem>>
    %dma_start3A_155 = tpu.memref_squeeze %dma_start3A_154 : memref<1x128xi32, #tpu.memory_space<vmem>> -> memref<128xi32, #tpu.memory_space<vmem>>
    %dma_start3A_156 = arith.constant 0 : i32
    %dma_start3A_157 = arith.constant 0 : i32
    %dma_start3A_158 = tpu.memref_slice %arg2[%dma_start3A_156, %dma_start3A_157] : memref<10000x128xf32, #tpu.memory_space<hbm>> -> memref<10000x128xf32, #tpu.memory_space<hbm>>
    tpu.enqueue_indirect_dma source(%dma_start3A_158 : memref<10000x128xf32, #tpu.memory_space<hbm>>) target(%dma_start3A_152 : memref<128x128xf32, #tpu.memory_space<vmem>>) offsets(%dma_start3A_155 : memref<128xi32, #tpu.memory_space<vmem>>) semaphore(%arg11 : memref<!tpu.dma_semaphore, #tpu.memory_space<semaphore_mem>>)
    %rem3A_159 = arith.constant 77 : i32
    %rem3A_160 = arith.constant 2 : i32
    %rem3A_161 = arith.remsi %rem3A_159, %rem3A_160 : i32
    %dma_wait3A_162 = arith.constant 0 : i32
    %dma_wait3A_163 = arith.constant 0 : i32
    %dma_wait3A_164 = arith.constant 0 : i32
    %dma_wait3A_165 = tpu.memref_slice %arg10[%rem3A_161, %dma_wait3A_163, %dma_wait3A_164] : memref<2x128x128xf32, #tpu.memory_space<vmem>> -> memref<1x128x128xf32, #tpu.memory_space<vmem>>
    %dma_wait3A_166 = tpu.memref_squeeze %dma_wait3A_165 : memref<1x128x128xf32, #tpu.memory_space<vmem>> -> memref<128x128xf32, #tpu.memory_space<vmem>>
    %dma_wait3A_167 = arith.constant 0 : i32
    %dma_wait3A_168 = tpu.memref_slice %arg8[%dma_wait3A_162, %dma_wait3A_167] : memref<2x1024xi32, #tpu.memory_space<vmem>> -> memref<1x128xi32, #tpu.memory_space<vmem>>
    %dma_wait3A_169 = tpu.memref_squeeze %dma_wait3A_168 : memref<1x128xi32, #tpu.memory_space<vmem>> -> memref<128xi32, #tpu.memory_space<vmem>>
    %dma_wait3A_170 = arith.constant 0 : i32
    %dma_wait3A_171 = arith.constant 0 : i32
    %dma_wait3A_172 = tpu.memref_slice %arg2[%dma_wait3A_170, %dma_wait3A_171] : memref<10000x128xf32, #tpu.memory_space<hbm>> -> memref<10000x128xf32, #tpu.memory_space<hbm>>
    tpu.wait_indirect_dma semaphore(%arg11 : memref<!tpu.dma_semaphore, #tpu.memory_space<semaphore_mem>>) src(%dma_wait3A_172 : memref<10000x128xf32, #tpu.memory_space<hbm>>) dst(%dma_wait3A_166 : memref<128x128xf32, #tpu.memory_space<vmem>>)
    %run_scoped3A_173 = arith.constant 77 : i32
    "tpu.region"() ({
      %run_scoped3A_190 = tpu.sem_alloc : memref<!tpu.dma_semaphore, #tpu.memory_space<semaphore_mem>>
      %dma_start3A_191 = arith.constant 0 : i32
      %dma_start3A_192 = arith.constant 0 : i32
      %dma_start3A_193 = tpu.memref_slice %arg10[%rem3A_161, %dma_start3A_191, %dma_start3A_192] : memref<2x128x128xf32, #tpu.memory_space<vmem>> -> memref<1x128x128xf32, #tpu.memory_space<vmem>>
      %dma_start3A_194 = tpu.memref_squeeze %dma_start3A_193 : memref<1x128x128xf32, #tpu.memory_space<vmem>> -> memref<128x128xf32, #tpu.memory_space<vmem>>
      %dma_start3A_195 = arith.constant 0 : i32
      %dma_start3A_196 = tpu.memref_slice %arg9[%run_scoped3A_173, %dma_start3A_195] : memref<79x128xi32, #tpu.memory_space<vmem>> -> memref<1x128xi32, #tpu.memory_space<vmem>>
      %dma_start3A_197 = tpu.memref_squeeze %dma_start3A_196 : memref<1x128xi32, #tpu.memory_space<vmem>> -> memref<128xi32, #tpu.memory_space<vmem>>
      %dma_start3A_198 = arith.constant 0 : i32
      %dma_start3A_199 = arith.constant 0 : i32
      %dma_start3A_200 = tpu.memref_slice %arg7[%dma_start3A_198, %dma_start3A_199] : memref<10112x128xf32, #tpu.memory_space<vmem_shared>> -> memref<10112x128xf32, #tpu.memory_space<vmem_shared>>
      tpu.enqueue_indirect_dma source(%dma_start3A_194 : memref<128x128xf32, #tpu.memory_space<vmem>>) target(%dma_start3A_200 : memref<10112x128xf32, #tpu.memory_space<vmem_shared>>) offsets(%dma_start3A_197 : memref<128xi32, #tpu.memory_space<vmem>>) semaphore(%run_scoped3A_190 : memref<!tpu.dma_semaphore, #tpu.memory_space<semaphore_mem>>) {add = true}
      %dma_wait3A_201 = arith.constant 0 : i32
      %dma_wait3A_202 = arith.constant 0 : i32
      %dma_wait3A_203 = tpu.memref_slice %arg10[%rem3A_161, %dma_wait3A_201, %dma_wait3A_202] : memref<2x128x128xf32, #tpu.memory_space<vmem>> -> memref<1x128x128xf32, #tpu.memory_space<vmem>>
      %dma_wait3A_204 = tpu.memref_squeeze %dma_wait3A_203 : memref<1x128x128xf32, #tpu.memory_space<vmem>> -> memref<128x128xf32, #tpu.memory_space<vmem>>
      %dma_wait3A_205 = arith.constant 0 : i32
      %dma_wait3A_206 = tpu.memref_slice %arg9[%run_scoped3A_173, %dma_wait3A_205] : memref<79x128xi32, #tpu.memory_space<vmem>> -> memref<1x128xi32, #tpu.memory_space<vmem>>
      %dma_wait3A_207 = tpu.memref_squeeze %dma_wait3A_206 : memref<1x128xi32, #tpu.memory_space<vmem>> -> memref<128xi32, #tpu.memory_space<vmem>>
      %dma_wait3A_208 = arith.constant 0 : i32
      %dma_wait3A_209 = arith.constant 0 : i32
      %dma_wait3A_210 = tpu.memref_slice %arg7[%dma_wait3A_208, %dma_wait3A_209] : memref<10112x128xf32, #tpu.memory_space<vmem_shared>> -> memref<10112x128xf32, #tpu.memory_space<vmem_shared>>
      tpu.wait_indirect_dma semaphore(%run_scoped3A_190 : memref<!tpu.dma_semaphore, #tpu.memory_space<semaphore_mem>>) src(%dma_wait3A_204 : memref<128x128xf32, #tpu.memory_space<vmem>>) dst(%dma_wait3A_210 : memref<10112x128xf32, #tpu.memory_space<vmem_shared>>)
      tpu.yield
    }) : () -> ()
    %rem3A_174 = arith.constant 78 : i32
    %rem3A_175 = arith.constant 2 : i32
    %rem3A_176 = arith.remsi %rem3A_174, %rem3A_175 : i32
    %dma_wait3A_177 = arith.constant 0 : i32
    %dma_wait3A_178 = arith.constant 0 : i32
    %dma_wait3A_179 = arith.constant 0 : i32
    %dma_wait3A_180 = tpu.memref_slice %arg10[%rem3A_176, %dma_wait3A_178, %dma_wait3A_179] : memref<2x128x128xf32, #tpu.memory_space<vmem>> -> memref<1x128x128xf32, #tpu.memory_space<vmem>>
    %dma_wait3A_181 = tpu.memref_squeeze %dma_wait3A_180 : memref<1x128x128xf32, #tpu.memory_space<vmem>> -> memref<128x128xf32, #tpu.memory_space<vmem>>
    %dma_wait3A_182 = arith.constant 0 : i32
    %dma_wait3A_183 = tpu.memref_slice %arg8[%dma_wait3A_177, %dma_wait3A_182] : memref<2x1024xi32, #tpu.memory_space<vmem>> -> memref<1x128xi32, #tpu.memory_space<vmem>>
    %dma_wait3A_184 = tpu.memref_squeeze %dma_wait3A_183 : memref<1x128xi32, #tpu.memory_space<vmem>> -> memref<128xi32, #tpu.memory_space<vmem>>
    %dma_wait3A_185 = arith.constant 0 : i32
    %dma_wait3A_186 = arith.constant 0 : i32
    %dma_wait3A_187 = tpu.memref_slice %arg2[%dma_wait3A_185, %dma_wait3A_186] : memref<10000x128xf32, #tpu.memory_space<hbm>> -> memref<10000x128xf32, #tpu.memory_space<hbm>>
    tpu.wait_indirect_dma semaphore(%arg11 : memref<!tpu.dma_semaphore, #tpu.memory_space<semaphore_mem>>) src(%dma_wait3A_187 : memref<10000x128xf32, #tpu.memory_space<hbm>>) dst(%dma_wait3A_181 : memref<128x128xf32, #tpu.memory_space<vmem>>)
    %run_scoped3A_188 = arith.constant 78 : i32
    "tpu.region"() ({
      %run_scoped3A_190 = tpu.sem_alloc : memref<!tpu.dma_semaphore, #tpu.memory_space<semaphore_mem>>
      %dma_start3A_191 = arith.constant 0 : i32
      %dma_start3A_192 = arith.constant 0 : i32
      %dma_start3A_193 = tpu.memref_slice %arg10[%rem3A_176, %dma_start3A_191, %dma_start3A_192] : memref<2x128x128xf32, #tpu.memory_space<vmem>> -> memref<1x128x128xf32, #tpu.memory_space<vmem>>
      %dma_start3A_194 = tpu.memref_squeeze %dma_start3A_193 : memref<1x128x128xf32, #tpu.memory_space<vmem>> -> memref<128x128xf32, #tpu.memory_space<vmem>>
      %dma_start3A_195 = arith.constant 0 : i32
      %dma_start3A_196 = tpu.memref_slice %arg9[%run_scoped3A_188, %dma_start3A_195] : memref<79x128xi32, #tpu.memory_space<vmem>> -> memref<1x128xi32, #tpu.memory_space<vmem>>
      %dma_start3A_197 = tpu.memref_squeeze %dma_start3A_196 : memref<1x128xi32, #tpu.memory_space<vmem>> -> memref<128xi32, #tpu.memory_space<vmem>>
      %dma_start3A_198 = arith.constant 0 : i32
      %dma_start3A_199 = arith.constant 0 : i32
      %dma_start3A_200 = tpu.memref_slice %arg7[%dma_start3A_198, %dma_start3A_199] : memref<10112x128xf32, #tpu.memory_space<vmem_shared>> -> memref<10112x128xf32, #tpu.memory_space<vmem_shared>>
      tpu.enqueue_indirect_dma source(%dma_start3A_194 : memref<128x128xf32, #tpu.memory_space<vmem>>) target(%dma_start3A_200 : memref<10112x128xf32, #tpu.memory_space<vmem_shared>>) offsets(%dma_start3A_197 : memref<128xi32, #tpu.memory_space<vmem>>) semaphore(%run_scoped3A_190 : memref<!tpu.dma_semaphore, #tpu.memory_space<semaphore_mem>>) {add = true}
      %dma_wait3A_201 = arith.constant 0 : i32
      %dma_wait3A_202 = arith.constant 0 : i32
      %dma_wait3A_203 = tpu.memref_slice %arg10[%rem3A_176, %dma_wait3A_201, %dma_wait3A_202] : memref<2x128x128xf32, #tpu.memory_space<vmem>> -> memref<1x128x128xf32, #tpu.memory_space<vmem>>
      %dma_wait3A_204 = tpu.memref_squeeze %dma_wait3A_203 : memref<1x128x128xf32, #tpu.memory_space<vmem>> -> memref<128x128xf32, #tpu.memory_space<vmem>>
      %dma_wait3A_205 = arith.constant 0 : i32
      %dma_wait3A_206 = tpu.memref_slice %arg9[%run_scoped3A_188, %dma_wait3A_205] : memref<79x128xi32, #tpu.memory_space<vmem>> -> memref<1x128xi32, #tpu.memory_space<vmem>>
      %dma_wait3A_207 = tpu.memref_squeeze %dma_wait3A_206 : memref<1x128xi32, #tpu.memory_space<vmem>> -> memref<128xi32, #tpu.memory_space<vmem>>
      %dma_wait3A_208 = arith.constant 0 : i32
      %dma_wait3A_209 = arith.constant 0 : i32
      %dma_wait3A_210 = tpu.memref_slice %arg7[%dma_wait3A_208, %dma_wait3A_209] : memref<10112x128xf32, #tpu.memory_space<vmem_shared>> -> memref<10112x128xf32, #tpu.memory_space<vmem_shared>>
      tpu.wait_indirect_dma semaphore(%run_scoped3A_190 : memref<!tpu.dma_semaphore, #tpu.memory_space<semaphore_mem>>) src(%dma_wait3A_204 : memref<128x128xf32, #tpu.memory_space<vmem>>) dst(%dma_wait3A_210 : memref<10112x128xf32, #tpu.memory_space<vmem_shared>>)
      tpu.yield
    }) : () -> ()
    %barrier3A_189 = arith.constant 0 : index
    tpu.barrier barrier_id(%barrier3A_189)
    "tpu.region"() ({
      %run_scoped3A_190 = tpu.sem_alloc : memref<!tpu.dma_semaphore, #tpu.memory_space<semaphore_mem>>
      %dma_start3A_191 = arith.constant 0 : i32
      %dma_start3A_192 = tpu.memref_slice %arg6[%arg0, %mul3A_2, %dma_start3A_191] : memref<2x10112x128xf32, #tpu.memory_space<hbm>> -> memref<1x632x128xf32, #tpu.memory_space<hbm>>
      %dma_start3A_193 = tpu.memref_squeeze %dma_start3A_192 : memref<1x632x128xf32, #tpu.memory_space<hbm>> -> memref<632x128xf32, #tpu.memory_space<hbm>>
      %dma_start3A_194 = arith.constant 0 : i32
      %dma_start3A_195 = tpu.memref_slice %arg7[%mul3A_2, %dma_start3A_194] : memref<10112x128xf32, #tpu.memory_space<vmem_shared>> -> memref<632x128xf32, #tpu.memory_space<vmem_shared>>
      tpu.enqueue_dma source(%dma_start3A_195 : memref<632x128xf32, #tpu.memory_space<vmem_shared>>) target(%dma_start3A_193 : memref<632x128xf32, #tpu.memory_space<hbm>>) target_semaphore(%run_scoped3A_190 : memref<!tpu.dma_semaphore, #tpu.memory_space<semaphore_mem>>)
      %dma_wait3A_196 = arith.constant 0 : i32
      %dma_wait3A_197 = tpu.memref_slice %arg6[%arg0, %mul3A_2, %dma_wait3A_196] : memref<2x10112x128xf32, #tpu.memory_space<hbm>> -> memref<1x632x128xf32, #tpu.memory_space<hbm>>
      %dma_wait3A_198 = tpu.memref_squeeze %dma_wait3A_197 : memref<1x632x128xf32, #tpu.memory_space<hbm>> -> memref<632x128xf32, #tpu.memory_space<hbm>>
      %dma_wait3A_199 = arith.constant 0 : i32
      %dma_wait3A_200 = tpu.memref_slice %arg7[%mul3A_2, %dma_wait3A_199] : memref<10112x128xf32, #tpu.memory_space<vmem_shared>> -> memref<632x128xf32, #tpu.memory_space<vmem_shared>>
      tpu.wait_dma2 semaphore(%run_scoped3A_190 : memref<!tpu.dma_semaphore, #tpu.memory_space<semaphore_mem>>) src(%dma_wait3A_200 : memref<632x128xf32, #tpu.memory_space<vmem_shared>>) dst(%dma_wait3A_198 : memref<632x128xf32, #tpu.memory_space<hbm>>)
      tpu.yield
    }) : () -> ()
    return
  }
}

#map = affine_map<(d0, d1) -> (0, 0)>
#map1 = affine_map<(d0, d1) -> (0, 0, 0)>
module attributes {stable_mosaic.version = 14 : i64} {
  func.func @k(%arg0: i32, %arg1: i32, %arg2: memref<10000x128xf32, #tpu.memory_space<hbm>>, %arg3: memref<32x10240xi32, #tpu.memory_space<hbm>>, %arg4: memref<32x79x128xi32, #tpu.memory_space<hbm>>, %arg5: memref<632x128xf32, #tpu.memory_space<hbm>>, %arg6: memref<2x10112x128xf32, #tpu.memory_space<hbm>>, %arg7: memref<10112x128xf32, #tpu.memory_space<vmem_shared>>, %arg8: memref<2x1024xi32, #tpu.memory_space<vmem>>, %arg9: memref<79x128xi32, #tpu.memory_space<vmem>>, %arg10: memref<2x128x128xf32, #tpu.memory_space<vmem>>, %arg11: memref<!tpu.dma_semaphore, #tpu.memory_space<semaphore_mem>>, %arg12: memref<!tpu.dma_semaphore, #tpu.memory_space<semaphore_mem>>) attributes {dimension_semantics = [#tpu.dimension_semantics<core_parallel>, #tpu.dimension_semantics<subcore_parallel>], iteration_bounds = array<i64: 2, 16>, scalar_prefetch = 0 : i64, scratch_operands = 6 : i64, tpu.core_type = #tpu.core_type<sc_vector_subcore>, window_params = [{transform_indices = #map}, {transform_indices = #map}, {transform_indices = #map1}, {transform_indices = #map}, {transform_indices = #map1}]} {
    %mul3A = arith.constant 16 : i32
    %mul3A_0 = arith.muli %arg0, %mul3A : i32
    %add3A = arith.addi %mul3A_0, %arg1 : i32
    %mul3A_1 = arith.constant 632 : i32
    %mul3A_2 = arith.muli %arg1, %mul3A_1 : i32
    "tpu.region"() ({
      %run_scoped3A_190 = tpu.sem_alloc : memref<!tpu.dma_semaphore, #tpu.memory_space<semaphore_mem>>
      %dma_start3A_191 = arith.constant 0 : i32
      %dma_start3A_192 = arith.constant 0 : i32
      %dma_start3A_193 = tpu.memref_slice %arg4[%add3A, %dma_start3A_191, %dma_start3A_192] : memref<32x79x128xi32, #tpu.memory_space<hbm>> -> memref<1x79x128xi32, #tpu.memory_space<hbm>>
      %dma_start3A_194 = tpu.memref_squeeze %dma_start3A_193 : memref<1x79x128xi32, #tpu.memory_space<hbm>> -> memref<79x128xi32, #tpu.memory_space<hbm>>
      %dma_start3A_195 = arith.constant 0 : i32
      %dma_start3A_196 = arith.constant 0 : i32
      %dma_start3A_197 = tpu.memref_slice %arg4[%add3A, %dma_start3A_195, %dma_start3A_196] : memref<32x79x128xi32, #tpu.memory_space<hbm>> -> memref<1x79x128xi32, #tpu.memory_space<hbm>>
      %dma_start3A_198 = tpu.memref_squeeze %dma_start3A_197 : memref<1x79x128xi32, #tpu.memory_space<hbm>> -> memref<79x128xi32, #tpu.memory_space<hbm>>
      tpu.enqueue_dma source(%dma_start3A_198 : memref<79x128xi32, #tpu.memory_space<hbm>>) target(%arg9 : memref<79x128xi32, #tpu.memory_space<vmem>>) target_semaphore(%run_scoped3A_190 : memref<!tpu.dma_semaphore, #tpu.memory_space<semaphore_mem>>)
      %dma_wait3A_199 = arith.constant 0 : i32
      %dma_wait3A_200 = arith.constant 0 : i32
      %dma_wait3A_201 = tpu.memref_slice %arg4[%add3A, %dma_wait3A_199, %dma_wait3A_200] : memref<32x79x128xi32, #tpu.memory_space<hbm>> -> memref<1x79x128xi32, #tpu.memory_space<hbm>>
      %dma_wait3A_202 = tpu.memref_squeeze %dma_wait3A_201 : memref<1x79x128xi32, #tpu.memory_space<hbm>> -> memref<79x128xi32, #tpu.memory_space<hbm>>
      %dma_wait3A_203 = arith.constant 0 : i32
      %dma_wait3A_204 = arith.constant 0 : i32
      %dma_wait3A_205 = tpu.memref_slice %arg4[%add3A, %dma_wait3A_203, %dma_wait3A_204] : memref<32x79x128xi32, #tpu.memory_space<hbm>> -> memref<1x79x128xi32, #tpu.memory_space<hbm>>
      %dma_wait3A_206 = tpu.memref_squeeze %dma_wait3A_205 : memref<1x79x128xi32, #tpu.memory_space<hbm>> -> memref<79x128xi32, #tpu.memory_space<hbm>>
      tpu.wait_dma2 semaphore(%run_scoped3A_190 : memref<!tpu.dma_semaphore, #tpu.memory_space<semaphore_mem>>) src(%dma_wait3A_206 : memref<79x128xi32, #tpu.memory_space<hbm>>) dst(%arg9 : memref<79x128xi32, #tpu.memory_space<vmem>>)
      tpu.yield
    }) : () -> ()
    %run_scoped3A = arith.constant 0 : i32
    "tpu.region"() ({
      %run_scoped3A_190 = tpu.sem_alloc : memref<!tpu.dma_semaphore, #tpu.memory_space<semaphore_mem>>
      %dma_start3A_191 = arith.constant 0 : i32
      %dma_start3A_192 = tpu.memref_slice %arg8[%run_scoped3A, %dma_start3A_191] : memref<2x1024xi32, #tpu.memory_space<vmem>> -> memref<1x1024xi32, #tpu.memory_space<vmem>>
      %dma_start3A_193 = tpu.memref_squeeze %dma_start3A_192 : memref<1x1024xi32, #tpu.memory_space<vmem>> -> memref<1024xi32, #tpu.memory_space<vmem>>
      %dma_start3A_194 = arith.constant 0 : i32
      %dma_start3A_195 = tpu.memref_slice %arg3[%add3A, %dma_start3A_194] : memref<32x10240xi32, #tpu.memory_space<hbm>> -> memref<1x1024xi32, #tpu.memory_space<hbm>>
      %dma_start3A_196 = tpu.memref_squeeze %dma_start3A_195 : memref<1x1024xi32, #tpu.memory_space<hbm>> -> memref<1024xi32, #tpu.memory_space<hbm>>
      %dma_start3A_197 = arith.constant 0 : i32
      %dma_start3A_198 = tpu.memref_slice %arg8[%run_scoped3A, %dma_start3A_197] : memref<2x1024xi32, #tpu.memory_space<vmem>> -> memref<1x1024xi32, #tpu.memory_space<vmem>>
      %dma_start3A_199 = tpu.memref_squeeze %dma_start3A_198 : memref<1x1024xi32, #tpu.memory_space<vmem>> -> memref<1024xi32, #tpu.memory_space<vmem>>
      %dma_start3A_200 = arith.constant 0 : i32
      %dma_start3A_201 = tpu.memref_slice %arg3[%add3A, %dma_start3A_200] : memref<32x10240xi32, #tpu.memory_space<hbm>> -> memref<1x1024xi32, #tpu.memory_space<hbm>>
      %dma_start3A_202 = tpu.memref_squeeze %dma_start3A_201 : memref<1x1024xi32, #tpu.memory_space<hbm>> -> memref<1024xi32, #tpu.memory_space<hbm>>
      tpu.enqueue_dma source(%dma_start3A_202 : memref<1024xi32, #tpu.memory_space<hbm>>) target(%dma_start3A_199 : memref<1024xi32, #tpu.memory_space<vmem>>) target_semaphore(%run_scoped3A_190 : memref<!tpu.dma_semaphore, #tpu.memory_space<semaphore_mem>>)
      %dma_wait3A_203 = arith.constant 0 : i32
      %dma_wait3A_204 = tpu.memref_slice %arg8[%run_scoped3A, %dma_wait3A_203] : memref<2x1024xi32, #tpu.memory_space<vmem>> -> memref<1x1024xi32, #tpu.memory_space<vmem>>
      %dma_wait3A_205 = tpu.memref_squeeze %dma_wait3A_204 : memref<1x1024xi32, #tpu.memory_space<vmem>> -> memref<1024xi32, #tpu.memory_space<vmem>>
      %dma_wait3A_206 = arith.constant 0 : i32
      %dma_wait3A_207 = tpu.memref_slice %arg3[%add3A, %dma_wait3A_206] : memref<32x10240xi32, #tpu.memory_space<hbm>> -> memref<1x1024xi32, #tpu.memory_space<hbm>>
      %dma_wait3A_208 = tpu.memref_squeeze %dma_wait3A_207 : memref<1x1024xi32, #tpu.memory_space<hbm>> -> memref<1024xi32, #tpu.memory_space<hbm>>
      %dma_wait3A_209 = arith.constant 0 : i32
      %dma_wait3A_210 = tpu.memref_slice %arg8[%run_scoped3A, %dma_wait3A_209] : memref<2x1024xi32, #tpu.memory_space<vmem>> -> memref<1x1024xi32, #tpu.memory_space<vmem>>
      %dma_wait3A_211 = tpu.memref_squeeze %dma_wait3A_210 : memref<1x1024xi32, #tpu.memory_space<vmem>> -> memref<1024xi32, #tpu.memory_space<vmem>>
      %dma_wait3A_212 = arith.constant 0 : i32
      %dma_wait3A_213 = tpu.memref_slice %arg3[%add3A, %dma_wait3A_212] : memref<32x10240xi32, #tpu.memory_space<hbm>> -> memref<1x1024xi32, #tpu.memory_space<hbm>>
      %dma_wait3A_214 = tpu.memref_squeeze %dma_wait3A_213 : memref<1x1024xi32, #tpu.memory_space<hbm>> -> memref<1024xi32, #tpu.memory_space<hbm>>
      tpu.wait_dma2 semaphore(%run_scoped3A_190 : memref<!tpu.dma_semaphore, #tpu.memory_space<semaphore_mem>>) src(%dma_wait3A_214 : memref<1024xi32, #tpu.memory_space<hbm>>) dst(%dma_wait3A_211 : memref<1024xi32, #tpu.memory_space<vmem>>)
      tpu.yield
    }) : () -> ()
    %dma_start3A = arith.constant 0 : i32
    %dma_start3A_3 = arith.constant 0 : i32
    %dma_start3A_4 = arith.constant 0 : i32
    %dma_start3A_5 = arith.constant 0 : i32
    %dma_start3A_6 = tpu.memref_slice %arg10[%dma_start3A_3, %dma_start3A_4, %dma_start3A_5] : memref<2x128x128xf32, #tpu.memory_space<vmem>> -> memref<1x128x128xf32, #tpu.memory_space<vmem>>
    %dma_start3A_7 = tpu.memref_squeeze %dma_start3A_6 : memref<1x128x128xf32, #tpu.memory_space<vmem>> -> memref<128x128xf32, #tpu.memory_space<vmem>>
    %dma_start3A_8 = arith.constant 0 : i32
    %dma_start3A_9 = tpu.memref_slice %arg8[%dma_start3A, %dma_start3A_8] : memref<2x1024xi32, #tpu.memory_space<vmem>> -> memref<1x128xi32, #tpu.memory_space<vmem>>
    %dma_start3A_10 = tpu.memref_squeeze %dma_start3A_9 : memref<1x128xi32, #tpu.memory_space<vmem>> -> memref<128xi32, #tpu.memory_space<vmem>>
    %dma_start3A_11 = arith.constant 0 : i32
    %dma_start3A_12 = arith.constant 0 : i32
    %dma_start3A_13 = tpu.memref_slice %arg2[%dma_start3A_11, %dma_start3A_12] : memref<10000x128xf32, #tpu.memory_space<hbm>> -> memref<10000x128xf32, #tpu.memory_space<hbm>>
    tpu.enqueue_indirect_dma source(%dma_start3A_13 : memref<10000x128xf32, #tpu.memory_space<hbm>>) target(%dma_start3A_7 : memref<128x128xf32, #tpu.memory_space<vmem>>) offsets(%dma_start3A_10 : memref<128xi32, #tpu.memory_space<vmem>>) semaphore(%arg11 : memref<!tpu.dma_semaphore, #tpu.memory_space<semaphore_mem>>)
    %dma_start3A_14 = arith.constant 0 : i32
    %dma_start3A_15 = arith.constant 1 : i32
    %dma_start3A_16 = arith.constant 0 : i32
    %dma_start3A_17 = arith.constant 0 : i32
    %dma_start3A_18 = tpu.memref_slice %arg10[%dma_start3A_15, %dma_start3A_16, %dma_start3A_17] : memref<2x128x128xf32, #tpu.memory_space<vmem>> -> memref<1x128x128xf32, #tpu.memory_space<vmem>>
    %dma_start3A_19 = tpu.memref_squeeze %dma_start3A_18 : memref<1x128x128xf32, #tpu.memory_space<vmem>> -> memref<128x128xf32, #tpu.memory_space<vmem>>
    %dma_start3A_20 = arith.constant 128 : i32
    %dma_start3A_21 = tpu.memref_slice %arg8[%dma_start3A_14, %dma_start3A_20] : memref<2x1024xi32, #tpu.memory_space<vmem>> -> memref<1x128xi32, #tpu.memory_space<vmem>>
    %dma_start3A_22 = tpu.memref_squeeze %dma_start3A_21 : memref<1x128xi32, #tpu.memory_space<vmem>> -> memref<128xi32, #tpu.memory_space<vmem>>
    %dma_start3A_23 = arith.constant 0 : i32
    %dma_start3A_24 = arith.constant 0 : i32
    %dma_start3A_25 = tpu.memref_slice %arg2[%dma_start3A_23, %dma_start3A_24] : memref<10000x128xf32, #tpu.memory_space<hbm>> -> memref<10000x128xf32, #tpu.memory_space<hbm>>
    tpu.enqueue_indirect_dma source(%dma_start3A_25 : memref<10000x128xf32, #tpu.memory_space<hbm>>) target(%dma_start3A_19 : memref<128x128xf32, #tpu.memory_space<vmem>>) offsets(%dma_start3A_22 : memref<128xi32, #tpu.memory_space<vmem>>) semaphore(%arg11 : memref<!tpu.dma_semaphore, #tpu.memory_space<semaphore_mem>>)
    "tpu.region"() ({
      %run_scoped3A_190 = tpu.sem_alloc : memref<!tpu.dma_semaphore, #tpu.memory_space<semaphore_mem>>
      %dma_start3A_191 = arith.constant 0 : i32
      %dma_start3A_192 = tpu.memref_slice %arg7[%mul3A_2, %dma_start3A_191] : memref<10112x128xf32, #tpu.memory_space<vmem_shared>> -> memref<632x128xf32, #tpu.memory_space<vmem_shared>>
      tpu.enqueue_dma source(%arg5 : memref<632x128xf32, #tpu.memory_space<hbm>>) target(%dma_start3A_192 : memref<632x128xf32, #tpu.memory_space<vmem_shared>>) target_semaphore(%run_scoped3A_190 : memref<!tpu.dma_semaphore, #tpu.memory_space<semaphore_mem>>)
      %dma_wait3A_193 = arith.constant 0 : i32
      %dma_wait3A_194 = tpu.memref_slice %arg7[%mul3A_2, %dma_wait3A_193] : memref<10112x128xf32, #tpu.memory_space<vmem_shared>> -> memref<632x128xf32, #tpu.memory_space<vmem_shared>>
      tpu.wait_dma2 semaphore(%run_scoped3A_190 : memref<!tpu.dma_semaphore, #tpu.memory_space<semaphore_mem>>) src(%arg5 : memref<632x128xf32, #tpu.memory_space<hbm>>) dst(%dma_wait3A_194 : memref<632x128xf32, #tpu.memory_space<vmem_shared>>)
      tpu.yield
    }) : () -> ()
    %barrier3A = arith.constant 0 : index
    tpu.barrier barrier_id(%barrier3A)
    %scan3A = arith.constant 0 : i32
    %scan3A_26 = arith.constant 0 : i32
    %scan3A_27 = arith.constant 9 : i32
    %scan3A_28 = arith.addi %scan3A_26, %scan3A_27 : i32
    %scan3A_29 = arith.constant 1 : i32
    scf.for %scan3A_190 = %scan3A_26 to %scan3A_28 step %scan3A_29  : i32 {
      %rem3A_191 = arith.constant 2 : i32
      %rem3A_192 = arith.remsi %scan3A_190, %rem3A_191 : i32
      %add3A_193 = arith.constant 1 : i32
      %add3A_194 = arith.addi %scan3A_190, %add3A_193 : i32
      %mul3A_195 = arith.constant 1024 : i32
      %mul3A_196 = arith.muli %add3A_194, %mul3A_195 : i32
      %sub3A = arith.constant 1 : i32
      %sub3A_197 = arith.subi %sub3A, %rem3A_192 : i32
      %dma_start3A_198 = arith.constant 0 : i32
      %dma_start3A_199 = tpu.memref_slice %arg8[%sub3A_197, %dma_start3A_198] : memref<2x1024xi32, #tpu.memory_space<vmem>> -> memref<1x1024xi32, #tpu.memory_space<vmem>>
      %dma_start3A_200 = tpu.memref_squeeze %dma_start3A_199 : memref<1x1024xi32, #tpu.memory_space<vmem>> -> memref<1024xi32, #tpu.memory_space<vmem>>
      %dma_start3A_201 = tpu.memref_slice %arg3[%add3A, %mul3A_196] : memref<32x10240xi32, #tpu.memory_space<hbm>> -> memref<1x1024xi32, #tpu.memory_space<hbm>>
      %dma_start3A_202 = tpu.memref_squeeze %dma_start3A_201 : memref<1x1024xi32, #tpu.memory_space<hbm>> -> memref<1024xi32, #tpu.memory_space<hbm>>
      %dma_start3A_203 = arith.constant 0 : i32
      %dma_start3A_204 = tpu.memref_slice %arg8[%sub3A_197, %dma_start3A_203] : memref<2x1024xi32, #tpu.memory_space<vmem>> -> memref<1x1024xi32, #tpu.memory_space<vmem>>
      %dma_start3A_205 = tpu.memref_squeeze %dma_start3A_204 : memref<1x1024xi32, #tpu.memory_space<vmem>> -> memref<1024xi32, #tpu.memory_space<vmem>>
      %dma_start3A_206 = tpu.memref_slice %arg3[%add3A, %mul3A_196] : memref<32x10240xi32, #tpu.memory_space<hbm>> -> memref<1x1024xi32, #tpu.memory_space<hbm>>
      %dma_start3A_207 = tpu.memref_squeeze %dma_start3A_206 : memref<1x1024xi32, #tpu.memory_space<hbm>> -> memref<1024xi32, #tpu.memory_space<hbm>>
      tpu.enqueue_dma source(%dma_start3A_207 : memref<1024xi32, #tpu.memory_space<hbm>>) target(%dma_start3A_205 : memref<1024xi32, #tpu.memory_space<vmem>>) target_semaphore(%arg12 : memref<!tpu.dma_semaphore, #tpu.memory_space<semaphore_mem>>)
      %mul3A_208 = arith.constant 8 : i32
      %mul3A_209 = arith.muli %scan3A_190, %mul3A_208 : i32
      %add3A_210 = arith.constant 0 : i32
      %add3A_211 = arith.addi %mul3A_209, %add3A_210 : i32
      %rem3A_212 = arith.constant 2 : i32
      %rem3A_213 = arith.remsi %add3A_211, %rem3A_212 : i32
      %dma_wait3A_214 = arith.constant 0 : i32
      %dma_wait3A_215 = arith.constant 0 : i32
      %dma_wait3A_216 = arith.constant 0 : i32
      %dma_wait3A_217 = tpu.memref_slice %arg10[%rem3A_213, %dma_wait3A_215, %dma_wait3A_216] : memref<2x128x128xf32, #tpu.memory_space<vmem>> -> memref<1x128x128xf32, #tpu.memory_space<vmem>>
      %dma_wait3A_218 = tpu.memref_squeeze %dma_wait3A_217 : memref<1x128x128xf32, #tpu.memory_space<vmem>> -> memref<128x128xf32, #tpu.memory_space<vmem>>
      %dma_wait3A_219 = arith.constant 0 : i32
      %dma_wait3A_220 = tpu.memref_slice %arg8[%dma_wait3A_214, %dma_wait3A_219] : memref<2x1024xi32, #tpu.memory_space<vmem>> -> memref<1x128xi32, #tpu.memory_space<vmem>>
      %dma_wait3A_221 = tpu.memref_squeeze %dma_wait3A_220 : memref<1x128xi32, #tpu.memory_space<vmem>> -> memref<128xi32, #tpu.memory_space<vmem>>
      %dma_wait3A_222 = arith.constant 0 : i32
      %dma_wait3A_223 = arith.constant 0 : i32
      %dma_wait3A_224 = tpu.memref_slice %arg2[%dma_wait3A_222, %dma_wait3A_223] : memref<10000x128xf32, #tpu.memory_space<hbm>> -> memref<10000x128xf32, #tpu.memory_space<hbm>>
      tpu.wait_indirect_dma semaphore(%arg11 : memref<!tpu.dma_semaphore, #tpu.memory_space<semaphore_mem>>) src(%dma_wait3A_224 : memref<10000x128xf32, #tpu.memory_space<hbm>>) dst(%dma_wait3A_218 : memref<128x128xf32, #tpu.memory_space<vmem>>)
      "tpu.region"() ({
        %run_scoped3A_442 = tpu.sem_alloc : memref<!tpu.dma_semaphore, #tpu.memory_space<semaphore_mem>>
        %dma_start3A_443 = arith.constant 0 : i32
        %dma_start3A_444 = arith.constant 0 : i32
        %dma_start3A_445 = tpu.memref_slice %arg10[%rem3A_213, %dma_start3A_443, %dma_start3A_444] : memref<2x128x128xf32, #tpu.memory_space<vmem>> -> memref<1x128x128xf32, #tpu.memory_space<vmem>>
        %dma_start3A_446 = tpu.memref_squeeze %dma_start3A_445 : memref<1x128x128xf32, #tpu.memory_space<vmem>> -> memref<128x128xf32, #tpu.memory_space<vmem>>
        %dma_start3A_447 = arith.constant 0 : i32
        %dma_start3A_448 = tpu.memref_slice %arg9[%add3A_211, %dma_start3A_447] : memref<79x128xi32, #tpu.memory_space<vmem>> -> memref<1x128xi32, #tpu.memory_space<vmem>>
        %dma_start3A_449 = tpu.memref_squeeze %dma_start3A_448 : memref<1x128xi32, #tpu.memory_space<vmem>> -> memref<128xi32, #tpu.memory_space<vmem>>
        %dma_start3A_450 = arith.constant 0 : i32
        %dma_start3A_451 = arith.constant 0 : i32
        %dma_start3A_452 = tpu.memref_slice %arg7[%dma_start3A_450, %dma_start3A_451] : memref<10112x128xf32, #tpu.memory_space<vmem_shared>> -> memref<10112x128xf32, #tpu.memory_space<vmem_shared>>
        tpu.enqueue_indirect_dma source(%dma_start3A_446 : memref<128x128xf32, #tpu.memory_space<vmem>>) target(%dma_start3A_452 : memref<10112x128xf32, #tpu.memory_space<vmem_shared>>) offsets(%dma_start3A_449 : memref<128xi32, #tpu.memory_space<vmem>>) semaphore(%run_scoped3A_442 : memref<!tpu.dma_semaphore, #tpu.memory_space<semaphore_mem>>) {add = true}
        %dma_wait3A_453 = arith.constant 0 : i32
        %dma_wait3A_454 = arith.constant 0 : i32
        %dma_wait3A_455 = tpu.memref_slice %arg10[%rem3A_213, %dma_wait3A_453, %dma_wait3A_454] : memref<2x128x128xf32, #tpu.memory_space<vmem>> -> memref<1x128x128xf32, #tpu.memory_space<vmem>>
        %dma_wait3A_456 = tpu.memref_squeeze %dma_wait3A_455 : memref<1x128x128xf32, #tpu.memory_space<vmem>> -> memref<128x128xf32, #tpu.memory_space<vmem>>
        %dma_wait3A_457 = arith.constant 0 : i32
        %dma_wait3A_458 = tpu.memref_slice %arg9[%add3A_211, %dma_wait3A_457] : memref<79x128xi32, #tpu.memory_space<vmem>> -> memref<1x128xi32, #tpu.memory_space<vmem>>
        %dma_wait3A_459 = tpu.memref_squeeze %dma_wait3A_458 : memref<1x128xi32, #tpu.memory_space<vmem>> -> memref<128xi32, #tpu.memory_space<vmem>>
        %dma_wait3A_460 = arith.constant 0 : i32
        %dma_wait3A_461 = arith.constant 0 : i32
        %dma_wait3A_462 = tpu.memref_slice %arg7[%dma_wait3A_460, %dma_wait3A_461] : memref<10112x128xf32, #tpu.memory_space<vmem_shared>> -> memref<10112x128xf32, #tpu.memory_space<vmem_shared>>
        tpu.wait_indirect_dma semaphore(%run_scoped3A_442 : memref<!tpu.dma_semaphore, #tpu.memory_space<semaphore_mem>>) src(%dma_wait3A_456 : memref<128x128xf32, #tpu.memory_space<vmem>>) dst(%dma_wait3A_462 : memref<10112x128xf32, #tpu.memory_space<vmem_shared>>)
        tpu.yield
      }) : () -> ()
      %dma_start3A_225 = arith.constant 0 : i32
      %dma_start3A_226 = arith.constant 0 : i32
      %dma_start3A_227 = tpu.memref_slice %arg10[%rem3A_213, %dma_start3A_225, %dma_start3A_226] : memref<2x128x128xf32, #tpu.memory_space<vmem>> -> memref<1x128x128xf32, #tpu.memory_space<vmem>>
      %dma_start3A_228 = tpu.memref_squeeze %dma_start3A_227 : memref<1x128x128xf32, #tpu.memory_space<vmem>> -> memref<128x128xf32, #tpu.memory_space<vmem>>
      %dma_start3A_229 = arith.constant 256 : i32
      %dma_start3A_230 = tpu.memref_slice %arg8[%rem3A_192, %dma_start3A_229] : memref<2x1024xi32, #tpu.memory_space<vmem>> -> memref<1x128xi32, #tpu.memory_space<vmem>>
      %dma_start3A_231 = tpu.memref_squeeze %dma_start3A_230 : memref<1x128xi32, #tpu.memory_space<vmem>> -> memref<128xi32, #tpu.memory_space<vmem>>
      %dma_start3A_232 = arith.constant 0 : i32
      %dma_start3A_233 = arith.constant 0 : i32
      %dma_start3A_234 = tpu.memref_slice %arg2[%dma_start3A_232, %dma_start3A_233] : memref<10000x128xf32, #tpu.memory_space<hbm>> -> memref<10000x128xf32, #tpu.memory_space<hbm>>
      tpu.enqueue_indirect_dma source(%dma_start3A_234 : memref<10000x128xf32, #tpu.memory_space<hbm>>) target(%dma_start3A_228 : memref<128x128xf32, #tpu.memory_space<vmem>>) offsets(%dma_start3A_231 : memref<128xi32, #tpu.memory_space<vmem>>) semaphore(%arg11 : memref<!tpu.dma_semaphore, #tpu.memory_space<semaphore_mem>>)
      %sub3A_235 = arith.constant 1 : i32
      %sub3A_236 = arith.subi %sub3A_235, %rem3A_192 : i32
      %dma_wait3A_237 = arith.constant 0 : i32
      %dma_wait3A_238 = tpu.memref_slice %arg8[%sub3A_236, %dma_wait3A_237] : memref<2x1024xi32, #tpu.memory_space<vmem>> -> memref<1x1024xi32, #tpu.memory_space<vmem>>
      %dma_wait3A_239 = tpu.memref_squeeze %dma_wait3A_238 : memref<1x1024xi32, #tpu.memory_space<vmem>> -> memref<1024xi32, #tpu.memory_space<vmem>>
      %dma_wait3A_240 = arith.constant 0 : i32
      %dma_wait3A_241 = tpu.memref_slice %arg3[%add3A, %dma_wait3A_240] : memref<32x10240xi32, #tpu.memory_space<hbm>> -> memref<1x1024xi32, #tpu.memory_space<hbm>>
      %dma_wait3A_242 = tpu.memref_squeeze %dma_wait3A_241 : memref<1x1024xi32, #tpu.memory_space<hbm>> -> memref<1024xi32, #tpu.memory_space<hbm>>
      %dma_wait3A_243 = arith.constant 0 : i32
      %dma_wait3A_244 = tpu.memref_slice %arg8[%sub3A_236, %dma_wait3A_243] : memref<2x1024xi32, #tpu.memory_space<vmem>> -> memref<1x1024xi32, #tpu.memory_space<vmem>>
      %dma_wait3A_245 = tpu.memref_squeeze %dma_wait3A_244 : memref<1x1024xi32, #tpu.memory_space<vmem>> -> memref<1024xi32, #tpu.memory_space<vmem>>
      %dma_wait3A_246 = arith.constant 0 : i32
      %dma_wait3A_247 = tpu.memref_slice %arg3[%add3A, %dma_wait3A_246] : memref<32x10240xi32, #tpu.memory_space<hbm>> -> memref<1x1024xi32, #tpu.memory_space<hbm>>
      %dma_wait3A_248 = tpu.memref_squeeze %dma_wait3A_247 : memref<1x1024xi32, #tpu.memory_space<hbm>> -> memref<1024xi32, #tpu.memory_space<hbm>>
      tpu.wait_dma2 semaphore(%arg12 : memref<!tpu.dma_semaphore, #tpu.memory_space<semaphore_mem>>) src(%dma_wait3A_248 : memref<1024xi32, #tpu.memory_space<hbm>>) dst(%dma_wait3A_245 : memref<1024xi32, #tpu.memory_space<vmem>>)
      %mul3A_249 = arith.constant 8 : i32
      %mul3A_250 = arith.muli %scan3A_190, %mul3A_249 : i32
      %add3A_251 = arith.constant 1 : i32
      %add3A_252 = arith.addi %mul3A_250, %add3A_251 : i32
      %rem3A_253 = arith.constant 2 : i32
      %rem3A_254 = arith.remsi %add3A_252, %rem3A_253 : i32
      %dma_wait3A_255 = arith.constant 0 : i32
      %dma_wait3A_256 = arith.constant 0 : i32
      %dma_wait3A_257 = arith.constant 0 : i32
      %dma_wait3A_258 = tpu.memref_slice %arg10[%rem3A_254, %dma_wait3A_256, %dma_wait3A_257] : memref<2x128x128xf32, #tpu.memory_space<vmem>> -> memref<1x128x128xf32, #tpu.memory_space<vmem>>
      %dma_wait3A_259 = tpu.memref_squeeze %dma_wait3A_258 : memref<1x128x128xf32, #tpu.memory_space<vmem>> -> memref<128x128xf32, #tpu.memory_space<vmem>>
      %dma_wait3A_260 = arith.constant 0 : i32
      %dma_wait3A_261 = tpu.memref_slice %arg8[%dma_wait3A_255, %dma_wait3A_260] : memref<2x1024xi32, #tpu.memory_space<vmem>> -> memref<1x128xi32, #tpu.memory_space<vmem>>
      %dma_wait3A_262 = tpu.memref_squeeze %dma_wait3A_261 : memref<1x128xi32, #tpu.memory_space<vmem>> -> memref<128xi32, #tpu.memory_space<vmem>>
      %dma_wait3A_263 = arith.constant 0 : i32
      %dma_wait3A_264 = arith.constant 0 : i32
      %dma_wait3A_265 = tpu.memref_slice %arg2[%dma_wait3A_263, %dma_wait3A_264] : memref<10000x128xf32, #tpu.memory_space<hbm>> -> memref<10000x128xf32, #tpu.memory_space<hbm>>
      tpu.wait_indirect_dma semaphore(%arg11 : memref<!tpu.dma_semaphore, #tpu.memory_space<semaphore_mem>>) src(%dma_wait3A_265 : memref<10000x128xf32, #tpu.memory_space<hbm>>) dst(%dma_wait3A_259 : memref<128x128xf32, #tpu.memory_space<vmem>>)
      "tpu.region"() ({
        %run_scoped3A_442 = tpu.sem_alloc : memref<!tpu.dma_semaphore, #tpu.memory_space<semaphore_mem>>
        %dma_start3A_443 = arith.constant 0 : i32
        %dma_start3A_444 = arith.constant 0 : i32
        %dma_start3A_445 = tpu.memref_slice %arg10[%rem3A_254, %dma_start3A_443, %dma_start3A_444] : memref<2x128x128xf32, #tpu.memory_space<vmem>> -> memref<1x128x128xf32, #tpu.memory_space<vmem>>
        %dma_start3A_446 = tpu.memref_squeeze %dma_start3A_445 : memref<1x128x128xf32, #tpu.memory_space<vmem>> -> memref<128x128xf32, #tpu.memory_space<vmem>>
        %dma_start3A_447 = arith.constant 0 : i32
        %dma_start3A_448 = tpu.memref_slice %arg9[%add3A_252, %dma_start3A_447] : memref<79x128xi32, #tpu.memory_space<vmem>> -> memref<1x128xi32, #tpu.memory_space<vmem>>
        %dma_start3A_449 = tpu.memref_squeeze %dma_start3A_448 : memref<1x128xi32, #tpu.memory_space<vmem>> -> memref<128xi32, #tpu.memory_space<vmem>>
        %dma_start3A_450 = arith.constant 0 : i32
        %dma_start3A_451 = arith.constant 0 : i32
        %dma_start3A_452 = tpu.memref_slice %arg7[%dma_start3A_450, %dma_start3A_451] : memref<10112x128xf32, #tpu.memory_space<vmem_shared>> -> memref<10112x128xf32, #tpu.memory_space<vmem_shared>>
        tpu.enqueue_indirect_dma source(%dma_start3A_446 : memref<128x128xf32, #tpu.memory_space<vmem>>) target(%dma_start3A_452 : memref<10112x128xf32, #tpu.memory_space<vmem_shared>>) offsets(%dma_start3A_449 : memref<128xi32, #tpu.memory_space<vmem>>) semaphore(%run_scoped3A_442 : memref<!tpu.dma_semaphore, #tpu.memory_space<semaphore_mem>>) {add = true}
        %dma_wait3A_453 = arith.constant 0 : i32
        %dma_wait3A_454 = arith.constant 0 : i32
        %dma_wait3A_455 = tpu.memref_slice %arg10[%rem3A_254, %dma_wait3A_453, %dma_wait3A_454] : memref<2x128x128xf32, #tpu.memory_space<vmem>> -> memref<1x128x128xf32, #tpu.memory_space<vmem>>
        %dma_wait3A_456 = tpu.memref_squeeze %dma_wait3A_455 : memref<1x128x128xf32, #tpu.memory_space<vmem>> -> memref<128x128xf32, #tpu.memory_space<vmem>>
        %dma_wait3A_457 = arith.constant 0 : i32
        %dma_wait3A_458 = tpu.memref_slice %arg9[%add3A_252, %dma_wait3A_457] : memref<79x128xi32, #tpu.memory_space<vmem>> -> memref<1x128xi32, #tpu.memory_space<vmem>>
        %dma_wait3A_459 = tpu.memref_squeeze %dma_wait3A_458 : memref<1x128xi32, #tpu.memory_space<vmem>> -> memref<128xi32, #tpu.memory_space<vmem>>
        %dma_wait3A_460 = arith.constant 0 : i32
        %dma_wait3A_461 = arith.constant 0 : i32
        %dma_wait3A_462 = tpu.memref_slice %arg7[%dma_wait3A_460, %dma_wait3A_461] : memref<10112x128xf32, #tpu.memory_space<vmem_shared>> -> memref<10112x128xf32, #tpu.memory_space<vmem_shared>>
        tpu.wait_indirect_dma semaphore(%run_scoped3A_442 : memref<!tpu.dma_semaphore, #tpu.memory_space<semaphore_mem>>) src(%dma_wait3A_456 : memref<128x128xf32, #tpu.memory_space<vmem>>) dst(%dma_wait3A_462 : memref<10112x128xf32, #tpu.memory_space<vmem_shared>>)
        tpu.yield
      }) : () -> ()
      %dma_start3A_266 = arith.constant 0 : i32
      %dma_start3A_267 = arith.constant 0 : i32
      %dma_start3A_268 = tpu.memref_slice %arg10[%rem3A_254, %dma_start3A_266, %dma_start3A_267] : memref<2x128x128xf32, #tpu.memory_space<vmem>> -> memref<1x128x128xf32, #tpu.memory_space<vmem>>
      %dma_start3A_269 = tpu.memref_squeeze %dma_start3A_268 : memref<1x128x128xf32, #tpu.memory_space<vmem>> -> memref<128x128xf32, #tpu.memory_space<vmem>>
      %dma_start3A_270 = arith.constant 384 : i32
      %dma_start3A_271 = tpu.memref_slice %arg8[%rem3A_192, %dma_start3A_270] : memref<2x1024xi32, #tpu.memory_space<vmem>> -> memref<1x128xi32, #tpu.memory_space<vmem>>
      %dma_start3A_272 = tpu.memref_squeeze %dma_start3A_271 : memref<1x128xi32, #tpu.memory_space<vmem>> -> memref<128xi32, #tpu.memory_space<vmem>>
      %dma_start3A_273 = arith.constant 0 : i32
      %dma_start3A_274 = arith.constant 0 : i32
      %dma_start3A_275 = tpu.memref_slice %arg2[%dma_start3A_273, %dma_start3A_274] : memref<10000x128xf32, #tpu.memory_space<hbm>> -> memref<10000x128xf32, #tpu.memory_space<hbm>>
      tpu.enqueue_indirect_dma source(%dma_start3A_275 : memref<10000x128xf32, #tpu.memory_space<hbm>>) target(%dma_start3A_269 : memref<128x128xf32, #tpu.memory_space<vmem>>) offsets(%dma_start3A_272 : memref<128xi32, #tpu.memory_space<vmem>>) semaphore(%arg11 : memref<!tpu.dma_semaphore, #tpu.memory_space<semaphore_mem>>)
      %mul3A_276 = arith.constant 8 : i32
      %mul3A_277 = arith.muli %scan3A_190, %mul3A_276 : i32
      %add3A_278 = arith.constant 2 : i32
      %add3A_279 = arith.addi %mul3A_277, %add3A_278 : i32
      %rem3A_280 = arith.constant 2 : i32
      %rem3A_281 = arith.remsi %add3A_279, %rem3A_280 : i32
      %dma_wait3A_282 = arith.constant 0 : i32
      %dma_wait3A_283 = arith.constant 0 : i32
      %dma_wait3A_284 = arith.constant 0 : i32
      %dma_wait3A_285 = tpu.memref_slice %arg10[%rem3A_281, %dma_wait3A_283, %dma_wait3A_284] : memref<2x128x128xf32, #tpu.memory_space<vmem>> -> memref<1x128x128xf32, #tpu.memory_space<vmem>>
      %dma_wait3A_286 = tpu.memref_squeeze %dma_wait3A_285 : memref<1x128x128xf32, #tpu.memory_space<vmem>> -> memref<128x128xf32, #tpu.memory_space<vmem>>
      %dma_wait3A_287 = arith.constant 0 : i32
      %dma_wait3A_288 = tpu.memref_slice %arg8[%dma_wait3A_282, %dma_wait3A_287] : memref<2x1024xi32, #tpu.memory_space<vmem>> -> memref<1x128xi32, #tpu.memory_space<vmem>>
      %dma_wait3A_289 = tpu.memref_squeeze %dma_wait3A_288 : memref<1x128xi32, #tpu.memory_space<vmem>> -> memref<128xi32, #tpu.memory_space<vmem>>
      %dma_wait3A_290 = arith.constant 0 : i32
      %dma_wait3A_291 = arith.constant 0 : i32
      %dma_wait3A_292 = tpu.memref_slice %arg2[%dma_wait3A_290, %dma_wait3A_291] : memref<10000x128xf32, #tpu.memory_space<hbm>> -> memref<10000x128xf32, #tpu.memory_space<hbm>>
      tpu.wait_indirect_dma semaphore(%arg11 : memref<!tpu.dma_semaphore, #tpu.memory_space<semaphore_mem>>) src(%dma_wait3A_292 : memref<10000x128xf32, #tpu.memory_space<hbm>>) dst(%dma_wait3A_286 : memref<128x128xf32, #tpu.memory_space<vmem>>)
      "tpu.region"() ({
        %run_scoped3A_442 = tpu.sem_alloc : memref<!tpu.dma_semaphore, #tpu.memory_space<semaphore_mem>>
        %dma_start3A_443 = arith.constant 0 : i32
        %dma_start3A_444 = arith.constant 0 : i32
        %dma_start3A_445 = tpu.memref_slice %arg10[%rem3A_281, %dma_start3A_443, %dma_start3A_444] : memref<2x128x128xf32, #tpu.memory_space<vmem>> -> memref<1x128x128xf32, #tpu.memory_space<vmem>>
        %dma_start3A_446 = tpu.memref_squeeze %dma_start3A_445 : memref<1x128x128xf32, #tpu.memory_space<vmem>> -> memref<128x128xf32, #tpu.memory_space<vmem>>
        %dma_start3A_447 = arith.constant 0 : i32
        %dma_start3A_448 = tpu.memref_slice %arg9[%add3A_279, %dma_start3A_447] : memref<79x128xi32, #tpu.memory_space<vmem>> -> memref<1x128xi32, #tpu.memory_space<vmem>>
        %dma_start3A_449 = tpu.memref_squeeze %dma_start3A_448 : memref<1x128xi32, #tpu.memory_space<vmem>> -> memref<128xi32, #tpu.memory_space<vmem>>
        %dma_start3A_450 = arith.constant 0 : i32
        %dma_start3A_451 = arith.constant 0 : i32
        %dma_start3A_452 = tpu.memref_slice %arg7[%dma_start3A_450, %dma_start3A_451] : memref<10112x128xf32, #tpu.memory_space<vmem_shared>> -> memref<10112x128xf32, #tpu.memory_space<vmem_shared>>
        tpu.enqueue_indirect_dma source(%dma_start3A_446 : memref<128x128xf32, #tpu.memory_space<vmem>>) target(%dma_start3A_452 : memref<10112x128xf32, #tpu.memory_space<vmem_shared>>) offsets(%dma_start3A_449 : memref<128xi32, #tpu.memory_space<vmem>>) semaphore(%run_scoped3A_442 : memref<!tpu.dma_semaphore, #tpu.memory_space<semaphore_mem>>) {add = true}
        %dma_wait3A_453 = arith.constant 0 : i32
        %dma_wait3A_454 = arith.constant 0 : i32
        %dma_wait3A_455 = tpu.memref_slice %arg10[%rem3A_281, %dma_wait3A_453, %dma_wait3A_454] : memref<2x128x128xf32, #tpu.memory_space<vmem>> -> memref<1x128x128xf32, #tpu.memory_space<vmem>>
        %dma_wait3A_456 = tpu.memref_squeeze %dma_wait3A_455 : memref<1x128x128xf32, #tpu.memory_space<vmem>> -> memref<128x128xf32, #tpu.memory_space<vmem>>
        %dma_wait3A_457 = arith.constant 0 : i32
        %dma_wait3A_458 = tpu.memref_slice %arg9[%add3A_279, %dma_wait3A_457] : memref<79x128xi32, #tpu.memory_space<vmem>> -> memref<1x128xi32, #tpu.memory_space<vmem>>
        %dma_wait3A_459 = tpu.memref_squeeze %dma_wait3A_458 : memref<1x128xi32, #tpu.memory_space<vmem>> -> memref<128xi32, #tpu.memory_space<vmem>>
        %dma_wait3A_460 = arith.constant 0 : i32
        %dma_wait3A_461 = arith.constant 0 : i32
        %dma_wait3A_462 = tpu.memref_slice %arg7[%dma_wait3A_460, %dma_wait3A_461] : memref<10112x128xf32, #tpu.memory_space<vmem_shared>> -> memref<10112x128xf32, #tpu.memory_space<vmem_shared>>
        tpu.wait_indirect_dma semaphore(%run_scoped3A_442 : memref<!tpu.dma_semaphore, #tpu.memory_space<semaphore_mem>>) src(%dma_wait3A_456 : memref<128x128xf32, #tpu.memory_space<vmem>>) dst(%dma_wait3A_462 : memref<10112x128xf32, #tpu.memory_space<vmem_shared>>)
        tpu.yield
      }) : () -> ()
      %dma_start3A_293 = arith.constant 0 : i32
      %dma_start3A_294 = arith.constant 0 : i32
      %dma_start3A_295 = tpu.memref_slice %arg10[%rem3A_281, %dma_start3A_293, %dma_start3A_294] : memref<2x128x128xf32, #tpu.memory_space<vmem>> -> memref<1x128x128xf32, #tpu.memory_space<vmem>>
      %dma_start3A_296 = tpu.memref_squeeze %dma_start3A_295 : memref<1x128x128xf32, #tpu.memory_space<vmem>> -> memref<128x128xf32, #tpu.memory_space<vmem>>
      %dma_start3A_297 = arith.constant 512 : i32
      %dma_start3A_298 = tpu.memref_slice %arg8[%rem3A_192, %dma_start3A_297] : memref<2x1024xi32, #tpu.memory_space<vmem>> -> memref<1x128xi32, #tpu.memory_space<vmem>>
      %dma_start3A_299 = tpu.memref_squeeze %dma_start3A_298 : memref<1x128xi32, #tpu.memory_space<vmem>> -> memref<128xi32, #tpu.memory_space<vmem>>
      %dma_start3A_300 = arith.constant 0 : i32
      %dma_start3A_301 = arith.constant 0 : i32
      %dma_start3A_302 = tpu.memref_slice %arg2[%dma_start3A_300, %dma_start3A_301] : memref<10000x128xf32, #tpu.memory_space<hbm>> -> memref<10000x128xf32, #tpu.memory_space<hbm>>
      tpu.enqueue_indirect_dma source(%dma_start3A_302 : memref<10000x128xf32, #tpu.memory_space<hbm>>) target(%dma_start3A_296 : memref<128x128xf32, #tpu.memory_space<vmem>>) offsets(%dma_start3A_299 : memref<128xi32, #tpu.memory_space<vmem>>) semaphore(%arg11 : memref<!tpu.dma_semaphore, #tpu.memory_space<semaphore_mem>>)
      %mul3A_303 = arith.constant 8 : i32
      %mul3A_304 = arith.muli %scan3A_190, %mul3A_303 : i32
      %add3A_305 = arith.constant 3 : i32
      %add3A_306 = arith.addi %mul3A_304, %add3A_305 : i32
      %rem3A_307 = arith.constant 2 : i32
      %rem3A_308 = arith.remsi %add3A_306, %rem3A_307 : i32
      %dma_wait3A_309 = arith.constant 0 : i32
      %dma_wait3A_310 = arith.constant 0 : i32
      %dma_wait3A_311 = arith.constant 0 : i32
      %dma_wait3A_312 = tpu.memref_slice %arg10[%rem3A_308, %dma_wait3A_310, %dma_wait3A_311] : memref<2x128x128xf32, #tpu.memory_space<vmem>> -> memref<1x128x128xf32, #tpu.memory_space<vmem>>
      %dma_wait3A_313 = tpu.memref_squeeze %dma_wait3A_312 : memref<1x128x128xf32, #tpu.memory_space<vmem>> -> memref<128x128xf32, #tpu.memory_space<vmem>>
      %dma_wait3A_314 = arith.constant 0 : i32
      %dma_wait3A_315 = tpu.memref_slice %arg8[%dma_wait3A_309, %dma_wait3A_314] : memref<2x1024xi32, #tpu.memory_space<vmem>> -> memref<1x128xi32, #tpu.memory_space<vmem>>
      %dma_wait3A_316 = tpu.memref_squeeze %dma_wait3A_315 : memref<1x128xi32, #tpu.memory_space<vmem>> -> memref<128xi32, #tpu.memory_space<vmem>>
      %dma_wait3A_317 = arith.constant 0 : i32
      %dma_wait3A_318 = arith.constant 0 : i32
      %dma_wait3A_319 = tpu.memref_slice %arg2[%dma_wait3A_317, %dma_wait3A_318] : memref<10000x128xf32, #tpu.memory_space<hbm>> -> memref<10000x128xf32, #tpu.memory_space<hbm>>
      tpu.wait_indirect_dma semaphore(%arg11 : memref<!tpu.dma_semaphore, #tpu.memory_space<semaphore_mem>>) src(%dma_wait3A_319 : memref<10000x128xf32, #tpu.memory_space<hbm>>) dst(%dma_wait3A_313 : memref<128x128xf32, #tpu.memory_space<vmem>>)
      "tpu.region"() ({
        %run_scoped3A_442 = tpu.sem_alloc : memref<!tpu.dma_semaphore, #tpu.memory_space<semaphore_mem>>
        %dma_start3A_443 = arith.constant 0 : i32
        %dma_start3A_444 = arith.constant 0 : i32
        %dma_start3A_445 = tpu.memref_slice %arg10[%rem3A_308, %dma_start3A_443, %dma_start3A_444] : memref<2x128x128xf32, #tpu.memory_space<vmem>> -> memref<1x128x128xf32, #tpu.memory_space<vmem>>
        %dma_start3A_446 = tpu.memref_squeeze %dma_start3A_445 : memref<1x128x128xf32, #tpu.memory_space<vmem>> -> memref<128x128xf32, #tpu.memory_space<vmem>>
        %dma_start3A_447 = arith.constant 0 : i32
        %dma_start3A_448 = tpu.memref_slice %arg9[%add3A_306, %dma_start3A_447] : memref<79x128xi32, #tpu.memory_space<vmem>> -> memref<1x128xi32, #tpu.memory_space<vmem>>
        %dma_start3A_449 = tpu.memref_squeeze %dma_start3A_448 : memref<1x128xi32, #tpu.memory_space<vmem>> -> memref<128xi32, #tpu.memory_space<vmem>>
        %dma_start3A_450 = arith.constant 0 : i32
        %dma_start3A_451 = arith.constant 0 : i32
        %dma_start3A_452 = tpu.memref_slice %arg7[%dma_start3A_450, %dma_start3A_451] : memref<10112x128xf32, #tpu.memory_space<vmem_shared>> -> memref<10112x128xf32, #tpu.memory_space<vmem_shared>>
        tpu.enqueue_indirect_dma source(%dma_start3A_446 : memref<128x128xf32, #tpu.memory_space<vmem>>) target(%dma_start3A_452 : memref<10112x128xf32, #tpu.memory_space<vmem_shared>>) offsets(%dma_start3A_449 : memref<128xi32, #tpu.memory_space<vmem>>) semaphore(%run_scoped3A_442 : memref<!tpu.dma_semaphore, #tpu.memory_space<semaphore_mem>>) {add = true}
        %dma_wait3A_453 = arith.constant 0 : i32
        %dma_wait3A_454 = arith.constant 0 : i32
        %dma_wait3A_455 = tpu.memref_slice %arg10[%rem3A_308, %dma_wait3A_453, %dma_wait3A_454] : memref<2x128x128xf32, #tpu.memory_space<vmem>> -> memref<1x128x128xf32, #tpu.memory_space<vmem>>
        %dma_wait3A_456 = tpu.memref_squeeze %dma_wait3A_455 : memref<1x128x128xf32, #tpu.memory_space<vmem>> -> memref<128x128xf32, #tpu.memory_space<vmem>>
        %dma_wait3A_457 = arith.constant 0 : i32
        %dma_wait3A_458 = tpu.memref_slice %arg9[%add3A_306, %dma_wait3A_457] : memref<79x128xi32, #tpu.memory_space<vmem>> -> memref<1x128xi32, #tpu.memory_space<vmem>>
        %dma_wait3A_459 = tpu.memref_squeeze %dma_wait3A_458 : memref<1x128xi32, #tpu.memory_space<vmem>> -> memref<128xi32, #tpu.memory_space<vmem>>
        %dma_wait3A_460 = arith.constant 0 : i32
        %dma_wait3A_461 = arith.constant 0 : i32
        %dma_wait3A_462 = tpu.memref_slice %arg7[%dma_wait3A_460, %dma_wait3A_461] : memref<10112x128xf32, #tpu.memory_space<vmem_shared>> -> memref<10112x128xf32, #tpu.memory_space<vmem_shared>>
        tpu.wait_indirect_dma semaphore(%run_scoped3A_442 : memref<!tpu.dma_semaphore, #tpu.memory_space<semaphore_mem>>) src(%dma_wait3A_456 : memref<128x128xf32, #tpu.memory_space<vmem>>) dst(%dma_wait3A_462 : memref<10112x128xf32, #tpu.memory_space<vmem_shared>>)
        tpu.yield
      }) : () -> ()
      %dma_start3A_320 = arith.constant 0 : i32
      %dma_start3A_321 = arith.constant 0 : i32
      %dma_start3A_322 = tpu.memref_slice %arg10[%rem3A_308, %dma_start3A_320, %dma_start3A_321] : memref<2x128x128xf32, #tpu.memory_space<vmem>> -> memref<1x128x128xf32, #tpu.memory_space<vmem>>
      %dma_start3A_323 = tpu.memref_squeeze %dma_start3A_322 : memref<1x128x128xf32, #tpu.memory_space<vmem>> -> memref<128x128xf32, #tpu.memory_space<vmem>>
      %dma_start3A_324 = arith.constant 640 : i32
      %dma_start3A_325 = tpu.memref_slice %arg8[%rem3A_192, %dma_start3A_324] : memref<2x1024xi32, #tpu.memory_space<vmem>> -> memref<1x128xi32, #tpu.memory_space<vmem>>
      %dma_start3A_326 = tpu.memref_squeeze %dma_start3A_325 : memref<1x128xi32, #tpu.memory_space<vmem>> -> memref<128xi32, #tpu.memory_space<vmem>>
      %dma_start3A_327 = arith.constant 0 : i32
      %dma_start3A_328 = arith.constant 0 : i32
      %dma_start3A_329 = tpu.memref_slice %arg2[%dma_start3A_327, %dma_start3A_328] : memref<10000x128xf32, #tpu.memory_space<hbm>> -> memref<10000x128xf32, #tpu.memory_space<hbm>>
      tpu.enqueue_indirect_dma source(%dma_start3A_329 : memref<10000x128xf32, #tpu.memory_space<hbm>>) target(%dma_start3A_323 : memref<128x128xf32, #tpu.memory_space<vmem>>) offsets(%dma_start3A_326 : memref<128xi32, #tpu.memory_space<vmem>>) semaphore(%arg11 : memref<!tpu.dma_semaphore, #tpu.memory_space<semaphore_mem>>)
      %mul3A_330 = arith.constant 8 : i32
      %mul3A_331 = arith.muli %scan3A_190, %mul3A_330 : i32
      %add3A_332 = arith.constant 4 : i32
      %add3A_333 = arith.addi %mul3A_331, %add3A_332 : i32
      %rem3A_334 = arith.constant 2 : i32
      %rem3A_335 = arith.remsi %add3A_333, %rem3A_334 : i32
      %dma_wait3A_336 = arith.constant 0 : i32
      %dma_wait3A_337 = arith.constant 0 : i32
      %dma_wait3A_338 = arith.constant 0 : i32
      %dma_wait3A_339 = tpu.memref_slice %arg10[%rem3A_335, %dma_wait3A_337, %dma_wait3A_338] : memref<2x128x128xf32, #tpu.memory_space<vmem>> -> memref<1x128x128xf32, #tpu.memory_space<vmem>>
      %dma_wait3A_340 = tpu.memref_squeeze %dma_wait3A_339 : memref<1x128x128xf32, #tpu.memory_space<vmem>> -> memref<128x128xf32, #tpu.memory_space<vmem>>
      %dma_wait3A_341 = arith.constant 0 : i32
      %dma_wait3A_342 = tpu.memref_slice %arg8[%dma_wait3A_336, %dma_wait3A_341] : memref<2x1024xi32, #tpu.memory_space<vmem>> -> memref<1x128xi32, #tpu.memory_space<vmem>>
      %dma_wait3A_343 = tpu.memref_squeeze %dma_wait3A_342 : memref<1x128xi32, #tpu.memory_space<vmem>> -> memref<128xi32, #tpu.memory_space<vmem>>
      %dma_wait3A_344 = arith.constant 0 : i32
      %dma_wait3A_345 = arith.constant 0 : i32
      %dma_wait3A_346 = tpu.memref_slice %arg2[%dma_wait3A_344, %dma_wait3A_345] : memref<10000x128xf32, #tpu.memory_space<hbm>> -> memref<10000x128xf32, #tpu.memory_space<hbm>>
      tpu.wait_indirect_dma semaphore(%arg11 : memref<!tpu.dma_semaphore, #tpu.memory_space<semaphore_mem>>) src(%dma_wait3A_346 : memref<10000x128xf32, #tpu.memory_space<hbm>>) dst(%dma_wait3A_340 : memref<128x128xf32, #tpu.memory_space<vmem>>)
      "tpu.region"() ({
        %run_scoped3A_442 = tpu.sem_alloc : memref<!tpu.dma_semaphore, #tpu.memory_space<semaphore_mem>>
        %dma_start3A_443 = arith.constant 0 : i32
        %dma_start3A_444 = arith.constant 0 : i32
        %dma_start3A_445 = tpu.memref_slice %arg10[%rem3A_335, %dma_start3A_443, %dma_start3A_444] : memref<2x128x128xf32, #tpu.memory_space<vmem>> -> memref<1x128x128xf32, #tpu.memory_space<vmem>>
        %dma_start3A_446 = tpu.memref_squeeze %dma_start3A_445 : memref<1x128x128xf32, #tpu.memory_space<vmem>> -> memref<128x128xf32, #tpu.memory_space<vmem>>
        %dma_start3A_447 = arith.constant 0 : i32
        %dma_start3A_448 = tpu.memref_slice %arg9[%add3A_333, %dma_start3A_447] : memref<79x128xi32, #tpu.memory_space<vmem>> -> memref<1x128xi32, #tpu.memory_space<vmem>>
        %dma_start3A_449 = tpu.memref_squeeze %dma_start3A_448 : memref<1x128xi32, #tpu.memory_space<vmem>> -> memref<128xi32, #tpu.memory_space<vmem>>
        %dma_start3A_450 = arith.constant 0 : i32
        %dma_start3A_451 = arith.constant 0 : i32
        %dma_start3A_452 = tpu.memref_slice %arg7[%dma_start3A_450, %dma_start3A_451] : memref<10112x128xf32, #tpu.memory_space<vmem_shared>> -> memref<10112x128xf32, #tpu.memory_space<vmem_shared>>
        tpu.enqueue_indirect_dma source(%dma_start3A_446 : memref<128x128xf32, #tpu.memory_space<vmem>>) target(%dma_start3A_452 : memref<10112x128xf32, #tpu.memory_space<vmem_shared>>) offsets(%dma_start3A_449 : memref<128xi32, #tpu.memory_space<vmem>>) semaphore(%run_scoped3A_442 : memref<!tpu.dma_semaphore, #tpu.memory_space<semaphore_mem>>) {add = true}
        %dma_wait3A_453 = arith.constant 0 : i32
        %dma_wait3A_454 = arith.constant 0 : i32
        %dma_wait3A_455 = tpu.memref_slice %arg10[%rem3A_335, %dma_wait3A_453, %dma_wait3A_454] : memref<2x128x128xf32, #tpu.memory_space<vmem>> -> memref<1x128x128xf32, #tpu.memory_space<vmem>>
        %dma_wait3A_456 = tpu.memref_squeeze %dma_wait3A_455 : memref<1x128x128xf32, #tpu.memory_space<vmem>> -> memref<128x128xf32, #tpu.memory_space<vmem>>
        %dma_wait3A_457 = arith.constant 0 : i32
        %dma_wait3A_458 = tpu.memref_slice %arg9[%add3A_333, %dma_wait3A_457] : memref<79x128xi32, #tpu.memory_space<vmem>> -> memref<1x128xi32, #tpu.memory_space<vmem>>
        %dma_wait3A_459 = tpu.memref_squeeze %dma_wait3A_458 : memref<1x128xi32, #tpu.memory_space<vmem>> -> memref<128xi32, #tpu.memory_space<vmem>>
        %dma_wait3A_460 = arith.constant 0 : i32
        %dma_wait3A_461 = arith.constant 0 : i32
        %dma_wait3A_462 = tpu.memref_slice %arg7[%dma_wait3A_460, %dma_wait3A_461] : memref<10112x128xf32, #tpu.memory_space<vmem_shared>> -> memref<10112x128xf32, #tpu.memory_space<vmem_shared>>
        tpu.wait_indirect_dma semaphore(%run_scoped3A_442 : memref<!tpu.dma_semaphore, #tpu.memory_space<semaphore_mem>>) src(%dma_wait3A_456 : memref<128x128xf32, #tpu.memory_space<vmem>>) dst(%dma_wait3A_462 : memref<10112x128xf32, #tpu.memory_space<vmem_shared>>)
        tpu.yield
      }) : () -> ()
      %dma_start3A_347 = arith.constant 0 : i32
      %dma_start3A_348 = arith.constant 0 : i32
      %dma_start3A_349 = tpu.memref_slice %arg10[%rem3A_335, %dma_start3A_347, %dma_start3A_348] : memref<2x128x128xf32, #tpu.memory_space<vmem>> -> memref<1x128x128xf32, #tpu.memory_space<vmem>>
      %dma_start3A_350 = tpu.memref_squeeze %dma_start3A_349 : memref<1x128x128xf32, #tpu.memory_space<vmem>> -> memref<128x128xf32, #tpu.memory_space<vmem>>
      %dma_start3A_351 = arith.constant 768 : i32
      %dma_start3A_352 = tpu.memref_slice %arg8[%rem3A_192, %dma_start3A_351] : memref<2x1024xi32, #tpu.memory_space<vmem>> -> memref<1x128xi32, #tpu.memory_space<vmem>>
      %dma_start3A_353 = tpu.memref_squeeze %dma_start3A_352 : memref<1x128xi32, #tpu.memory_space<vmem>> -> memref<128xi32, #tpu.memory_space<vmem>>
      %dma_start3A_354 = arith.constant 0 : i32
      %dma_start3A_355 = arith.constant 0 : i32
      %dma_start3A_356 = tpu.memref_slice %arg2[%dma_start3A_354, %dma_start3A_355] : memref<10000x128xf32, #tpu.memory_space<hbm>> -> memref<10000x128xf32, #tpu.memory_space<hbm>>
      tpu.enqueue_indirect_dma source(%dma_start3A_356 : memref<10000x128xf32, #tpu.memory_space<hbm>>) target(%dma_start3A_350 : memref<128x128xf32, #tpu.memory_space<vmem>>) offsets(%dma_start3A_353 : memref<128xi32, #tpu.memory_space<vmem>>) semaphore(%arg11 : memref<!tpu.dma_semaphore, #tpu.memory_space<semaphore_mem>>)
      %mul3A_357 = arith.constant 8 : i32
      %mul3A_358 = arith.muli %scan3A_190, %mul3A_357 : i32
      %add3A_359 = arith.constant 5 : i32
      %add3A_360 = arith.addi %mul3A_358, %add3A_359 : i32
      %rem3A_361 = arith.constant 2 : i32
      %rem3A_362 = arith.remsi %add3A_360, %rem3A_361 : i32
      %dma_wait3A_363 = arith.constant 0 : i32
      %dma_wait3A_364 = arith.constant 0 : i32
      %dma_wait3A_365 = arith.constant 0 : i32
      %dma_wait3A_366 = tpu.memref_slice %arg10[%rem3A_362, %dma_wait3A_364, %dma_wait3A_365] : memref<2x128x128xf32, #tpu.memory_space<vmem>> -> memref<1x128x128xf32, #tpu.memory_space<vmem>>
      %dma_wait3A_367 = tpu.memref_squeeze %dma_wait3A_366 : memref<1x128x128xf32, #tpu.memory_space<vmem>> -> memref<128x128xf32, #tpu.memory_space<vmem>>
      %dma_wait3A_368 = arith.constant 0 : i32
      %dma_wait3A_369 = tpu.memref_slice %arg8[%dma_wait3A_363, %dma_wait3A_368] : memref<2x1024xi32, #tpu.memory_space<vmem>> -> memref<1x128xi32, #tpu.memory_space<vmem>>
      %dma_wait3A_370 = tpu.memref_squeeze %dma_wait3A_369 : memref<1x128xi32, #tpu.memory_space<vmem>> -> memref<128xi32, #tpu.memory_space<vmem>>
      %dma_wait3A_371 = arith.constant 0 : i32
      %dma_wait3A_372 = arith.constant 0 : i32
      %dma_wait3A_373 = tpu.memref_slice %arg2[%dma_wait3A_371, %dma_wait3A_372] : memref<10000x128xf32, #tpu.memory_space<hbm>> -> memref<10000x128xf32, #tpu.memory_space<hbm>>
      tpu.wait_indirect_dma semaphore(%arg11 : memref<!tpu.dma_semaphore, #tpu.memory_space<semaphore_mem>>) src(%dma_wait3A_373 : memref<10000x128xf32, #tpu.memory_space<hbm>>) dst(%dma_wait3A_367 : memref<128x128xf32, #tpu.memory_space<vmem>>)
      "tpu.region"() ({
        %run_scoped3A_442 = tpu.sem_alloc : memref<!tpu.dma_semaphore, #tpu.memory_space<semaphore_mem>>
        %dma_start3A_443 = arith.constant 0 : i32
        %dma_start3A_444 = arith.constant 0 : i32
        %dma_start3A_445 = tpu.memref_slice %arg10[%rem3A_362, %dma_start3A_443, %dma_start3A_444] : memref<2x128x128xf32, #tpu.memory_space<vmem>> -> memref<1x128x128xf32, #tpu.memory_space<vmem>>
        %dma_start3A_446 = tpu.memref_squeeze %dma_start3A_445 : memref<1x128x128xf32, #tpu.memory_space<vmem>> -> memref<128x128xf32, #tpu.memory_space<vmem>>
        %dma_start3A_447 = arith.constant 0 : i32
        %dma_start3A_448 = tpu.memref_slice %arg9[%add3A_360, %dma_start3A_447] : memref<79x128xi32, #tpu.memory_space<vmem>> -> memref<1x128xi32, #tpu.memory_space<vmem>>
        %dma_start3A_449 = tpu.memref_squeeze %dma_start3A_448 : memref<1x128xi32, #tpu.memory_space<vmem>> -> memref<128xi32, #tpu.memory_space<vmem>>
        %dma_start3A_450 = arith.constant 0 : i32
        %dma_start3A_451 = arith.constant 0 : i32
        %dma_start3A_452 = tpu.memref_slice %arg7[%dma_start3A_450, %dma_start3A_451] : memref<10112x128xf32, #tpu.memory_space<vmem_shared>> -> memref<10112x128xf32, #tpu.memory_space<vmem_shared>>
        tpu.enqueue_indirect_dma source(%dma_start3A_446 : memref<128x128xf32, #tpu.memory_space<vmem>>) target(%dma_start3A_452 : memref<10112x128xf32, #tpu.memory_space<vmem_shared>>) offsets(%dma_start3A_449 : memref<128xi32, #tpu.memory_space<vmem>>) semaphore(%run_scoped3A_442 : memref<!tpu.dma_semaphore, #tpu.memory_space<semaphore_mem>>) {add = true}
        %dma_wait3A_453 = arith.constant 0 : i32
        %dma_wait3A_454 = arith.constant 0 : i32
        %dma_wait3A_455 = tpu.memref_slice %arg10[%rem3A_362, %dma_wait3A_453, %dma_wait3A_454] : memref<2x128x128xf32, #tpu.memory_space<vmem>> -> memref<1x128x128xf32, #tpu.memory_space<vmem>>
        %dma_wait3A_456 = tpu.memref_squeeze %dma_wait3A_455 : memref<1x128x128xf32, #tpu.memory_space<vmem>> -> memref<128x128xf32, #tpu.memory_space<vmem>>
        %dma_wait3A_457 = arith.constant 0 : i32
        %dma_wait3A_458 = tpu.memref_slice %arg9[%add3A_360, %dma_wait3A_457] : memref<79x128xi32, #tpu.memory_space<vmem>> -> memref<1x128xi32, #tpu.memory_space<vmem>>
        %dma_wait3A_459 = tpu.memref_squeeze %dma_wait3A_458 : memref<1x128xi32, #tpu.memory_space<vmem>> -> memref<128xi32, #tpu.memory_space<vmem>>
        %dma_wait3A_460 = arith.constant 0 : i32
        %dma_wait3A_461 = arith.constant 0 : i32
        %dma_wait3A_462 = tpu.memref_slice %arg7[%dma_wait3A_460, %dma_wait3A_461] : memref<10112x128xf32, #tpu.memory_space<vmem_shared>> -> memref<10112x128xf32, #tpu.memory_space<vmem_shared>>
        tpu.wait_indirect_dma semaphore(%run_scoped3A_442 : memref<!tpu.dma_semaphore, #tpu.memory_space<semaphore_mem>>) src(%dma_wait3A_456 : memref<128x128xf32, #tpu.memory_space<vmem>>) dst(%dma_wait3A_462 : memref<10112x128xf32, #tpu.memory_space<vmem_shared>>)
        tpu.yield
      }) : () -> ()
      %dma_start3A_374 = arith.constant 0 : i32
      %dma_start3A_375 = arith.constant 0 : i32
      %dma_start3A_376 = tpu.memref_slice %arg10[%rem3A_362, %dma_start3A_374, %dma_start3A_375] : memref<2x128x128xf32, #tpu.memory_space<vmem>> -> memref<1x128x128xf32, #tpu.memory_space<vmem>>
      %dma_start3A_377 = tpu.memref_squeeze %dma_start3A_376 : memref<1x128x128xf32, #tpu.memory_space<vmem>> -> memref<128x128xf32, #tpu.memory_space<vmem>>
      %dma_start3A_378 = arith.constant 896 : i32
      %dma_start3A_379 = tpu.memref_slice %arg8[%rem3A_192, %dma_start3A_378] : memref<2x1024xi32, #tpu.memory_space<vmem>> -> memref<1x128xi32, #tpu.memory_space<vmem>>
      %dma_start3A_380 = tpu.memref_squeeze %dma_start3A_379 : memref<1x128xi32, #tpu.memory_space<vmem>> -> memref<128xi32, #tpu.memory_space<vmem>>
      %dma_start3A_381 = arith.constant 0 : i32
      %dma_start3A_382 = arith.constant 0 : i32
      %dma_start3A_383 = tpu.memref_slice %arg2[%dma_start3A_381, %dma_start3A_382] : memref<10000x128xf32, #tpu.memory_space<hbm>> -> memref<10000x128xf32, #tpu.memory_space<hbm>>
      tpu.enqueue_indirect_dma source(%dma_start3A_383 : memref<10000x128xf32, #tpu.memory_space<hbm>>) target(%dma_start3A_377 : memref<128x128xf32, #tpu.memory_space<vmem>>) offsets(%dma_start3A_380 : memref<128xi32, #tpu.memory_space<vmem>>) semaphore(%arg11 : memref<!tpu.dma_semaphore, #tpu.memory_space<semaphore_mem>>)
      %mul3A_384 = arith.constant 8 : i32
      %mul3A_385 = arith.muli %scan3A_190, %mul3A_384 : i32
      %add3A_386 = arith.constant 6 : i32
      %add3A_387 = arith.addi %mul3A_385, %add3A_386 : i32
      %rem3A_388 = arith.constant 2 : i32
      %rem3A_389 = arith.remsi %add3A_387, %rem3A_388 : i32
      %dma_wait3A_390 = arith.constant 0 : i32
      %dma_wait3A_391 = arith.constant 0 : i32
      %dma_wait3A_392 = arith.constant 0 : i32
      %dma_wait3A_393 = tpu.memref_slice %arg10[%rem3A_389, %dma_wait3A_391, %dma_wait3A_392] : memref<2x128x128xf32, #tpu.memory_space<vmem>> -> memref<1x128x128xf32, #tpu.memory_space<vmem>>
      %dma_wait3A_394 = tpu.memref_squeeze %dma_wait3A_393 : memref<1x128x128xf32, #tpu.memory_space<vmem>> -> memref<128x128xf32, #tpu.memory_space<vmem>>
      %dma_wait3A_395 = arith.constant 0 : i32
      %dma_wait3A_396 = tpu.memref_slice %arg8[%dma_wait3A_390, %dma_wait3A_395] : memref<2x1024xi32, #tpu.memory_space<vmem>> -> memref<1x128xi32, #tpu.memory_space<vmem>>
      %dma_wait3A_397 = tpu.memref_squeeze %dma_wait3A_396 : memref<1x128xi32, #tpu.memory_space<vmem>> -> memref<128xi32, #tpu.memory_space<vmem>>
      %dma_wait3A_398 = arith.constant 0 : i32
      %dma_wait3A_399 = arith.constant 0 : i32
      %dma_wait3A_400 = tpu.memref_slice %arg2[%dma_wait3A_398, %dma_wait3A_399] : memref<10000x128xf32, #tpu.memory_space<hbm>> -> memref<10000x128xf32, #tpu.memory_space<hbm>>
      tpu.wait_indirect_dma semaphore(%arg11 : memref<!tpu.dma_semaphore, #tpu.memory_space<semaphore_mem>>) src(%dma_wait3A_400 : memref<10000x128xf32, #tpu.memory_space<hbm>>) dst(%dma_wait3A_394 : memref<128x128xf32, #tpu.memory_space<vmem>>)
      "tpu.region"() ({
        %run_scoped3A_442 = tpu.sem_alloc : memref<!tpu.dma_semaphore, #tpu.memory_space<semaphore_mem>>
        %dma_start3A_443 = arith.constant 0 : i32
        %dma_start3A_444 = arith.constant 0 : i32
        %dma_start3A_445 = tpu.memref_slice %arg10[%rem3A_389, %dma_start3A_443, %dma_start3A_444] : memref<2x128x128xf32, #tpu.memory_space<vmem>> -> memref<1x128x128xf32, #tpu.memory_space<vmem>>
        %dma_start3A_446 = tpu.memref_squeeze %dma_start3A_445 : memref<1x128x128xf32, #tpu.memory_space<vmem>> -> memref<128x128xf32, #tpu.memory_space<vmem>>
        %dma_start3A_447 = arith.constant 0 : i32
        %dma_start3A_448 = tpu.memref_slice %arg9[%add3A_387, %dma_start3A_447] : memref<79x128xi32, #tpu.memory_space<vmem>> -> memref<1x128xi32, #tpu.memory_space<vmem>>
        %dma_start3A_449 = tpu.memref_squeeze %dma_start3A_448 : memref<1x128xi32, #tpu.memory_space<vmem>> -> memref<128xi32, #tpu.memory_space<vmem>>
        %dma_start3A_450 = arith.constant 0 : i32
        %dma_start3A_451 = arith.constant 0 : i32
        %dma_start3A_452 = tpu.memref_slice %arg7[%dma_start3A_450, %dma_start3A_451] : memref<10112x128xf32, #tpu.memory_space<vmem_shared>> -> memref<10112x128xf32, #tpu.memory_space<vmem_shared>>
        tpu.enqueue_indirect_dma source(%dma_start3A_446 : memref<128x128xf32, #tpu.memory_space<vmem>>) target(%dma_start3A_452 : memref<10112x128xf32, #tpu.memory_space<vmem_shared>>) offsets(%dma_start3A_449 : memref<128xi32, #tpu.memory_space<vmem>>) semaphore(%run_scoped3A_442 : memref<!tpu.dma_semaphore, #tpu.memory_space<semaphore_mem>>) {add = true}
        %dma_wait3A_453 = arith.constant 0 : i32
        %dma_wait3A_454 = arith.constant 0 : i32
        %dma_wait3A_455 = tpu.memref_slice %arg10[%rem3A_389, %dma_wait3A_453, %dma_wait3A_454] : memref<2x128x128xf32, #tpu.memory_space<vmem>> -> memref<1x128x128xf32, #tpu.memory_space<vmem>>
        %dma_wait3A_456 = tpu.memref_squeeze %dma_wait3A_455 : memref<1x128x128xf32, #tpu.memory_space<vmem>> -> memref<128x128xf32, #tpu.memory_space<vmem>>
        %dma_wait3A_457 = arith.constant 0 : i32
        %dma_wait3A_458 = tpu.memref_slice %arg9[%add3A_387, %dma_wait3A_457] : memref<79x128xi32, #tpu.memory_space<vmem>> -> memref<1x128xi32, #tpu.memory_space<vmem>>
        %dma_wait3A_459 = tpu.memref_squeeze %dma_wait3A_458 : memref<1x128xi32, #tpu.memory_space<vmem>> -> memref<128xi32, #tpu.memory_space<vmem>>
        %dma_wait3A_460 = arith.constant 0 : i32
        %dma_wait3A_461 = arith.constant 0 : i32
        %dma_wait3A_462 = tpu.memref_slice %arg7[%dma_wait3A_460, %dma_wait3A_461] : memref<10112x128xf32, #tpu.memory_space<vmem_shared>> -> memref<10112x128xf32, #tpu.memory_space<vmem_shared>>
        tpu.wait_indirect_dma semaphore(%run_scoped3A_442 : memref<!tpu.dma_semaphore, #tpu.memory_space<semaphore_mem>>) src(%dma_wait3A_456 : memref<128x128xf32, #tpu.memory_space<vmem>>) dst(%dma_wait3A_462 : memref<10112x128xf32, #tpu.memory_space<vmem_shared>>)
        tpu.yield
      }) : () -> ()
      %sub3A_401 = arith.constant 1 : i32
      %sub3A_402 = arith.subi %sub3A_401, %rem3A_192 : i32
      %dma_start3A_403 = arith.constant 0 : i32
      %dma_start3A_404 = arith.constant 0 : i32
      %dma_start3A_405 = tpu.memref_slice %arg10[%rem3A_389, %dma_start3A_403, %dma_start3A_404] : memref<2x128x128xf32, #tpu.memory_space<vmem>> -> memref<1x128x128xf32, #tpu.memory_space<vmem>>
      %dma_start3A_406 = tpu.memref_squeeze %dma_start3A_405 : memref<1x128x128xf32, #tpu.memory_space<vmem>> -> memref<128x128xf32, #tpu.memory_space<vmem>>
      %dma_start3A_407 = arith.constant 0 : i32
      %dma_start3A_408 = tpu.memref_slice %arg8[%sub3A_402, %dma_start3A_407] : memref<2x1024xi32, #tpu.memory_space<vmem>> -> memref<1x128xi32, #tpu.memory_space<vmem>>
      %dma_start3A_409 = tpu.memref_squeeze %dma_start3A_408 : memref<1x128xi32, #tpu.memory_space<vmem>> -> memref<128xi32, #tpu.memory_space<vmem>>
      %dma_start3A_410 = arith.constant 0 : i32
      %dma_start3A_411 = arith.constant 0 : i32
      %dma_start3A_412 = tpu.memref_slice %arg2[%dma_start3A_410, %dma_start3A_411] : memref<10000x128xf32, #tpu.memory_space<hbm>> -> memref<10000x128xf32, #tpu.memory_space<hbm>>
      tpu.enqueue_indirect_dma source(%dma_start3A_412 : memref<10000x128xf32, #tpu.memory_space<hbm>>) target(%dma_start3A_406 : memref<128x128xf32, #tpu.memory_space<vmem>>) offsets(%dma_start3A_409 : memref<128xi32, #tpu.memory_space<vmem>>) semaphore(%arg11 : memref<!tpu.dma_semaphore, #tpu.memory_space<semaphore_mem>>)
      %mul3A_413 = arith.constant 8 : i32
      %mul3A_414 = arith.muli %scan3A_190, %mul3A_413 : i32
      %add3A_415 = arith.constant 7 : i32
      %add3A_416 = arith.addi %mul3A_414, %add3A_415 : i32
      %rem3A_417 = arith.constant 2 : i32
      %rem3A_418 = arith.remsi %add3A_416, %rem3A_417 : i32
      %dma_wait3A_419 = arith.constant 0 : i32
      %dma_wait3A_420 = arith.constant 0 : i32
      %dma_wait3A_421 = arith.constant 0 : i32
      %dma_wait3A_422 = tpu.memref_slice %arg10[%rem3A_418, %dma_wait3A_420, %dma_wait3A_421] : memref<2x128x128xf32, #tpu.memory_space<vmem>> -> memref<1x128x128xf32, #tpu.memory_space<vmem>>
      %dma_wait3A_423 = tpu.memref_squeeze %dma_wait3A_422 : memref<1x128x128xf32, #tpu.memory_space<vmem>> -> memref<128x128xf32, #tpu.memory_space<vmem>>
      %dma_wait3A_424 = arith.constant 0 : i32
      %dma_wait3A_425 = tpu.memref_slice %arg8[%dma_wait3A_419, %dma_wait3A_424] : memref<2x1024xi32, #tpu.memory_space<vmem>> -> memref<1x128xi32, #tpu.memory_space<vmem>>
      %dma_wait3A_426 = tpu.memref_squeeze %dma_wait3A_425 : memref<1x128xi32, #tpu.memory_space<vmem>> -> memref<128xi32, #tpu.memory_space<vmem>>
      %dma_wait3A_427 = arith.constant 0 : i32
      %dma_wait3A_428 = arith.constant 0 : i32
      %dma_wait3A_429 = tpu.memref_slice %arg2[%dma_wait3A_427, %dma_wait3A_428] : memref<10000x128xf32, #tpu.memory_space<hbm>> -> memref<10000x128xf32, #tpu.memory_space<hbm>>
      tpu.wait_indirect_dma semaphore(%arg11 : memref<!tpu.dma_semaphore, #tpu.memory_space<semaphore_mem>>) src(%dma_wait3A_429 : memref<10000x128xf32, #tpu.memory_space<hbm>>) dst(%dma_wait3A_423 : memref<128x128xf32, #tpu.memory_space<vmem>>)
      "tpu.region"() ({
        %run_scoped3A_442 = tpu.sem_alloc : memref<!tpu.dma_semaphore, #tpu.memory_space<semaphore_mem>>
        %dma_start3A_443 = arith.constant 0 : i32
        %dma_start3A_444 = arith.constant 0 : i32
        %dma_start3A_445 = tpu.memref_slice %arg10[%rem3A_418, %dma_start3A_443, %dma_start3A_444] : memref<2x128x128xf32, #tpu.memory_space<vmem>> -> memref<1x128x128xf32, #tpu.memory_space<vmem>>
        %dma_start3A_446 = tpu.memref_squeeze %dma_start3A_445 : memref<1x128x128xf32, #tpu.memory_space<vmem>> -> memref<128x128xf32, #tpu.memory_space<vmem>>
        %dma_start3A_447 = arith.constant 0 : i32
        %dma_start3A_448 = tpu.memref_slice %arg9[%add3A_416, %dma_start3A_447] : memref<79x128xi32, #tpu.memory_space<vmem>> -> memref<1x128xi32, #tpu.memory_space<vmem>>
        %dma_start3A_449 = tpu.memref_squeeze %dma_start3A_448 : memref<1x128xi32, #tpu.memory_space<vmem>> -> memref<128xi32, #tpu.memory_space<vmem>>
        %dma_start3A_450 = arith.constant 0 : i32
        %dma_start3A_451 = arith.constant 0 : i32
        %dma_start3A_452 = tpu.memref_slice %arg7[%dma_start3A_450, %dma_start3A_451] : memref<10112x128xf32, #tpu.memory_space<vmem_shared>> -> memref<10112x128xf32, #tpu.memory_space<vmem_shared>>
        tpu.enqueue_indirect_dma source(%dma_start3A_446 : memref<128x128xf32, #tpu.memory_space<vmem>>) target(%dma_start3A_452 : memref<10112x128xf32, #tpu.memory_space<vmem_shared>>) offsets(%dma_start3A_449 : memref<128xi32, #tpu.memory_space<vmem>>) semaphore(%run_scoped3A_442 : memref<!tpu.dma_semaphore, #tpu.memory_space<semaphore_mem>>) {add = true}
        %dma_wait3A_453 = arith.constant 0 : i32
        %dma_wait3A_454 = arith.constant 0 : i32
        %dma_wait3A_455 = tpu.memref_slice %arg10[%rem3A_418, %dma_wait3A_453, %dma_wait3A_454] : memref<2x128x128xf32, #tpu.memory_space<vmem>> -> memref<1x128x128xf32, #tpu.memory_space<vmem>>
        %dma_wait3A_456 = tpu.memref_squeeze %dma_wait3A_455 : memref<1x128x128xf32, #tpu.memory_space<vmem>> -> memref<128x128xf32, #tpu.memory_space<vmem>>
        %dma_wait3A_457 = arith.constant 0 : i32
        %dma_wait3A_458 = tpu.memref_slice %arg9[%add3A_416, %dma_wait3A_457] : memref<79x128xi32, #tpu.memory_space<vmem>> -> memref<1x128xi32, #tpu.memory_space<vmem>>
        %dma_wait3A_459 = tpu.memref_squeeze %dma_wait3A_458 : memref<1x128xi32, #tpu.memory_space<vmem>> -> memref<128xi32, #tpu.memory_space<vmem>>
        %dma_wait3A_460 = arith.constant 0 : i32
        %dma_wait3A_461 = arith.constant 0 : i32
        %dma_wait3A_462 = tpu.memref_slice %arg7[%dma_wait3A_460, %dma_wait3A_461] : memref<10112x128xf32, #tpu.memory_space<vmem_shared>> -> memref<10112x128xf32, #tpu.memory_space<vmem_shared>>
        tpu.wait_indirect_dma semaphore(%run_scoped3A_442 : memref<!tpu.dma_semaphore, #tpu.memory_space<semaphore_mem>>) src(%dma_wait3A_456 : memref<128x128xf32, #tpu.memory_space<vmem>>) dst(%dma_wait3A_462 : memref<10112x128xf32, #tpu.memory_space<vmem_shared>>)
        tpu.yield
      }) : () -> ()
      %sub3A_430 = arith.constant 1 : i32
      %sub3A_431 = arith.subi %sub3A_430, %rem3A_192 : i32
      %dma_start3A_432 = arith.constant 0 : i32
      %dma_start3A_433 = arith.constant 0 : i32
      %dma_start3A_434 = tpu.memref_slice %arg10[%rem3A_418, %dma_start3A_432, %dma_start3A_433] : memref<2x128x128xf32, #tpu.memory_space<vmem>> -> memref<1x128x128xf32, #tpu.memory_space<vmem>>
      %dma_start3A_435 = tpu.memref_squeeze %dma_start3A_434 : memref<1x128x128xf32, #tpu.memory_space<vmem>> -> memref<128x128xf32, #tpu.memory_space<vmem>>
      %dma_start3A_436 = arith.constant 128 : i32
      %dma_start3A_437 = tpu.memref_slice %arg8[%sub3A_431, %dma_start3A_436] : memref<2x1024xi32, #tpu.memory_space<vmem>> -> memref<1x128xi32, #tpu.memory_space<vmem>>
      %dma_start3A_438 = tpu.memref_squeeze %dma_start3A_437 : memref<1x128xi32, #tpu.memory_space<vmem>> -> memref<128xi32, #tpu.memory_space<vmem>>
      %dma_start3A_439 = arith.constant 0 : i32
      %dma_start3A_440 = arith.constant 0 : i32
      %dma_start3A_441 = tpu.memref_slice %arg2[%dma_start3A_439, %dma_start3A_440] : memref<10000x128xf32, #tpu.memory_space<hbm>> -> memref<10000x128xf32, #tpu.memory_space<hbm>>
      tpu.enqueue_indirect_dma source(%dma_start3A_441 : memref<10000x128xf32, #tpu.memory_space<hbm>>) target(%dma_start3A_435 : memref<128x128xf32, #tpu.memory_space<vmem>>) offsets(%dma_start3A_438 : memref<128xi32, #tpu.memory_space<vmem>>) semaphore(%arg11 : memref<!tpu.dma_semaphore, #tpu.memory_space<semaphore_mem>>)
    }
    %scan3A_30 = arith.constant 9 : i32
    %rem3A = arith.constant 72 : i32
    %rem3A_31 = arith.constant 2 : i32
    %rem3A_32 = arith.remsi %rem3A, %rem3A_31 : i32
    %dma_wait3A = arith.constant 0 : i32
    %dma_wait3A_33 = arith.constant 0 : i32
    %dma_wait3A_34 = arith.constant 0 : i32
    %dma_wait3A_35 = tpu.memref_slice %arg10[%rem3A_32, %dma_wait3A_33, %dma_wait3A_34] : memref<2x128x128xf32, #tpu.memory_space<vmem>> -> memref<1x128x128xf32, #tpu.memory_space<vmem>>
    %dma_wait3A_36 = tpu.memref_squeeze %dma_wait3A_35 : memref<1x128x128xf32, #tpu.memory_space<vmem>> -> memref<128x128xf32, #tpu.memory_space<vmem>>
    %dma_wait3A_37 = arith.constant 0 : i32
    %dma_wait3A_38 = tpu.memref_slice %arg8[%dma_wait3A, %dma_wait3A_37] : memref<2x1024xi32, #tpu.memory_space<vmem>> -> memref<1x128xi32, #tpu.memory_space<vmem>>
    %dma_wait3A_39 = tpu.memref_squeeze %dma_wait3A_38 : memref<1x128xi32, #tpu.memory_space<vmem>> -> memref<128xi32, #tpu.memory_space<vmem>>
    %dma_wait3A_40 = arith.constant 0 : i32
    %dma_wait3A_41 = arith.constant 0 : i32
    %dma_wait3A_42 = tpu.memref_slice %arg2[%dma_wait3A_40, %dma_wait3A_41] : memref<10000x128xf32, #tpu.memory_space<hbm>> -> memref<10000x128xf32, #tpu.memory_space<hbm>>
    tpu.wait_indirect_dma semaphore(%arg11 : memref<!tpu.dma_semaphore, #tpu.memory_space<semaphore_mem>>) src(%dma_wait3A_42 : memref<10000x128xf32, #tpu.memory_space<hbm>>) dst(%dma_wait3A_36 : memref<128x128xf32, #tpu.memory_space<vmem>>)
    %run_scoped3A_43 = arith.constant 72 : i32
    "tpu.region"() ({
      %run_scoped3A_190 = tpu.sem_alloc : memref<!tpu.dma_semaphore, #tpu.memory_space<semaphore_mem>>
      %dma_start3A_191 = arith.constant 0 : i32
      %dma_start3A_192 = arith.constant 0 : i32
      %dma_start3A_193 = tpu.memref_slice %arg10[%rem3A_32, %dma_start3A_191, %dma_start3A_192] : memref<2x128x128xf32, #tpu.memory_space<vmem>> -> memref<1x128x128xf32, #tpu.memory_space<vmem>>
      %dma_start3A_194 = tpu.memref_squeeze %dma_start3A_193 : memref<1x128x128xf32, #tpu.memory_space<vmem>> -> memref<128x128xf32, #tpu.memory_space<vmem>>
      %dma_start3A_195 = arith.constant 0 : i32
      %dma_start3A_196 = tpu.memref_slice %arg9[%run_scoped3A_43, %dma_start3A_195] : memref<79x128xi32, #tpu.memory_space<vmem>> -> memref<1x128xi32, #tpu.memory_space<vmem>>
      %dma_start3A_197 = tpu.memref_squeeze %dma_start3A_196 : memref<1x128xi32, #tpu.memory_space<vmem>> -> memref<128xi32, #tpu.memory_space<vmem>>
      %dma_start3A_198 = arith.constant 0 : i32
      %dma_start3A_199 = arith.constant 0 : i32
      %dma_start3A_200 = tpu.memref_slice %arg7[%dma_start3A_198, %dma_start3A_199] : memref<10112x128xf32, #tpu.memory_space<vmem_shared>> -> memref<10112x128xf32, #tpu.memory_space<vmem_shared>>
      tpu.enqueue_indirect_dma source(%dma_start3A_194 : memref<128x128xf32, #tpu.memory_space<vmem>>) target(%dma_start3A_200 : memref<10112x128xf32, #tpu.memory_space<vmem_shared>>) offsets(%dma_start3A_197 : memref<128xi32, #tpu.memory_space<vmem>>) semaphore(%run_scoped3A_190 : memref<!tpu.dma_semaphore, #tpu.memory_space<semaphore_mem>>) {add = true}
      %dma_wait3A_201 = arith.constant 0 : i32
      %dma_wait3A_202 = arith.constant 0 : i32
      %dma_wait3A_203 = tpu.memref_slice %arg10[%rem3A_32, %dma_wait3A_201, %dma_wait3A_202] : memref<2x128x128xf32, #tpu.memory_space<vmem>> -> memref<1x128x128xf32, #tpu.memory_space<vmem>>
      %dma_wait3A_204 = tpu.memref_squeeze %dma_wait3A_203 : memref<1x128x128xf32, #tpu.memory_space<vmem>> -> memref<128x128xf32, #tpu.memory_space<vmem>>
      %dma_wait3A_205 = arith.constant 0 : i32
      %dma_wait3A_206 = tpu.memref_slice %arg9[%run_scoped3A_43, %dma_wait3A_205] : memref<79x128xi32, #tpu.memory_space<vmem>> -> memref<1x128xi32, #tpu.memory_space<vmem>>
      %dma_wait3A_207 = tpu.memref_squeeze %dma_wait3A_206 : memref<1x128xi32, #tpu.memory_space<vmem>> -> memref<128xi32, #tpu.memory_space<vmem>>
      %dma_wait3A_208 = arith.constant 0 : i32
      %dma_wait3A_209 = arith.constant 0 : i32
      %dma_wait3A_210 = tpu.memref_slice %arg7[%dma_wait3A_208, %dma_wait3A_209] : memref<10112x128xf32, #tpu.memory_space<vmem_shared>> -> memref<10112x128xf32, #tpu.memory_space<vmem_shared>>
      tpu.wait_indirect_dma semaphore(%run_scoped3A_190 : memref<!tpu.dma_semaphore, #tpu.memory_space<semaphore_mem>>) src(%dma_wait3A_204 : memref<128x128xf32, #tpu.memory_space<vmem>>) dst(%dma_wait3A_210 : memref<10112x128xf32, #tpu.memory_space<vmem_shared>>)
      tpu.yield
    }) : () -> ()
    %dma_start3A_44 = arith.constant 1 : i32
    %dma_start3A_45 = arith.constant 0 : i32
    %dma_start3A_46 = arith.constant 0 : i32
    %dma_start3A_47 = tpu.memref_slice %arg10[%rem3A_32, %dma_start3A_45, %dma_start3A_46] : memref<2x128x128xf32, #tpu.memory_space<vmem>> -> memref<1x128x128xf32, #tpu.memory_space<vmem>>
    %dma_start3A_48 = tpu.memref_squeeze %dma_start3A_47 : memref<1x128x128xf32, #tpu.memory_space<vmem>> -> memref<128x128xf32, #tpu.memory_space<vmem>>
    %dma_start3A_49 = arith.constant 256 : i32
    %dma_start3A_50 = tpu.memref_slice %arg8[%dma_start3A_44, %dma_start3A_49] : memref<2x1024xi32, #tpu.memory_space<vmem>> -> memref<1x128xi32, #tpu.memory_space<vmem>>
    %dma_start3A_51 = tpu.memref_squeeze %dma_start3A_50 : memref<1x128xi32, #tpu.memory_space<vmem>> -> memref<128xi32, #tpu.memory_space<vmem>>
    %dma_start3A_52 = arith.constant 0 : i32
    %dma_start3A_53 = arith.constant 0 : i32
    %dma_start3A_54 = tpu.memref_slice %arg2[%dma_start3A_52, %dma_start3A_53] : memref<10000x128xf32, #tpu.memory_space<hbm>> -> memref<10000x128xf32, #tpu.memory_space<hbm>>
    tpu.enqueue_indirect_dma source(%dma_start3A_54 : memref<10000x128xf32, #tpu.memory_space<hbm>>) target(%dma_start3A_48 : memref<128x128xf32, #tpu.memory_space<vmem>>) offsets(%dma_start3A_51 : memref<128xi32, #tpu.memory_space<vmem>>) semaphore(%arg11 : memref<!tpu.dma_semaphore, #tpu.memory_space<semaphore_mem>>)
    %rem3A_55 = arith.constant 73 : i32
    %rem3A_56 = arith.constant 2 : i32
    %rem3A_57 = arith.remsi %rem3A_55, %rem3A_56 : i32
    %dma_wait3A_58 = arith.constant 0 : i32
    %dma_wait3A_59 = arith.constant 0 : i32
    %dma_wait3A_60 = arith.constant 0 : i32
    %dma_wait3A_61 = tpu.memref_slice %arg10[%rem3A_57, %dma_wait3A_59, %dma_wait3A_60] : memref<2x128x128xf32, #tpu.memory_space<vmem>> -> memref<1x128x128xf32, #tpu.memory_space<vmem>>
    %dma_wait3A_62 = tpu.memref_squeeze %dma_wait3A_61 : memref<1x128x128xf32, #tpu.memory_space<vmem>> -> memref<128x128xf32, #tpu.memory_space<vmem>>
    %dma_wait3A_63 = arith.constant 0 : i32
    %dma_wait3A_64 = tpu.memref_slice %arg8[%dma_wait3A_58, %dma_wait3A_63] : memref<2x1024xi32, #tpu.memory_space<vmem>> -> memref<1x128xi32, #tpu.memory_space<vmem>>
    %dma_wait3A_65 = tpu.memref_squeeze %dma_wait3A_64 : memref<1x128xi32, #tpu.memory_space<vmem>> -> memref<128xi32, #tpu.memory_space<vmem>>
    %dma_wait3A_66 = arith.constant 0 : i32
    %dma_wait3A_67 = arith.constant 0 : i32
    %dma_wait3A_68 = tpu.memref_slice %arg2[%dma_wait3A_66, %dma_wait3A_67] : memref<10000x128xf32, #tpu.memory_space<hbm>> -> memref<10000x128xf32, #tpu.memory_space<hbm>>
    tpu.wait_indirect_dma semaphore(%arg11 : memref<!tpu.dma_semaphore, #tpu.memory_space<semaphore_mem>>) src(%dma_wait3A_68 : memref<10000x128xf32, #tpu.memory_space<hbm>>) dst(%dma_wait3A_62 : memref<128x128xf32, #tpu.memory_space<vmem>>)
    %run_scoped3A_69 = arith.constant 73 : i32
    "tpu.region"() ({
      %run_scoped3A_190 = tpu.sem_alloc : memref<!tpu.dma_semaphore, #tpu.memory_space<semaphore_mem>>
      %dma_start3A_191 = arith.constant 0 : i32
      %dma_start3A_192 = arith.constant 0 : i32
      %dma_start3A_193 = tpu.memref_slice %arg10[%rem3A_57, %dma_start3A_191, %dma_start3A_192] : memref<2x128x128xf32, #tpu.memory_space<vmem>> -> memref<1x128x128xf32, #tpu.memory_space<vmem>>
      %dma_start3A_194 = tpu.memref_squeeze %dma_start3A_193 : memref<1x128x128xf32, #tpu.memory_space<vmem>> -> memref<128x128xf32, #tpu.memory_space<vmem>>
      %dma_start3A_195 = arith.constant 0 : i32
      %dma_start3A_196 = tpu.memref_slice %arg9[%run_scoped3A_69, %dma_start3A_195] : memref<79x128xi32, #tpu.memory_space<vmem>> -> memref<1x128xi32, #tpu.memory_space<vmem>>
      %dma_start3A_197 = tpu.memref_squeeze %dma_start3A_196 : memref<1x128xi32, #tpu.memory_space<vmem>> -> memref<128xi32, #tpu.memory_space<vmem>>
      %dma_start3A_198 = arith.constant 0 : i32
      %dma_start3A_199 = arith.constant 0 : i32
      %dma_start3A_200 = tpu.memref_slice %arg7[%dma_start3A_198, %dma_start3A_199] : memref<10112x128xf32, #tpu.memory_space<vmem_shared>> -> memref<10112x128xf32, #tpu.memory_space<vmem_shared>>
      tpu.enqueue_indirect_dma source(%dma_start3A_194 : memref<128x128xf32, #tpu.memory_space<vmem>>) target(%dma_start3A_200 : memref<10112x128xf32, #tpu.memory_space<vmem_shared>>) offsets(%dma_start3A_197 : memref<128xi32, #tpu.memory_space<vmem>>) semaphore(%run_scoped3A_190 : memref<!tpu.dma_semaphore, #tpu.memory_space<semaphore_mem>>) {add = true}
      %dma_wait3A_201 = arith.constant 0 : i32
      %dma_wait3A_202 = arith.constant 0 : i32
      %dma_wait3A_203 = tpu.memref_slice %arg10[%rem3A_57, %dma_wait3A_201, %dma_wait3A_202] : memref<2x128x128xf32, #tpu.memory_space<vmem>> -> memref<1x128x128xf32, #tpu.memory_space<vmem>>
      %dma_wait3A_204 = tpu.memref_squeeze %dma_wait3A_203 : memref<1x128x128xf32, #tpu.memory_space<vmem>> -> memref<128x128xf32, #tpu.memory_space<vmem>>
      %dma_wait3A_205 = arith.constant 0 : i32
      %dma_wait3A_206 = tpu.memref_slice %arg9[%run_scoped3A_69, %dma_wait3A_205] : memref<79x128xi32, #tpu.memory_space<vmem>> -> memref<1x128xi32, #tpu.memory_space<vmem>>
      %dma_wait3A_207 = tpu.memref_squeeze %dma_wait3A_206 : memref<1x128xi32, #tpu.memory_space<vmem>> -> memref<128xi32, #tpu.memory_space<vmem>>
      %dma_wait3A_208 = arith.constant 0 : i32
      %dma_wait3A_209 = arith.constant 0 : i32
      %dma_wait3A_210 = tpu.memref_slice %arg7[%dma_wait3A_208, %dma_wait3A_209] : memref<10112x128xf32, #tpu.memory_space<vmem_shared>> -> memref<10112x128xf32, #tpu.memory_space<vmem_shared>>
      tpu.wait_indirect_dma semaphore(%run_scoped3A_190 : memref<!tpu.dma_semaphore, #tpu.memory_space<semaphore_mem>>) src(%dma_wait3A_204 : memref<128x128xf32, #tpu.memory_space<vmem>>) dst(%dma_wait3A_210 : memref<10112x128xf32, #tpu.memory_space<vmem_shared>>)
      tpu.yield
    }) : () -> ()
    %dma_start3A_70 = arith.constant 1 : i32
    %dma_start3A_71 = arith.constant 0 : i32
    %dma_start3A_72 = arith.constant 0 : i32
    %dma_start3A_73 = tpu.memref_slice %arg10[%rem3A_57, %dma_start3A_71, %dma_start3A_72] : memref<2x128x128xf32, #tpu.memory_space<vmem>> -> memref<1x128x128xf32, #tpu.memory_space<vmem>>
    %dma_start3A_74 = tpu.memref_squeeze %dma_start3A_73 : memref<1x128x128xf32, #tpu.memory_space<vmem>> -> memref<128x128xf32, #tpu.memory_space<vmem>>
    %dma_start3A_75 = arith.constant 384 : i32
    %dma_start3A_76 = tpu.memref_slice %arg8[%dma_start3A_70, %dma_start3A_75] : memref<2x1024xi32, #tpu.memory_space<vmem>> -> memref<1x128xi32, #tpu.memory_space<vmem>>
    %dma_start3A_77 = tpu.memref_squeeze %dma_start3A_76 : memref<1x128xi32, #tpu.memory_space<vmem>> -> memref<128xi32, #tpu.memory_space<vmem>>
    %dma_start3A_78 = arith.constant 0 : i32
    %dma_start3A_79 = arith.constant 0 : i32
    %dma_start3A_80 = tpu.memref_slice %arg2[%dma_start3A_78, %dma_start3A_79] : memref<10000x128xf32, #tpu.memory_space<hbm>> -> memref<10000x128xf32, #tpu.memory_space<hbm>>
    tpu.enqueue_indirect_dma source(%dma_start3A_80 : memref<10000x128xf32, #tpu.memory_space<hbm>>) target(%dma_start3A_74 : memref<128x128xf32, #tpu.memory_space<vmem>>) offsets(%dma_start3A_77 : memref<128xi32, #tpu.memory_space<vmem>>) semaphore(%arg11 : memref<!tpu.dma_semaphore, #tpu.memory_space<semaphore_mem>>)
    %rem3A_81 = arith.constant 74 : i32
    %rem3A_82 = arith.constant 2 : i32
    %rem3A_83 = arith.remsi %rem3A_81, %rem3A_82 : i32
    %dma_wait3A_84 = arith.constant 0 : i32
    %dma_wait3A_85 = arith.constant 0 : i32
    %dma_wait3A_86 = arith.constant 0 : i32
    %dma_wait3A_87 = tpu.memref_slice %arg10[%rem3A_83, %dma_wait3A_85, %dma_wait3A_86] : memref<2x128x128xf32, #tpu.memory_space<vmem>> -> memref<1x128x128xf32, #tpu.memory_space<vmem>>
    %dma_wait3A_88 = tpu.memref_squeeze %dma_wait3A_87 : memref<1x128x128xf32, #tpu.memory_space<vmem>> -> memref<128x128xf32, #tpu.memory_space<vmem>>
    %dma_wait3A_89 = arith.constant 0 : i32
    %dma_wait3A_90 = tpu.memref_slice %arg8[%dma_wait3A_84, %dma_wait3A_89] : memref<2x1024xi32, #tpu.memory_space<vmem>> -> memref<1x128xi32, #tpu.memory_space<vmem>>
    %dma_wait3A_91 = tpu.memref_squeeze %dma_wait3A_90 : memref<1x128xi32, #tpu.memory_space<vmem>> -> memref<128xi32, #tpu.memory_space<vmem>>
    %dma_wait3A_92 = arith.constant 0 : i32
    %dma_wait3A_93 = arith.constant 0 : i32
    %dma_wait3A_94 = tpu.memref_slice %arg2[%dma_wait3A_92, %dma_wait3A_93] : memref<10000x128xf32, #tpu.memory_space<hbm>> -> memref<10000x128xf32, #tpu.memory_space<hbm>>
    tpu.wait_indirect_dma semaphore(%arg11 : memref<!tpu.dma_semaphore, #tpu.memory_space<semaphore_mem>>) src(%dma_wait3A_94 : memref<10000x128xf32, #tpu.memory_space<hbm>>) dst(%dma_wait3A_88 : memref<128x128xf32, #tpu.memory_space<vmem>>)
    %run_scoped3A_95 = arith.constant 74 : i32
    "tpu.region"() ({
      %run_scoped3A_190 = tpu.sem_alloc : memref<!tpu.dma_semaphore, #tpu.memory_space<semaphore_mem>>
      %dma_start3A_191 = arith.constant 0 : i32
      %dma_start3A_192 = arith.constant 0 : i32
      %dma_start3A_193 = tpu.memref_slice %arg10[%rem3A_83, %dma_start3A_191, %dma_start3A_192] : memref<2x128x128xf32, #tpu.memory_space<vmem>> -> memref<1x128x128xf32, #tpu.memory_space<vmem>>
      %dma_start3A_194 = tpu.memref_squeeze %dma_start3A_193 : memref<1x128x128xf32, #tpu.memory_space<vmem>> -> memref<128x128xf32, #tpu.memory_space<vmem>>
      %dma_start3A_195 = arith.constant 0 : i32
      %dma_start3A_196 = tpu.memref_slice %arg9[%run_scoped3A_95, %dma_start3A_195] : memref<79x128xi32, #tpu.memory_space<vmem>> -> memref<1x128xi32, #tpu.memory_space<vmem>>
      %dma_start3A_197 = tpu.memref_squeeze %dma_start3A_196 : memref<1x128xi32, #tpu.memory_space<vmem>> -> memref<128xi32, #tpu.memory_space<vmem>>
      %dma_start3A_198 = arith.constant 0 : i32
      %dma_start3A_199 = arith.constant 0 : i32
      %dma_start3A_200 = tpu.memref_slice %arg7[%dma_start3A_198, %dma_start3A_199] : memref<10112x128xf32, #tpu.memory_space<vmem_shared>> -> memref<10112x128xf32, #tpu.memory_space<vmem_shared>>
      tpu.enqueue_indirect_dma source(%dma_start3A_194 : memref<128x128xf32, #tpu.memory_space<vmem>>) target(%dma_start3A_200 : memref<10112x128xf32, #tpu.memory_space<vmem_shared>>) offsets(%dma_start3A_197 : memref<128xi32, #tpu.memory_space<vmem>>) semaphore(%run_scoped3A_190 : memref<!tpu.dma_semaphore, #tpu.memory_space<semaphore_mem>>) {add = true}
      %dma_wait3A_201 = arith.constant 0 : i32
      %dma_wait3A_202 = arith.constant 0 : i32
      %dma_wait3A_203 = tpu.memref_slice %arg10[%rem3A_83, %dma_wait3A_201, %dma_wait3A_202] : memref<2x128x128xf32, #tpu.memory_space<vmem>> -> memref<1x128x128xf32, #tpu.memory_space<vmem>>
      %dma_wait3A_204 = tpu.memref_squeeze %dma_wait3A_203 : memref<1x128x128xf32, #tpu.memory_space<vmem>> -> memref<128x128xf32, #tpu.memory_space<vmem>>
      %dma_wait3A_205 = arith.constant 0 : i32
      %dma_wait3A_206 = tpu.memref_slice %arg9[%run_scoped3A_95, %dma_wait3A_205] : memref<79x128xi32, #tpu.memory_space<vmem>> -> memref<1x128xi32, #tpu.memory_space<vmem>>
      %dma_wait3A_207 = tpu.memref_squeeze %dma_wait3A_206 : memref<1x128xi32, #tpu.memory_space<vmem>> -> memref<128xi32, #tpu.memory_space<vmem>>
      %dma_wait3A_208 = arith.constant 0 : i32
      %dma_wait3A_209 = arith.constant 0 : i32
      %dma_wait3A_210 = tpu.memref_slice %arg7[%dma_wait3A_208, %dma_wait3A_209] : memref<10112x128xf32, #tpu.memory_space<vmem_shared>> -> memref<10112x128xf32, #tpu.memory_space<vmem_shared>>
      tpu.wait_indirect_dma semaphore(%run_scoped3A_190 : memref<!tpu.dma_semaphore, #tpu.memory_space<semaphore_mem>>) src(%dma_wait3A_204 : memref<128x128xf32, #tpu.memory_space<vmem>>) dst(%dma_wait3A_210 : memref<10112x128xf32, #tpu.memory_space<vmem_shared>>)
      tpu.yield
    }) : () -> ()
    %dma_start3A_96 = arith.constant 1 : i32
    %dma_start3A_97 = arith.constant 0 : i32
    %dma_start3A_98 = arith.constant 0 : i32
    %dma_start3A_99 = tpu.memref_slice %arg10[%rem3A_83, %dma_start3A_97, %dma_start3A_98] : memref<2x128x128xf32, #tpu.memory_space<vmem>> -> memref<1x128x128xf32, #tpu.memory_space<vmem>>
    %dma_start3A_100 = tpu.memref_squeeze %dma_start3A_99 : memref<1x128x128xf32, #tpu.memory_space<vmem>> -> memref<128x128xf32, #tpu.memory_space<vmem>>
    %dma_start3A_101 = arith.constant 512 : i32
    %dma_start3A_102 = tpu.memref_slice %arg8[%dma_start3A_96, %dma_start3A_101] : memref<2x1024xi32, #tpu.memory_space<vmem>> -> memref<1x128xi32, #tpu.memory_space<vmem>>
    %dma_start3A_103 = tpu.memref_squeeze %dma_start3A_102 : memref<1x128xi32, #tpu.memory_space<vmem>> -> memref<128xi32, #tpu.memory_space<vmem>>
    %dma_start3A_104 = arith.constant 0 : i32
    %dma_start3A_105 = arith.constant 0 : i32
    %dma_start3A_106 = tpu.memref_slice %arg2[%dma_start3A_104, %dma_start3A_105] : memref<10000x128xf32, #tpu.memory_space<hbm>> -> memref<10000x128xf32, #tpu.memory_space<hbm>>
    tpu.enqueue_indirect_dma source(%dma_start3A_106 : memref<10000x128xf32, #tpu.memory_space<hbm>>) target(%dma_start3A_100 : memref<128x128xf32, #tpu.memory_space<vmem>>) offsets(%dma_start3A_103 : memref<128xi32, #tpu.memory_space<vmem>>) semaphore(%arg11 : memref<!tpu.dma_semaphore, #tpu.memory_space<semaphore_mem>>)
    %rem3A_107 = arith.constant 75 : i32
    %rem3A_108 = arith.constant 2 : i32
    %rem3A_109 = arith.remsi %rem3A_107, %rem3A_108 : i32
    %dma_wait3A_110 = arith.constant 0 : i32
    %dma_wait3A_111 = arith.constant 0 : i32
    %dma_wait3A_112 = arith.constant 0 : i32
    %dma_wait3A_113 = tpu.memref_slice %arg10[%rem3A_109, %dma_wait3A_111, %dma_wait3A_112] : memref<2x128x128xf32, #tpu.memory_space<vmem>> -> memref<1x128x128xf32, #tpu.memory_space<vmem>>
    %dma_wait3A_114 = tpu.memref_squeeze %dma_wait3A_113 : memref<1x128x128xf32, #tpu.memory_space<vmem>> -> memref<128x128xf32, #tpu.memory_space<vmem>>
    %dma_wait3A_115 = arith.constant 0 : i32
    %dma_wait3A_116 = tpu.memref_slice %arg8[%dma_wait3A_110, %dma_wait3A_115] : memref<2x1024xi32, #tpu.memory_space<vmem>> -> memref<1x128xi32, #tpu.memory_space<vmem>>
    %dma_wait3A_117 = tpu.memref_squeeze %dma_wait3A_116 : memref<1x128xi32, #tpu.memory_space<vmem>> -> memref<128xi32, #tpu.memory_space<vmem>>
    %dma_wait3A_118 = arith.constant 0 : i32
    %dma_wait3A_119 = arith.constant 0 : i32
    %dma_wait3A_120 = tpu.memref_slice %arg2[%dma_wait3A_118, %dma_wait3A_119] : memref<10000x128xf32, #tpu.memory_space<hbm>> -> memref<10000x128xf32, #tpu.memory_space<hbm>>
    tpu.wait_indirect_dma semaphore(%arg11 : memref<!tpu.dma_semaphore, #tpu.memory_space<semaphore_mem>>) src(%dma_wait3A_120 : memref<10000x128xf32, #tpu.memory_space<hbm>>) dst(%dma_wait3A_114 : memref<128x128xf32, #tpu.memory_space<vmem>>)
    %run_scoped3A_121 = arith.constant 75 : i32
    "tpu.region"() ({
      %run_scoped3A_190 = tpu.sem_alloc : memref<!tpu.dma_semaphore, #tpu.memory_space<semaphore_mem>>
      %dma_start3A_191 = arith.constant 0 : i32
      %dma_start3A_192 = arith.constant 0 : i32
      %dma_start3A_193 = tpu.memref_slice %arg10[%rem3A_109, %dma_start3A_191, %dma_start3A_192] : memref<2x128x128xf32, #tpu.memory_space<vmem>> -> memref<1x128x128xf32, #tpu.memory_space<vmem>>
      %dma_start3A_194 = tpu.memref_squeeze %dma_start3A_193 : memref<1x128x128xf32, #tpu.memory_space<vmem>> -> memref<128x128xf32, #tpu.memory_space<vmem>>
      %dma_start3A_195 = arith.constant 0 : i32
      %dma_start3A_196 = tpu.memref_slice %arg9[%run_scoped3A_121, %dma_start3A_195] : memref<79x128xi32, #tpu.memory_space<vmem>> -> memref<1x128xi32, #tpu.memory_space<vmem>>
      %dma_start3A_197 = tpu.memref_squeeze %dma_start3A_196 : memref<1x128xi32, #tpu.memory_space<vmem>> -> memref<128xi32, #tpu.memory_space<vmem>>
      %dma_start3A_198 = arith.constant 0 : i32
      %dma_start3A_199 = arith.constant 0 : i32
      %dma_start3A_200 = tpu.memref_slice %arg7[%dma_start3A_198, %dma_start3A_199] : memref<10112x128xf32, #tpu.memory_space<vmem_shared>> -> memref<10112x128xf32, #tpu.memory_space<vmem_shared>>
      tpu.enqueue_indirect_dma source(%dma_start3A_194 : memref<128x128xf32, #tpu.memory_space<vmem>>) target(%dma_start3A_200 : memref<10112x128xf32, #tpu.memory_space<vmem_shared>>) offsets(%dma_start3A_197 : memref<128xi32, #tpu.memory_space<vmem>>) semaphore(%run_scoped3A_190 : memref<!tpu.dma_semaphore, #tpu.memory_space<semaphore_mem>>) {add = true}
      %dma_wait3A_201 = arith.constant 0 : i32
      %dma_wait3A_202 = arith.constant 0 : i32
      %dma_wait3A_203 = tpu.memref_slice %arg10[%rem3A_109, %dma_wait3A_201, %dma_wait3A_202] : memref<2x128x128xf32, #tpu.memory_space<vmem>> -> memref<1x128x128xf32, #tpu.memory_space<vmem>>
      %dma_wait3A_204 = tpu.memref_squeeze %dma_wait3A_203 : memref<1x128x128xf32, #tpu.memory_space<vmem>> -> memref<128x128xf32, #tpu.memory_space<vmem>>
      %dma_wait3A_205 = arith.constant 0 : i32
      %dma_wait3A_206 = tpu.memref_slice %arg9[%run_scoped3A_121, %dma_wait3A_205] : memref<79x128xi32, #tpu.memory_space<vmem>> -> memref<1x128xi32, #tpu.memory_space<vmem>>
      %dma_wait3A_207 = tpu.memref_squeeze %dma_wait3A_206 : memref<1x128xi32, #tpu.memory_space<vmem>> -> memref<128xi32, #tpu.memory_space<vmem>>
      %dma_wait3A_208 = arith.constant 0 : i32
      %dma_wait3A_209 = arith.constant 0 : i32
      %dma_wait3A_210 = tpu.memref_slice %arg7[%dma_wait3A_208, %dma_wait3A_209] : memref<10112x128xf32, #tpu.memory_space<vmem_shared>> -> memref<10112x128xf32, #tpu.memory_space<vmem_shared>>
      tpu.wait_indirect_dma semaphore(%run_scoped3A_190 : memref<!tpu.dma_semaphore, #tpu.memory_space<semaphore_mem>>) src(%dma_wait3A_204 : memref<128x128xf32, #tpu.memory_space<vmem>>) dst(%dma_wait3A_210 : memref<10112x128xf32, #tpu.memory_space<vmem_shared>>)
      tpu.yield
    }) : () -> ()
    %dma_start3A_122 = arith.constant 1 : i32
    %dma_start3A_123 = arith.constant 0 : i32
    %dma_start3A_124 = arith.constant 0 : i32
    %dma_start3A_125 = tpu.memref_slice %arg10[%rem3A_109, %dma_start3A_123, %dma_start3A_124] : memref<2x128x128xf32, #tpu.memory_space<vmem>> -> memref<1x128x128xf32, #tpu.memory_space<vmem>>
    %dma_start3A_126 = tpu.memref_squeeze %dma_start3A_125 : memref<1x128x128xf32, #tpu.memory_space<vmem>> -> memref<128x128xf32, #tpu.memory_space<vmem>>
    %dma_start3A_127 = arith.constant 640 : i32
    %dma_start3A_128 = tpu.memref_slice %arg8[%dma_start3A_122, %dma_start3A_127] : memref<2x1024xi32, #tpu.memory_space<vmem>> -> memref<1x128xi32, #tpu.memory_space<vmem>>
    %dma_start3A_129 = tpu.memref_squeeze %dma_start3A_128 : memref<1x128xi32, #tpu.memory_space<vmem>> -> memref<128xi32, #tpu.memory_space<vmem>>
    %dma_start3A_130 = arith.constant 0 : i32
    %dma_start3A_131 = arith.constant 0 : i32
    %dma_start3A_132 = tpu.memref_slice %arg2[%dma_start3A_130, %dma_start3A_131] : memref<10000x128xf32, #tpu.memory_space<hbm>> -> memref<10000x128xf32, #tpu.memory_space<hbm>>
    tpu.enqueue_indirect_dma source(%dma_start3A_132 : memref<10000x128xf32, #tpu.memory_space<hbm>>) target(%dma_start3A_126 : memref<128x128xf32, #tpu.memory_space<vmem>>) offsets(%dma_start3A_129 : memref<128xi32, #tpu.memory_space<vmem>>) semaphore(%arg11 : memref<!tpu.dma_semaphore, #tpu.memory_space<semaphore_mem>>)
    %rem3A_133 = arith.constant 76 : i32
    %rem3A_134 = arith.constant 2 : i32
    %rem3A_135 = arith.remsi %rem3A_133, %rem3A_134 : i32
    %dma_wait3A_136 = arith.constant 0 : i32
    %dma_wait3A_137 = arith.constant 0 : i32
    %dma_wait3A_138 = arith.constant 0 : i32
    %dma_wait3A_139 = tpu.memref_slice %arg10[%rem3A_135, %dma_wait3A_137, %dma_wait3A_138] : memref<2x128x128xf32, #tpu.memory_space<vmem>> -> memref<1x128x128xf32, #tpu.memory_space<vmem>>
    %dma_wait3A_140 = tpu.memref_squeeze %dma_wait3A_139 : memref<1x128x128xf32, #tpu.memory_space<vmem>> -> memref<128x128xf32, #tpu.memory_space<vmem>>
    %dma_wait3A_141 = arith.constant 0 : i32
    %dma_wait3A_142 = tpu.memref_slice %arg8[%dma_wait3A_136, %dma_wait3A_141] : memref<2x1024xi32, #tpu.memory_space<vmem>> -> memref<1x128xi32, #tpu.memory_space<vmem>>
    %dma_wait3A_143 = tpu.memref_squeeze %dma_wait3A_142 : memref<1x128xi32, #tpu.memory_space<vmem>> -> memref<128xi32, #tpu.memory_space<vmem>>
    %dma_wait3A_144 = arith.constant 0 : i32
    %dma_wait3A_145 = arith.constant 0 : i32
    %dma_wait3A_146 = tpu.memref_slice %arg2[%dma_wait3A_144, %dma_wait3A_145] : memref<10000x128xf32, #tpu.memory_space<hbm>> -> memref<10000x128xf32, #tpu.memory_space<hbm>>
    tpu.wait_indirect_dma semaphore(%arg11 : memref<!tpu.dma_semaphore, #tpu.memory_space<semaphore_mem>>) src(%dma_wait3A_146 : memref<10000x128xf32, #tpu.memory_space<hbm>>) dst(%dma_wait3A_140 : memref<128x128xf32, #tpu.memory_space<vmem>>)
    %run_scoped3A_147 = arith.constant 76 : i32
    "tpu.region"() ({
      %run_scoped3A_190 = tpu.sem_alloc : memref<!tpu.dma_semaphore, #tpu.memory_space<semaphore_mem>>
      %dma_start3A_191 = arith.constant 0 : i32
      %dma_start3A_192 = arith.constant 0 : i32
      %dma_start3A_193 = tpu.memref_slice %arg10[%rem3A_135, %dma_start3A_191, %dma_start3A_192] : memref<2x128x128xf32, #tpu.memory_space<vmem>> -> memref<1x128x128xf32, #tpu.memory_space<vmem>>
      %dma_start3A_194 = tpu.memref_squeeze %dma_start3A_193 : memref<1x128x128xf32, #tpu.memory_space<vmem>> -> memref<128x128xf32, #tpu.memory_space<vmem>>
      %dma_start3A_195 = arith.constant 0 : i32
      %dma_start3A_196 = tpu.memref_slice %arg9[%run_scoped3A_147, %dma_start3A_195] : memref<79x128xi32, #tpu.memory_space<vmem>> -> memref<1x128xi32, #tpu.memory_space<vmem>>
      %dma_start3A_197 = tpu.memref_squeeze %dma_start3A_196 : memref<1x128xi32, #tpu.memory_space<vmem>> -> memref<128xi32, #tpu.memory_space<vmem>>
      %dma_start3A_198 = arith.constant 0 : i32
      %dma_start3A_199 = arith.constant 0 : i32
      %dma_start3A_200 = tpu.memref_slice %arg7[%dma_start3A_198, %dma_start3A_199] : memref<10112x128xf32, #tpu.memory_space<vmem_shared>> -> memref<10112x128xf32, #tpu.memory_space<vmem_shared>>
      tpu.enqueue_indirect_dma source(%dma_start3A_194 : memref<128x128xf32, #tpu.memory_space<vmem>>) target(%dma_start3A_200 : memref<10112x128xf32, #tpu.memory_space<vmem_shared>>) offsets(%dma_start3A_197 : memref<128xi32, #tpu.memory_space<vmem>>) semaphore(%run_scoped3A_190 : memref<!tpu.dma_semaphore, #tpu.memory_space<semaphore_mem>>) {add = true}
      %dma_wait3A_201 = arith.constant 0 : i32
      %dma_wait3A_202 = arith.constant 0 : i32
      %dma_wait3A_203 = tpu.memref_slice %arg10[%rem3A_135, %dma_wait3A_201, %dma_wait3A_202] : memref<2x128x128xf32, #tpu.memory_space<vmem>> -> memref<1x128x128xf32, #tpu.memory_space<vmem>>
      %dma_wait3A_204 = tpu.memref_squeeze %dma_wait3A_203 : memref<1x128x128xf32, #tpu.memory_space<vmem>> -> memref<128x128xf32, #tpu.memory_space<vmem>>
      %dma_wait3A_205 = arith.constant 0 : i32
      %dma_wait3A_206 = tpu.memref_slice %arg9[%run_scoped3A_147, %dma_wait3A_205] : memref<79x128xi32, #tpu.memory_space<vmem>> -> memref<1x128xi32, #tpu.memory_space<vmem>>
      %dma_wait3A_207 = tpu.memref_squeeze %dma_wait3A_206 : memref<1x128xi32, #tpu.memory_space<vmem>> -> memref<128xi32, #tpu.memory_space<vmem>>
      %dma_wait3A_208 = arith.constant 0 : i32
      %dma_wait3A_209 = arith.constant 0 : i32
      %dma_wait3A_210 = tpu.memref_slice %arg7[%dma_wait3A_208, %dma_wait3A_209] : memref<10112x128xf32, #tpu.memory_space<vmem_shared>> -> memref<10112x128xf32, #tpu.memory_space<vmem_shared>>
      tpu.wait_indirect_dma semaphore(%run_scoped3A_190 : memref<!tpu.dma_semaphore, #tpu.memory_space<semaphore_mem>>) src(%dma_wait3A_204 : memref<128x128xf32, #tpu.memory_space<vmem>>) dst(%dma_wait3A_210 : memref<10112x128xf32, #tpu.memory_space<vmem_shared>>)
      tpu.yield
    }) : () -> ()
    %dma_start3A_148 = arith.constant 1 : i32
    %dma_start3A_149 = arith.constant 0 : i32
    %dma_start3A_150 = arith.constant 0 : i32
    %dma_start3A_151 = tpu.memref_slice %arg10[%rem3A_135, %dma_start3A_149, %dma_start3A_150] : memref<2x128x128xf32, #tpu.memory_space<vmem>> -> memref<1x128x128xf32, #tpu.memory_space<vmem>>
    %dma_start3A_152 = tpu.memref_squeeze %dma_start3A_151 : memref<1x128x128xf32, #tpu.memory_space<vmem>> -> memref<128x128xf32, #tpu.memory_space<vmem>>
    %dma_start3A_153 = arith.constant 768 : i32
    %dma_start3A_154 = tpu.memref_slice %arg8[%dma_start3A_148, %dma_start3A_153] : memref<2x1024xi32, #tpu.memory_space<vmem>> -> memref<1x128xi32, #tpu.memory_space<vmem>>
    %dma_start3A_155 = tpu.memref_squeeze %dma_start3A_154 : memref<1x128xi32, #tpu.memory_space<vmem>> -> memref<128xi32, #tpu.memory_space<vmem>>
    %dma_start3A_156 = arith.constant 0 : i32
    %dma_start3A_157 = arith.constant 0 : i32
    %dma_start3A_158 = tpu.memref_slice %arg2[%dma_start3A_156, %dma_start3A_157] : memref<10000x128xf32, #tpu.memory_space<hbm>> -> memref<10000x128xf32, #tpu.memory_space<hbm>>
    tpu.enqueue_indirect_dma source(%dma_start3A_158 : memref<10000x128xf32, #tpu.memory_space<hbm>>) target(%dma_start3A_152 : memref<128x128xf32, #tpu.memory_space<vmem>>) offsets(%dma_start3A_155 : memref<128xi32, #tpu.memory_space<vmem>>) semaphore(%arg11 : memref<!tpu.dma_semaphore, #tpu.memory_space<semaphore_mem>>)
    %rem3A_159 = arith.constant 77 : i32
    %rem3A_160 = arith.constant 2 : i32
    %rem3A_161 = arith.remsi %rem3A_159, %rem3A_160 : i32
    %dma_wait3A_162 = arith.constant 0 : i32
    %dma_wait3A_163 = arith.constant 0 : i32
    %dma_wait3A_164 = arith.constant 0 : i32
    %dma_wait3A_165 = tpu.memref_slice %arg10[%rem3A_161, %dma_wait3A_163, %dma_wait3A_164] : memref<2x128x128xf32, #tpu.memory_space<vmem>> -> memref<1x128x128xf32, #tpu.memory_space<vmem>>
    %dma_wait3A_166 = tpu.memref_squeeze %dma_wait3A_165 : memref<1x128x128xf32, #tpu.memory_space<vmem>> -> memref<128x128xf32, #tpu.memory_space<vmem>>
    %dma_wait3A_167 = arith.constant 0 : i32
    %dma_wait3A_168 = tpu.memref_slice %arg8[%dma_wait3A_162, %dma_wait3A_167] : memref<2x1024xi32, #tpu.memory_space<vmem>> -> memref<1x128xi32, #tpu.memory_space<vmem>>
    %dma_wait3A_169 = tpu.memref_squeeze %dma_wait3A_168 : memref<1x128xi32, #tpu.memory_space<vmem>> -> memref<128xi32, #tpu.memory_space<vmem>>
    %dma_wait3A_170 = arith.constant 0 : i32
    %dma_wait3A_171 = arith.constant 0 : i32
    %dma_wait3A_172 = tpu.memref_slice %arg2[%dma_wait3A_170, %dma_wait3A_171] : memref<10000x128xf32, #tpu.memory_space<hbm>> -> memref<10000x128xf32, #tpu.memory_space<hbm>>
    tpu.wait_indirect_dma semaphore(%arg11 : memref<!tpu.dma_semaphore, #tpu.memory_space<semaphore_mem>>) src(%dma_wait3A_172 : memref<10000x128xf32, #tpu.memory_space<hbm>>) dst(%dma_wait3A_166 : memref<128x128xf32, #tpu.memory_space<vmem>>)
    %run_scoped3A_173 = arith.constant 77 : i32
    "tpu.region"() ({
      %run_scoped3A_190 = tpu.sem_alloc : memref<!tpu.dma_semaphore, #tpu.memory_space<semaphore_mem>>
      %dma_start3A_191 = arith.constant 0 : i32
      %dma_start3A_192 = arith.constant 0 : i32
      %dma_start3A_193 = tpu.memref_slice %arg10[%rem3A_161, %dma_start3A_191, %dma_start3A_192] : memref<2x128x128xf32, #tpu.memory_space<vmem>> -> memref<1x128x128xf32, #tpu.memory_space<vmem>>
      %dma_start3A_194 = tpu.memref_squeeze %dma_start3A_193 : memref<1x128x128xf32, #tpu.memory_space<vmem>> -> memref<128x128xf32, #tpu.memory_space<vmem>>
      %dma_start3A_195 = arith.constant 0 : i32
      %dma_start3A_196 = tpu.memref_slice %arg9[%run_scoped3A_173, %dma_start3A_195] : memref<79x128xi32, #tpu.memory_space<vmem>> -> memref<1x128xi32, #tpu.memory_space<vmem>>
      %dma_start3A_197 = tpu.memref_squeeze %dma_start3A_196 : memref<1x128xi32, #tpu.memory_space<vmem>> -> memref<128xi32, #tpu.memory_space<vmem>>
      %dma_start3A_198 = arith.constant 0 : i32
      %dma_start3A_199 = arith.constant 0 : i32
      %dma_start3A_200 = tpu.memref_slice %arg7[%dma_start3A_198, %dma_start3A_199] : memref<10112x128xf32, #tpu.memory_space<vmem_shared>> -> memref<10112x128xf32, #tpu.memory_space<vmem_shared>>
      tpu.enqueue_indirect_dma source(%dma_start3A_194 : memref<128x128xf32, #tpu.memory_space<vmem>>) target(%dma_start3A_200 : memref<10112x128xf32, #tpu.memory_space<vmem_shared>>) offsets(%dma_start3A_197 : memref<128xi32, #tpu.memory_space<vmem>>) semaphore(%run_scoped3A_190 : memref<!tpu.dma_semaphore, #tpu.memory_space<semaphore_mem>>) {add = true}
      %dma_wait3A_201 = arith.constant 0 : i32
      %dma_wait3A_202 = arith.constant 0 : i32
      %dma_wait3A_203 = tpu.memref_slice %arg10[%rem3A_161, %dma_wait3A_201, %dma_wait3A_202] : memref<2x128x128xf32, #tpu.memory_space<vmem>> -> memref<1x128x128xf32, #tpu.memory_space<vmem>>
      %dma_wait3A_204 = tpu.memref_squeeze %dma_wait3A_203 : memref<1x128x128xf32, #tpu.memory_space<vmem>> -> memref<128x128xf32, #tpu.memory_space<vmem>>
      %dma_wait3A_205 = arith.constant 0 : i32
      %dma_wait3A_206 = tpu.memref_slice %arg9[%run_scoped3A_173, %dma_wait3A_205] : memref<79x128xi32, #tpu.memory_space<vmem>> -> memref<1x128xi32, #tpu.memory_space<vmem>>
      %dma_wait3A_207 = tpu.memref_squeeze %dma_wait3A_206 : memref<1x128xi32, #tpu.memory_space<vmem>> -> memref<128xi32, #tpu.memory_space<vmem>>
      %dma_wait3A_208 = arith.constant 0 : i32
      %dma_wait3A_209 = arith.constant 0 : i32
      %dma_wait3A_210 = tpu.memref_slice %arg7[%dma_wait3A_208, %dma_wait3A_209] : memref<10112x128xf32, #tpu.memory_space<vmem_shared>> -> memref<10112x128xf32, #tpu.memory_space<vmem_shared>>
      tpu.wait_indirect_dma semaphore(%run_scoped3A_190 : memref<!tpu.dma_semaphore, #tpu.memory_space<semaphore_mem>>) src(%dma_wait3A_204 : memref<128x128xf32, #tpu.memory_space<vmem>>) dst(%dma_wait3A_210 : memref<10112x128xf32, #tpu.memory_space<vmem_shared>>)
      tpu.yield
    }) : () -> ()
    %rem3A_174 = arith.constant 78 : i32
    %rem3A_175 = arith.constant 2 : i32
    %rem3A_176 = arith.remsi %rem3A_174, %rem3A_175 : i32
    %dma_wait3A_177 = arith.constant 0 : i32
    %dma_wait3A_178 = arith.constant 0 : i32
    %dma_wait3A_179 = arith.constant 0 : i32
    %dma_wait3A_180 = tpu.memref_slice %arg10[%rem3A_176, %dma_wait3A_178, %dma_wait3A_179] : memref<2x128x128xf32, #tpu.memory_space<vmem>> -> memref<1x128x128xf32, #tpu.memory_space<vmem>>
    %dma_wait3A_181 = tpu.memref_squeeze %dma_wait3A_180 : memref<1x128x128xf32, #tpu.memory_space<vmem>> -> memref<128x128xf32, #tpu.memory_space<vmem>>
    %dma_wait3A_182 = arith.constant 0 : i32
    %dma_wait3A_183 = tpu.memref_slice %arg8[%dma_wait3A_177, %dma_wait3A_182] : memref<2x1024xi32, #tpu.memory_space<vmem>> -> memref<1x128xi32, #tpu.memory_space<vmem>>
    %dma_wait3A_184 = tpu.memref_squeeze %dma_wait3A_183 : memref<1x128xi32, #tpu.memory_space<vmem>> -> memref<128xi32, #tpu.memory_space<vmem>>
    %dma_wait3A_185 = arith.constant 0 : i32
    %dma_wait3A_186 = arith.constant 0 : i32
    %dma_wait3A_187 = tpu.memref_slice %arg2[%dma_wait3A_185, %dma_wait3A_186] : memref<10000x128xf32, #tpu.memory_space<hbm>> -> memref<10000x128xf32, #tpu.memory_space<hbm>>
    tpu.wait_indirect_dma semaphore(%arg11 : memref<!tpu.dma_semaphore, #tpu.memory_space<semaphore_mem>>) src(%dma_wait3A_187 : memref<10000x128xf32, #tpu.memory_space<hbm>>) dst(%dma_wait3A_181 : memref<128x128xf32, #tpu.memory_space<vmem>>)
    %run_scoped3A_188 = arith.constant 78 : i32
    "tpu.region"() ({
      %run_scoped3A_190 = tpu.sem_alloc : memref<!tpu.dma_semaphore, #tpu.memory_space<semaphore_mem>>
      %dma_start3A_191 = arith.constant 0 : i32
      %dma_start3A_192 = arith.constant 0 : i32
      %dma_start3A_193 = tpu.memref_slice %arg10[%rem3A_176, %dma_start3A_191, %dma_start3A_192] : memref<2x128x128xf32, #tpu.memory_space<vmem>> -> memref<1x128x128xf32, #tpu.memory_space<vmem>>
      %dma_start3A_194 = tpu.memref_squeeze %dma_start3A_193 : memref<1x128x128xf32, #tpu.memory_space<vmem>> -> memref<128x128xf32, #tpu.memory_space<vmem>>
      %dma_start3A_195 = arith.constant 0 : i32
      %dma_start3A_196 = tpu.memref_slice %arg9[%run_scoped3A_188, %dma_start3A_195] : memref<79x128xi32, #tpu.memory_space<vmem>> -> memref<1x128xi32, #tpu.memory_space<vmem>>
      %dma_start3A_197 = tpu.memref_squeeze %dma_start3A_196 : memref<1x128xi32, #tpu.memory_space<vmem>> -> memref<128xi32, #tpu.memory_space<vmem>>
      %dma_start3A_198 = arith.constant 0 : i32
      %dma_start3A_199 = arith.constant 0 : i32
      %dma_start3A_200 = tpu.memref_slice %arg7[%dma_start3A_198, %dma_start3A_199] : memref<10112x128xf32, #tpu.memory_space<vmem_shared>> -> memref<10112x128xf32, #tpu.memory_space<vmem_shared>>
      tpu.enqueue_indirect_dma source(%dma_start3A_194 : memref<128x128xf32, #tpu.memory_space<vmem>>) target(%dma_start3A_200 : memref<10112x128xf32, #tpu.memory_space<vmem_shared>>) offsets(%dma_start3A_197 : memref<128xi32, #tpu.memory_space<vmem>>) semaphore(%run_scoped3A_190 : memref<!tpu.dma_semaphore, #tpu.memory_space<semaphore_mem>>) {add = true}
      %dma_wait3A_201 = arith.constant 0 : i32
      %dma_wait3A_202 = arith.constant 0 : i32
      %dma_wait3A_203 = tpu.memref_slice %arg10[%rem3A_176, %dma_wait3A_201, %dma_wait3A_202] : memref<2x128x128xf32, #tpu.memory_space<vmem>> -> memref<1x128x128xf32, #tpu.memory_space<vmem>>
      %dma_wait3A_204 = tpu.memref_squeeze %dma_wait3A_203 : memref<1x128x128xf32, #tpu.memory_space<vmem>> -> memref<128x128xf32, #tpu.memory_space<vmem>>
      %dma_wait3A_205 = arith.constant 0 : i32
      %dma_wait3A_206 = tpu.memref_slice %arg9[%run_scoped3A_188, %dma_wait3A_205] : memref<79x128xi32, #tpu.memory_space<vmem>> -> memref<1x128xi32, #tpu.memory_space<vmem>>
      %dma_wait3A_207 = tpu.memref_squeeze %dma_wait3A_206 : memref<1x128xi32, #tpu.memory_space<vmem>> -> memref<128xi32, #tpu.memory_space<vmem>>
      %dma_wait3A_208 = arith.constant 0 : i32
      %dma_wait3A_209 = arith.constant 0 : i32
      %dma_wait3A_210 = tpu.memref_slice %arg7[%dma_wait3A_208, %dma_wait3A_209] : memref<10112x128xf32, #tpu.memory_space<vmem_shared>> -> memref<10112x128xf32, #tpu.memory_space<vmem_shared>>
      tpu.wait_indirect_dma semaphore(%run_scoped3A_190 : memref<!tpu.dma_semaphore, #tpu.memory_space<semaphore_mem>>) src(%dma_wait3A_204 : memref<128x128xf32, #tpu.memory_space<vmem>>) dst(%dma_wait3A_210 : memref<10112x128xf32, #tpu.memory_space<vmem_shared>>)
      tpu.yield
    }) : () -> ()
    %barrier3A_189 = arith.constant 0 : index
    tpu.barrier barrier_id(%barrier3A_189)
    "tpu.region"() ({
      %run_scoped3A_190 = tpu.sem_alloc : memref<!tpu.dma_semaphore, #tpu.memory_space<semaphore_mem>>
      %dma_start3A_191 = arith.constant 0 : i32
      %dma_start3A_192 = tpu.memref_slice %arg6[%arg0, %mul3A_2, %dma_start3A_191] : memref<2x10112x128xf32, #tpu.memory_space<hbm>> -> memref<1x632x128xf32, #tpu.memory_space<hbm>>
      %dma_start3A_193 = tpu.memref_squeeze %dma_start3A_192 : memref<1x632x128xf32, #tpu.memory_space<hbm>> -> memref<632x128xf32, #tpu.memory_space<hbm>>
      %dma_start3A_194 = arith.constant 0 : i32
      %dma_start3A_195 = tpu.memref_slice %arg7[%mul3A_2, %dma_start3A_194] : memref<10112x128xf32, #tpu.memory_space<vmem_shared>> -> memref<632x128xf32, #tpu.memory_space<vmem_shared>>
      tpu.enqueue_dma source(%dma_start3A_195 : memref<632x128xf32, #tpu.memory_space<vmem_shared>>) target(%dma_start3A_193 : memref<632x128xf32, #tpu.memory_space<hbm>>) target_semaphore(%run_scoped3A_190 : memref<!tpu.dma_semaphore, #tpu.memory_space<semaphore_mem>>)
      %dma_wait3A_196 = arith.constant 0 : i32
      %dma_wait3A_197 = tpu.memref_slice %arg6[%arg0, %mul3A_2, %dma_wait3A_196] : memref<2x10112x128xf32, #tpu.memory_space<hbm>> -> memref<1x632x128xf32, #tpu.memory_space<hbm>>
      %dma_wait3A_198 = tpu.memref_squeeze %dma_wait3A_197 : memref<1x632x128xf32, #tpu.memory_space<hbm>> -> memref<632x128xf32, #tpu.memory_space<hbm>>
      %dma_wait3A_199 = arith.constant 0 : i32
      %dma_wait3A_200 = tpu.memref_slice %arg7[%mul3A_2, %dma_wait3A_199] : memref<10112x128xf32, #tpu.memory_space<vmem_shared>> -> memref<632x128xf32, #tpu.memory_space<vmem_shared>>
      tpu.wait_dma2 semaphore(%run_scoped3A_190 : memref<!tpu.dma_semaphore, #tpu.memory_space<semaphore_mem>>) src(%dma_wait3A_200 : memref<632x128xf32, #tpu.memory_space<vmem_shared>>) dst(%dma_wait3A_198 : memref<632x128xf32, #tpu.memory_space<hbm>>)
      tpu.yield
    }) : () -> ()
    return
  }
}

module attributes {stable_mosaic.version = 14 : i64} {
  func.func @body(%arg0: i32, %arg1: memref<2000x128xf32, #tpu.memory_space<vmem>>, %arg2: memref<128x128xf32, #tpu.memory_space<vmem>>, %arg3: memref<2000x128xf32, #tpu.memory_space<vmem>>) attributes {dimension_semantics = [#tpu.dimension_semantics<arbitrary>], iteration_bounds = array<i64: 5>, scalar_prefetch = 0 : i64, scratch_operands = 0 : i64, tpu.core_type = #tpu.core_type<tc>, window_params = [{transform_indices = @transform_0, window_bounds = array<i64: 2000, 128>}, {pipeline_mode = #tpu.pipeline_mode<synchronous>, transform_indices = @transform_1, window_bounds = array<i64: 128, 128>}, {transform_indices = @transform_2, window_bounds = array<i64: 2000, 128>}]} {
    %get3A = arith.constant 0 : index
    %get3A_0 = arith.constant 0 : index
    %get3A_1 = vector.load %arg1[%get3A, %get3A_0] : memref<2000x128xf32, #tpu.memory_space<vmem>>, vector<2000x128xf32>
    %get3A_2 = arith.constant 0 : index
    %get3A_3 = arith.constant 0 : index
    %get3A_4 = vector.load %arg2[%get3A_2, %get3A_3] : memref<128x128xf32, #tpu.memory_space<vmem>>, vector<128x128xf32>
    %dot_general3A = arith.constant dense<0.000000e+00> : vector<2000x128xf32>
    %dot_general3A_5 = tpu.matmul %get3A_1, %get3A_4, %dot_general3A {dimension_numbers = #tpu.dot_dimension_numbers<[1], [0], [0], [1], [0, 0, 1, 1], [], []>, transpose_lhs_hint = false} : vector<2000x128xf32>, vector<128x128xf32>, vector<2000x128xf32> -> vector<2000x128xf32>
    %swap3A = arith.constant 0 : index
    %swap3A_6 = arith.constant 0 : index
    %swap3A_7 = vector.load %arg3[%swap3A, %swap3A_6] : memref<2000x128xf32, #tpu.memory_space<vmem>>, vector<2000x128xf32>
    tpu.vector_store %arg3[%swap3A, %swap3A_6], %dot_general3A_5 {strides = array<i32>} : memref<2000x128xf32, #tpu.memory_space<vmem>>, vector<2000x128xf32>,
    return
  }
  func.func @transform_0(%arg0: i32) -> (i32, i32) {
    %c0_i32 = arith.constant 0 : i32
    %c0_i32_0 = arith.constant 0 : i32
    return %arg0, %c0_i32 : i32, i32
  }
  func.func @transform_1(%arg0: i32) -> (i32, i32) {
    %c0_i32 = arith.constant 0 : i32
    %c0_i32_0 = arith.constant 0 : i32
    %c0_i32_1 = arith.constant 0 : i32
    return %c0_i32, %c0_i32_0 : i32, i32
  }
  func.func @transform_2(%arg0: i32) -> (i32, i32) {
    %c0_i32 = arith.constant 0 : i32
    %c0_i32_0 = arith.constant 0 : i32
    return %arg0, %c0_i32 : i32, i32
  }
}

module attributes {stable_mosaic.version = 14 : i64} {
  func.func @body(%arg0: i32, %arg1: memref<2000x128xf32, #tpu.memory_space<vmem>>, %arg2: memref<1x2000x128xf32, #tpu.memory_space<vmem>>, %arg3: memref<1x2000x128xf32, #tpu.memory_space<vmem>>, %arg4: memref<1x128xf32, #tpu.memory_space<vmem>>, %arg5: memref<128x128xf32, #tpu.memory_space<vmem>>, %arg6: memref<2000x128xf32, #tpu.memory_space<vmem>>) attributes {dimension_semantics = [#tpu.dimension_semantics<arbitrary>], iteration_bounds = array<i64: 5>, scalar_prefetch = 0 : i64, scratch_operands = 0 : i64, tpu.core_type = #tpu.core_type<tc>, window_params = [{transform_indices = @transform_0, window_bounds = array<i64: 2000, 128>}, {transform_indices = @transform_1, window_bounds = array<i64: 1, 2000, 128>}, {transform_indices = @transform_2, window_bounds = array<i64: 1, 2000, 128>}, {pipeline_mode = #tpu.pipeline_mode<synchronous>, transform_indices = @transform_3, window_bounds = array<i64: 1, 128>}, {pipeline_mode = #tpu.pipeline_mode<synchronous>, transform_indices = @transform_4, window_bounds = array<i64: 128, 128>}, {transform_indices = @transform_5, window_bounds = array<i64: 2000, 128>}]} {
    %get3A = arith.constant 0 : index
    %get3A_0 = arith.constant 0 : index
    %get3A_1 = vector.load %arg1[%get3A, %get3A_0] : memref<2000x128xf32, #tpu.memory_space<vmem>>, vector<2000x128xf32>
    %get3A_2 = arith.constant 0 : index
    %get3A_3 = arith.constant 0 : index
    %get3A_4 = arith.constant 0 : index
    %get3A_5 = vector.load %arg2[%get3A_2, %get3A_3, %get3A_4] : memref<1x2000x128xf32, #tpu.memory_space<vmem>>, vector<1x2000x128xf32>
    %get3A_6 = vector.shape_cast %get3A_5 : vector<1x2000x128xf32> to vector<2000x128xf32>
    %add3A = arith.addf %get3A_1, %get3A_6 : vector<2000x128xf32>
    %get3A_7 = arith.constant 0 : index
    %get3A_8 = arith.constant 0 : index
    %get3A_9 = arith.constant 0 : index
    %get3A_10 = vector.load %arg3[%get3A_7, %get3A_8, %get3A_9] : memref<1x2000x128xf32, #tpu.memory_space<vmem>>, vector<1x2000x128xf32>
    %get3A_11 = vector.shape_cast %get3A_10 : vector<1x2000x128xf32> to vector<2000x128xf32>
    %add3A_12 = arith.addf %add3A, %get3A_11 : vector<2000x128xf32>
    %get3A_13 = arith.constant 0 : index
    %get3A_14 = arith.constant 0 : index
    %get3A_15 = vector.load %arg4[%get3A_13, %get3A_14] : memref<1x128xf32, #tpu.memory_space<vmem>>, vector<1x128xf32>
    %add3A_16 = vector.broadcast %get3A_15 : vector<1x128xf32> to vector<2000x128xf32>
    %add3A_17 = arith.addf %add3A_12, %add3A_16 : vector<2000x128xf32>
    %gt3A = arith.constant 0.000000e+00 : f32
    %gt3A_18 = vector.broadcast %gt3A : f32 to vector<2000x128xf32>
    %gt3A_19 = arith.cmpf ogt, %add3A_17, %gt3A_18 : vector<2000x128xf32>
    %min3A = arith.constant 0.000000e+00 : f32
    %min3A_20 = vector.broadcast %min3A : f32 to vector<2000x128xf32>
    %min3A_21 = arith.minimumf %add3A_17, %min3A_20 : vector<2000x128xf32>
    %exp3A = math.exp %min3A_21 : vector<2000x128xf32>
    %sub3A = arith.constant 1.000000e+00 : f32
    %sub3A_22 = vector.broadcast %sub3A : f32 to vector<2000x128xf32>
    %sub3A_23 = arith.subf %exp3A, %sub3A_22 : vector<2000x128xf32>
    %select_n3A = arith.select %gt3A_19, %add3A_17, %sub3A_23 : vector<2000x128xi1>, vector<2000x128xf32>
    %get3A_24 = arith.constant 0 : index
    %get3A_25 = arith.constant 0 : index
    %get3A_26 = vector.load %arg5[%get3A_24, %get3A_25] : memref<128x128xf32, #tpu.memory_space<vmem>>, vector<128x128xf32>
    %dot_general3A = arith.constant dense<0.000000e+00> : vector<2000x128xf32>
    %dot_general3A_27 = tpu.matmul %select_n3A, %get3A_26, %dot_general3A {dimension_numbers = #tpu.dot_dimension_numbers<[1], [0], [0], [1], [0, 0, 1, 1], [], []>, transpose_lhs_hint = false} : vector<2000x128xf32>, vector<128x128xf32>, vector<2000x128xf32> -> vector<2000x128xf32>
    %swap3A = arith.constant 0 : index
    %swap3A_28 = arith.constant 0 : index
    %swap3A_29 = vector.load %arg6[%swap3A, %swap3A_28] : memref<2000x128xf32, #tpu.memory_space<vmem>>, vector<2000x128xf32>
    tpu.vector_store %arg6[%swap3A, %swap3A_28], %dot_general3A_27 {strides = array<i32>} : memref<2000x128xf32, #tpu.memory_space<vmem>>, vector<2000x128xf32>,
    return
  }
  func.func @transform_0(%arg0: i32) -> (i32, i32) {
    %c0_i32 = arith.constant 0 : i32
    %c0_i32_0 = arith.constant 0 : i32
    return %arg0, %c0_i32 : i32, i32
  }
  func.func @transform_1(%arg0: i32) -> (i32, i32, i32) {
    %c0_i32 = arith.constant 0 : i32
    %c0_i32_0 = arith.constant 0 : i32
    %c0_i32_1 = arith.constant 0 : i32
    return %c0_i32, %arg0, %c0_i32_0 : i32, i32, i32
  }
  func.func @transform_2(%arg0: i32) -> (i32, i32, i32) {
    %c1_i32 = arith.constant 1 : i32
    %c0_i32 = arith.constant 0 : i32
    %c0_i32_0 = arith.constant 0 : i32
    return %c1_i32, %arg0, %c0_i32 : i32, i32, i32
  }
  func.func @transform_3(%arg0: i32) -> (i32, i32) {
    %c0_i32 = arith.constant 0 : i32
    %c0_i32_0 = arith.constant 0 : i32
    %c0_i32_1 = arith.constant 0 : i32
    return %c0_i32, %c0_i32_0 : i32, i32
  }
  func.func @transform_4(%arg0: i32) -> (i32, i32) {
    %c0_i32 = arith.constant 0 : i32
    %c0_i32_0 = arith.constant 0 : i32
    %c0_i32_1 = arith.constant 0 : i32
    return %c0_i32, %c0_i32_0 : i32, i32
  }
  func.func @transform_5(%arg0: i32) -> (i32, i32) {
    %c0_i32 = arith.constant 0 : i32
    %c0_i32_0 = arith.constant 0 : i32
    return %arg0, %c0_i32 : i32, i32
  }
}

module attributes {stable_mosaic.version = 14 : i64} {
  func.func @body(%arg0: i32, %arg1: memref<2000x128xf32, #tpu.memory_space<vmem>>, %arg2: memref<1x2000x128xf32, #tpu.memory_space<vmem>>, %arg3: memref<1x2000x128xf32, #tpu.memory_space<vmem>>, %arg4: memref<1x128xf32, #tpu.memory_space<vmem>>, %arg5: memref<2000x128xf32, #tpu.memory_space<vmem>>) attributes {dimension_semantics = [#tpu.dimension_semantics<arbitrary>], iteration_bounds = array<i64: 5>, scalar_prefetch = 0 : i64, scratch_operands = 0 : i64, tpu.core_type = #tpu.core_type<tc>, window_params = [{transform_indices = @transform_0, window_bounds = array<i64: 2000, 128>}, {transform_indices = @transform_1, window_bounds = array<i64: 1, 2000, 128>}, {transform_indices = @transform_2, window_bounds = array<i64: 1, 2000, 128>}, {pipeline_mode = #tpu.pipeline_mode<synchronous>, transform_indices = @transform_3, window_bounds = array<i64: 1, 128>}, {transform_indices = @transform_4, window_bounds = array<i64: 2000, 128>}]} {
    %get3A = arith.constant 0 : index
    %get3A_0 = arith.constant 0 : index
    %get3A_1 = vector.load %arg1[%get3A, %get3A_0] : memref<2000x128xf32, #tpu.memory_space<vmem>>, vector<2000x128xf32>
    %get3A_2 = arith.constant 0 : index
    %get3A_3 = arith.constant 0 : index
    %get3A_4 = arith.constant 0 : index
    %get3A_5 = vector.load %arg2[%get3A_2, %get3A_3, %get3A_4] : memref<1x2000x128xf32, #tpu.memory_space<vmem>>, vector<1x2000x128xf32>
    %get3A_6 = vector.shape_cast %get3A_5 : vector<1x2000x128xf32> to vector<2000x128xf32>
    %add3A = arith.addf %get3A_1, %get3A_6 : vector<2000x128xf32>
    %get3A_7 = arith.constant 0 : index
    %get3A_8 = arith.constant 0 : index
    %get3A_9 = arith.constant 0 : index
    %get3A_10 = vector.load %arg3[%get3A_7, %get3A_8, %get3A_9] : memref<1x2000x128xf32, #tpu.memory_space<vmem>>, vector<1x2000x128xf32>
    %get3A_11 = vector.shape_cast %get3A_10 : vector<1x2000x128xf32> to vector<2000x128xf32>
    %add3A_12 = arith.addf %add3A, %get3A_11 : vector<2000x128xf32>
    %get3A_13 = arith.constant 0 : index
    %get3A_14 = arith.constant 0 : index
    %get3A_15 = vector.load %arg4[%get3A_13, %get3A_14] : memref<1x128xf32, #tpu.memory_space<vmem>>, vector<1x128xf32>
    %add3A_16 = vector.broadcast %get3A_15 : vector<1x128xf32> to vector<2000x128xf32>
    %add3A_17 = arith.addf %add3A_12, %add3A_16 : vector<2000x128xf32>
    %gt3A = arith.constant 0.000000e+00 : f32
    %gt3A_18 = vector.broadcast %gt3A : f32 to vector<2000x128xf32>
    %gt3A_19 = arith.cmpf ogt, %add3A_17, %gt3A_18 : vector<2000x128xf32>
    %min3A = arith.constant 0.000000e+00 : f32
    %min3A_20 = vector.broadcast %min3A : f32 to vector<2000x128xf32>
    %min3A_21 = arith.minimumf %add3A_17, %min3A_20 : vector<2000x128xf32>
    %exp3A = math.exp %min3A_21 : vector<2000x128xf32>
    %sub3A = arith.constant 1.000000e+00 : f32
    %sub3A_22 = vector.broadcast %sub3A : f32 to vector<2000x128xf32>
    %sub3A_23 = arith.subf %exp3A, %sub3A_22 : vector<2000x128xf32>
    %select_n3A = arith.select %gt3A_19, %add3A_17, %sub3A_23 : vector<2000x128xi1>, vector<2000x128xf32>
    %swap3A = arith.constant 0 : index
    %swap3A_24 = arith.constant 0 : index
    %swap3A_25 = vector.load %arg5[%swap3A, %swap3A_24] : memref<2000x128xf32, #tpu.memory_space<vmem>>, vector<2000x128xf32>
    tpu.vector_store %arg5[%swap3A, %swap3A_24], %select_n3A {strides = array<i32>} : memref<2000x128xf32, #tpu.memory_space<vmem>>, vector<2000x128xf32>,
    return
  }
  func.func @transform_0(%arg0: i32) -> (i32, i32) {
    %c0_i32 = arith.constant 0 : i32
    %c0_i32_0 = arith.constant 0 : i32
    return %arg0, %c0_i32 : i32, i32
  }
  func.func @transform_1(%arg0: i32) -> (i32, i32, i32) {
    %c0_i32 = arith.constant 0 : i32
    %c0_i32_0 = arith.constant 0 : i32
    %c0_i32_1 = arith.constant 0 : i32
    return %c0_i32, %arg0, %c0_i32_0 : i32, i32, i32
  }
  func.func @transform_2(%arg0: i32) -> (i32, i32, i32) {
    %c1_i32 = arith.constant 1 : i32
    %c0_i32 = arith.constant 0 : i32
    %c0_i32_0 = arith.constant 0 : i32
    return %c1_i32, %arg0, %c0_i32 : i32, i32, i32
  }
  func.func @transform_3(%arg0: i32) -> (i32, i32) {
    %c0_i32 = arith.constant 0 : i32
    %c0_i32_0 = arith.constant 0 : i32
    %c0_i32_1 = arith.constant 0 : i32
    return %c0_i32, %c0_i32_0 : i32, i32
  }
  func.func @transform_4(%arg0: i32) -> (i32, i32) {
    %c0_i32 = arith.constant 0 : i32
    %c0_i32_0 = arith.constant 0 : i32
    return %arg0, %c0_i32 : i32, i32
  }
}

</mosaic_0001>

<sc_bundles>
// kernel: kernel.12.cloned.1.call-start
scs
__scs_entry_jumppad:
0x0: {  	(pc) =	sbr.rel $0x88, $3  }
0x1: {  	(tag) =	ssettag $0x0;
	lr =	simm.s32 $0x1  }
0x2: {  	[smem:$0x3F99] =	sst lr;
	_ =	strace $0xD0000000  }
0x3: {  	_ = 	snop  }
0x4: {  	_ = 	snop  }
0x5: {  	_ = 	snop  }
0x6: {  	_ = 	snop  }
0x7: {  	_ = 	snop  }
__scs_overlays_trampoline_lowered:
0x8: {  	[smem:$0x3FA8] =	sst s0  }
0x9: {  	[smem:$0x3FA9] =	sst s1  }
0xa: {  	[smem:$0x3FAA] =	sst s2  }
0xb: {  	[smem:$0x3FAB] =	sst s3  }
0xc: {  	[smem:$0x3FAC] =	sst s4  }
0xd: {  	[smem:$0x3FAD] =	sst s5  }
0xe: {  	[smem:$0x3FAE] =	sst s6  }
0xf: {  	[smem:$0x3FAF] =	sst s7  }
0x10: {  	[smem:$0x3FB0] =	sst s8  }
0x11: {  	[smem:$0x3FB1] =	sst s9;
	s0 =	simm.s32 @!p0 $0x0  }
0x12: {  	s1 =	sld [smem:$0x3F97];
	s0 =	simm.s32 @p0 $0x1  }
0x13: {  	[smem:$0x3FB2] =	sst s0;
	s0 =	simm.s32 @!p1 $0x0  }
0x14: {  	s2 =	sld [smem:$0x3F96];
	s0 =	simm.s32 @p1 $0x1  }
0x15: {  	[smem:$0x3FB3] =	sst s0;
	s0 =	simm.s32 @!p2 $0x0  }
0x16: {  	s3 =	sld [smem:$0x3FDB];
	s0 =	simm.s32 @p2 $0x1  }
0x17: {  	s4 =	simm.s32 $0x1BF5;
	[smem:$0x3FB5] =	sst s0  }
0x18: {  	s0 =	sld [smem:$0x3F98];
	_ =	swait.ge [sflag:s4], $0x0  }
0x19: {  	s7 =	sld [smem:$0x3F99]  }
0x1a: {  	s8 =	sadd.s32 $0xFFFFE003, lr  }
0x1b: {  	s9 =	sadd.s32 $0xFFFFFEF7, lr;
	s5 =	simm.s32 $0xFFFFFFFF;
	p2 =	slt.u32 s8, $0xFFFFF086  }
0x1c: {  	p1 =	slt.u32 s9, $0xF7A;
	s5 =	simm.s32 @!p2 $0x0  }
0x1d: {  	s5 =	simm.s32 @p1 $0x1;
	p0 =	seq.s32 s7, s2  }
0x1e: {  	s7 =	smul.u32 @!p0 $0xF7A, s2;
	p2 =	seq.s32 @!p0 s5, $0x0  }
0x1f: {  	s9 =	smul.u32 $0xF7A, s1;
	s8 =	simm.s32 @!p0 $0x1BF5;
	p2 =	por !p2, p0  }
0x20: {  	[sflag:s8] =	ssyncset.s32 @!p0 $0xFFFFF086;
	s6 =	sadd.s32 @!p0 s3, s7;
	s7 =	simm.s32 @!p0 $0x108  }
0x21: {  	s3 =	sadd.s32 s3, s9;
	s6 =	sadd.s32 @!p0 $0x88, s6;
	s7 =	simm.s32 @p2 $0x1082  }
0x22: {  	[simem:s7], [sflag:s8] =	dma.local @!p0 [hbm:s6], $0xF7A  }
0x23: {  	s9 =	sor.u32 $0xD0000000, s2;
	s6 =	simm.s32 $0x108;
	_ =	swait.ge @!p0 [sflag:s8], $0x0  }
0x24: {  	s3 =	sadd.s32 $0x88, s3;
	s6 =	simm.s32 @!p1 $0x1082;
	[sflag:s4] =	ssyncset.s32 $0xFFFFF086  }
0x25: {  	[simem:s6], [sflag:s4] =	dma.local [hbm:s3], $0xF7A  }
0x26: {  	[smem:$0x3F99] =	sst s1;
	(tag) =	ssettag s2;
	_ =	strace s9  }
0x27: {  	s1 =	sld [smem:$0x3FA9]  }
0x28: {  	s2 =	sld [smem:$0x3FAA]  }
0x29: {  	s4 =	sld [smem:$0x3FAC]  }
0x2a: {  	p0 =	seq.s32 s5, $0x0;
	s5 =	sld [smem:$0x3FAD]  }
0x2b: {  	s6 =	sld [smem:$0x3FAE]  }
0x2c: {  	s7 =	sld [smem:$0x3FAF]  }
0x2d: {  	s3 =	simm.s32 $0x108;
	s8 =	sld [smem:$0x3FB0]  }
0x2e: {  	s3 =	simm.s32 @!p0 $0x1082;
	s9 =	sld [smem:$0x3FB1]  }
0x2f: {  	lr =	sadd.s32 s0, s3;
	s0 =	sld [smem:$0x3FA8]  }
0x30: {  	s3 =	sld [smem:$0x3FAB]  }
0x31: {  	[smem:$0x3FB4] =	sst s10  }
0x32: {  	s10 =	sld [smem:$0x3FB2];
	_ =	sdelay $0x3  }
0x33: {  	p0 =	seq.s32 s10, $0x1;
	s10 =	sld [smem:$0x3FB4];
	_ =	sdelay $0x3  }
0x34: {  	[smem:$0x3FB4] =	sst s10  }
0x35: {  	s10 =	sld [smem:$0x3FB3];
	_ =	sdelay $0x3  }
0x36: {  	p1 =	seq.s32 s10, $0x1;
	s10 =	sld [smem:$0x3FB4];
	_ =	sdelay $0x3  }
0x37: {  	[smem:$0x3FB4] =	sst s10  }
0x38: {  	s10 =	sld [smem:$0x3FB5]  }
0x39: {  	_ = 	snop;
	(pc) =	sbr.ind lr, $3  }
0x3a: {  	_ = 	snop  }
0x3b: {  	_ = 	snop  }
0x3c: {  	p2 =	seq.s32 s10, $0x1;
	s10 =	sld [smem:$0x3FB4]  }
0x3d: {  	_ =	shalt  }
0x3e: {  	_ =	shalt  }
0x3f: {  	_ =	shalt  }
0x40: {  	_ =	shalt  }
0x41: {  	_ =	shalt  }
0x42: {  	_ =	shalt  }
0x43: {  	_ =	shalt  }
0x44: {  	_ =	shalt  }
0x45: {  	_ =	shalt  }
0x46: {  	_ =	shalt  }
0x47: {  	_ =	shalt  }
0x48: {  	_ =	shalt  }
0x49: {  	_ =	shalt  }
0x4a: {  	_ =	shalt  }
0x4b: {  	_ =	shalt  }
0x4c: {  	_ =	shalt  }
0x4d: {  	_ =	shalt  }
0x4e: {  	_ =	shalt  }
0x4f: {  	_ =	shalt  }
0x50: {  	_ =	shalt  }
0x51: {  	_ =	shalt  }
0x52: {  	_ =	shalt  }
0x53: {  	_ =	shalt  }
0x54: {  	_ =	shalt  }
0x55: {  	_ =	shalt  }
0x56: {  	_ =	shalt  }
0x57: {  	_ =	shalt  }
0x58: {  	_ =	shalt  }
0x59: {  	_ =	shalt  }
0x5a: {  	_ =	shalt  }
0x5b: {  	_ =	shalt  }
0x5c: {  	_ =	shalt  }
0x5d: {  	_ =	shalt  }
0x5e: {  	_ =	shalt  }
0x5f: {  	_ =	shalt  }
0x60: {  	_ =	shalt  }
0x61: {  	_ =	shalt  }
0x62: {  	_ =	shalt  }
0x63: {  	_ =	shalt  }
0x64: {  	_ =	shalt  }
0x65: {  	_ =	shalt  }
0x66: {  	_ =	shalt  }
0x67: {  	_ =	shalt  }
0x68: {  	_ =	shalt  }
0x69: {  	_ =	shalt  }
0x6a: {  	_ =	shalt  }
0x6b: {  	_ =	shalt  }
0x6c: {  	_ =	shalt  }
0x6d: {  	_ =	shalt  }
0x6e: {  	_ =	shalt  }
0x6f: {  	_ =	shalt  }
0x70: {  	_ =	shalt  }
0x71: {  	_ =	shalt  }
0x72: {  	_ =	shalt  }
0x73: {  	_ =	shalt  }
0x74: {  	_ =	shalt  }
0x75: {  	_ =	shalt  }
0x76: {  	_ =	shalt  }
0x77: {  	_ =	shalt  }
0x78: {  	_ =	shalt  }
0x79: {  	_ =	shalt  }
0x7a: {  	_ =	shalt  }
0x7b: {  	_ =	shalt  }
0x7c: {  	_ =	shalt  }
0x7d: {  	_ =	shalt  }
0x7e: {  	_ =	shalt  }
0x7f: {  	_ =	shalt  }
0x80: {  	_ =	shalt  }
0x81: {  	_ =	shalt  }
0x82: {  	_ =	shalt  }
0x83: {  	_ =	shalt  }
0x84: {  	_ =	shalt  }
0x85: {  	_ =	shalt  }
0x86: {  	_ =	shalt  }
0x87: {  	_ =	shalt  }
.Lfunc_end0:
.L_simem_size_0:
called_computation.1_lowered:
.L_overlay_start_0:
0x88: {  	s2 =	sld [smem:$0x3FD9]  }
0x89: {  	s3 =	sld [smem:$0x3FFE];
	_ =	sdelay $0x1  }
0x8a: {  	s1 =	srdreg.scid  }
0x8b: {  	s0 =	sand.u32 $0x1, s1  }
0x8c: {  	s17 =	sshll.u32 s0, $0xA;
	s2 =	sadd.s32 s3, s2  }
0x8d: {  	s2 =	sadd.s32 s2, s17  }
0x8e: {  	[smem:$0x3FC0] =	sst s2  }
0x8f: {  	_ = 	snop  }
0x90: {  	s2 =	sld [smem:$0x3FD0];
	(tm) =	ssettm $0x1  }
0x91: {  	s18 =	sld [smem:$0x3FFB];
	_ =	sdelay $0x3  }
0x92: {  	_ =	strace s18  }
0x93: {  	s3 =	sld [smem:$0x3FFC];
	_ =	sdelay $0x3  }
0x94: {  	_ =	strace s3  }
0x95: {  	s3 =	sld [smem:$0x3FFD];
	_ =	sdelay $0x3  }
0x96: {  	_ =	strace s3  }
0x97: {  	_ =	strace $0x8FFFFFFF  }
0x98: {  	s19 =	sld [smem:$0x3FDB];
	_ =	sdelay $0x1  }
0x99: {  	s4 =	simm.s32 $_scs_section_size  }
0x9a: {  	s5 =	simm.s32 $_size__tile_overlayer_lowered;
	s6 =	simm.s32 $_tile_overlayer_lowered  }
0x9b: {  	s22 =	simm.s32 $0x1BFF;
	s21 =	sshll.u32 s6, $0x1;
	s3 =	sadd.s32 s4, s19  }
0x9c: {  	s7 =	simm.s32 $0x0;
	s20 =	sshll.u32 s5, $0x1;
	s5 =	sadd.s32 s21, s3  }
0x9d: {  	[timem:s7], [sflag:s22] =	dma.local [hbm:s5], s20  }
0x9e: {  	_ =	swait.ge [sflag:s22], s20  }
0x9f: {  	s4 =	ssub.s32 $0x0, s20;
	[sflag:s22] =	ssyncset.done $0x0  }
0xa0: {  	[sflag:s22] =	ssyncadd.s32 s4;
	_ =	sdelay $0x1  }
0xa1: {  	s23 =	simm.s32 $0x1B8B  }
0xa2: {  	_ =	swait.ge [sflag:s23], $0x1  }
0xa3: {  	[sflag:s23] =	ssyncset.done $0x0  }
0xa4: {  	s25 =	simm.s32 $0x1B8E;
	s24 =	sld [smem:$0x3FFE];
	[sflag:s23] =	ssyncadd.s32 $0xFFFFFFFF  }
0xa5: {  	s26 =	simm.s32 $execute0_lowered;
	[smem:$0x3FD2] =	sst s25  }
0xa6: {  	s5 =	sshll.u32 s26, $0x1;
	_ =	strace $0x80000049;
	[dreg:$0x1] =	wrdreg $0xFFFFFFFF  }
0xa7: {  	s28 =	simm.s32 $_size_execute0_lowered;
	s3 =	sadd.s32 s3, s5;
	[dreg:$0x0] =	wrdreg $0x0  }
0xa8: {  	s5 =	sshll.u32 s28, $0x1;
	[dreg:$0x2] =	wrdreg s3  }
0xa9: {  	[dreg:$0x3] =	wrdreg s5  }
0xaa: {  	[dreg:$0x4] =	wrdreg $0xC0  }
0xab: {  	_ =	task [dreg:s7], $0x5FFFF  }
0xac: {  	[dreg:$0x1] =	wrdreg $0xFFFFFFFF  }
0xad: {  	[dreg:$0x0] =	wrdreg $0x60  }
0xae: {  	[dreg:$0x2] =	wrdreg s2  }
0xaf: {  	[dreg:$0x3] =	wrdreg s24  }
0xb0: {  	[dreg:$0x4] =	wrdreg $0x0  }
0xb1: {  	[dreg:$0x5] =	wrdreg $0x9  }
0xb2: {  	_ =	task.clear_ibuf [dreg:s7], $0x6FFFF;
	_ =	strace $0x90000049  }
0xb3: {  	s29 =	simm.s32 $0x9;
	_ =	strace $0x8000004B  }
0xb4: {  	_ =	swait.ge [sflag:s29], $0x1  }
0xb5: {  	[sflag:s29] =	ssyncadd.s32 $0xFFFFFFFF  }
0xb6: {  	_ =	strace $0x9000004B  }
0xb7: {  	_ =	sfence  }
0xb8: {  	s30 =	sld [smem:$0x0];
	_ =	sdelay $0x2  }
0xb9: {  	s31 =	sshll.u32 s1, $0xD;
	s1 =	sshrl.u32 s1, $0x2  }
0xba: {  	s3 =	sand.u32 $0x4000, s31;
	s1 =	sadd.s32 s1, s30  }
0xbb: {  	s0 =	sor.u32 s3, s0;
	s1 =	sshll.u32 s1, $0x11  }
0xbc: {  	s0 =	sor.u32 s1, s0  }
0xbd: {  	s0 =	sadd.s32 $0x8F2B, s0  }
0xbe: {  	[sflag:s0] =	ssyncadd.remote.s32 $0x1  }
0xbf: {  	_ =	sfence.sel $0xFFFF  }
0xc0: {  	[dreg:$0x0] =	wrdreg $0xFFFFFFFF;
	(pc) =	sbr.abs _section_cstart, $3  }
0xc1: {  	[dreg:$0x1] =	wrdreg $0xFFFFFFFF  }
0xc2: {  	_ =	task.clear_ibuf [dreg:s7], $0x2FFFF;
	_ =	strace $0x9FFFFFFF  }
0xc3: {  	(tm) =	ssettm $0x7FFFFFFF  }
tec
execute0_lowered:
.L_overlay_start_1:
0x0: {  	(tag) =	ssettag $0x1  }
0x1: {  	s0 =	srdreg.scid;
	s1 =	rddreg [dreg:$0x0]  }
0x2: {  	s10 =	stileid.u32;
	s6 =	rddreg [dreg:$0x1]  }
0x3: {  	s3 =	rddreg [dreg:$0x2];
	s4 =	simm.s32 $0x0;
	s14 =	simm.s32 $0x3  }
0x4: {  	s29 =	simm.s32 $0x80;
	s30 =	simm.s32 $0x16C00;
	s31 =	simm.s32 $0x1AC00  }
0x5: {  	s13 =	simm.s32 $0x2;
	s0 =	sand.u32 $0x1, s0;
	[smem:$0x7FF] =	sst s4  }
0x6: {  	s9 =	smul.u32 $0x13C00, s10;
	s5 =	sadd.s32 $0xD000, s6;
	s11 =	sadd.s32 $0x17000, s6  }
0x7: {  	s22 =	sshll.u32 s10, $0x7;
	s2 =	sshll.u32 s0, $0x4;
	s8 =	smul.u32 $0x13C000, s0  }
0x8: {  	_ =	strace $0x8000004A;
	[dreg:$0x4] =	wrdreg s11;
	s0 =	ssub.s32 $0x2, s0  }
0x9: {  	s2 =	sor.u32 s10, s2;
	s10 =	smul.u32 $0x4F000, s10;
	s23 =	sshrl.u32 s0, $0x1  }
0xa: {  	s7 =	smul.u32 $0x500, s2;
	s8 =	sadd.s32 s9, s8;
	s2 =	sshrl.u32 s2, $0x3  }
0xb: {  	s9 =	sand.u32 $0x380, s22;
	s0 =	ssub.s32 s0, s23;
	s8 =	sshrl.u32 s8, $0x3  }
0xc: {  	s2 =	smul.u32 $0x14000, s2;
	s25 =	sshrl.u32 s10, $0x2;
	s0 =	smax.u32 s0, $0x1  }
0xd: {  	s7 =	sadd.s32 s7, s6;
	s26 =	sadd.s32 s25, s3;
	[dreg:$0x8] =	wrdreg s0  }
0xe: {  	s6 =	sadd.s32 s8, s6;
	s7 =	sadd.s32 $0x3000, s7;
	[dreg:$0x6] =	wrdreg s26  }
0xf: {  	s2 =	sor.u32 s9, s2;
	s6 =	sadd.s32 $0x19800, s6;
	[dreg:$0x5] =	wrdreg s7  }
0x10: {  	s19 =	simm.s32 $0x0;
	s24 =	sshrl.u32 s2, $0x3;
	[dreg:$0x7] =	wrdreg s6  }
0x11: {  	s12 =	sor.u32 $0x2000, s2;
	s2 =	simm.s32 $0x1;
	s8 =	sadd.s32 s5, s24  }
0x12: {  	s28 =	sadd.s32 $0x80, s8;
	s18 =	sadd.s32 $0x100, s8;
	s20 =	sadd.s32 $0x180, s8  }
0x13: {  	s22 =	sadd.s32 $0x200, s8;
	s24 =	sadd.s32 $0x280, s8;
	[dreg:$0x9] =	wrdreg s28  }
.LBB2_1:
0x14: {  	s0 =	rddreg [dreg:$0x5];
	s6 =	simm.s32 $0x14400  }
0x15: {  	[tilespmem:s6], [sflag:$0x3] =	stream.linear.gather [hbm4b:s0+s4], $0x2780, $0x38;
	[tilespmem:$0x1EC00] =	vst v63  }
0x16: {  	_ =	swait.ge [sflag:s14], $0x2780  }
0x17: {  	[sflag:s14] =	ssyncset.done $0x0  }
0x18: {  	s10 =	simm.s32 $0x13C00;
	[sflag:s14] =	ssyncadd.s32 $0xFFFFD880  }
0x19: {  	[tilespmem:s10], [sflag:$0x3] =	stream.linear.gather [hbm4b:s8+s4], $0x80, $0x38;
	[tilespmem:$0x1EC00] =	vst v63  }
0x1a: {  	s7 =	simm.s32 $0x13D00;
	s11 =	rddreg [dreg:$0x9]  }
0x1b: {  	[tilespmem:s7], [sflag:$0x3] =	stream.linear.gather [hbm4b:s11+s4], $0x80, $0x38;
	[tilespmem:$0x1EC00] =	vst v63  }
0x1c: {  	s15 =	simm.s32 $0x13E00  }
0x1d: {  	[tilespmem:s15], [sflag:$0x3] =	stream.linear.gather [hbm4b:s18+s4], $0x80, $0x38;
	[tilespmem:$0x1EC00] =	vst v63  }
0x1e: {  	s16 =	simm.s32 $0x13F00  }
0x1f: {  	[tilespmem:s16], [sflag:$0x3] =	stream.linear.gather [hbm4b:s20+s4], $0x80, $0x38;
	[tilespmem:$0x1EC00] =	vst v63  }
0x20: {  	s17 =	simm.s32 $0x14000  }
0x21: {  	[tilespmem:s17], [sflag:$0x3] =	stream.linear.gather [hbm4b:s22+s4], $0x80, $0x38;
	[tilespmem:$0x1EC00] =	vst v63  }
0x22: {  	s21 =	simm.s32 $0x14100  }
0x23: {  	[tilespmem:s21], [sflag:$0x3] =	stream.linear.gather [hbm4b:s24+s4], $0x80, $0x38;
	[tilespmem:$0x1EC00] =	vst v63  }
0x24: {  	s23 =	sadd.s32 $0x300, s8;
	s9 =	simm.s32 $0x14200  }
0x25: {  	[tilespmem:s9], [sflag:$0x3] =	stream.linear.gather [hbm4b:s23+s4], $0x80, $0x38;
	[tilespmem:$0x1EC00] =	vst v63  }
0x26: {  	s25 =	sadd.s32 $0x380, s8;
	s26 =	simm.s32 $0x14300  }
0x27: {  	[tilespmem:s26], [sflag:$0x3] =	stream.linear.gather [hbm4b:s25+s4], $0x80, $0x38;
	[tilespmem:$0x1EC00] =	vst v63  }
0x28: {  	_ =	swait.ge [sflag:s14], $0x400  }
0x29: {  	[sflag:s14] =	ssyncset.done $0x0  }
0x2a: {  	[sflag:s14] =	ssyncadd.s32 $0xFFFFFC00  }
0x2b: {  	[tilespmem:s30], [sflag:$0x1] =	stream.indirect.gather [hbm4b:s1+s29], $0x80, s10, s29, $0xb8;
	[tilespmem:$0x1EC00] =	vst v63  }
0x2c: {  	s6 =	stileid.u32  }
0x2d: {  	[tilespmem:s31], [sflag:$0x1] =	stream.indirect.gather [hbm4b:s1+s29], $0x80, s7, s29, $0xb8;
	[tilespmem:$0x1EC00] =	vst v63  }
0x2e: {  	s0 =	sshll.u32 s6, $0x6;
	s7 =	rddreg [dreg:$0x6]  }
0x2f: {  	s21 =	sor.u32 $0x1C03, s0;
	s9 =	rddreg [dreg:$0x4];
	s23 =	sshrl.u32 s7, $0x3  }
0x30: {  	[spmem:s23], [sflag:s21] =	dma.local [hbm:s9], $0x2780  }
0x31: {  	_ =	swait.ge [sflag:s14], $0x2780  }
0x32: {  	s6 =	sand.u32 $0x80, s4;
	[sflag:s14] =	ssyncset.done $0x0  }
0x33: {  	s15 =	sshrl.u32 s12, $0x3;
	s7 =	sxor.u32 $0x80, s6;
	[sflag:s14] =	ssyncadd.s32 $0xFFFFD880  }
0x34: {  	s15 =	sadd.s32 s5, s15;
	s0 =	sor.u32 $0x13C00, s7;
	[bflag:$0x0] =	sbarrier.arrive $0xFFFF  }
0x35: {  	[tilespmem:s0], [sflag:$0x2] =	stream.linear.gather [hbm4b:s15+s4], $0x80, $0x38;
	[tilespmem:$0x1EC00] =	vst v63  }
0x36: {  	s17 =	sadd.s32 $0x80, s15;
	s25 =	sor.u32 $0x13D00, s7  }
0x37: {  	[tilespmem:s25], [sflag:$0x2] =	stream.linear.gather [hbm4b:s17+s4], $0x80, $0x38;
	[tilespmem:$0x1EC00] =	vst v63  }
0x38: {  	s10 =	sadd.s32 $0x100, s15;
	s26 =	sor.u32 $0x13E00, s7  }
0x39: {  	[tilespmem:s26], [sflag:$0x2] =	stream.linear.gather [hbm4b:s10+s4], $0x80, $0x38;
	[tilespmem:$0x1EC00] =	vst v63  }
0x3a: {  	s11 =	sadd.s32 $0x180, s15;
	s16 =	sor.u32 $0x13F00, s7  }
0x3b: {  	[tilespmem:s16], [sflag:$0x2] =	stream.linear.gather [hbm4b:s11+s4], $0x80, $0x38;
	[tilespmem:$0x1EC00] =	vst v63  }
0x3c: {  	s9 =	sadd.s32 $0x200, s15;
	s10 =	sor.u32 $0x14000, s7  }
0x3d: {  	[tilespmem:s10], [sflag:$0x2] =	stream.linear.gather [hbm4b:s9+s4], $0x80, $0x38;
	[tilespmem:$0x1EC00] =	vst v63  }
0x3e: {  	s11 =	sadd.s32 $0x280, s15;
	s16 =	sor.u32 $0x14100, s7  }
0x3f: {  	[tilespmem:s16], [sflag:$0x2] =	stream.linear.gather [hbm4b:s11+s4], $0x80, $0x38;
	[tilespmem:$0x1EC00] =	vst v63  }
0x40: {  	s26 =	sadd.s32 $0x300, s15;
	s9 =	sor.u32 $0x14200, s7  }
0x41: {  	[tilespmem:s9], [sflag:$0x2] =	stream.linear.gather [hbm4b:s26+s4], $0x80, $0x38;
	[tilespmem:$0x1EC00] =	vst v63  }
0x42: {  	s15 =	sadd.s32 $0x380, s15;
	s7 =	sor.u32 $0x14300, s7  }
0x43: {  	[tilespmem:s7], [sflag:$0x2] =	stream.linear.gather [hbm4b:s15+s4], $0x80, $0x38;
	[tilespmem:$0x1EC00] =	vst v63  }
0x44: {  	_ =	swait.ge [sflag:s2], $0x4000  }
0x45: {  	[sflag:s2] =	ssyncset.done $0x0  }
0x46: {  	s10 =	simm.s32 $0x14400;
	[sflag:s2] =	ssyncadd.s32 $0xFFFFC000  }
0x47: {  	[spmem:s3] =	stream.indirect.scatter.add.f32 [tilespmem:s30], [sflag:$0x3], $0x80, s10, s29, $0xb8;
	[tilespmem:$0x1EC00] =	vst v63  }
0x48: {  	_ =	swait.ge [sflag:s14], $0x4000  }
0x49: {  	[sflag:s14] =	ssyncset.done $0x0  }
0x4a: {  	s11 =	sor.u32 $0x13E00, s6;
	[sflag:s14] =	ssyncadd.s32 $0xFFFFC000  }
0x4b: {  	[tilespmem:s30], [sflag:$0x1] =	stream.indirect.gather [hbm4b:s1+s29], $0x80, s11, s29, $0xb8;
	[tilespmem:$0x1EC00] =	vst v63  }
0x4c: {  	_ =	swait.ge [sflag:s13], $0x400  }
0x4d: {  	[sflag:s13] =	ssyncset.done $0x0  }
0x4e: {  	[sflag:s13] =	ssyncadd.s32 $0xFFFFFC00  }
0x4f: {  	_ =	swait.ge [sflag:s2], $0x4000  }
0x50: {  	[sflag:s2] =	ssyncset.done $0x0  }
0x51: {  	s15 =	simm.s32 $0x14480;
	[sflag:s2] =	ssyncadd.s32 $0xFFFFC000  }
0x52: {  	[spmem:s3] =	stream.indirect.scatter.add.f32 [tilespmem:s31], [sflag:$0x3], $0x80, s15, s29, $0xb8;
	[tilespmem:$0x1EC00] =	vst v63  }
0x53: {  	_ =	swait.ge [sflag:s14], $0x4000  }
0x54: {  	[sflag:s14] =	ssyncset.done $0x0  }
0x55: {  	s16 =	sor.u32 $0x13F00, s6;
	[sflag:s14] =	ssyncadd.s32 $0xFFFFC000  }
0x56: {  	[tilespmem:s31], [sflag:$0x1] =	stream.indirect.gather [hbm4b:s1+s29], $0x80, s16, s29, $0xb8;
	[tilespmem:$0x1EC00] =	vst v63  }
0x57: {  	_ =	swait.ge [sflag:s2], $0x4000  }
0x58: {  	[sflag:s2] =	ssyncset.done $0x0  }
0x59: {  	s17 =	simm.s32 $0x14500;
	[sflag:s2] =	ssyncadd.s32 $0xFFFFC000  }
0x5a: {  	[spmem:s3] =	stream.indirect.scatter.add.f32 [tilespmem:s30], [sflag:$0x3], $0x80, s17, s29, $0xb8;
	[tilespmem:$0x1EC00] =	vst v63  }
0x5b: {  	_ =	swait.ge [sflag:s14], $0x4000  }
0x5c: {  	[sflag:s14] =	ssyncset.done $0x0  }
0x5d: {  	s26 =	sor.u32 $0x14000, s6;
	[sflag:s14] =	ssyncadd.s32 $0xFFFFC000  }
0x5e: {  	[tilespmem:s30], [sflag:$0x1] =	stream.indirect.gather [hbm4b:s1+s29], $0x80, s26, s29, $0xb8;
	[tilespmem:$0x1EC00] =	vst v63  }
0x5f: {  	_ =	swait.ge [sflag:s2], $0x4000  }
0x60: {  	[sflag:s2] =	ssyncset.done $0x0  }
0x61: {  	s9 =	simm.s32 $0x14580;
	[sflag:s2] =	ssyncadd.s32 $0xFFFFC000  }
0x62: {  	[spmem:s3] =	stream.indirect.scatter.add.f32 [tilespmem:s31], [sflag:$0x3], $0x80, s9, s29, $0xb8;
	[tilespmem:$0x1EC00] =	vst v63  }
0x63: {  	_ =	swait.ge [sflag:s14], $0x4000  }
0x64: {  	[sflag:s14] =	ssyncset.done $0x0  }
0x65: {  	s10 =	sor.u32 $0x14100, s6;
	[sflag:s14] =	ssyncadd.s32 $0xFFFFC000  }
0x66: {  	[tilespmem:s31], [sflag:$0x1] =	stream.indirect.gather [hbm4b:s1+s29], $0x80, s10, s29, $0xb8;
	[tilespmem:$0x1EC00] =	vst v63  }
0x67: {  	_ =	swait.ge [sflag:s2], $0x4000  }
0x68: {  	[sflag:s2] =	ssyncset.done $0x0  }
0x69: {  	s11 =	simm.s32 $0x14600;
	[sflag:s2] =	ssyncadd.s32 $0xFFFFC000  }
0x6a: {  	[spmem:s3] =	stream.indirect.scatter.add.f32 [tilespmem:s30], [sflag:$0x3], $0x80, s11, s29, $0xb8;
	[tilespmem:$0x1EC00] =	vst v63  }
0x6b: {  	_ =	swait.ge [sflag:s14], $0x4000  }
0x6c: {  	[sflag:s14] =	ssyncset.done $0x0  }
0x6d: {  	s15 =	sor.u32 $0x14200, s6;
	[sflag:s14] =	ssyncadd.s32 $0xFFFFC000  }
0x6e: {  	[tilespmem:s30], [sflag:$0x1] =	stream.indirect.gather [hbm4b:s1+s29], $0x80, s15, s29, $0xb8;
	[tilespmem:$0x1EC00] =	vst v63  }
0x6f: {  	_ =	swait.ge [sflag:s2], $0x4000  }
0x70: {  	[sflag:s2] =	ssyncset.done $0x0  }
0x71: {  	s16 =	simm.s32 $0x14680;
	[sflag:s2] =	ssyncadd.s32 $0xFFFFC000  }
0x72: {  	[spmem:s3] =	stream.indirect.scatter.add.f32 [tilespmem:s31], [sflag:$0x3], $0x80, s16, s29, $0xb8;
	[tilespmem:$0x1EC00] =	vst v63  }
0x73: {  	_ =	swait.ge [sflag:s14], $0x4000  }
0x74: {  	[sflag:s14] =	ssyncset.done $0x0  }
0x75: {  	s6 =	sor.u32 $0x14300, s6;
	[sflag:s14] =	ssyncadd.s32 $0xFFFFC000  }
0x76: {  	[tilespmem:s31], [sflag:$0x1] =	stream.indirect.gather [hbm4b:s1+s29], $0x80, s6, s29, $0xb8;
	[tilespmem:$0x1EC00] =	vst v63  }
0x77: {  	_ =	swait.ge [sflag:s2], $0x4000  }
0x78: {  	[sflag:s2] =	ssyncset.done $0x0  }
0x79: {  	s17 =	simm.s32 $0x14700;
	[sflag:s2] =	ssyncadd.s32 $0xFFFFC000  }
0x7a: {  	[spmem:s3] =	stream.indirect.scatter.add.f32 [tilespmem:s30], [sflag:$0x3], $0x80, s17, s29, $0xb8;
	[tilespmem:$0x1EC00] =	vst v63  }
0x7b: {  	_ =	swait.ge [sflag:s14], $0x4000  }
0x7c: {  	[sflag:s14] =	ssyncset.done $0x0  }
0x7d: {  	[sflag:s14] =	ssyncadd.s32 $0xFFFFC000  }
0x7e: {  	[tilespmem:s30], [sflag:$0x1] =	stream.indirect.gather [hbm4b:s1+s29], $0x80, s0, s29, $0xb8;
	[tilespmem:$0x1EC00] =	vst v63  }
0x7f: {  	_ =	swait.ge [sflag:s2], $0x4000  }
0x80: {  	[sflag:s2] =	ssyncset.done $0x0  }
0x81: {  	s28 =	simm.s32 $0x1000;
	s26 =	simm.s32 $0x14780;
	[sflag:s2] =	ssyncadd.s32 $0xFFFFC000  }
0x82: {  	[spmem:s3] =	stream.indirect.scatter.add.f32 [tilespmem:s31], [sflag:$0x3], $0x80, s26, s29, $0xb8;
	[tilespmem:$0x1EC00] =	vst v63  }
0x83: {  	s15 =	sadd.s32 $0x2000, s12;
	s6 =	simm.s32 $0x80;
	_ =	swait.ge [sflag:s14], $0x4000  }
0x84: {  	s0 =	simm.s32 $0x2000;
	s26 =	sand.u32 $0x80, s6;
	[sflag:s14] =	ssyncset.done $0x0  }
.LBB2_2:
0x85: {  	s17 =	sxor.u32 $0x80, s26  }
0x86: {  	s9 =	sshrl.u32 s15, $0x3;
	[sflag:s14] =	ssyncadd.s32 $0xFFFFC000;
	s10 =	smov.u32 s0  }
0x87: {  	[tilespmem:s31], [sflag:$0x1] =	stream.indirect.gather [hbm4b:s1+s29], $0x80, s25, s29, $0xb8;
	[tilespmem:$0x1EC00] =	vst v63  }
0x88: {  	p0 =	sne.s32 s0, $0x8000;
	s7 =	sor.u32 $0x13C00, s17;
	s9 =	sadd.s32 s5, s9  }
0x89: {  	[tilespmem:s7], [sflag:$0x2] =	stream.linear.gather [hbm4b:s9+s4], $0x80, $0x38;
	[tilespmem:$0x1EC00] =	vst v63  }
0x8a: {  	s0 =	sadd.s32 $0x1000, s0;
	s25 =	sor.u32 $0x13D00, s17;
	s11 =	sadd.s32 $0x80, s9  }
0x8b: {  	[tilespmem:s25], [sflag:$0x2] =	stream.linear.gather [hbm4b:s11+s4], $0x80, $0x38;
	[tilespmem:$0x1EC00] =	vst v63  }
0x8c: {  	s16 =	sor.u32 $0x13E00, s17;
	s11 =	sadd.s32 $0x100, s9  }
0x8d: {  	[tilespmem:s16], [sflag:$0x2] =	stream.linear.gather [hbm4b:s11+s4], $0x80, $0x38;
	[tilespmem:$0x1EC00] =	vst v63  }
0x8e: {  	s11 =	sadd.s32 $0x180, s9;
	s16 =	sor.u32 $0x13F00, s17  }
0x8f: {  	[tilespmem:s16], [sflag:$0x2] =	stream.linear.gather [hbm4b:s11+s4], $0x80, $0x38;
	[tilespmem:$0x1EC00] =	vst v63  }
0x90: {  	s11 =	sadd.s32 $0x200, s9;
	s16 =	sor.u32 $0x14000, s17  }
0x91: {  	[tilespmem:s16], [sflag:$0x2] =	stream.linear.gather [hbm4b:s11+s4], $0x80, $0x38;
	[tilespmem:$0x1EC00] =	vst v63  }
0x92: {  	s11 =	sadd.s32 $0x280, s9;
	s16 =	sor.u32 $0x14100, s17  }
0x93: {  	[tilespmem:s16], [sflag:$0x2] =	stream.linear.gather [hbm4b:s11+s4], $0x80, $0x38;
	[tilespmem:$0x1EC00] =	vst v63  }
0x94: {  	s11 =	sadd.s32 $0x300, s9;
	s16 =	sor.u32 $0x14200, s17  }
0x95: {  	[tilespmem:s16], [sflag:$0x2] =	stream.linear.gather [hbm4b:s11+s4], $0x80, $0x38;
	[tilespmem:$0x1EC00] =	vst v63  }
0x96: {  	s9 =	sadd.s32 $0x380, s9;
	s11 =	sor.u32 $0x14300, s17  }
0x97: {  	[tilespmem:s11], [sflag:$0x2] =	stream.linear.gather [hbm4b:s9+s4], $0x80, $0x38;
	[tilespmem:$0x1EC00] =	vst v63  }
0x98: {  	_ =	swait.ge [sflag:s2], $0x4000  }
0x99: {  	s17 =	sshra.s32 s28, $0x2;
	s28 =	smov.u32 s10;
	[sflag:s2] =	ssyncset.done $0x0  }
0x9a: {  	s9 =	sadd.s32 $0x14400, s17;
	[sflag:s2] =	ssyncadd.s32 $0xFFFFC000  }
0x9b: {  	[spmem:s3] =	stream.indirect.scatter.add.f32 [tilespmem:s30], [sflag:$0x3], $0x80, s9, s29, $0xb8;
	[tilespmem:$0x1EC00] =	vst v63  }
0x9c: {  	_ =	swait.ge [sflag:s14], $0x4000  }
0x9d: {  	[sflag:s14] =	ssyncset.done $0x0  }
0x9e: {  	s9 =	sor.u32 $0x13E00, s26;
	[sflag:s14] =	ssyncadd.s32 $0xFFFFC000  }
0x9f: {  	[tilespmem:s30], [sflag:$0x1] =	stream.indirect.gather [hbm4b:s1+s29], $0x80, s9, s29, $0xb8;
	[tilespmem:$0x1EC00] =	vst v63  }
0xa0: {  	_ =	swait.ge [sflag:s13], $0x400  }
0xa1: {  	[sflag:s13] =	ssyncset.done $0x0  }
0xa2: {  	[sflag:s13] =	ssyncadd.s32 $0xFFFFFC00  }
0xa3: {  	_ =	swait.ge [sflag:s2], $0x4000  }
0xa4: {  	[sflag:s2] =	ssyncset.done $0x0  }
0xa5: {  	s9 =	sadd.s32 $0x14480, s17;
	[sflag:s2] =	ssyncadd.s32 $0xFFFFC000  }
0xa6: {  	[spmem:s3] =	stream.indirect.scatter.add.f32 [tilespmem:s31], [sflag:$0x3], $0x80, s9, s29, $0xb8;
	[tilespmem:$0x1EC00] =	vst v63  }
0xa7: {  	_ =	swait.ge [sflag:s14], $0x4000  }
0xa8: {  	[sflag:s14] =	ssyncset.done $0x0  }
0xa9: {  	s9 =	sor.u32 $0x13F00, s26;
	[sflag:s14] =	ssyncadd.s32 $0xFFFFC000  }
0xaa: {  	[tilespmem:s31], [sflag:$0x1] =	stream.indirect.gather [hbm4b:s1+s29], $0x80, s9, s29, $0xb8;
	[tilespmem:$0x1EC00] =	vst v63  }
0xab: {  	_ =	swait.ge [sflag:s2], $0x4000  }
0xac: {  	[sflag:s2] =	ssyncset.done $0x0  }
0xad: {  	s9 =	sadd.s32 $0x14500, s17;
	[sflag:s2] =	ssyncadd.s32 $0xFFFFC000  }
0xae: {  	[spmem:s3] =	stream.indirect.scatter.add.f32 [tilespmem:s30], [sflag:$0x3], $0x80, s9, s29, $0xb8;
	[tilespmem:$0x1EC00] =	vst v63  }
0xaf: {  	_ =	swait.ge [sflag:s14], $0x4000  }
0xb0: {  	[sflag:s14] =	ssyncset.done $0x0  }
0xb1: {  	s9 =	sor.u32 $0x14000, s26;
	[sflag:s14] =	ssyncadd.s32 $0xFFFFC000  }
0xb2: {  	[tilespmem:s30], [sflag:$0x1] =	stream.indirect.gather [hbm4b:s1+s29], $0x80, s9, s29, $0xb8;
	[tilespmem:$0x1EC00] =	vst v63  }
0xb3: {  	_ =	swait.ge [sflag:s2], $0x4000  }
0xb4: {  	[sflag:s2] =	ssyncset.done $0x0  }
0xb5: {  	s9 =	sadd.s32 $0x14580, s17;
	[sflag:s2] =	ssyncadd.s32 $0xFFFFC000  }
0xb6: {  	[spmem:s3] =	stream.indirect.scatter.add.f32 [tilespmem:s31], [sflag:$0x3], $0x80, s9, s29, $0xb8;
	[tilespmem:$0x1EC00] =	vst v63  }
0xb7: {  	_ =	swait.ge [sflag:s14], $0x4000  }
0xb8: {  	[sflag:s14] =	ssyncset.done $0x0  }
0xb9: {  	s9 =	sor.u32 $0x14100, s26;
	[sflag:s14] =	ssyncadd.s32 $0xFFFFC000  }
0xba: {  	[tilespmem:s31], [sflag:$0x1] =	stream.indirect.gather [hbm4b:s1+s29], $0x80, s9, s29, $0xb8;
	[tilespmem:$0x1EC00] =	vst v63  }
0xbb: {  	_ =	swait.ge [sflag:s2], $0x4000  }
0xbc: {  	[sflag:s2] =	ssyncset.done $0x0  }
0xbd: {  	s9 =	sadd.s32 $0x14600, s17;
	[sflag:s2] =	ssyncadd.s32 $0xFFFFC000  }
0xbe: {  	[spmem:s3] =	stream.indirect.scatter.add.f32 [tilespmem:s30], [sflag:$0x3], $0x80, s9, s29, $0xb8;
	[tilespmem:$0x1EC00] =	vst v63  }
0xbf: {  	_ =	swait.ge [sflag:s14], $0x4000  }
0xc0: {  	[sflag:s14] =	ssyncset.done $0x0  }
0xc1: {  	s9 =	sor.u32 $0x14200, s26;
	[sflag:s14] =	ssyncadd.s32 $0xFFFFC000  }
0xc2: {  	[tilespmem:s30], [sflag:$0x1] =	stream.indirect.gather [hbm4b:s1+s29], $0x80, s9, s29, $0xb8;
	[tilespmem:$0x1EC00] =	vst v63  }
0xc3: {  	_ =	swait.ge [sflag:s2], $0x4000  }
0xc4: {  	[sflag:s2] =	ssyncset.done $0x0  }
0xc5: {  	s9 =	sadd.s32 $0x14680, s17;
	[sflag:s2] =	ssyncadd.s32 $0xFFFFC000  }
0xc6: {  	[spmem:s3] =	stream.indirect.scatter.add.f32 [tilespmem:s31], [sflag:$0x3], $0x80, s9, s29, $0xb8;
	[tilespmem:$0x1EC00] =	vst v63  }
0xc7: {  	_ =	swait.ge [sflag:s14], $0x4000  }
0xc8: {  	[sflag:s14] =	ssyncset.done $0x0  }
0xc9: {  	s9 =	sor.u32 $0x14300, s26;
	[sflag:s14] =	ssyncadd.s32 $0xFFFFC000  }
0xca: {  	[tilespmem:s31], [sflag:$0x1] =	stream.indirect.gather [hbm4b:s1+s29], $0x80, s9, s29, $0xb8;
	[tilespmem:$0x1EC00] =	vst v63  }
0xcb: {  	_ =	swait.ge [sflag:s2], $0x4000  }
0xcc: {  	[sflag:s2] =	ssyncset.done $0x0  }
0xcd: {  	s9 =	sadd.s32 $0x14700, s17;
	[sflag:s2] =	ssyncadd.s32 $0xFFFFC000  }
0xce: {  	[spmem:s3] =	stream.indirect.scatter.add.f32 [tilespmem:s30], [sflag:$0x3], $0x80, s9, s29, $0xb8;
	[tilespmem:$0x1EC00] =	vst v63  }
0xcf: {  	_ =	swait.ge [sflag:s14], $0x4000  }
0xd0: {  	[sflag:s14] =	ssyncset.done $0x0  }
0xd1: {  	[sflag:s14] =	ssyncadd.s32 $0xFFFFC000  }
0xd2: {  	[tilespmem:s30], [sflag:$0x1] =	stream.indirect.gather [hbm4b:s1+s29], $0x80, s7, s29, $0xb8;
	[tilespmem:$0x1EC00] =	vst v63  }
0xd3: {  	_ =	swait.ge [sflag:s2], $0x4000  }
.Ltmp0:
0xd4: {  	[sflag:s2] =	ssyncset.done $0x0;
	(pc) =	sbr.rel @p0 .LBB2_2-.Ltmp0, $4  }
0xd5: {  	s7 =	sadd.s32 $0x14780, s17;
	[sflag:s2] =	ssyncadd.s32 $0xFFFFC000  }
0xd6: {  	[spmem:s3] =	stream.indirect.scatter.add.f32 [tilespmem:s31], [sflag:$0x3], $0x80, s7, s29, $0xb8;
	[tilespmem:$0x1EC00] =	vst v63  }
0xd7: {  	s6 =	sadd.s32 $0x80, s6;
	_ =	swait.ge [sflag:s14], $0x4000  }
0xd8: {  	s15 =	sadd.s32 $0x2000, s15;
	s26 =	sand.u32 $0x80, s6;
	[sflag:s14] =	ssyncset.done $0x0  }
0xd9: {  	s7 =	sxor.u32 $0x80, s26;
	s0 =	sshrl.u32 s15, $0x3;
	[sflag:s14] =	ssyncadd.s32 $0xFFFFC000  }
0xda: {  	[tilespmem:s31], [sflag:$0x1] =	stream.indirect.gather [hbm4b:s1+s29], $0x80, s25, s29, $0xb8;
	[tilespmem:$0x1EC00] =	vst v63  }
0xdb: {  	s6 =	sor.u32 $0x13C00, s7;
	s9 =	sadd.s32 s5, s0  }
0xdc: {  	[tilespmem:s6], [sflag:$0x2] =	stream.linear.gather [hbm4b:s9+s4], $0x80, $0x38;
	[tilespmem:$0x1EC00] =	vst v63  }
0xdd: {  	s0 =	sor.u32 $0x13D00, s7;
	s10 =	sadd.s32 $0x80, s9  }
0xde: {  	[tilespmem:s0], [sflag:$0x2] =	stream.linear.gather [hbm4b:s10+s4], $0x80, $0x38;
	[tilespmem:$0x1EC00] =	vst v63  }
0xdf: {  	s11 =	sor.u32 $0x13E00, s7;
	s25 =	sadd.s32 $0x100, s9  }
0xe0: {  	[tilespmem:s11], [sflag:$0x2] =	stream.linear.gather [hbm4b:s25+s4], $0x80, $0x38;
	[tilespmem:$0x1EC00] =	vst v63  }
0xe1: {  	s16 =	sor.u32 $0x13F00, s7;
	s15 =	sadd.s32 $0x180, s9  }
0xe2: {  	[tilespmem:s16], [sflag:$0x2] =	stream.linear.gather [hbm4b:s15+s4], $0x80, $0x38;
	[tilespmem:$0x1EC00] =	vst v63  }
0xe3: {  	s17 =	sadd.s32 $0x200, s9;
	s25 =	sor.u32 $0x14000, s7  }
0xe4: {  	[tilespmem:s25], [sflag:$0x2] =	stream.linear.gather [hbm4b:s17+s4], $0x80, $0x38;
	[tilespmem:$0x1EC00] =	vst v63  }
0xe5: {  	s11 =	sadd.s32 $0x280, s9;
	s15 =	sor.u32 $0x14100, s7  }
0xe6: {  	[tilespmem:s15], [sflag:$0x2] =	stream.linear.gather [hbm4b:s11+s4], $0x80, $0x38;
	[tilespmem:$0x1EC00] =	vst v63  }
0xe7: {  	s16 =	sadd.s32 $0x300, s9;
	s17 =	sor.u32 $0x14200, s7  }
0xe8: {  	[tilespmem:s17], [sflag:$0x2] =	stream.linear.gather [hbm4b:s16+s4], $0x80, $0x38;
	[tilespmem:$0x1EC00] =	vst v63  }
0xe9: {  	s9 =	sadd.s32 $0x380, s9;
	s7 =	sor.u32 $0x14300, s7  }
0xea: {  	[tilespmem:s7], [sflag:$0x2] =	stream.linear.gather [hbm4b:s9+s4], $0x80, $0x38;
	[tilespmem:$0x1EC00] =	vst v63  }
0xeb: {  	_ =	swait.ge [sflag:s2], $0x4000  }
0xec: {  	s7 =	sshra.s32 s28, $0x2;
	[sflag:s2] =	ssyncset.done $0x0  }
0xed: {  	s25 =	sadd.s32 $0x14400, s7;
	[sflag:s2] =	ssyncadd.s32 $0xFFFFC000  }
0xee: {  	[spmem:s3] =	stream.indirect.scatter.add.f32 [tilespmem:s30], [sflag:$0x3], $0x80, s25, s29, $0xb8;
	[tilespmem:$0x1EC00] =	vst v63  }
0xef: {  	_ =	swait.ge [sflag:s14], $0x4000  }
0xf0: {  	[sflag:s14] =	ssyncset.done $0x0  }
0xf1: {  	s28 =	sor.u32 $0x13E00, s26;
	[sflag:s14] =	ssyncadd.s32 $0xFFFFC000  }
0xf2: {  	[tilespmem:s30], [sflag:$0x1] =	stream.indirect.gather [hbm4b:s1+s29], $0x80, s28, s29, $0xb8;
	[tilespmem:$0x1EC00] =	vst v63  }
0xf3: {  	_ =	swait.ge [sflag:s13], $0x400  }
0xf4: {  	[sflag:s13] =	ssyncset.done $0x0  }
0xf5: {  	[sflag:s13] =	ssyncadd.s32 $0xFFFFFC00  }
0xf6: {  	_ =	swait.ge [sflag:s2], $0x4000  }
0xf7: {  	[sflag:s2] =	ssyncset.done $0x0  }
0xf8: {  	s10 =	sadd.s32 $0x14480, s7;
	[sflag:s2] =	ssyncadd.s32 $0xFFFFC000  }
0xf9: {  	[spmem:s3] =	stream.indirect.scatter.add.f32 [tilespmem:s31], [sflag:$0x3], $0x80, s10, s29, $0xb8;
	[tilespmem:$0x1EC00] =	vst v63  }
0xfa: {  	_ =	swait.ge [sflag:s14], $0x4000  }
0xfb: {  	[sflag:s14] =	ssyncset.done $0x0  }
0xfc: {  	s11 =	sor.u32 $0x13F00, s26;
	[sflag:s14] =	ssyncadd.s32 $0xFFFFC000  }
0xfd: {  	[tilespmem:s31], [sflag:$0x1] =	stream.indirect.gather [hbm4b:s1+s29], $0x80, s11, s29, $0xb8;
	[tilespmem:$0x1EC00] =	vst v63  }
0xfe: {  	_ =	swait.ge [sflag:s2], $0x4000  }
0xff: {  	[sflag:s2] =	ssyncset.done $0x0  }
0x100: {  	s15 =	sadd.s32 $0x14500, s7;
	[sflag:s2] =	ssyncadd.s32 $0xFFFFC000  }
0x101: {  	[spmem:s3] =	stream.indirect.scatter.add.f32 [tilespmem:s30], [sflag:$0x3], $0x80, s15, s29, $0xb8;
	[tilespmem:$0x1EC00] =	vst v63  }
0x102: {  	_ =	swait.ge [sflag:s14], $0x4000  }
0x103: {  	[sflag:s14] =	ssyncset.done $0x0  }
0x104: {  	s16 =	sor.u32 $0x14000, s26;
	[sflag:s14] =	ssyncadd.s32 $0xFFFFC000  }
0x105: {  	[tilespmem:s30], [sflag:$0x1] =	stream.indirect.gather [hbm4b:s1+s29], $0x80, s16, s29, $0xb8;
	[tilespmem:$0x1EC00] =	vst v63  }
0x106: {  	_ =	swait.ge [sflag:s2], $0x4000  }
0x107: {  	[sflag:s2] =	ssyncset.done $0x0  }
0x108: {  	s17 =	sadd.s32 $0x14580, s7;
	[sflag:s2] =	ssyncadd.s32 $0xFFFFC000  }
0x109: {  	[spmem:s3] =	stream.indirect.scatter.add.f32 [tilespmem:s31], [sflag:$0x3], $0x80, s17, s29, $0xb8;
	[tilespmem:$0x1EC00] =	vst v63  }
0x10a: {  	_ =	swait.ge [sflag:s14], $0x4000  }
0x10b: {  	[sflag:s14] =	ssyncset.done $0x0  }
0x10c: {  	s25 =	sor.u32 $0x14100, s26;
	[sflag:s14] =	ssyncadd.s32 $0xFFFFC000  }
0x10d: {  	[tilespmem:s31], [sflag:$0x1] =	stream.indirect.gather [hbm4b:s1+s29], $0x80, s25, s29, $0xb8;
	[tilespmem:$0x1EC00] =	vst v63  }
0x10e: {  	_ =	swait.ge [sflag:s2], $0x4000  }
0x10f: {  	[sflag:s2] =	ssyncset.done $0x0  }
0x110: {  	s28 =	sadd.s32 $0x14600, s7;
	[sflag:s2] =	ssyncadd.s32 $0xFFFFC000  }
0x111: {  	[spmem:s3] =	stream.indirect.scatter.add.f32 [tilespmem:s30], [sflag:$0x3], $0x80, s28, s29, $0xb8;
	[tilespmem:$0x1EC00] =	vst v63  }
0x112: {  	_ =	swait.ge [sflag:s14], $0x4000  }
0x113: {  	[sflag:s14] =	ssyncset.done $0x0  }
0x114: {  	s10 =	sor.u32 $0x14200, s26;
	[sflag:s14] =	ssyncadd.s32 $0xFFFFC000  }
0x115: {  	[tilespmem:s30], [sflag:$0x1] =	stream.indirect.gather [hbm4b:s1+s29], $0x80, s10, s29, $0xb8;
	[tilespmem:$0x1EC00] =	vst v63  }
0x116: {  	_ =	swait.ge [sflag:s2], $0x4000  }
0x117: {  	[sflag:s2] =	ssyncset.done $0x0  }
0x118: {  	s11 =	sadd.s32 $0x14680, s7;
	[sflag:s2] =	ssyncadd.s32 $0xFFFFC000  }
0x119: {  	[spmem:s3] =	stream.indirect.scatter.add.f32 [tilespmem:s31], [sflag:$0x3], $0x80, s11, s29, $0xb8;
	[tilespmem:$0x1EC00] =	vst v63  }
0x11a: {  	_ =	swait.ge [sflag:s14], $0x4000  }
0x11b: {  	[sflag:s14] =	ssyncset.done $0x0  }
0x11c: {  	s15 =	sor.u32 $0x14300, s26;
	[sflag:s14] =	ssyncadd.s32 $0xFFFFC000  }
0x11d: {  	[tilespmem:s31], [sflag:$0x1] =	stream.indirect.gather [hbm4b:s1+s29], $0x80, s15, s29, $0xb8;
	[tilespmem:$0x1EC00] =	vst v63  }
0x11e: {  	_ =	swait.ge [sflag:s2], $0x4000  }
0x11f: {  	[sflag:s2] =	ssyncset.done $0x0  }
0x120: {  	s16 =	sadd.s32 $0x14700, s7;
	[sflag:s2] =	ssyncadd.s32 $0xFFFFC000  }
0x121: {  	[spmem:s3] =	stream.indirect.scatter.add.f32 [tilespmem:s30], [sflag:$0x3], $0x80, s16, s29, $0xb8;
	[tilespmem:$0x1EC00] =	vst v63  }
0x122: {  	_ =	swait.ge [sflag:s14], $0x4000  }
0x123: {  	[sflag:s14] =	ssyncset.done $0x0  }
0x124: {  	[sflag:s14] =	ssyncadd.s32 $0xFFFFC000  }
0x125: {  	[tilespmem:s30], [sflag:$0x1] =	stream.indirect.gather [hbm4b:s1+s29], $0x80, s6, s29, $0xb8;
	[tilespmem:$0x1EC00] =	vst v63  }
0x126: {  	_ =	swait.ge [sflag:s2], $0x4000  }
0x127: {  	[sflag:s2] =	ssyncset.done $0x0  }
0x128: {  	s17 =	sadd.s32 $0x14780, s7;
	[sflag:s2] =	ssyncadd.s32 $0xFFFFC000  }
0x129: {  	[spmem:s3] =	stream.indirect.scatter.add.f32 [tilespmem:s31], [sflag:$0x3], $0x80, s17, s29, $0xb8;
	[tilespmem:$0x1EC00] =	vst v63  }
0x12a: {  	_ =	swait.ge [sflag:s14], $0x4000  }
0x12b: {  	[sflag:s14] =	ssyncset.done $0x0  }
0x12c: {  	[sflag:s14] =	ssyncadd.s32 $0xFFFFC000  }
0x12d: {  	[tilespmem:s31], [sflag:$0x1] =	stream.indirect.gather [hbm4b:s1+s29], $0x80, s0, s29, $0xb8;
	[tilespmem:$0x1EC00] =	vst v63  }
0x12e: {  	_ =	swait.ge [sflag:s2], $0x4000  }
0x12f: {  	[sflag:s2] =	ssyncset.done $0x0  }
0x130: {  	s25 =	simm.s32 $0x16800;
	[sflag:s2] =	ssyncadd.s32 $0xFFFFC000  }
0x131: {  	[spmem:s3] =	stream.indirect.scatter.add.f32 [tilespmem:s30], [sflag:$0x3], $0x80, s25, s29, $0xb8;
	[tilespmem:$0x1EC00] =	vst v63  }
0x132: {  	_ =	swait.ge [sflag:s14], $0x4000  }
0x133: {  	[sflag:s14] =	ssyncset.done $0x0  }
0x134: {  	s26 =	simm.s32 $0x13E80;
	[sflag:s14] =	ssyncadd.s32 $0xFFFFC000  }
0x135: {  	[tilespmem:s30], [sflag:$0x1] =	stream.indirect.gather [hbm4b:s1+s29], $0x80, s26, s29, $0xb8;
	[tilespmem:$0x1EC00] =	vst v63  }
0x136: {  	_ =	swait.ge [sflag:s2], $0x4000  }
0x137: {  	[sflag:s2] =	ssyncset.done $0x0  }
0x138: {  	s28 =	simm.s32 $0x16880;
	[sflag:s2] =	ssyncadd.s32 $0xFFFFC000  }
0x139: {  	[spmem:s3] =	stream.indirect.scatter.add.f32 [tilespmem:s31], [sflag:$0x3], $0x80, s28, s29, $0xb8;
	[tilespmem:$0x1EC00] =	vst v63  }
0x13a: {  	_ =	swait.ge [sflag:s14], $0x4000  }
0x13b: {  	[sflag:s14] =	ssyncset.done $0x0  }
0x13c: {  	s6 =	simm.s32 $0x13F80;
	[sflag:s14] =	ssyncadd.s32 $0xFFFFC000  }
0x13d: {  	[tilespmem:s31], [sflag:$0x1] =	stream.indirect.gather [hbm4b:s1+s29], $0x80, s6, s29, $0xb8;
	[tilespmem:$0x1EC00] =	vst v63  }
0x13e: {  	_ =	swait.ge [sflag:s2], $0x4000  }
0x13f: {  	[sflag:s2] =	ssyncset.done $0x0  }
0x140: {  	s7 =	simm.s32 $0x16900;
	[sflag:s2] =	ssyncadd.s32 $0xFFFFC000  }
0x141: {  	[spmem:s3] =	stream.indirect.scatter.add.f32 [tilespmem:s30], [sflag:$0x3], $0x80, s7, s29, $0xb8;
	[tilespmem:$0x1EC00] =	vst v63  }
0x142: {  	_ =	swait.ge [sflag:s14], $0x4000  }
0x143: {  	[sflag:s14] =	ssyncset.done $0x0  }
0x144: {  	s9 =	simm.s32 $0x14080;
	[sflag:s14] =	ssyncadd.s32 $0xFFFFC000  }
0x145: {  	[tilespmem:s30], [sflag:$0x1] =	stream.indirect.gather [hbm4b:s1+s29], $0x80, s9, s29, $0xb8;
	[tilespmem:$0x1EC00] =	vst v63  }
0x146: {  	_ =	swait.ge [sflag:s2], $0x4000  }
0x147: {  	[sflag:s2] =	ssyncset.done $0x0  }
0x148: {  	s10 =	simm.s32 $0x16980;
	[sflag:s2] =	ssyncadd.s32 $0xFFFFC000  }
0x149: {  	[spmem:s3] =	stream.indirect.scatter.add.f32 [tilespmem:s31], [sflag:$0x3], $0x80, s10, s29, $0xb8;
	[tilespmem:$0x1EC00] =	vst v63  }
0x14a: {  	_ =	swait.ge [sflag:s14], $0x4000  }
0x14b: {  	[sflag:s14] =	ssyncset.done $0x0  }
0x14c: {  	s11 =	simm.s32 $0x14180;
	[sflag:s14] =	ssyncadd.s32 $0xFFFFC000  }
0x14d: {  	[tilespmem:s31], [sflag:$0x1] =	stream.indirect.gather [hbm4b:s1+s29], $0x80, s11, s29, $0xb8;
	[tilespmem:$0x1EC00] =	vst v63  }
0x14e: {  	_ =	swait.ge [sflag:s2], $0x4000  }
0x14f: {  	[sflag:s2] =	ssyncset.done $0x0  }
0x150: {  	s15 =	simm.s32 $0x16A00;
	[sflag:s2] =	ssyncadd.s32 $0xFFFFC000  }
0x151: {  	[spmem:s3] =	stream.indirect.scatter.add.f32 [tilespmem:s30], [sflag:$0x3], $0x80, s15, s29, $0xb8;
	[tilespmem:$0x1EC00] =	vst v63  }
0x152: {  	_ =	swait.ge [sflag:s14], $0x4000  }
0x153: {  	[sflag:s14] =	ssyncset.done $0x0  }
0x154: {  	s16 =	simm.s32 $0x14280;
	[sflag:s14] =	ssyncadd.s32 $0xFFFFC000  }
0x155: {  	[tilespmem:s30], [sflag:$0x1] =	stream.indirect.gather [hbm4b:s1+s29], $0x80, s16, s29, $0xb8;
	[tilespmem:$0x1EC00] =	vst v63  }
0x156: {  	_ =	swait.ge [sflag:s2], $0x4000  }
0x157: {  	[sflag:s2] =	ssyncset.done $0x0  }
0x158: {  	s17 =	simm.s32 $0x16A80;
	[sflag:s2] =	ssyncadd.s32 $0xFFFFC000  }
0x159: {  	[spmem:s3] =	stream.indirect.scatter.add.f32 [tilespmem:s31], [sflag:$0x3], $0x80, s17, s29, $0xb8;
	[tilespmem:$0x1EC00] =	vst v63  }
0x15a: {  	_ =	swait.ge [sflag:s14], $0x4000  }
0x15b: {  	[sflag:s14] =	ssyncset.done $0x0  }
0x15c: {  	[sflag:s14] =	ssyncadd.s32 $0xFFFFC000  }
0x15d: {  	_ =	swait.ge [sflag:s2], $0x4000  }
0x15e: {  	[sflag:s2] =	ssyncset.done $0x0  }
0x15f: {  	s25 =	simm.s32 $0x16B00;
	[sflag:s2] =	ssyncadd.s32 $0xFFFFC000  }
0x160: {  	[spmem:s3] =	stream.indirect.scatter.add.f32 [tilespmem:s30], [sflag:$0x3], $0x80, s25, s29, $0xb8;
	[tilespmem:$0x1EC00] =	vst v63  }
0x161: {  	_ =	swait.ge [sflag:s14], $0x4000  }
0x162: {  	[sflag:s14] =	ssyncset.done $0x0  }
0x163: {  	[sflag:s14] =	ssyncadd.s32 $0xFFFFC000  }
0x164: {  	[bflag:$0x0] =	sbarrier.arrive $0xFFFF  }
0x165: {  	s26 =	rddreg [dreg:$0x7]  }
0x166: {  	[hbm:s26], [sflag:s21] =	dma.local [spmem:s23], $0x2780  }
0x167: {  	_ =	swait.ge [sflag:s14], $0x2780  }
0x168: {  	s19 =	sadd.s32 $0x1, s19;
	s28 =	rddreg [dreg:$0x8]  }
0x169: {  	p0 =	sne.s32 s19, s28  }
.Ltmp1:
0x16a: {  	_ = 	snop;
	(pc) =	sbr.rel @p0 .LBB2_1-.Ltmp1, $3  }
0x16b: {  	_ =	sdelay $0x1  }
0x16c: {  	[sflag:s14] =	ssyncset.done $0x0  }
0x16d: {  	[sflag:s14] =	ssyncadd.s32 $0xFFFFD880  }
0x16e: {  	_ =	sfence.sel $0x180000  }
0x16f: {  	[bflag:$0x0] =	sbarrier.arrive $0xFFFF  }
0x170: {  	_ =	strace $0x9000004A  }
0x171: {  	s0 =	stileid.u32;
	[bflag:$0x2] =	sbarrier.arrive $0xFFFF  }
0x172: {  	p0 =	sne.s32 s0, $0x0;
	s0 =	rddreg [dreg:$0x3]  }
0x173: {  	s0 =	sadd.s32 @!p0 $0x100000, s0  }
0x174: {  	[sflag:s0] =	ssyncadd.tile.s32 @!p0 $0x1;
	_ =	shalt  }
.Lfunc_end2:
_tile_overlayer_lowered:
.L_overlay_start_2:
0x175: {  	(tag) =	ssettag $0x2  }
0x176: {  	s0 =	rddreg [dreg:$0x0];
	s2 =	stileid.u32  }
0x177: {  	s1 =	rddreg [dreg:$0x1];
	p0 =	sne.s32 s2, $0x0  }
0x178: {  	s3 =	rddreg [dreg:$0x2];
	[bflag:$0x3] =	sbarrier.arrive $0xFFFF;
	s2 =	simm.s32 @!p0 $0x1C03  }
0x179: {  	[timem:s3], [sflag:s2] =	dma.local @!p0 [hbm:s0], s1  }
0x17a: {  	s0 =	simm.s32 @!p0 $0x3  }
0x17b: {  	_ =	swait.ge @!p0 [sflag:s0], s1  }
0x17c: {  	s1 =	ssub.s32 @!p0 $0x0, s1;
	[sflag:s0] =	ssyncset.done @!p0 $0x0  }
0x17d: {  	[sflag:s0] =	ssyncadd.s32 @!p0 s1  }
0x17e: {  	[bflag:$0x3] =	sbarrier.arrive $0xFFFF  }
0x17f: {  	_ =	shalt  }

// kernel: kernel.15.cloned.1.call-start
scs
__scs_entry_jumppad:
0x0: {  	(pc) =	sbr.rel $0x88, $3  }
0x1: {  	(tag) =	ssettag $0x0;
	lr =	simm.s32 $0x1  }
0x2: {  	[smem:$0x3F99] =	sst lr;
	_ =	strace $0xD0000000  }
0x3: {  	_ = 	snop  }
0x4: {  	_ = 	snop  }
0x5: {  	_ = 	snop  }
0x6: {  	_ = 	snop  }
0x7: {  	_ = 	snop  }
__scs_overlays_trampoline_lowered:
0x8: {  	[smem:$0x3FA8] =	sst s0  }
0x9: {  	[smem:$0x3FA9] =	sst s1  }
0xa: {  	[smem:$0x3FAA] =	sst s2  }
0xb: {  	[smem:$0x3FAB] =	sst s3  }
0xc: {  	[smem:$0x3FAC] =	sst s4  }
0xd: {  	[smem:$0x3FAD] =	sst s5  }
0xe: {  	[smem:$0x3FAE] =	sst s6  }
0xf: {  	[smem:$0x3FAF] =	sst s7  }
0x10: {  	[smem:$0x3FB0] =	sst s8  }
0x11: {  	[smem:$0x3FB1] =	sst s9;
	s0 =	simm.s32 @!p0 $0x0  }
0x12: {  	s1 =	sld [smem:$0x3F97];
	s0 =	simm.s32 @p0 $0x1  }
0x13: {  	[smem:$0x3FB2] =	sst s0;
	s0 =	simm.s32 @!p1 $0x0  }
0x14: {  	s2 =	sld [smem:$0x3F96];
	s0 =	simm.s32 @p1 $0x1  }
0x15: {  	[smem:$0x3FB3] =	sst s0;
	s0 =	simm.s32 @!p2 $0x0  }
0x16: {  	s3 =	sld [smem:$0x3FDB];
	s0 =	simm.s32 @p2 $0x1  }
0x17: {  	s4 =	simm.s32 $0x1BF5;
	[smem:$0x3FB5] =	sst s0  }
0x18: {  	s0 =	sld [smem:$0x3F98];
	_ =	swait.ge [sflag:s4], $0x0  }
0x19: {  	s7 =	sld [smem:$0x3F99]  }
0x1a: {  	s8 =	sadd.s32 $0xFFFFE003, lr  }
0x1b: {  	s9 =	sadd.s32 $0xFFFFFEF7, lr;
	s5 =	simm.s32 $0xFFFFFFFF;
	p2 =	slt.u32 s8, $0xFFFFF086  }
0x1c: {  	p1 =	slt.u32 s9, $0xF7A;
	s5 =	simm.s32 @!p2 $0x0  }
0x1d: {  	s5 =	simm.s32 @p1 $0x1;
	p0 =	seq.s32 s7, s2  }
0x1e: {  	s7 =	smul.u32 @!p0 $0xF7A, s2;
	p2 =	seq.s32 @!p0 s5, $0x0  }
0x1f: {  	s9 =	smul.u32 $0xF7A, s1;
	s8 =	simm.s32 @!p0 $0x1BF5;
	p2 =	por !p2, p0  }
0x20: {  	[sflag:s8] =	ssyncset.s32 @!p0 $0xFFFFF086;
	s6 =	sadd.s32 @!p0 s3, s7;
	s7 =	simm.s32 @!p0 $0x108  }
0x21: {  	s3 =	sadd.s32 s3, s9;
	s6 =	sadd.s32 @!p0 $0x88, s6;
	s7 =	simm.s32 @p2 $0x1082  }
0x22: {  	[simem:s7], [sflag:s8] =	dma.local @!p0 [hbm:s6], $0xF7A  }
0x23: {  	s9 =	sor.u32 $0xD0000000, s2;
	s6 =	simm.s32 $0x108;
	_ =	swait.ge @!p0 [sflag:s8], $0x0  }
0x24: {  	s3 =	sadd.s32 $0x88, s3;
	s6 =	simm.s32 @!p1 $0x1082;
	[sflag:s4] =	ssyncset.s32 $0xFFFFF086  }
0x25: {  	[simem:s6], [sflag:s4] =	dma.local [hbm:s3], $0xF7A  }
0x26: {  	[smem:$0x3F99] =	sst s1;
	(tag) =	ssettag s2;
	_ =	strace s9  }
0x27: {  	s1 =	sld [smem:$0x3FA9]  }
0x28: {  	s2 =	sld [smem:$0x3FAA]  }
0x29: {  	s4 =	sld [smem:$0x3FAC]  }
0x2a: {  	p0 =	seq.s32 s5, $0x0;
	s5 =	sld [smem:$0x3FAD]  }
0x2b: {  	s6 =	sld [smem:$0x3FAE]  }
0x2c: {  	s7 =	sld [smem:$0x3FAF]  }
0x2d: {  	s3 =	simm.s32 $0x108;
	s8 =	sld [smem:$0x3FB0]  }
0x2e: {  	s3 =	simm.s32 @!p0 $0x1082;
	s9 =	sld [smem:$0x3FB1]  }
0x2f: {  	lr =	sadd.s32 s0, s3;
	s0 =	sld [smem:$0x3FA8]  }
0x30: {  	s3 =	sld [smem:$0x3FAB]  }
0x31: {  	[smem:$0x3FB4] =	sst s10  }
0x32: {  	s10 =	sld [smem:$0x3FB2];
	_ =	sdelay $0x3  }
0x33: {  	p0 =	seq.s32 s10, $0x1;
	s10 =	sld [smem:$0x3FB4];
	_ =	sdelay $0x3  }
0x34: {  	[smem:$0x3FB4] =	sst s10  }
0x35: {  	s10 =	sld [smem:$0x3FB3];
	_ =	sdelay $0x3  }
0x36: {  	p1 =	seq.s32 s10, $0x1;
	s10 =	sld [smem:$0x3FB4];
	_ =	sdelay $0x3  }
0x37: {  	[smem:$0x3FB4] =	sst s10  }
0x38: {  	s10 =	sld [smem:$0x3FB5]  }
0x39: {  	_ = 	snop;
	(pc) =	sbr.ind lr, $3  }
0x3a: {  	_ = 	snop  }
0x3b: {  	_ = 	snop  }
0x3c: {  	p2 =	seq.s32 s10, $0x1;
	s10 =	sld [smem:$0x3FB4]  }
0x3d: {  	_ =	shalt  }
0x3e: {  	_ =	shalt  }
0x3f: {  	_ =	shalt  }
0x40: {  	_ =	shalt  }
0x41: {  	_ =	shalt  }
0x42: {  	_ =	shalt  }
0x43: {  	_ =	shalt  }
0x44: {  	_ =	shalt  }
0x45: {  	_ =	shalt  }
0x46: {  	_ =	shalt  }
0x47: {  	_ =	shalt  }
0x48: {  	_ =	shalt  }
0x49: {  	_ =	shalt  }
0x4a: {  	_ =	shalt  }
0x4b: {  	_ =	shalt  }
0x4c: {  	_ =	shalt  }
0x4d: {  	_ =	shalt  }
0x4e: {  	_ =	shalt  }
0x4f: {  	_ =	shalt  }
0x50: {  	_ =	shalt  }
0x51: {  	_ =	shalt  }
0x52: {  	_ =	shalt  }
0x53: {  	_ =	shalt  }
0x54: {  	_ =	shalt  }
0x55: {  	_ =	shalt  }
0x56: {  	_ =	shalt  }
0x57: {  	_ =	shalt  }
0x58: {  	_ =	shalt  }
0x59: {  	_ =	shalt  }
0x5a: {  	_ =	shalt  }
0x5b: {  	_ =	shalt  }
0x5c: {  	_ =	shalt  }
0x5d: {  	_ =	shalt  }
0x5e: {  	_ =	shalt  }
0x5f: {  	_ =	shalt  }
0x60: {  	_ =	shalt  }
0x61: {  	_ =	shalt  }
0x62: {  	_ =	shalt  }
0x63: {  	_ =	shalt  }
0x64: {  	_ =	shalt  }
0x65: {  	_ =	shalt  }
0x66: {  	_ =	shalt  }
0x67: {  	_ =	shalt  }
0x68: {  	_ =	shalt  }
0x69: {  	_ =	shalt  }
0x6a: {  	_ =	shalt  }
0x6b: {  	_ =	shalt  }
0x6c: {  	_ =	shalt  }
0x6d: {  	_ =	shalt  }
0x6e: {  	_ =	shalt  }
0x6f: {  	_ =	shalt  }
0x70: {  	_ =	shalt  }
0x71: {  	_ =	shalt  }
0x72: {  	_ =	shalt  }
0x73: {  	_ =	shalt  }
0x74: {  	_ =	shalt  }
0x75: {  	_ =	shalt  }
0x76: {  	_ =	shalt  }
0x77: {  	_ =	shalt  }
0x78: {  	_ =	shalt  }
0x79: {  	_ =	shalt  }
0x7a: {  	_ =	shalt  }
0x7b: {  	_ =	shalt  }
0x7c: {  	_ =	shalt  }
0x7d: {  	_ =	shalt  }
0x7e: {  	_ =	shalt  }
0x7f: {  	_ =	shalt  }
0x80: {  	_ =	shalt  }
0x81: {  	_ =	shalt  }
0x82: {  	_ =	shalt  }
0x83: {  	_ =	shalt  }
0x84: {  	_ =	shalt  }
0x85: {  	_ =	shalt  }
0x86: {  	_ =	shalt  }
0x87: {  	_ =	shalt  }
.Lfunc_end0:
.L_simem_size_0:
called_computation.2_lowered:
.L_overlay_start_0:
0x88: {  	s2 =	sld [smem:$0x3FD9]  }
0x89: {  	s3 =	sld [smem:$0x3FFE];
	_ =	sdelay $0x1  }
0x8a: {  	s1 =	srdreg.scid  }
0x8b: {  	s0 =	sand.u32 $0x1, s1  }
0x8c: {  	s17 =	sshll.u32 s0, $0xA;
	s2 =	sadd.s32 s3, s2  }
0x8d: {  	s2 =	sadd.s32 s2, s17  }
0x8e: {  	[smem:$0x3FC0] =	sst s2  }
0x8f: {  	_ = 	snop  }
0x90: {  	s2 =	sld [smem:$0x3FD0];
	(tm) =	ssettm $0x1  }
0x91: {  	s18 =	sld [smem:$0x3FFB];
	_ =	sdelay $0x3  }
0x92: {  	_ =	strace s18  }
0x93: {  	s3 =	sld [smem:$0x3FFC];
	_ =	sdelay $0x3  }
0x94: {  	_ =	strace s3  }
0x95: {  	s3 =	sld [smem:$0x3FFD];
	_ =	sdelay $0x3  }
0x96: {  	_ =	strace s3  }
0x97: {  	_ =	strace $0x8FFFFFFF  }
0x98: {  	s19 =	sld [smem:$0x3FDB];
	_ =	sdelay $0x1  }
0x99: {  	s4 =	simm.s32 $_scs_section_size  }
0x9a: {  	s5 =	simm.s32 $_size__tile_overlayer_lowered;
	s6 =	simm.s32 $_tile_overlayer_lowered  }
0x9b: {  	s22 =	simm.s32 $0x1BFF;
	s21 =	sshll.u32 s6, $0x1;
	s3 =	sadd.s32 s4, s19  }
0x9c: {  	s7 =	simm.s32 $0x0;
	s20 =	sshll.u32 s5, $0x1;
	s5 =	sadd.s32 s21, s3  }
0x9d: {  	[timem:s7], [sflag:s22] =	dma.local [hbm:s5], s20  }
0x9e: {  	_ =	swait.ge [sflag:s22], s20  }
0x9f: {  	s4 =	ssub.s32 $0x0, s20;
	[sflag:s22] =	ssyncset.done $0x0  }
0xa0: {  	[sflag:s22] =	ssyncadd.s32 s4;
	_ =	sdelay $0x1  }
0xa1: {  	s23 =	simm.s32 $0x1B8B  }
0xa2: {  	_ =	swait.ge [sflag:s23], $0x1  }
0xa3: {  	[sflag:s23] =	ssyncset.done $0x0  }
0xa4: {  	s25 =	simm.s32 $0x1B8E;
	s24 =	sld [smem:$0x3FFE];
	[sflag:s23] =	ssyncadd.s32 $0xFFFFFFFF  }
0xa5: {  	s26 =	simm.s32 $execute0_lowered;
	[smem:$0x3FD2] =	sst s25  }
0xa6: {  	s5 =	sshll.u32 s26, $0x1;
	_ =	strace $0x8000004C;
	[dreg:$0x1] =	wrdreg $0xFFFFFFFF  }
0xa7: {  	s28 =	simm.s32 $_size_execute0_lowered;
	s3 =	sadd.s32 s3, s5;
	[dreg:$0x0] =	wrdreg $0x0  }
0xa8: {  	s5 =	sshll.u32 s28, $0x1;
	[dreg:$0x2] =	wrdreg s3  }
0xa9: {  	[dreg:$0x3] =	wrdreg s5  }
0xaa: {  	[dreg:$0x4] =	wrdreg $0xC0  }
0xab: {  	_ =	task [dreg:s7], $0x5FFFF  }
0xac: {  	[dreg:$0x1] =	wrdreg $0xFFFFFFFF  }
0xad: {  	[dreg:$0x0] =	wrdreg $0x60  }
0xae: {  	[dreg:$0x2] =	wrdreg s2  }
0xaf: {  	[dreg:$0x3] =	wrdreg s24  }
0xb0: {  	[dreg:$0x4] =	wrdreg $0x0  }
0xb1: {  	[dreg:$0x5] =	wrdreg $0x9  }
0xb2: {  	_ =	task.clear_ibuf [dreg:s7], $0x6FFFF;
	_ =	strace $0x9000004C  }
0xb3: {  	s29 =	simm.s32 $0x9;
	_ =	strace $0x8000004E  }
0xb4: {  	_ =	swait.ge [sflag:s29], $0x1  }
0xb5: {  	[sflag:s29] =	ssyncadd.s32 $0xFFFFFFFF  }
0xb6: {  	_ =	strace $0x9000004E  }
0xb7: {  	_ =	sfence  }
0xb8: {  	s30 =	sld [smem:$0x0];
	_ =	sdelay $0x2  }
0xb9: {  	s31 =	sshll.u32 s1, $0xD;
	s1 =	sshrl.u32 s1, $0x2  }
0xba: {  	s3 =	sand.u32 $0x4000, s31;
	s1 =	sadd.s32 s1, s30  }
0xbb: {  	s0 =	sor.u32 s3, s0;
	s1 =	sshll.u32 s1, $0x11  }
0xbc: {  	s0 =	sor.u32 s1, s0  }
0xbd: {  	s0 =	sadd.s32 $0x8F2B, s0  }
0xbe: {  	[sflag:s0] =	ssyncadd.remote.s32 $0x1  }
0xbf: {  	_ =	sfence.sel $0xFFFF  }
0xc0: {  	[dreg:$0x0] =	wrdreg $0xFFFFFFFF;
	(pc) =	sbr.abs _section_cstart, $3  }
0xc1: {  	[dreg:$0x1] =	wrdreg $0xFFFFFFFF  }
0xc2: {  	_ =	task.clear_ibuf [dreg:s7], $0x2FFFF;
	_ =	strace $0x9FFFFFFF  }
0xc3: {  	(tm) =	ssettm $0x7FFFFFFF  }
tec
execute0_lowered:
.L_overlay_start_1:
0x0: {  	(tag) =	ssettag $0x1  }
0x1: {  	s0 =	srdreg.scid;
	s1 =	rddreg [dreg:$0x0]  }
0x2: {  	s10 =	stileid.u32;
	s6 =	rddreg [dreg:$0x1]  }
0x3: {  	s3 =	rddreg [dreg:$0x2];
	s4 =	simm.s32 $0x0;
	s14 =	simm.s32 $0x3  }
0x4: {  	s29 =	simm.s32 $0x80;
	s30 =	simm.s32 $0x16C00;
	s31 =	simm.s32 $0x1AC00  }
0x5: {  	s13 =	simm.s32 $0x2;
	s0 =	sand.u32 $0x1, s0;
	[smem:$0x7FF] =	sst s4  }
0x6: {  	s9 =	smul.u32 $0x13C00, s10;
	s5 =	sadd.s32 $0xD000, s6;
	s11 =	sadd.s32 $0x17000, s6  }
0x7: {  	s22 =	sshll.u32 s10, $0x7;
	s2 =	sshll.u32 s0, $0x4;
	s8 =	smul.u32 $0x13C000, s0  }
0x8: {  	_ =	strace $0x8000004D;
	[dreg:$0x4] =	wrdreg s11;
	s0 =	ssub.s32 $0x2, s0  }
0x9: {  	s2 =	sor.u32 s10, s2;
	s10 =	smul.u32 $0x4F000, s10;
	s23 =	sshrl.u32 s0, $0x1  }
0xa: {  	s7 =	smul.u32 $0x500, s2;
	s8 =	sadd.s32 s9, s8;
	s2 =	sshrl.u32 s2, $0x3  }
0xb: {  	s9 =	sand.u32 $0x380, s22;
	s0 =	ssub.s32 s0, s23;
	s8 =	sshrl.u32 s8, $0x3  }
0xc: {  	s2 =	smul.u32 $0x14000, s2;
	s25 =	sshrl.u32 s10, $0x2;
	s0 =	smax.u32 s0, $0x1  }
0xd: {  	s7 =	sadd.s32 s7, s6;
	s26 =	sadd.s32 s25, s3;
	[dreg:$0x8] =	wrdreg s0  }
0xe: {  	s6 =	sadd.s32 s8, s6;
	s7 =	sadd.s32 $0x3000, s7;
	[dreg:$0x6] =	wrdreg s26  }
0xf: {  	s2 =	sor.u32 s9, s2;
	s6 =	sadd.s32 $0x19800, s6;
	[dreg:$0x5] =	wrdreg s7  }
0x10: {  	s19 =	simm.s32 $0x0;
	s24 =	sshrl.u32 s2, $0x3;
	[dreg:$0x7] =	wrdreg s6  }
0x11: {  	s12 =	sor.u32 $0x2000, s2;
	s2 =	simm.s32 $0x1;
	s8 =	sadd.s32 s5, s24  }
0x12: {  	s28 =	sadd.s32 $0x80, s8;
	s18 =	sadd.s32 $0x100, s8;
	s20 =	sadd.s32 $0x180, s8  }
0x13: {  	s22 =	sadd.s32 $0x200, s8;
	s24 =	sadd.s32 $0x280, s8;
	[dreg:$0x9] =	wrdreg s28  }
.LBB2_1:
0x14: {  	s0 =	rddreg [dreg:$0x5];
	s6 =	simm.s32 $0x14400  }
0x15: {  	[tilespmem:s6], [sflag:$0x3] =	stream.linear.gather [hbm4b:s0+s4], $0x2780, $0x38;
	[tilespmem:$0x1EC00] =	vst v63  }
0x16: {  	_ =	swait.ge [sflag:s14], $0x2780  }
0x17: {  	[sflag:s14] =	ssyncset.done $0x0  }
0x18: {  	s10 =	simm.s32 $0x13C00;
	[sflag:s14] =	ssyncadd.s32 $0xFFFFD880  }
0x19: {  	[tilespmem:s10], [sflag:$0x3] =	stream.linear.gather [hbm4b:s8+s4], $0x80, $0x38;
	[tilespmem:$0x1EC00] =	vst v63  }
0x1a: {  	s7 =	simm.s32 $0x13D00;
	s11 =	rddreg [dreg:$0x9]  }
0x1b: {  	[tilespmem:s7], [sflag:$0x3] =	stream.linear.gather [hbm4b:s11+s4], $0x80, $0x38;
	[tilespmem:$0x1EC00] =	vst v63  }
0x1c: {  	s15 =	simm.s32 $0x13E00  }
0x1d: {  	[tilespmem:s15], [sflag:$0x3] =	stream.linear.gather [hbm4b:s18+s4], $0x80, $0x38;
	[tilespmem:$0x1EC00] =	vst v63  }
0x1e: {  	s16 =	simm.s32 $0x13F00  }
0x1f: {  	[tilespmem:s16], [sflag:$0x3] =	stream.linear.gather [hbm4b:s20+s4], $0x80, $0x38;
	[tilespmem:$0x1EC00] =	vst v63  }
0x20: {  	s17 =	simm.s32 $0x14000  }
0x21: {  	[tilespmem:s17], [sflag:$0x3] =	stream.linear.gather [hbm4b:s22+s4], $0x80, $0x38;
	[tilespmem:$0x1EC00] =	vst v63  }
0x22: {  	s21 =	simm.s32 $0x14100  }
0x23: {  	[tilespmem:s21], [sflag:$0x3] =	stream.linear.gather [hbm4b:s24+s4], $0x80, $0x38;
	[tilespmem:$0x1EC00] =	vst v63  }
0x24: {  	s23 =	sadd.s32 $0x300, s8;
	s9 =	simm.s32 $0x14200  }
0x25: {  	[tilespmem:s9], [sflag:$0x3] =	stream.linear.gather [hbm4b:s23+s4], $0x80, $0x38;
	[tilespmem:$0x1EC00] =	vst v63  }
0x26: {  	s25 =	sadd.s32 $0x380, s8;
	s26 =	simm.s32 $0x14300  }
0x27: {  	[tilespmem:s26], [sflag:$0x3] =	stream.linear.gather [hbm4b:s25+s4], $0x80, $0x38;
	[tilespmem:$0x1EC00] =	vst v63  }
0x28: {  	_ =	swait.ge [sflag:s14], $0x400  }
0x29: {  	[sflag:s14] =	ssyncset.done $0x0  }
0x2a: {  	[sflag:s14] =	ssyncadd.s32 $0xFFFFFC00  }
0x2b: {  	[tilespmem:s30], [sflag:$0x1] =	stream.indirect.gather [hbm4b:s1+s29], $0x80, s10, s29, $0xb8;
	[tilespmem:$0x1EC00] =	vst v63  }
0x2c: {  	s6 =	stileid.u32  }
0x2d: {  	[tilespmem:s31], [sflag:$0x1] =	stream.indirect.gather [hbm4b:s1+s29], $0x80, s7, s29, $0xb8;
	[tilespmem:$0x1EC00] =	vst v63  }
0x2e: {  	s0 =	sshll.u32 s6, $0x6;
	s7 =	rddreg [dreg:$0x6]  }
0x2f: {  	s21 =	sor.u32 $0x1C03, s0;
	s9 =	rddreg [dreg:$0x4];
	s23 =	sshrl.u32 s7, $0x3  }
0x30: {  	[spmem:s23], [sflag:s21] =	dma.local [hbm:s9], $0x2780  }
0x31: {  	_ =	swait.ge [sflag:s14], $0x2780  }
0x32: {  	s6 =	sand.u32 $0x80, s4;
	[sflag:s14] =	ssyncset.done $0x0  }
0x33: {  	s15 =	sshrl.u32 s12, $0x3;
	s7 =	sxor.u32 $0x80, s6;
	[sflag:s14] =	ssyncadd.s32 $0xFFFFD880  }
0x34: {  	s15 =	sadd.s32 s5, s15;
	s0 =	sor.u32 $0x13C00, s7;
	[bflag:$0x0] =	sbarrier.arrive $0xFFFF  }
0x35: {  	[tilespmem:s0], [sflag:$0x2] =	stream.linear.gather [hbm4b:s15+s4], $0x80, $0x38;
	[tilespmem:$0x1EC00] =	vst v63  }
0x36: {  	s17 =	sadd.s32 $0x80, s15;
	s25 =	sor.u32 $0x13D00, s7  }
0x37: {  	[tilespmem:s25], [sflag:$0x2] =	stream.linear.gather [hbm4b:s17+s4], $0x80, $0x38;
	[tilespmem:$0x1EC00] =	vst v63  }
0x38: {  	s10 =	sadd.s32 $0x100, s15;
	s26 =	sor.u32 $0x13E00, s7  }
0x39: {  	[tilespmem:s26], [sflag:$0x2] =	stream.linear.gather [hbm4b:s10+s4], $0x80, $0x38;
	[tilespmem:$0x1EC00] =	vst v63  }
0x3a: {  	s11 =	sadd.s32 $0x180, s15;
	s16 =	sor.u32 $0x13F00, s7  }
0x3b: {  	[tilespmem:s16], [sflag:$0x2] =	stream.linear.gather [hbm4b:s11+s4], $0x80, $0x38;
	[tilespmem:$0x1EC00] =	vst v63  }
0x3c: {  	s9 =	sadd.s32 $0x200, s15;
	s10 =	sor.u32 $0x14000, s7  }
0x3d: {  	[tilespmem:s10], [sflag:$0x2] =	stream.linear.gather [hbm4b:s9+s4], $0x80, $0x38;
	[tilespmem:$0x1EC00] =	vst v63  }
0x3e: {  	s11 =	sadd.s32 $0x280, s15;
	s16 =	sor.u32 $0x14100, s7  }
0x3f: {  	[tilespmem:s16], [sflag:$0x2] =	stream.linear.gather [hbm4b:s11+s4], $0x80, $0x38;
	[tilespmem:$0x1EC00] =	vst v63  }
0x40: {  	s26 =	sadd.s32 $0x300, s15;
	s9 =	sor.u32 $0x14200, s7  }
0x41: {  	[tilespmem:s9], [sflag:$0x2] =	stream.linear.gather [hbm4b:s26+s4], $0x80, $0x38;
	[tilespmem:$0x1EC00] =	vst v63  }
0x42: {  	s15 =	sadd.s32 $0x380, s15;
	s7 =	sor.u32 $0x14300, s7  }
0x43: {  	[tilespmem:s7], [sflag:$0x2] =	stream.linear.gather [hbm4b:s15+s4], $0x80, $0x38;
	[tilespmem:$0x1EC00] =	vst v63  }
0x44: {  	_ =	swait.ge [sflag:s2], $0x4000  }
0x45: {  	[sflag:s2] =	ssyncset.done $0x0  }
0x46: {  	s10 =	simm.s32 $0x14400;
	[sflag:s2] =	ssyncadd.s32 $0xFFFFC000  }
0x47: {  	[spmem:s3] =	stream.indirect.scatter.add.f32 [tilespmem:s30], [sflag:$0x3], $0x80, s10, s29, $0xb8;
	[tilespmem:$0x1EC00] =	vst v63  }
0x48: {  	_ =	swait.ge [sflag:s14], $0x4000  }
0x49: {  	[sflag:s14] =	ssyncset.done $0x0  }
0x4a: {  	s11 =	sor.u32 $0x13E00, s6;
	[sflag:s14] =	ssyncadd.s32 $0xFFFFC000  }
0x4b: {  	[tilespmem:s30], [sflag:$0x1] =	stream.indirect.gather [hbm4b:s1+s29], $0x80, s11, s29, $0xb8;
	[tilespmem:$0x1EC00] =	vst v63  }
0x4c: {  	_ =	swait.ge [sflag:s13], $0x400  }
0x4d: {  	[sflag:s13] =	ssyncset.done $0x0  }
0x4e: {  	[sflag:s13] =	ssyncadd.s32 $0xFFFFFC00  }
0x4f: {  	_ =	swait.ge [sflag:s2], $0x4000  }
0x50: {  	[sflag:s2] =	ssyncset.done $0x0  }
0x51: {  	s15 =	simm.s32 $0x14480;
	[sflag:s2] =	ssyncadd.s32 $0xFFFFC000  }
0x52: {  	[spmem:s3] =	stream.indirect.scatter.add.f32 [tilespmem:s31], [sflag:$0x3], $0x80, s15, s29, $0xb8;
	[tilespmem:$0x1EC00] =	vst v63  }
0x53: {  	_ =	swait.ge [sflag:s14], $0x4000  }
0x54: {  	[sflag:s14] =	ssyncset.done $0x0  }
0x55: {  	s16 =	sor.u32 $0x13F00, s6;
	[sflag:s14] =	ssyncadd.s32 $0xFFFFC000  }
0x56: {  	[tilespmem:s31], [sflag:$0x1] =	stream.indirect.gather [hbm4b:s1+s29], $0x80, s16, s29, $0xb8;
	[tilespmem:$0x1EC00] =	vst v63  }
0x57: {  	_ =	swait.ge [sflag:s2], $0x4000  }
0x58: {  	[sflag:s2] =	ssyncset.done $0x0  }
0x59: {  	s17 =	simm.s32 $0x14500;
	[sflag:s2] =	ssyncadd.s32 $0xFFFFC000  }
0x5a: {  	[spmem:s3] =	stream.indirect.scatter.add.f32 [tilespmem:s30], [sflag:$0x3], $0x80, s17, s29, $0xb8;
	[tilespmem:$0x1EC00] =	vst v63  }
0x5b: {  	_ =	swait.ge [sflag:s14], $0x4000  }
0x5c: {  	[sflag:s14] =	ssyncset.done $0x0  }
0x5d: {  	s26 =	sor.u32 $0x14000, s6;
	[sflag:s14] =	ssyncadd.s32 $0xFFFFC000  }
0x5e: {  	[tilespmem:s30], [sflag:$0x1] =	stream.indirect.gather [hbm4b:s1+s29], $0x80, s26, s29, $0xb8;
	[tilespmem:$0x1EC00] =	vst v63  }
0x5f: {  	_ =	swait.ge [sflag:s2], $0x4000  }
0x60: {  	[sflag:s2] =	ssyncset.done $0x0  }
0x61: {  	s9 =	simm.s32 $0x14580;
	[sflag:s2] =	ssyncadd.s32 $0xFFFFC000  }
0x62: {  	[spmem:s3] =	stream.indirect.scatter.add.f32 [tilespmem:s31], [sflag:$0x3], $0x80, s9, s29, $0xb8;
	[tilespmem:$0x1EC00] =	vst v63  }
0x63: {  	_ =	swait.ge [sflag:s14], $0x4000  }
0x64: {  	[sflag:s14] =	ssyncset.done $0x0  }
0x65: {  	s10 =	sor.u32 $0x14100, s6;
	[sflag:s14] =	ssyncadd.s32 $0xFFFFC000  }
0x66: {  	[tilespmem:s31], [sflag:$0x1] =	stream.indirect.gather [hbm4b:s1+s29], $0x80, s10, s29, $0xb8;
	[tilespmem:$0x1EC00] =	vst v63  }
0x67: {  	_ =	swait.ge [sflag:s2], $0x4000  }
0x68: {  	[sflag:s2] =	ssyncset.done $0x0  }
0x69: {  	s11 =	simm.s32 $0x14600;
	[sflag:s2] =	ssyncadd.s32 $0xFFFFC000  }
0x6a: {  	[spmem:s3] =	stream.indirect.scatter.add.f32 [tilespmem:s30], [sflag:$0x3], $0x80, s11, s29, $0xb8;
	[tilespmem:$0x1EC00] =	vst v63  }
0x6b: {  	_ =	swait.ge [sflag:s14], $0x4000  }
0x6c: {  	[sflag:s14] =	ssyncset.done $0x0  }
0x6d: {  	s15 =	sor.u32 $0x14200, s6;
	[sflag:s14] =	ssyncadd.s32 $0xFFFFC000  }
0x6e: {  	[tilespmem:s30], [sflag:$0x1] =	stream.indirect.gather [hbm4b:s1+s29], $0x80, s15, s29, $0xb8;
	[tilespmem:$0x1EC00] =	vst v63  }
0x6f: {  	_ =	swait.ge [sflag:s2], $0x4000  }
0x70: {  	[sflag:s2] =	ssyncset.done $0x0  }
0x71: {  	s16 =	simm.s32 $0x14680;
	[sflag:s2] =	ssyncadd.s32 $0xFFFFC000  }
0x72: {  	[spmem:s3] =	stream.indirect.scatter.add.f32 [tilespmem:s31], [sflag:$0x3], $0x80, s16, s29, $0xb8;
	[tilespmem:$0x1EC00] =	vst v63  }
0x73: {  	_ =	swait.ge [sflag:s14], $0x4000  }
0x74: {  	[sflag:s14] =	ssyncset.done $0x0  }
0x75: {  	s6 =	sor.u32 $0x14300, s6;
	[sflag:s14] =	ssyncadd.s32 $0xFFFFC000  }
0x76: {  	[tilespmem:s31], [sflag:$0x1] =	stream.indirect.gather [hbm4b:s1+s29], $0x80, s6, s29, $0xb8;
	[tilespmem:$0x1EC00] =	vst v63  }
0x77: {  	_ =	swait.ge [sflag:s2], $0x4000  }
0x78: {  	[sflag:s2] =	ssyncset.done $0x0  }
0x79: {  	s17 =	simm.s32 $0x14700;
	[sflag:s2] =	ssyncadd.s32 $0xFFFFC000  }
0x7a: {  	[spmem:s3] =	stream.indirect.scatter.add.f32 [tilespmem:s30], [sflag:$0x3], $0x80, s17, s29, $0xb8;
	[tilespmem:$0x1EC00] =	vst v63  }
0x7b: {  	_ =	swait.ge [sflag:s14], $0x4000  }
0x7c: {  	[sflag:s14] =	ssyncset.done $0x0  }
0x7d: {  	[sflag:s14] =	ssyncadd.s32 $0xFFFFC000  }
0x7e: {  	[tilespmem:s30], [sflag:$0x1] =	stream.indirect.gather [hbm4b:s1+s29], $0x80, s0, s29, $0xb8;
	[tilespmem:$0x1EC00] =	vst v63  }
0x7f: {  	_ =	swait.ge [sflag:s2], $0x4000  }
0x80: {  	[sflag:s2] =	ssyncset.done $0x0  }
0x81: {  	s28 =	simm.s32 $0x1000;
	s26 =	simm.s32 $0x14780;
	[sflag:s2] =	ssyncadd.s32 $0xFFFFC000  }
0x82: {  	[spmem:s3] =	stream.indirect.scatter.add.f32 [tilespmem:s31], [sflag:$0x3], $0x80, s26, s29, $0xb8;
	[tilespmem:$0x1EC00] =	vst v63  }
0x83: {  	s15 =	sadd.s32 $0x2000, s12;
	s6 =	simm.s32 $0x80;
	_ =	swait.ge [sflag:s14], $0x4000  }
0x84: {  	s0 =	simm.s32 $0x2000;
	s26 =	sand.u32 $0x80, s6;
	[sflag:s14] =	ssyncset.done $0x0  }
.LBB2_2:
0x85: {  	s17 =	sxor.u32 $0x80, s26  }
0x86: {  	s9 =	sshrl.u32 s15, $0x3;
	[sflag:s14] =	ssyncadd.s32 $0xFFFFC000;
	s10 =	smov.u32 s0  }
0x87: {  	[tilespmem:s31], [sflag:$0x1] =	stream.indirect.gather [hbm4b:s1+s29], $0x80, s25, s29, $0xb8;
	[tilespmem:$0x1EC00] =	vst v63  }
0x88: {  	p0 =	sne.s32 s0, $0x8000;
	s7 =	sor.u32 $0x13C00, s17;
	s9 =	sadd.s32 s5, s9  }
0x89: {  	[tilespmem:s7], [sflag:$0x2] =	stream.linear.gather [hbm4b:s9+s4], $0x80, $0x38;
	[tilespmem:$0x1EC00] =	vst v63  }
0x8a: {  	s0 =	sadd.s32 $0x1000, s0;
	s25 =	sor.u32 $0x13D00, s17;
	s11 =	sadd.s32 $0x80, s9  }
0x8b: {  	[tilespmem:s25], [sflag:$0x2] =	stream.linear.gather [hbm4b:s11+s4], $0x80, $0x38;
	[tilespmem:$0x1EC00] =	vst v63  }
0x8c: {  	s16 =	sor.u32 $0x13E00, s17;
	s11 =	sadd.s32 $0x100, s9  }
0x8d: {  	[tilespmem:s16], [sflag:$0x2] =	stream.linear.gather [hbm4b:s11+s4], $0x80, $0x38;
	[tilespmem:$0x1EC00] =	vst v63  }
0x8e: {  	s11 =	sadd.s32 $0x180, s9;
	s16 =	sor.u32 $0x13F00, s17  }
0x8f: {  	[tilespmem:s16], [sflag:$0x2] =	stream.linear.gather [hbm4b:s11+s4], $0x80, $0x38;
	[tilespmem:$0x1EC00] =	vst v63  }
0x90: {  	s11 =	sadd.s32 $0x200, s9;
	s16 =	sor.u32 $0x14000, s17  }
0x91: {  	[tilespmem:s16], [sflag:$0x2] =	stream.linear.gather [hbm4b:s11+s4], $0x80, $0x38;
	[tilespmem:$0x1EC00] =	vst v63  }
0x92: {  	s11 =	sadd.s32 $0x280, s9;
	s16 =	sor.u32 $0x14100, s17  }
0x93: {  	[tilespmem:s16], [sflag:$0x2] =	stream.linear.gather [hbm4b:s11+s4], $0x80, $0x38;
	[tilespmem:$0x1EC00] =	vst v63  }
0x94: {  	s11 =	sadd.s32 $0x300, s9;
	s16 =	sor.u32 $0x14200, s17  }
0x95: {  	[tilespmem:s16], [sflag:$0x2] =	stream.linear.gather [hbm4b:s11+s4], $0x80, $0x38;
	[tilespmem:$0x1EC00] =	vst v63  }
0x96: {  	s9 =	sadd.s32 $0x380, s9;
	s11 =	sor.u32 $0x14300, s17  }
0x97: {  	[tilespmem:s11], [sflag:$0x2] =	stream.linear.gather [hbm4b:s9+s4], $0x80, $0x38;
	[tilespmem:$0x1EC00] =	vst v63  }
0x98: {  	_ =	swait.ge [sflag:s2], $0x4000  }
0x99: {  	s17 =	sshra.s32 s28, $0x2;
	s28 =	smov.u32 s10;
	[sflag:s2] =	ssyncset.done $0x0  }
0x9a: {  	s9 =	sadd.s32 $0x14400, s17;
	[sflag:s2] =	ssyncadd.s32 $0xFFFFC000  }
0x9b: {  	[spmem:s3] =	stream.indirect.scatter.add.f32 [tilespmem:s30], [sflag:$0x3], $0x80, s9, s29, $0xb8;
	[tilespmem:$0x1EC00] =	vst v63  }
0x9c: {  	_ =	swait.ge [sflag:s14], $0x4000  }
0x9d: {  	[sflag:s14] =	ssyncset.done $0x0  }
0x9e: {  	s9 =	sor.u32 $0x13E00, s26;
	[sflag:s14] =	ssyncadd.s32 $0xFFFFC000  }
0x9f: {  	[tilespmem:s30], [sflag:$0x1] =	stream.indirect.gather [hbm4b:s1+s29], $0x80, s9, s29, $0xb8;
	[tilespmem:$0x1EC00] =	vst v63  }
0xa0: {  	_ =	swait.ge [sflag:s13], $0x400  }
0xa1: {  	[sflag:s13] =	ssyncset.done $0x0  }
0xa2: {  	[sflag:s13] =	ssyncadd.s32 $0xFFFFFC00  }
0xa3: {  	_ =	swait.ge [sflag:s2], $0x4000  }
0xa4: {  	[sflag:s2] =	ssyncset.done $0x0  }
0xa5: {  	s9 =	sadd.s32 $0x14480, s17;
	[sflag:s2] =	ssyncadd.s32 $0xFFFFC000  }
0xa6: {  	[spmem:s3] =	stream.indirect.scatter.add.f32 [tilespmem:s31], [sflag:$0x3], $0x80, s9, s29, $0xb8;
	[tilespmem:$0x1EC00] =	vst v63  }
0xa7: {  	_ =	swait.ge [sflag:s14], $0x4000  }
0xa8: {  	[sflag:s14] =	ssyncset.done $0x0  }
0xa9: {  	s9 =	sor.u32 $0x13F00, s26;
	[sflag:s14] =	ssyncadd.s32 $0xFFFFC000  }
0xaa: {  	[tilespmem:s31], [sflag:$0x1] =	stream.indirect.gather [hbm4b:s1+s29], $0x80, s9, s29, $0xb8;
	[tilespmem:$0x1EC00] =	vst v63  }
0xab: {  	_ =	swait.ge [sflag:s2], $0x4000  }
0xac: {  	[sflag:s2] =	ssyncset.done $0x0  }
0xad: {  	s9 =	sadd.s32 $0x14500, s17;
	[sflag:s2] =	ssyncadd.s32 $0xFFFFC000  }
0xae: {  	[spmem:s3] =	stream.indirect.scatter.add.f32 [tilespmem:s30], [sflag:$0x3], $0x80, s9, s29, $0xb8;
	[tilespmem:$0x1EC00] =	vst v63  }
0xaf: {  	_ =	swait.ge [sflag:s14], $0x4000  }
0xb0: {  	[sflag:s14] =	ssyncset.done $0x0  }
0xb1: {  	s9 =	sor.u32 $0x14000, s26;
	[sflag:s14] =	ssyncadd.s32 $0xFFFFC000  }
0xb2: {  	[tilespmem:s30], [sflag:$0x1] =	stream.indirect.gather [hbm4b:s1+s29], $0x80, s9, s29, $0xb8;
	[tilespmem:$0x1EC00] =	vst v63  }
0xb3: {  	_ =	swait.ge [sflag:s2], $0x4000  }
0xb4: {  	[sflag:s2] =	ssyncset.done $0x0  }
0xb5: {  	s9 =	sadd.s32 $0x14580, s17;
	[sflag:s2] =	ssyncadd.s32 $0xFFFFC000  }
0xb6: {  	[spmem:s3] =	stream.indirect.scatter.add.f32 [tilespmem:s31], [sflag:$0x3], $0x80, s9, s29, $0xb8;
	[tilespmem:$0x1EC00] =	vst v63  }
0xb7: {  	_ =	swait.ge [sflag:s14], $0x4000  }
0xb8: {  	[sflag:s14] =	ssyncset.done $0x0  }
0xb9: {  	s9 =	sor.u32 $0x14100, s26;
	[sflag:s14] =	ssyncadd.s32 $0xFFFFC000  }
0xba: {  	[tilespmem:s31], [sflag:$0x1] =	stream.indirect.gather [hbm4b:s1+s29], $0x80, s9, s29, $0xb8;
	[tilespmem:$0x1EC00] =	vst v63  }
0xbb: {  	_ =	swait.ge [sflag:s2], $0x4000  }
0xbc: {  	[sflag:s2] =	ssyncset.done $0x0  }
0xbd: {  	s9 =	sadd.s32 $0x14600, s17;
	[sflag:s2] =	ssyncadd.s32 $0xFFFFC000  }
0xbe: {  	[spmem:s3] =	stream.indirect.scatter.add.f32 [tilespmem:s30], [sflag:$0x3], $0x80, s9, s29, $0xb8;
	[tilespmem:$0x1EC00] =	vst v63  }
0xbf: {  	_ =	swait.ge [sflag:s14], $0x4000  }
0xc0: {  	[sflag:s14] =	ssyncset.done $0x0  }
0xc1: {  	s9 =	sor.u32 $0x14200, s26;
	[sflag:s14] =	ssyncadd.s32 $0xFFFFC000  }
0xc2: {  	[tilespmem:s30], [sflag:$0x1] =	stream.indirect.gather [hbm4b:s1+s29], $0x80, s9, s29, $0xb8;
	[tilespmem:$0x1EC00] =	vst v63  }
0xc3: {  	_ =	swait.ge [sflag:s2], $0x4000  }
0xc4: {  	[sflag:s2] =	ssyncset.done $0x0  }
0xc5: {  	s9 =	sadd.s32 $0x14680, s17;
	[sflag:s2] =	ssyncadd.s32 $0xFFFFC000  }
0xc6: {  	[spmem:s3] =	stream.indirect.scatter.add.f32 [tilespmem:s31], [sflag:$0x3], $0x80, s9, s29, $0xb8;
	[tilespmem:$0x1EC00] =	vst v63  }
0xc7: {  	_ =	swait.ge [sflag:s14], $0x4000  }
0xc8: {  	[sflag:s14] =	ssyncset.done $0x0  }
0xc9: {  	s9 =	sor.u32 $0x14300, s26;
	[sflag:s14] =	ssyncadd.s32 $0xFFFFC000  }
0xca: {  	[tilespmem:s31], [sflag:$0x1] =	stream.indirect.gather [hbm4b:s1+s29], $0x80, s9, s29, $0xb8;
	[tilespmem:$0x1EC00] =	vst v63  }
0xcb: {  	_ =	swait.ge [sflag:s2], $0x4000  }
0xcc: {  	[sflag:s2] =	ssyncset.done $0x0  }
0xcd: {  	s9 =	sadd.s32 $0x14700, s17;
	[sflag:s2] =	ssyncadd.s32 $0xFFFFC000  }
0xce: {  	[spmem:s3] =	stream.indirect.scatter.add.f32 [tilespmem:s30], [sflag:$0x3], $0x80, s9, s29, $0xb8;
	[tilespmem:$0x1EC00] =	vst v63  }
0xcf: {  	_ =	swait.ge [sflag:s14], $0x4000  }
0xd0: {  	[sflag:s14] =	ssyncset.done $0x0  }
0xd1: {  	[sflag:s14] =	ssyncadd.s32 $0xFFFFC000  }
0xd2: {  	[tilespmem:s30], [sflag:$0x1] =	stream.indirect.gather [hbm4b:s1+s29], $0x80, s7, s29, $0xb8;
	[tilespmem:$0x1EC00] =	vst v63  }
0xd3: {  	_ =	swait.ge [sflag:s2], $0x4000  }
.Ltmp0:
0xd4: {  	[sflag:s2] =	ssyncset.done $0x0;
	(pc) =	sbr.rel @p0 .LBB2_2-.Ltmp0, $4  }
0xd5: {  	s7 =	sadd.s32 $0x14780, s17;
	[sflag:s2] =	ssyncadd.s32 $0xFFFFC000  }
0xd6: {  	[spmem:s3] =	stream.indirect.scatter.add.f32 [tilespmem:s31], [sflag:$0x3], $0x80, s7, s29, $0xb8;
	[tilespmem:$0x1EC00] =	vst v63  }
0xd7: {  	s6 =	sadd.s32 $0x80, s6;
	_ =	swait.ge [sflag:s14], $0x4000  }
0xd8: {  	s15 =	sadd.s32 $0x2000, s15;
	s26 =	sand.u32 $0x80, s6;
	[sflag:s14] =	ssyncset.done $0x0  }
0xd9: {  	s7 =	sxor.u32 $0x80, s26;
	s0 =	sshrl.u32 s15, $0x3;
	[sflag:s14] =	ssyncadd.s32 $0xFFFFC000  }
0xda: {  	[tilespmem:s31], [sflag:$0x1] =	stream.indirect.gather [hbm4b:s1+s29], $0x80, s25, s29, $0xb8;
	[tilespmem:$0x1EC00] =	vst v63  }
0xdb: {  	s6 =	sor.u32 $0x13C00, s7;
	s9 =	sadd.s32 s5, s0  }
0xdc: {  	[tilespmem:s6], [sflag:$0x2] =	stream.linear.gather [hbm4b:s9+s4], $0x80, $0x38;
	[tilespmem:$0x1EC00] =	vst v63  }
0xdd: {  	s0 =	sor.u32 $0x13D00, s7;
	s10 =	sadd.s32 $0x80, s9  }
0xde: {  	[tilespmem:s0], [sflag:$0x2] =	stream.linear.gather [hbm4b:s10+s4], $0x80, $0x38;
	[tilespmem:$0x1EC00] =	vst v63  }
0xdf: {  	s11 =	sor.u32 $0x13E00, s7;
	s25 =	sadd.s32 $0x100, s9  }
0xe0: {  	[tilespmem:s11], [sflag:$0x2] =	stream.linear.gather [hbm4b:s25+s4], $0x80, $0x38;
	[tilespmem:$0x1EC00] =	vst v63  }
0xe1: {  	s16 =	sor.u32 $0x13F00, s7;
	s15 =	sadd.s32 $0x180, s9  }
0xe2: {  	[tilespmem:s16], [sflag:$0x2] =	stream.linear.gather [hbm4b:s15+s4], $0x80, $0x38;
	[tilespmem:$0x1EC00] =	vst v63  }
0xe3: {  	s17 =	sadd.s32 $0x200, s9;
	s25 =	sor.u32 $0x14000, s7  }
0xe4: {  	[tilespmem:s25], [sflag:$0x2] =	stream.linear.gather [hbm4b:s17+s4], $0x80, $0x38;
	[tilespmem:$0x1EC00] =	vst v63  }
0xe5: {  	s11 =	sadd.s32 $0x280, s9;
	s15 =	sor.u32 $0x14100, s7  }
0xe6: {  	[tilespmem:s15], [sflag:$0x2] =	stream.linear.gather [hbm4b:s11+s4], $0x80, $0x38;
	[tilespmem:$0x1EC00] =	vst v63  }
0xe7: {  	s16 =	sadd.s32 $0x300, s9;
	s17 =	sor.u32 $0x14200, s7  }
0xe8: {  	[tilespmem:s17], [sflag:$0x2] =	stream.linear.gather [hbm4b:s16+s4], $0x80, $0x38;
	[tilespmem:$0x1EC00] =	vst v63  }
0xe9: {  	s9 =	sadd.s32 $0x380, s9;
	s7 =	sor.u32 $0x14300, s7  }
0xea: {  	[tilespmem:s7], [sflag:$0x2] =	stream.linear.gather [hbm4b:s9+s4], $0x80, $0x38;
	[tilespmem:$0x1EC00] =	vst v63  }
0xeb: {  	_ =	swait.ge [sflag:s2], $0x4000  }
0xec: {  	s7 =	sshra.s32 s28, $0x2;
	[sflag:s2] =	ssyncset.done $0x0  }
0xed: {  	s25 =	sadd.s32 $0x14400, s7;
	[sflag:s2] =	ssyncadd.s32 $0xFFFFC000  }
0xee: {  	[spmem:s3] =	stream.indirect.scatter.add.f32 [tilespmem:s30], [sflag:$0x3], $0x80, s25, s29, $0xb8;
	[tilespmem:$0x1EC00] =	vst v63  }
0xef: {  	_ =	swait.ge [sflag:s14], $0x4000  }
0xf0: {  	[sflag:s14] =	ssyncset.done $0x0  }
0xf1: {  	s28 =	sor.u32 $0x13E00, s26;
	[sflag:s14] =	ssyncadd.s32 $0xFFFFC000  }
0xf2: {  	[tilespmem:s30], [sflag:$0x1] =	stream.indirect.gather [hbm4b:s1+s29], $0x80, s28, s29, $0xb8;
	[tilespmem:$0x1EC00] =	vst v63  }
0xf3: {  	_ =	swait.ge [sflag:s13], $0x400  }
0xf4: {  	[sflag:s13] =	ssyncset.done $0x0  }
0xf5: {  	[sflag:s13] =	ssyncadd.s32 $0xFFFFFC00  }
0xf6: {  	_ =	swait.ge [sflag:s2], $0x4000  }
0xf7: {  	[sflag:s2] =	ssyncset.done $0x0  }
0xf8: {  	s10 =	sadd.s32 $0x14480, s7;
	[sflag:s2] =	ssyncadd.s32 $0xFFFFC000  }
0xf9: {  	[spmem:s3] =	stream.indirect.scatter.add.f32 [tilespmem:s31], [sflag:$0x3], $0x80, s10, s29, $0xb8;
	[tilespmem:$0x1EC00] =	vst v63  }
0xfa: {  	_ =	swait.ge [sflag:s14], $0x4000  }
0xfb: {  	[sflag:s14] =	ssyncset.done $0x0  }
0xfc: {  	s11 =	sor.u32 $0x13F00, s26;
	[sflag:s14] =	ssyncadd.s32 $0xFFFFC000  }
0xfd: {  	[tilespmem:s31], [sflag:$0x1] =	stream.indirect.gather [hbm4b:s1+s29], $0x80, s11, s29, $0xb8;
	[tilespmem:$0x1EC00] =	vst v63  }
0xfe: {  	_ =	swait.ge [sflag:s2], $0x4000  }
0xff: {  	[sflag:s2] =	ssyncset.done $0x0  }
0x100: {  	s15 =	sadd.s32 $0x14500, s7;
	[sflag:s2] =	ssyncadd.s32 $0xFFFFC000  }
0x101: {  	[spmem:s3] =	stream.indirect.scatter.add.f32 [tilespmem:s30], [sflag:$0x3], $0x80, s15, s29, $0xb8;
	[tilespmem:$0x1EC00] =	vst v63  }
0x102: {  	_ =	swait.ge [sflag:s14], $0x4000  }
0x103: {  	[sflag:s14] =	ssyncset.done $0x0  }
0x104: {  	s16 =	sor.u32 $0x14000, s26;
	[sflag:s14] =	ssyncadd.s32 $0xFFFFC000  }
0x105: {  	[tilespmem:s30], [sflag:$0x1] =	stream.indirect.gather [hbm4b:s1+s29], $0x80, s16, s29, $0xb8;
	[tilespmem:$0x1EC00] =	vst v63  }
0x106: {  	_ =	swait.ge [sflag:s2], $0x4000  }
0x107: {  	[sflag:s2] =	ssyncset.done $0x0  }
0x108: {  	s17 =	sadd.s32 $0x14580, s7;
	[sflag:s2] =	ssyncadd.s32 $0xFFFFC000  }
0x109: {  	[spmem:s3] =	stream.indirect.scatter.add.f32 [tilespmem:s31], [sflag:$0x3], $0x80, s17, s29, $0xb8;
	[tilespmem:$0x1EC00] =	vst v63  }
0x10a: {  	_ =	swait.ge [sflag:s14], $0x4000  }
0x10b: {  	[sflag:s14] =	ssyncset.done $0x0  }
0x10c: {  	s25 =	sor.u32 $0x14100, s26;
	[sflag:s14] =	ssyncadd.s32 $0xFFFFC000  }
0x10d: {  	[tilespmem:s31], [sflag:$0x1] =	stream.indirect.gather [hbm4b:s1+s29], $0x80, s25, s29, $0xb8;
	[tilespmem:$0x1EC00] =	vst v63  }
0x10e: {  	_ =	swait.ge [sflag:s2], $0x4000  }
0x10f: {  	[sflag:s2] =	ssyncset.done $0x0  }
0x110: {  	s28 =	sadd.s32 $0x14600, s7;
	[sflag:s2] =	ssyncadd.s32 $0xFFFFC000  }
0x111: {  	[spmem:s3] =	stream.indirect.scatter.add.f32 [tilespmem:s30], [sflag:$0x3], $0x80, s28, s29, $0xb8;
	[tilespmem:$0x1EC00] =	vst v63  }
0x112: {  	_ =	swait.ge [sflag:s14], $0x4000  }
0x113: {  	[sflag:s14] =	ssyncset.done $0x0  }
0x114: {  	s10 =	sor.u32 $0x14200, s26;
	[sflag:s14] =	ssyncadd.s32 $0xFFFFC000  }
0x115: {  	[tilespmem:s30], [sflag:$0x1] =	stream.indirect.gather [hbm4b:s1+s29], $0x80, s10, s29, $0xb8;
	[tilespmem:$0x1EC00] =	vst v63  }
0x116: {  	_ =	swait.ge [sflag:s2], $0x4000  }
0x117: {  	[sflag:s2] =	ssyncset.done $0x0  }
0x118: {  	s11 =	sadd.s32 $0x14680, s7;
	[sflag:s2] =	ssyncadd.s32 $0xFFFFC000  }
0x119: {  	[spmem:s3] =	stream.indirect.scatter.add.f32 [tilespmem:s31], [sflag:$0x3], $0x80, s11, s29, $0xb8;
	[tilespmem:$0x1EC00] =	vst v63  }
0x11a: {  	_ =	swait.ge [sflag:s14], $0x4000  }
0x11b: {  	[sflag:s14] =	ssyncset.done $0x0  }
0x11c: {  	s15 =	sor.u32 $0x14300, s26;
	[sflag:s14] =	ssyncadd.s32 $0xFFFFC000  }
0x11d: {  	[tilespmem:s31], [sflag:$0x1] =	stream.indirect.gather [hbm4b:s1+s29], $0x80, s15, s29, $0xb8;
	[tilespmem:$0x1EC00] =	vst v63  }
0x11e: {  	_ =	swait.ge [sflag:s2], $0x4000  }
0x11f: {  	[sflag:s2] =	ssyncset.done $0x0  }
0x120: {  	s16 =	sadd.s32 $0x14700, s7;
	[sflag:s2] =	ssyncadd.s32 $0xFFFFC000  }
0x121: {  	[spmem:s3] =	stream.indirect.scatter.add.f32 [tilespmem:s30], [sflag:$0x3], $0x80, s16, s29, $0xb8;
	[tilespmem:$0x1EC00] =	vst v63  }
0x122: {  	_ =	swait.ge [sflag:s14], $0x4000  }
0x123: {  	[sflag:s14] =	ssyncset.done $0x0  }
0x124: {  	[sflag:s14] =	ssyncadd.s32 $0xFFFFC000  }
0x125: {  	[tilespmem:s30], [sflag:$0x1] =	stream.indirect.gather [hbm4b:s1+s29], $0x80, s6, s29, $0xb8;
	[tilespmem:$0x1EC00] =	vst v63  }
0x126: {  	_ =	swait.ge [sflag:s2], $0x4000  }
0x127: {  	[sflag:s2] =	ssyncset.done $0x0  }
0x128: {  	s17 =	sadd.s32 $0x14780, s7;
	[sflag:s2] =	ssyncadd.s32 $0xFFFFC000  }
0x129: {  	[spmem:s3] =	stream.indirect.scatter.add.f32 [tilespmem:s31], [sflag:$0x3], $0x80, s17, s29, $0xb8;
	[tilespmem:$0x1EC00] =	vst v63  }
0x12a: {  	_ =	swait.ge [sflag:s14], $0x4000  }
0x12b: {  	[sflag:s14] =	ssyncset.done $0x0  }
0x12c: {  	[sflag:s14] =	ssyncadd.s32 $0xFFFFC000  }
0x12d: {  	[tilespmem:s31], [sflag:$0x1] =	stream.indirect.gather [hbm4b:s1+s29], $0x80, s0, s29, $0xb8;
	[tilespmem:$0x1EC00] =	vst v63  }
0x12e: {  	_ =	swait.ge [sflag:s2], $0x4000  }
0x12f: {  	[sflag:s2] =	ssyncset.done $0x0  }
0x130: {  	s25 =	simm.s32 $0x16800;
	[sflag:s2] =	ssyncadd.s32 $0xFFFFC000  }
0x131: {  	[spmem:s3] =	stream.indirect.scatter.add.f32 [tilespmem:s30], [sflag:$0x3], $0x80, s25, s29, $0xb8;
	[tilespmem:$0x1EC00] =	vst v63  }
0x132: {  	_ =	swait.ge [sflag:s14], $0x4000  }
0x133: {  	[sflag:s14] =	ssyncset.done $0x0  }
0x134: {  	s26 =	simm.s32 $0x13E80;
	[sflag:s14] =	ssyncadd.s32 $0xFFFFC000  }
0x135: {  	[tilespmem:s30], [sflag:$0x1] =	stream.indirect.gather [hbm4b:s1+s29], $0x80, s26, s29, $0xb8;
	[tilespmem:$0x1EC00] =	vst v63  }
0x136: {  	_ =	swait.ge [sflag:s2], $0x4000  }
0x137: {  	[sflag:s2] =	ssyncset.done $0x0  }
0x138: {  	s28 =	simm.s32 $0x16880;
	[sflag:s2] =	ssyncadd.s32 $0xFFFFC000  }
0x139: {  	[spmem:s3] =	stream.indirect.scatter.add.f32 [tilespmem:s31], [sflag:$0x3], $0x80, s28, s29, $0xb8;
	[tilespmem:$0x1EC00] =	vst v63  }
0x13a: {  	_ =	swait.ge [sflag:s14], $0x4000  }
0x13b: {  	[sflag:s14] =	ssyncset.done $0x0  }
0x13c: {  	s6 =	simm.s32 $0x13F80;
	[sflag:s14] =	ssyncadd.s32 $0xFFFFC000  }
0x13d: {  	[tilespmem:s31], [sflag:$0x1] =	stream.indirect.gather [hbm4b:s1+s29], $0x80, s6, s29, $0xb8;
	[tilespmem:$0x1EC00] =	vst v63  }
0x13e: {  	_ =	swait.ge [sflag:s2], $0x4000  }
0x13f: {  	[sflag:s2] =	ssyncset.done $0x0  }
0x140: {  	s7 =	simm.s32 $0x16900;
	[sflag:s2] =	ssyncadd.s32 $0xFFFFC000  }
0x141: {  	[spmem:s3] =	stream.indirect.scatter.add.f32 [tilespmem:s30], [sflag:$0x3], $0x80, s7, s29, $0xb8;
	[tilespmem:$0x1EC00] =	vst v63  }
0x142: {  	_ =	swait.ge [sflag:s14], $0x4000  }
0x143: {  	[sflag:s14] =	ssyncset.done $0x0  }
0x144: {  	s9 =	simm.s32 $0x14080;
	[sflag:s14] =	ssyncadd.s32 $0xFFFFC000  }
0x145: {  	[tilespmem:s30], [sflag:$0x1] =	stream.indirect.gather [hbm4b:s1+s29], $0x80, s9, s29, $0xb8;
	[tilespmem:$0x1EC00] =	vst v63  }
0x146: {  	_ =	swait.ge [sflag:s2], $0x4000  }
0x147: {  	[sflag:s2] =	ssyncset.done $0x0  }
0x148: {  	s10 =	simm.s32 $0x16980;
	[sflag:s2] =	ssyncadd.s32 $0xFFFFC000  }
0x149: {  	[spmem:s3] =	stream.indirect.scatter.add.f32 [tilespmem:s31], [sflag:$0x3], $0x80, s10, s29, $0xb8;
	[tilespmem:$0x1EC00] =	vst v63  }
0x14a: {  	_ =	swait.ge [sflag:s14], $0x4000  }
0x14b: {  	[sflag:s14] =	ssyncset.done $0x0  }
0x14c: {  	s11 =	simm.s32 $0x14180;
	[sflag:s14] =	ssyncadd.s32 $0xFFFFC000  }
0x14d: {  	[tilespmem:s31], [sflag:$0x1] =	stream.indirect.gather [hbm4b:s1+s29], $0x80, s11, s29, $0xb8;
	[tilespmem:$0x1EC00] =	vst v63  }
0x14e: {  	_ =	swait.ge [sflag:s2], $0x4000  }
0x14f: {  	[sflag:s2] =	ssyncset.done $0x0  }
0x150: {  	s15 =	simm.s32 $0x16A00;
	[sflag:s2] =	ssyncadd.s32 $0xFFFFC000  }
0x151: {  	[spmem:s3] =	stream.indirect.scatter.add.f32 [tilespmem:s30], [sflag:$0x3], $0x80, s15, s29, $0xb8;
	[tilespmem:$0x1EC00] =	vst v63  }
0x152: {  	_ =	swait.ge [sflag:s14], $0x4000  }
0x153: {  	[sflag:s14] =	ssyncset.done $0x0  }
0x154: {  	s16 =	simm.s32 $0x14280;
	[sflag:s14] =	ssyncadd.s32 $0xFFFFC000  }
0x155: {  	[tilespmem:s30], [sflag:$0x1] =	stream.indirect.gather [hbm4b:s1+s29], $0x80, s16, s29, $0xb8;
	[tilespmem:$0x1EC00] =	vst v63  }
0x156: {  	_ =	swait.ge [sflag:s2], $0x4000  }
0x157: {  	[sflag:s2] =	ssyncset.done $0x0  }
0x158: {  	s17 =	simm.s32 $0x16A80;
	[sflag:s2] =	ssyncadd.s32 $0xFFFFC000  }
0x159: {  	[spmem:s3] =	stream.indirect.scatter.add.f32 [tilespmem:s31], [sflag:$0x3], $0x80, s17, s29, $0xb8;
	[tilespmem:$0x1EC00] =	vst v63  }
0x15a: {  	_ =	swait.ge [sflag:s14], $0x4000  }
0x15b: {  	[sflag:s14] =	ssyncset.done $0x0  }
0x15c: {  	[sflag:s14] =	ssyncadd.s32 $0xFFFFC000  }
0x15d: {  	_ =	swait.ge [sflag:s2], $0x4000  }
0x15e: {  	[sflag:s2] =	ssyncset.done $0x0  }
0x15f: {  	s25 =	simm.s32 $0x16B00;
	[sflag:s2] =	ssyncadd.s32 $0xFFFFC000  }
0x160: {  	[spmem:s3] =	stream.indirect.scatter.add.f32 [tilespmem:s30], [sflag:$0x3], $0x80, s25, s29, $0xb8;
	[tilespmem:$0x1EC00] =	vst v63  }
0x161: {  	_ =	swait.ge [sflag:s14], $0x4000  }
0x162: {  	[sflag:s14] =	ssyncset.done $0x0  }
0x163: {  	[sflag:s14] =	ssyncadd.s32 $0xFFFFC000  }
0x164: {  	[bflag:$0x0] =	sbarrier.arrive $0xFFFF  }
0x165: {  	s26 =	rddreg [dreg:$0x7]  }
0x166: {  	[hbm:s26], [sflag:s21] =	dma.local [spmem:s23], $0x2780  }
0x167: {  	_ =	swait.ge [sflag:s14], $0x2780  }
0x168: {  	s19 =	sadd.s32 $0x1, s19;
	s28 =	rddreg [dreg:$0x8]  }
0x169: {  	p0 =	sne.s32 s19, s28  }
.Ltmp1:
0x16a: {  	_ = 	snop;
	(pc) =	sbr.rel @p0 .LBB2_1-.Ltmp1, $3  }
0x16b: {  	_ =	sdelay $0x1  }
0x16c: {  	[sflag:s14] =	ssyncset.done $0x0  }
0x16d: {  	[sflag:s14] =	ssyncadd.s32 $0xFFFFD880  }
0x16e: {  	_ =	sfence.sel $0x180000  }
0x16f: {  	[bflag:$0x0] =	sbarrier.arrive $0xFFFF  }
0x170: {  	_ =	strace $0x9000004D  }
0x171: {  	s0 =	stileid.u32;
	[bflag:$0x2] =	sbarrier.arrive $0xFFFF  }
0x172: {  	p0 =	sne.s32 s0, $0x0;
	s0 =	rddreg [dreg:$0x3]  }
0x173: {  	s0 =	sadd.s32 @!p0 $0x100000, s0  }
0x174: {  	[sflag:s0] =	ssyncadd.tile.s32 @!p0 $0x1;
	_ =	shalt  }
.Lfunc_end2:
_tile_overlayer_lowered:
.L_overlay_start_2:
0x175: {  	(tag) =	ssettag $0x2  }
0x176: {  	s0 =	rddreg [dreg:$0x0];
	s2 =	stileid.u32  }
0x177: {  	s1 =	rddreg [dreg:$0x1];
	p0 =	sne.s32 s2, $0x0  }
0x178: {  	s3 =	rddreg [dreg:$0x2];
	[bflag:$0x3] =	sbarrier.arrive $0xFFFF;
	s2 =	simm.s32 @!p0 $0x1C03  }
0x179: {  	[timem:s3], [sflag:s2] =	dma.local @!p0 [hbm:s0], s1  }
0x17a: {  	s0 =	simm.s32 @!p0 $0x3  }
0x17b: {  	_ =	swait.ge @!p0 [sflag:s0], s1  }
0x17c: {  	s1 =	ssub.s32 @!p0 $0x0, s1;
	[sflag:s0] =	ssyncset.done @!p0 $0x0  }
0x17d: {  	[sflag:s0] =	ssyncadd.s32 @!p0 s1  }
0x17e: {  	[bflag:$0x3] =	sbarrier.arrive $0xFFFF  }
0x17f: {  	_ =	shalt  }

// kernel: kernel.9.cloned.1.call-start
scs
__scs_entry_jumppad:
0x0: {  	(pc) =	sbr.rel $0x88, $3  }
0x1: {  	(tag) =	ssettag $0x0;
	lr =	simm.s32 $0x1  }
0x2: {  	[smem:$0x3F99] =	sst lr;
	_ =	strace $0xD0000000  }
0x3: {  	_ = 	snop  }
0x4: {  	_ = 	snop  }
0x5: {  	_ = 	snop  }
0x6: {  	_ = 	snop  }
0x7: {  	_ = 	snop  }
__scs_overlays_trampoline_lowered:
0x8: {  	[smem:$0x3FA8] =	sst s0  }
0x9: {  	[smem:$0x3FA9] =	sst s1  }
0xa: {  	[smem:$0x3FAA] =	sst s2  }
0xb: {  	[smem:$0x3FAB] =	sst s3  }
0xc: {  	[smem:$0x3FAC] =	sst s4  }
0xd: {  	[smem:$0x3FAD] =	sst s5  }
0xe: {  	[smem:$0x3FAE] =	sst s6  }
0xf: {  	[smem:$0x3FAF] =	sst s7  }
0x10: {  	[smem:$0x3FB0] =	sst s8  }
0x11: {  	[smem:$0x3FB1] =	sst s9;
	s0 =	simm.s32 @!p0 $0x0  }
0x12: {  	s1 =	sld [smem:$0x3F97];
	s0 =	simm.s32 @p0 $0x1  }
0x13: {  	[smem:$0x3FB2] =	sst s0;
	s0 =	simm.s32 @!p1 $0x0  }
0x14: {  	s2 =	sld [smem:$0x3F96];
	s0 =	simm.s32 @p1 $0x1  }
0x15: {  	[smem:$0x3FB3] =	sst s0;
	s0 =	simm.s32 @!p2 $0x0  }
0x16: {  	s3 =	sld [smem:$0x3FDB];
	s0 =	simm.s32 @p2 $0x1  }
0x17: {  	s4 =	simm.s32 $0x1BF5;
	[smem:$0x3FB5] =	sst s0  }
0x18: {  	s0 =	sld [smem:$0x3F98];
	_ =	swait.ge [sflag:s4], $0x0  }
0x19: {  	s7 =	sld [smem:$0x3F99]  }
0x1a: {  	s8 =	sadd.s32 $0xFFFFE003, lr  }
0x1b: {  	s9 =	sadd.s32 $0xFFFFFEF7, lr;
	s5 =	simm.s32 $0xFFFFFFFF;
	p2 =	slt.u32 s8, $0xFFFFF086  }
0x1c: {  	p1 =	slt.u32 s9, $0xF7A;
	s5 =	simm.s32 @!p2 $0x0  }
0x1d: {  	s5 =	simm.s32 @p1 $0x1;
	p0 =	seq.s32 s7, s2  }
0x1e: {  	s7 =	smul.u32 @!p0 $0xF7A, s2;
	p2 =	seq.s32 @!p0 s5, $0x0  }
0x1f: {  	s9 =	smul.u32 $0xF7A, s1;
	s8 =	simm.s32 @!p0 $0x1BF5;
	p2 =	por !p2, p0  }
0x20: {  	[sflag:s8] =	ssyncset.s32 @!p0 $0xFFFFF086;
	s6 =	sadd.s32 @!p0 s3, s7;
	s7 =	simm.s32 @!p0 $0x108  }
0x21: {  	s3 =	sadd.s32 s3, s9;
	s6 =	sadd.s32 @!p0 $0x88, s6;
	s7 =	simm.s32 @p2 $0x1082  }
0x22: {  	[simem:s7], [sflag:s8] =	dma.local @!p0 [hbm:s6], $0xF7A  }
0x23: {  	s9 =	sor.u32 $0xD0000000, s2;
	s6 =	simm.s32 $0x108;
	_ =	swait.ge @!p0 [sflag:s8], $0x0  }
0x24: {  	s3 =	sadd.s32 $0x88, s3;
	s6 =	simm.s32 @!p1 $0x1082;
	[sflag:s4] =	ssyncset.s32 $0xFFFFF086  }
0x25: {  	[simem:s6], [sflag:s4] =	dma.local [hbm:s3], $0xF7A  }
0x26: {  	[smem:$0x3F99] =	sst s1;
	(tag) =	ssettag s2;
	_ =	strace s9  }
0x27: {  	s1 =	sld [smem:$0x3FA9]  }
0x28: {  	s2 =	sld [smem:$0x3FAA]  }
0x29: {  	s4 =	sld [smem:$0x3FAC]  }
0x2a: {  	p0 =	seq.s32 s5, $0x0;
	s5 =	sld [smem:$0x3FAD]  }
0x2b: {  	s6 =	sld [smem:$0x3FAE]  }
0x2c: {  	s7 =	sld [smem:$0x3FAF]  }
0x2d: {  	s3 =	simm.s32 $0x108;
	s8 =	sld [smem:$0x3FB0]  }
0x2e: {  	s3 =	simm.s32 @!p0 $0x1082;
	s9 =	sld [smem:$0x3FB1]  }
0x2f: {  	lr =	sadd.s32 s0, s3;
	s0 =	sld [smem:$0x3FA8]  }
0x30: {  	s3 =	sld [smem:$0x3FAB]  }
0x31: {  	[smem:$0x3FB4] =	sst s10  }
0x32: {  	s10 =	sld [smem:$0x3FB2];
	_ =	sdelay $0x3  }
0x33: {  	p0 =	seq.s32 s10, $0x1;
	s10 =	sld [smem:$0x3FB4];
	_ =	sdelay $0x3  }
0x34: {  	[smem:$0x3FB4] =	sst s10  }
0x35: {  	s10 =	sld [smem:$0x3FB3];
	_ =	sdelay $0x3  }
0x36: {  	p1 =	seq.s32 s10, $0x1;
	s10 =	sld [smem:$0x3FB4];
	_ =	sdelay $0x3  }
0x37: {  	[smem:$0x3FB4] =	sst s10  }
0x38: {  	s10 =	sld [smem:$0x3FB5]  }
0x39: {  	_ = 	snop;
	(pc) =	sbr.ind lr, $3  }
0x3a: {  	_ = 	snop  }
0x3b: {  	_ = 	snop  }
0x3c: {  	p2 =	seq.s32 s10, $0x1;
	s10 =	sld [smem:$0x3FB4]  }
0x3d: {  	_ =	shalt  }
0x3e: {  	_ =	shalt  }
0x3f: {  	_ =	shalt  }
0x40: {  	_ =	shalt  }
0x41: {  	_ =	shalt  }
0x42: {  	_ =	shalt  }
0x43: {  	_ =	shalt  }
0x44: {  	_ =	shalt  }
0x45: {  	_ =	shalt  }
0x46: {  	_ =	shalt  }
0x47: {  	_ =	shalt  }
0x48: {  	_ =	shalt  }
0x49: {  	_ =	shalt  }
0x4a: {  	_ =	shalt  }
0x4b: {  	_ =	shalt  }
0x4c: {  	_ =	shalt  }
0x4d: {  	_ =	shalt  }
0x4e: {  	_ =	shalt  }
0x4f: {  	_ =	shalt  }
0x50: {  	_ =	shalt  }
0x51: {  	_ =	shalt  }
0x52: {  	_ =	shalt  }
0x53: {  	_ =	shalt  }
0x54: {  	_ =	shalt  }
0x55: {  	_ =	shalt  }
0x56: {  	_ =	shalt  }
0x57: {  	_ =	shalt  }
0x58: {  	_ =	shalt  }
0x59: {  	_ =	shalt  }
0x5a: {  	_ =	shalt  }
0x5b: {  	_ =	shalt  }
0x5c: {  	_ =	shalt  }
0x5d: {  	_ =	shalt  }
0x5e: {  	_ =	shalt  }
0x5f: {  	_ =	shalt  }
0x60: {  	_ =	shalt  }
0x61: {  	_ =	shalt  }
0x62: {  	_ =	shalt  }
0x63: {  	_ =	shalt  }
0x64: {  	_ =	shalt  }
0x65: {  	_ =	shalt  }
0x66: {  	_ =	shalt  }
0x67: {  	_ =	shalt  }
0x68: {  	_ =	shalt  }
0x69: {  	_ =	shalt  }
0x6a: {  	_ =	shalt  }
0x6b: {  	_ =	shalt  }
0x6c: {  	_ =	shalt  }
0x6d: {  	_ =	shalt  }
0x6e: {  	_ =	shalt  }
0x6f: {  	_ =	shalt  }
0x70: {  	_ =	shalt  }
0x71: {  	_ =	shalt  }
0x72: {  	_ =	shalt  }
0x73: {  	_ =	shalt  }
0x74: {  	_ =	shalt  }
0x75: {  	_ =	shalt  }
0x76: {  	_ =	shalt  }
0x77: {  	_ =	shalt  }
0x78: {  	_ =	shalt  }
0x79: {  	_ =	shalt  }
0x7a: {  	_ =	shalt  }
0x7b: {  	_ =	shalt  }
0x7c: {  	_ =	shalt  }
0x7d: {  	_ =	shalt  }
0x7e: {  	_ =	shalt  }
0x7f: {  	_ =	shalt  }
0x80: {  	_ =	shalt  }
0x81: {  	_ =	shalt  }
0x82: {  	_ =	shalt  }
0x83: {  	_ =	shalt  }
0x84: {  	_ =	shalt  }
0x85: {  	_ =	shalt  }
0x86: {  	_ =	shalt  }
0x87: {  	_ =	shalt  }
.Lfunc_end0:
.L_simem_size_0:
called_computation_lowered:
.L_overlay_start_0:
0x88: {  	s2 =	sld [smem:$0x3FD9]  }
0x89: {  	s3 =	sld [smem:$0x3FFE];
	_ =	sdelay $0x1  }
0x8a: {  	s1 =	srdreg.scid  }
0x8b: {  	s0 =	sand.u32 $0x1, s1  }
0x8c: {  	s17 =	sshll.u32 s0, $0xA;
	s2 =	sadd.s32 s3, s2  }
0x8d: {  	s2 =	sadd.s32 s2, s17  }
0x8e: {  	[smem:$0x3FC0] =	sst s2  }
0x8f: {  	_ = 	snop  }
0x90: {  	s2 =	sld [smem:$0x3FD0];
	(tm) =	ssettm $0x1  }
0x91: {  	s18 =	sld [smem:$0x3FFB];
	_ =	sdelay $0x3  }
0x92: {  	_ =	strace s18  }
0x93: {  	s3 =	sld [smem:$0x3FFC];
	_ =	sdelay $0x3  }
0x94: {  	_ =	strace s3  }
0x95: {  	s3 =	sld [smem:$0x3FFD];
	_ =	sdelay $0x3  }
0x96: {  	_ =	strace s3  }
0x97: {  	_ =	strace $0x8FFFFFFF  }
0x98: {  	s19 =	sld [smem:$0x3FDB];
	_ =	sdelay $0x1  }
0x99: {  	s4 =	simm.s32 $_scs_section_size  }
0x9a: {  	s5 =	simm.s32 $_size__tile_overlayer_lowered;
	s6 =	simm.s32 $_tile_overlayer_lowered  }
0x9b: {  	s22 =	simm.s32 $0x1BFF;
	s21 =	sshll.u32 s6, $0x1;
	s3 =	sadd.s32 s4, s19  }
0x9c: {  	s7 =	simm.s32 $0x0;
	s20 =	sshll.u32 s5, $0x1;
	s5 =	sadd.s32 s21, s3  }
0x9d: {  	[timem:s7], [sflag:s22] =	dma.local [hbm:s5], s20  }
0x9e: {  	_ =	swait.ge [sflag:s22], s20  }
0x9f: {  	s4 =	ssub.s32 $0x0, s20;
	[sflag:s22] =	ssyncset.done $0x0  }
0xa0: {  	[sflag:s22] =	ssyncadd.s32 s4;
	_ =	sdelay $0x1  }
0xa1: {  	s23 =	simm.s32 $0x1B8B  }
0xa2: {  	_ =	swait.ge [sflag:s23], $0x1  }
0xa3: {  	[sflag:s23] =	ssyncset.done $0x0  }
0xa4: {  	s25 =	simm.s32 $0x1B8E;
	s24 =	sld [smem:$0x3FFE];
	[sflag:s23] =	ssyncadd.s32 $0xFFFFFFFF  }
0xa5: {  	s26 =	simm.s32 $execute0_lowered;
	[smem:$0x3FD2] =	sst s25  }
0xa6: {  	s5 =	sshll.u32 s26, $0x1;
	_ =	strace $0x80000046;
	[dreg:$0x1] =	wrdreg $0xFFFFFFFF  }
0xa7: {  	s28 =	simm.s32 $_size_execute0_lowered;
	s3 =	sadd.s32 s3, s5;
	[dreg:$0x0] =	wrdreg $0x0  }
0xa8: {  	s5 =	sshll.u32 s28, $0x1;
	[dreg:$0x2] =	wrdreg s3  }
0xa9: {  	[dreg:$0x3] =	wrdreg s5  }
0xaa: {  	[dreg:$0x4] =	wrdreg $0xC0  }
0xab: {  	_ =	task [dreg:s7], $0x5FFFF  }
0xac: {  	[dreg:$0x1] =	wrdreg $0xFFFFFFFF  }
0xad: {  	[dreg:$0x0] =	wrdreg $0x60  }
0xae: {  	[dreg:$0x2] =	wrdreg s2  }
0xaf: {  	[dreg:$0x3] =	wrdreg s24  }
0xb0: {  	[dreg:$0x4] =	wrdreg $0x0  }
0xb1: {  	[dreg:$0x5] =	wrdreg $0x9  }
0xb2: {  	_ =	task.clear_ibuf [dreg:s7], $0x6FFFF;
	_ =	strace $0x90000046  }
0xb3: {  	s29 =	simm.s32 $0x9;
	_ =	strace $0x80000048  }
0xb4: {  	_ =	swait.ge [sflag:s29], $0x1  }
0xb5: {  	[sflag:s29] =	ssyncadd.s32 $0xFFFFFFFF  }
0xb6: {  	_ =	strace $0x90000048  }
0xb7: {  	_ =	sfence  }
0xb8: {  	s30 =	sld [smem:$0x0];
	_ =	sdelay $0x2  }
0xb9: {  	s31 =	sshll.u32 s1, $0xD;
	s1 =	sshrl.u32 s1, $0x2  }
0xba: {  	s3 =	sand.u32 $0x4000, s31;
	s1 =	sadd.s32 s1, s30  }
0xbb: {  	s0 =	sor.u32 s3, s0;
	s1 =	sshll.u32 s1, $0x11  }
0xbc: {  	s0 =	sor.u32 s1, s0  }
0xbd: {  	s0 =	sadd.s32 $0x8F2B, s0  }
0xbe: {  	[sflag:s0] =	ssyncadd.remote.s32 $0x1  }
0xbf: {  	_ =	sfence.sel $0xFFFF  }
0xc0: {  	[dreg:$0x0] =	wrdreg $0xFFFFFFFF;
	(pc) =	sbr.abs _section_cstart, $3  }
0xc1: {  	[dreg:$0x1] =	wrdreg $0xFFFFFFFF  }
0xc2: {  	_ =	task.clear_ibuf [dreg:s7], $0x2FFFF;
	_ =	strace $0x9FFFFFFF  }
0xc3: {  	(tm) =	ssettm $0x7FFFFFFF  }
tec
execute0_lowered:
.L_overlay_start_1:
0x0: {  	(tag) =	ssettag $0x1  }
0x1: {  	s0 =	srdreg.scid;
	s1 =	rddreg [dreg:$0x0]  }
0x2: {  	s10 =	stileid.u32;
	s6 =	rddreg [dreg:$0x1]  }
0x3: {  	s3 =	rddreg [dreg:$0x2];
	s4 =	simm.s32 $0x0;
	s14 =	simm.s32 $0x3  }
0x4: {  	s29 =	simm.s32 $0x80;
	s30 =	simm.s32 $0x16C00;
	s31 =	simm.s32 $0x1AC00  }
0x5: {  	s13 =	simm.s32 $0x2;
	s0 =	sand.u32 $0x1, s0;
	[smem:$0x7FF] =	sst s4  }
0x6: {  	s9 =	smul.u32 $0x13C00, s10;
	s5 =	sadd.s32 $0xD000, s6;
	s11 =	sadd.s32 $0x17000, s6  }
0x7: {  	s22 =	sshll.u32 s10, $0x7;
	s2 =	sshll.u32 s0, $0x4;
	s8 =	smul.u32 $0x13C000, s0  }
0x8: {  	_ =	strace $0x80000047;
	[dreg:$0x4] =	wrdreg s11;
	s0 =	ssub.s32 $0x2, s0  }
0x9: {  	s2 =	sor.u32 s10, s2;
	s10 =	smul.u32 $0x4F000, s10;
	s23 =	sshrl.u32 s0, $0x1  }
0xa: {  	s7 =	smul.u32 $0x500, s2;
	s8 =	sadd.s32 s9, s8;
	s2 =	sshrl.u32 s2, $0x3  }
0xb: {  	s9 =	sand.u32 $0x380, s22;
	s0 =	ssub.s32 s0, s23;
	s8 =	sshrl.u32 s8, $0x3  }
0xc: {  	s2 =	smul.u32 $0x14000, s2;
	s25 =	sshrl.u32 s10, $0x2;
	s0 =	smax.u32 s0, $0x1  }
0xd: {  	s7 =	sadd.s32 s7, s6;
	s26 =	sadd.s32 s25, s3;
	[dreg:$0x8] =	wrdreg s0  }
0xe: {  	s6 =	sadd.s32 s8, s6;
	s7 =	sadd.s32 $0x3000, s7;
	[dreg:$0x6] =	wrdreg s26  }
0xf: {  	s2 =	sor.u32 s9, s2;
	s6 =	sadd.s32 $0x19800, s6;
	[dreg:$0x5] =	wrdreg s7  }
0x10: {  	s19 =	simm.s32 $0x0;
	s24 =	sshrl.u32 s2, $0x3;
	[dreg:$0x7] =	wrdreg s6  }
0x11: {  	s12 =	sor.u32 $0x2000, s2;
	s2 =	simm.s32 $0x1;
	s8 =	sadd.s32 s5, s24  }
0x12: {  	s28 =	sadd.s32 $0x80, s8;
	s18 =	sadd.s32 $0x100, s8;
	s20 =	sadd.s32 $0x180, s8  }
0x13: {  	s22 =	sadd.s32 $0x200, s8;
	s24 =	sadd.s32 $0x280, s8;
	[dreg:$0x9] =	wrdreg s28  }
.LBB2_1:
0x14: {  	s0 =	rddreg [dreg:$0x5];
	s6 =	simm.s32 $0x14400  }
0x15: {  	[tilespmem:s6], [sflag:$0x3] =	stream.linear.gather [hbm4b:s0+s4], $0x2780, $0x38;
	[tilespmem:$0x1EC00] =	vst v63  }
0x16: {  	_ =	swait.ge [sflag:s14], $0x2780  }
0x17: {  	[sflag:s14] =	ssyncset.done $0x0  }
0x18: {  	s10 =	simm.s32 $0x13C00;
	[sflag:s14] =	ssyncadd.s32 $0xFFFFD880  }
0x19: {  	[tilespmem:s10], [sflag:$0x3] =	stream.linear.gather [hbm4b:s8+s4], $0x80, $0x38;
	[tilespmem:$0x1EC00] =	vst v63  }
0x1a: {  	s7 =	simm.s32 $0x13D00;
	s11 =	rddreg [dreg:$0x9]  }
0x1b: {  	[tilespmem:s7], [sflag:$0x3] =	stream.linear.gather [hbm4b:s11+s4], $0x80, $0x38;
	[tilespmem:$0x1EC00] =	vst v63  }
0x1c: {  	s15 =	simm.s32 $0x13E00  }
0x1d: {  	[tilespmem:s15], [sflag:$0x3] =	stream.linear.gather [hbm4b:s18+s4], $0x80, $0x38;
	[tilespmem:$0x1EC00] =	vst v63  }
0x1e: {  	s16 =	simm.s32 $0x13F00  }
0x1f: {  	[tilespmem:s16], [sflag:$0x3] =	stream.linear.gather [hbm4b:s20+s4], $0x80, $0x38;
	[tilespmem:$0x1EC00] =	vst v63  }
0x20: {  	s17 =	simm.s32 $0x14000  }
0x21: {  	[tilespmem:s17], [sflag:$0x3] =	stream.linear.gather [hbm4b:s22+s4], $0x80, $0x38;
	[tilespmem:$0x1EC00] =	vst v63  }
0x22: {  	s21 =	simm.s32 $0x14100  }
0x23: {  	[tilespmem:s21], [sflag:$0x3] =	stream.linear.gather [hbm4b:s24+s4], $0x80, $0x38;
	[tilespmem:$0x1EC00] =	vst v63  }
0x24: {  	s23 =	sadd.s32 $0x300, s8;
	s9 =	simm.s32 $0x14200  }
0x25: {  	[tilespmem:s9], [sflag:$0x3] =	stream.linear.gather [hbm4b:s23+s4], $0x80, $0x38;
	[tilespmem:$0x1EC00] =	vst v63  }
0x26: {  	s25 =	sadd.s32 $0x380, s8;
	s26 =	simm.s32 $0x14300  }
0x27: {  	[tilespmem:s26], [sflag:$0x3] =	stream.linear.gather [hbm4b:s25+s4], $0x80, $0x38;
	[tilespmem:$0x1EC00] =	vst v63  }
0x28: {  	_ =	swait.ge [sflag:s14], $0x400  }
0x29: {  	[sflag:s14] =	ssyncset.done $0x0  }
0x2a: {  	[sflag:s14] =	ssyncadd.s32 $0xFFFFFC00  }
0x2b: {  	[tilespmem:s30], [sflag:$0x1] =	stream.indirect.gather [hbm4b:s1+s29], $0x80, s10, s29, $0xb8;
	[tilespmem:$0x1EC00] =	vst v63  }
0x2c: {  	s6 =	stileid.u32  }
0x2d: {  	[tilespmem:s31], [sflag:$0x1] =	stream.indirect.gather [hbm4b:s1+s29], $0x80, s7, s29, $0xb8;
	[tilespmem:$0x1EC00] =	vst v63  }
0x2e: {  	s0 =	sshll.u32 s6, $0x6;
	s7 =	rddreg [dreg:$0x6]  }
0x2f: {  	s21 =	sor.u32 $0x1C03, s0;
	s9 =	rddreg [dreg:$0x4];
	s23 =	sshrl.u32 s7, $0x3  }
0x30: {  	[spmem:s23], [sflag:s21] =	dma.local [hbm:s9], $0x2780  }
0x31: {  	_ =	swait.ge [sflag:s14], $0x2780  }
0x32: {  	s6 =	sand.u32 $0x80, s4;
	[sflag:s14] =	ssyncset.done $0x0  }
0x33: {  	s15 =	sshrl.u32 s12, $0x3;
	s7 =	sxor.u32 $0x80, s6;
	[sflag:s14] =	ssyncadd.s32 $0xFFFFD880  }
0x34: {  	s15 =	sadd.s32 s5, s15;
	s0 =	sor.u32 $0x13C00, s7;
	[bflag:$0x0] =	sbarrier.arrive $0xFFFF  }
0x35: {  	[tilespmem:s0], [sflag:$0x2] =	stream.linear.gather [hbm4b:s15+s4], $0x80, $0x38;
	[tilespmem:$0x1EC00] =	vst v63  }
0x36: {  	s17 =	sadd.s32 $0x80, s15;
	s25 =	sor.u32 $0x13D00, s7  }
0x37: {  	[tilespmem:s25], [sflag:$0x2] =	stream.linear.gather [hbm4b:s17+s4], $0x80, $0x38;
	[tilespmem:$0x1EC00] =	vst v63  }
0x38: {  	s10 =	sadd.s32 $0x100, s15;
	s26 =	sor.u32 $0x13E00, s7  }
0x39: {  	[tilespmem:s26], [sflag:$0x2] =	stream.linear.gather [hbm4b:s10+s4], $0x80, $0x38;
	[tilespmem:$0x1EC00] =	vst v63  }
0x3a: {  	s11 =	sadd.s32 $0x180, s15;
	s16 =	sor.u32 $0x13F00, s7  }
0x3b: {  	[tilespmem:s16], [sflag:$0x2] =	stream.linear.gather [hbm4b:s11+s4], $0x80, $0x38;
	[tilespmem:$0x1EC00] =	vst v63  }
0x3c: {  	s9 =	sadd.s32 $0x200, s15;
	s10 =	sor.u32 $0x14000, s7  }
0x3d: {  	[tilespmem:s10], [sflag:$0x2] =	stream.linear.gather [hbm4b:s9+s4], $0x80, $0x38;
	[tilespmem:$0x1EC00] =	vst v63  }
0x3e: {  	s11 =	sadd.s32 $0x280, s15;
	s16 =	sor.u32 $0x14100, s7  }
0x3f: {  	[tilespmem:s16], [sflag:$0x2] =	stream.linear.gather [hbm4b:s11+s4], $0x80, $0x38;
	[tilespmem:$0x1EC00] =	vst v63  }
0x40: {  	s26 =	sadd.s32 $0x300, s15;
	s9 =	sor.u32 $0x14200, s7  }
0x41: {  	[tilespmem:s9], [sflag:$0x2] =	stream.linear.gather [hbm4b:s26+s4], $0x80, $0x38;
	[tilespmem:$0x1EC00] =	vst v63  }
0x42: {  	s15 =	sadd.s32 $0x380, s15;
	s7 =	sor.u32 $0x14300, s7  }
0x43: {  	[tilespmem:s7], [sflag:$0x2] =	stream.linear.gather [hbm4b:s15+s4], $0x80, $0x38;
	[tilespmem:$0x1EC00] =	vst v63  }
0x44: {  	_ =	swait.ge [sflag:s2], $0x4000  }
0x45: {  	[sflag:s2] =	ssyncset.done $0x0  }
0x46: {  	s10 =	simm.s32 $0x14400;
	[sflag:s2] =	ssyncadd.s32 $0xFFFFC000  }
0x47: {  	[spmem:s3] =	stream.indirect.scatter.add.f32 [tilespmem:s30], [sflag:$0x3], $0x80, s10, s29, $0xb8;
	[tilespmem:$0x1EC00] =	vst v63  }
0x48: {  	_ =	swait.ge [sflag:s14], $0x4000  }
0x49: {  	[sflag:s14] =	ssyncset.done $0x0  }
0x4a: {  	s11 =	sor.u32 $0x13E00, s6;
	[sflag:s14] =	ssyncadd.s32 $0xFFFFC000  }
0x4b: {  	[tilespmem:s30], [sflag:$0x1] =	stream.indirect.gather [hbm4b:s1+s29], $0x80, s11, s29, $0xb8;
	[tilespmem:$0x1EC00] =	vst v63  }
0x4c: {  	_ =	swait.ge [sflag:s13], $0x400  }
0x4d: {  	[sflag:s13] =	ssyncset.done $0x0  }
0x4e: {  	[sflag:s13] =	ssyncadd.s32 $0xFFFFFC00  }
0x4f: {  	_ =	swait.ge [sflag:s2], $0x4000  }
0x50: {  	[sflag:s2] =	ssyncset.done $0x0  }
0x51: {  	s15 =	simm.s32 $0x14480;
	[sflag:s2] =	ssyncadd.s32 $0xFFFFC000  }
0x52: {  	[spmem:s3] =	stream.indirect.scatter.add.f32 [tilespmem:s31], [sflag:$0x3], $0x80, s15, s29, $0xb8;
	[tilespmem:$0x1EC00] =	vst v63  }
0x53: {  	_ =	swait.ge [sflag:s14], $0x4000  }
0x54: {  	[sflag:s14] =	ssyncset.done $0x0  }
0x55: {  	s16 =	sor.u32 $0x13F00, s6;
	[sflag:s14] =	ssyncadd.s32 $0xFFFFC000  }
0x56: {  	[tilespmem:s31], [sflag:$0x1] =	stream.indirect.gather [hbm4b:s1+s29], $0x80, s16, s29, $0xb8;
	[tilespmem:$0x1EC00] =	vst v63  }
0x57: {  	_ =	swait.ge [sflag:s2], $0x4000  }
0x58: {  	[sflag:s2] =	ssyncset.done $0x0  }
0x59: {  	s17 =	simm.s32 $0x14500;
	[sflag:s2] =	ssyncadd.s32 $0xFFFFC000  }
0x5a: {  	[spmem:s3] =	stream.indirect.scatter.add.f32 [tilespmem:s30], [sflag:$0x3], $0x80, s17, s29, $0xb8;
	[tilespmem:$0x1EC00] =	vst v63  }
0x5b: {  	_ =	swait.ge [sflag:s14], $0x4000  }
0x5c: {  	[sflag:s14] =	ssyncset.done $0x0  }
0x5d: {  	s26 =	sor.u32 $0x14000, s6;
	[sflag:s14] =	ssyncadd.s32 $0xFFFFC000  }
0x5e: {  	[tilespmem:s30], [sflag:$0x1] =	stream.indirect.gather [hbm4b:s1+s29], $0x80, s26, s29, $0xb8;
	[tilespmem:$0x1EC00] =	vst v63  }
0x5f: {  	_ =	swait.ge [sflag:s2], $0x4000  }
0x60: {  	[sflag:s2] =	ssyncset.done $0x0  }
0x61: {  	s9 =	simm.s32 $0x14580;
	[sflag:s2] =	ssyncadd.s32 $0xFFFFC000  }
0x62: {  	[spmem:s3] =	stream.indirect.scatter.add.f32 [tilespmem:s31], [sflag:$0x3], $0x80, s9, s29, $0xb8;
	[tilespmem:$0x1EC00] =	vst v63  }
0x63: {  	_ =	swait.ge [sflag:s14], $0x4000  }
0x64: {  	[sflag:s14] =	ssyncset.done $0x0  }
0x65: {  	s10 =	sor.u32 $0x14100, s6;
	[sflag:s14] =	ssyncadd.s32 $0xFFFFC000  }
0x66: {  	[tilespmem:s31], [sflag:$0x1] =	stream.indirect.gather [hbm4b:s1+s29], $0x80, s10, s29, $0xb8;
	[tilespmem:$0x1EC00] =	vst v63  }
0x67: {  	_ =	swait.ge [sflag:s2], $0x4000  }
0x68: {  	[sflag:s2] =	ssyncset.done $0x0  }
0x69: {  	s11 =	simm.s32 $0x14600;
	[sflag:s2] =	ssyncadd.s32 $0xFFFFC000  }
0x6a: {  	[spmem:s3] =	stream.indirect.scatter.add.f32 [tilespmem:s30], [sflag:$0x3], $0x80, s11, s29, $0xb8;
	[tilespmem:$0x1EC00] =	vst v63  }
0x6b: {  	_ =	swait.ge [sflag:s14], $0x4000  }
0x6c: {  	[sflag:s14] =	ssyncset.done $0x0  }
0x6d: {  	s15 =	sor.u32 $0x14200, s6;
	[sflag:s14] =	ssyncadd.s32 $0xFFFFC000  }
0x6e: {  	[tilespmem:s30], [sflag:$0x1] =	stream.indirect.gather [hbm4b:s1+s29], $0x80, s15, s29, $0xb8;
	[tilespmem:$0x1EC00] =	vst v63  }
0x6f: {  	_ =	swait.ge [sflag:s2], $0x4000  }
0x70: {  	[sflag:s2] =	ssyncset.done $0x0  }
0x71: {  	s16 =	simm.s32 $0x14680;
	[sflag:s2] =	ssyncadd.s32 $0xFFFFC000  }
0x72: {  	[spmem:s3] =	stream.indirect.scatter.add.f32 [tilespmem:s31], [sflag:$0x3], $0x80, s16, s29, $0xb8;
	[tilespmem:$0x1EC00] =	vst v63  }
0x73: {  	_ =	swait.ge [sflag:s14], $0x4000  }
0x74: {  	[sflag:s14] =	ssyncset.done $0x0  }
0x75: {  	s6 =	sor.u32 $0x14300, s6;
	[sflag:s14] =	ssyncadd.s32 $0xFFFFC000  }
0x76: {  	[tilespmem:s31], [sflag:$0x1] =	stream.indirect.gather [hbm4b:s1+s29], $0x80, s6, s29, $0xb8;
	[tilespmem:$0x1EC00] =	vst v63  }
0x77: {  	_ =	swait.ge [sflag:s2], $0x4000  }
0x78: {  	[sflag:s2] =	ssyncset.done $0x0  }
0x79: {  	s17 =	simm.s32 $0x14700;
	[sflag:s2] =	ssyncadd.s32 $0xFFFFC000  }
0x7a: {  	[spmem:s3] =	stream.indirect.scatter.add.f32 [tilespmem:s30], [sflag:$0x3], $0x80, s17, s29, $0xb8;
	[tilespmem:$0x1EC00] =	vst v63  }
0x7b: {  	_ =	swait.ge [sflag:s14], $0x4000  }
0x7c: {  	[sflag:s14] =	ssyncset.done $0x0  }
0x7d: {  	[sflag:s14] =	ssyncadd.s32 $0xFFFFC000  }
0x7e: {  	[tilespmem:s30], [sflag:$0x1] =	stream.indirect.gather [hbm4b:s1+s29], $0x80, s0, s29, $0xb8;
	[tilespmem:$0x1EC00] =	vst v63  }
0x7f: {  	_ =	swait.ge [sflag:s2], $0x4000  }
0x80: {  	[sflag:s2] =	ssyncset.done $0x0  }
0x81: {  	s28 =	simm.s32 $0x1000;
	s26 =	simm.s32 $0x14780;
	[sflag:s2] =	ssyncadd.s32 $0xFFFFC000  }
0x82: {  	[spmem:s3] =	stream.indirect.scatter.add.f32 [tilespmem:s31], [sflag:$0x3], $0x80, s26, s29, $0xb8;
	[tilespmem:$0x1EC00] =	vst v63  }
0x83: {  	s15 =	sadd.s32 $0x2000, s12;
	s6 =	simm.s32 $0x80;
	_ =	swait.ge [sflag:s14], $0x4000  }
0x84: {  	s0 =	simm.s32 $0x2000;
	s26 =	sand.u32 $0x80, s6;
	[sflag:s14] =	ssyncset.done $0x0  }
.LBB2_2:
0x85: {  	s17 =	sxor.u32 $0x80, s26  }
0x86: {  	s9 =	sshrl.u32 s15, $0x3;
	[sflag:s14] =	ssyncadd.s32 $0xFFFFC000;
	s10 =	smov.u32 s0  }
0x87: {  	[tilespmem:s31], [sflag:$0x1] =	stream.indirect.gather [hbm4b:s1+s29], $0x80, s25, s29, $0xb8;
	[tilespmem:$0x1EC00] =	vst v63  }
0x88: {  	p0 =	sne.s32 s0, $0x8000;
	s7 =	sor.u32 $0x13C00, s17;
	s9 =	sadd.s32 s5, s9  }
0x89: {  	[tilespmem:s7], [sflag:$0x2] =	stream.linear.gather [hbm4b:s9+s4], $0x80, $0x38;
	[tilespmem:$0x1EC00] =	vst v63  }
0x8a: {  	s0 =	sadd.s32 $0x1000, s0;
	s25 =	sor.u32 $0x13D00, s17;
	s11 =	sadd.s32 $0x80, s9  }
0x8b: {  	[tilespmem:s25], [sflag:$0x2] =	stream.linear.gather [hbm4b:s11+s4], $0x80, $0x38;
	[tilespmem:$0x1EC00] =	vst v63  }
0x8c: {  	s16 =	sor.u32 $0x13E00, s17;
	s11 =	sadd.s32 $0x100, s9  }
0x8d: {  	[tilespmem:s16], [sflag:$0x2] =	stream.linear.gather [hbm4b:s11+s4], $0x80, $0x38;
	[tilespmem:$0x1EC00] =	vst v63  }
0x8e: {  	s11 =	sadd.s32 $0x180, s9;
	s16 =	sor.u32 $0x13F00, s17  }
0x8f: {  	[tilespmem:s16], [sflag:$0x2] =	stream.linear.gather [hbm4b:s11+s4], $0x80, $0x38;
	[tilespmem:$0x1EC00] =	vst v63  }
0x90: {  	s11 =	sadd.s32 $0x200, s9;
	s16 =	sor.u32 $0x14000, s17  }
0x91: {  	[tilespmem:s16], [sflag:$0x2] =	stream.linear.gather [hbm4b:s11+s4], $0x80, $0x38;
	[tilespmem:$0x1EC00] =	vst v63  }
0x92: {  	s11 =	sadd.s32 $0x280, s9;
	s16 =	sor.u32 $0x14100, s17  }
0x93: {  	[tilespmem:s16], [sflag:$0x2] =	stream.linear.gather [hbm4b:s11+s4], $0x80, $0x38;
	[tilespmem:$0x1EC00] =	vst v63  }
0x94: {  	s11 =	sadd.s32 $0x300, s9;
	s16 =	sor.u32 $0x14200, s17  }
0x95: {  	[tilespmem:s16], [sflag:$0x2] =	stream.linear.gather [hbm4b:s11+s4], $0x80, $0x38;
	[tilespmem:$0x1EC00] =	vst v63  }
0x96: {  	s9 =	sadd.s32 $0x380, s9;
	s11 =	sor.u32 $0x14300, s17  }
0x97: {  	[tilespmem:s11], [sflag:$0x2] =	stream.linear.gather [hbm4b:s9+s4], $0x80, $0x38;
	[tilespmem:$0x1EC00] =	vst v63  }
0x98: {  	_ =	swait.ge [sflag:s2], $0x4000  }
0x99: {  	s17 =	sshra.s32 s28, $0x2;
	s28 =	smov.u32 s10;
	[sflag:s2] =	ssyncset.done $0x0  }
0x9a: {  	s9 =	sadd.s32 $0x14400, s17;
	[sflag:s2] =	ssyncadd.s32 $0xFFFFC000  }
0x9b: {  	[spmem:s3] =	stream.indirect.scatter.add.f32 [tilespmem:s30], [sflag:$0x3], $0x80, s9, s29, $0xb8;
	[tilespmem:$0x1EC00] =	vst v63  }
0x9c: {  	_ =	swait.ge [sflag:s14], $0x4000  }
0x9d: {  	[sflag:s14] =	ssyncset.done $0x0  }
0x9e: {  	s9 =	sor.u32 $0x13E00, s26;
	[sflag:s14] =	ssyncadd.s32 $0xFFFFC000  }
0x9f: {  	[tilespmem:s30], [sflag:$0x1] =	stream.indirect.gather [hbm4b:s1+s29], $0x80, s9, s29, $0xb8;
	[tilespmem:$0x1EC00] =	vst v63  }
0xa0: {  	_ =	swait.ge [sflag:s13], $0x400  }
0xa1: {  	[sflag:s13] =	ssyncset.done $0x0  }
0xa2: {  	[sflag:s13] =	ssyncadd.s32 $0xFFFFFC00  }
0xa3: {  	_ =	swait.ge [sflag:s2], $0x4000  }
0xa4: {  	[sflag:s2] =	ssyncset.done $0x0  }
0xa5: {  	s9 =	sadd.s32 $0x14480, s17;
	[sflag:s2] =	ssyncadd.s32 $0xFFFFC000  }
0xa6: {  	[spmem:s3] =	stream.indirect.scatter.add.f32 [tilespmem:s31], [sflag:$0x3], $0x80, s9, s29, $0xb8;
	[tilespmem:$0x1EC00] =	vst v63  }
0xa7: {  	_ =	swait.ge [sflag:s14], $0x4000  }
0xa8: {  	[sflag:s14] =	ssyncset.done $0x0  }
0xa9: {  	s9 =	sor.u32 $0x13F00, s26;
	[sflag:s14] =	ssyncadd.s32 $0xFFFFC000  }
0xaa: {  	[tilespmem:s31], [sflag:$0x1] =	stream.indirect.gather [hbm4b:s1+s29], $0x80, s9, s29, $0xb8;
	[tilespmem:$0x1EC00] =	vst v63  }
0xab: {  	_ =	swait.ge [sflag:s2], $0x4000  }
0xac: {  	[sflag:s2] =	ssyncset.done $0x0  }
0xad: {  	s9 =	sadd.s32 $0x14500, s17;
	[sflag:s2] =	ssyncadd.s32 $0xFFFFC000  }
0xae: {  	[spmem:s3] =	stream.indirect.scatter.add.f32 [tilespmem:s30], [sflag:$0x3], $0x80, s9, s29, $0xb8;
	[tilespmem:$0x1EC00] =	vst v63  }
0xaf: {  	_ =	swait.ge [sflag:s14], $0x4000  }
0xb0: {  	[sflag:s14] =	ssyncset.done $0x0  }
0xb1: {  	s9 =	sor.u32 $0x14000, s26;
	[sflag:s14] =	ssyncadd.s32 $0xFFFFC000  }
0xb2: {  	[tilespmem:s30], [sflag:$0x1] =	stream.indirect.gather [hbm4b:s1+s29], $0x80, s9, s29, $0xb8;
	[tilespmem:$0x1EC00] =	vst v63  }
0xb3: {  	_ =	swait.ge [sflag:s2], $0x4000  }
0xb4: {  	[sflag:s2] =	ssyncset.done $0x0  }
0xb5: {  	s9 =	sadd.s32 $0x14580, s17;
	[sflag:s2] =	ssyncadd.s32 $0xFFFFC000  }
0xb6: {  	[spmem:s3] =	stream.indirect.scatter.add.f32 [tilespmem:s31], [sflag:$0x3], $0x80, s9, s29, $0xb8;
	[tilespmem:$0x1EC00] =	vst v63  }
0xb7: {  	_ =	swait.ge [sflag:s14], $0x4000  }
0xb8: {  	[sflag:s14] =	ssyncset.done $0x0  }
0xb9: {  	s9 =	sor.u32 $0x14100, s26;
	[sflag:s14] =	ssyncadd.s32 $0xFFFFC000  }
0xba: {  	[tilespmem:s31], [sflag:$0x1] =	stream.indirect.gather [hbm4b:s1+s29], $0x80, s9, s29, $0xb8;
	[tilespmem:$0x1EC00] =	vst v63  }
0xbb: {  	_ =	swait.ge [sflag:s2], $0x4000  }
0xbc: {  	[sflag:s2] =	ssyncset.done $0x0  }
0xbd: {  	s9 =	sadd.s32 $0x14600, s17;
	[sflag:s2] =	ssyncadd.s32 $0xFFFFC000  }
0xbe: {  	[spmem:s3] =	stream.indirect.scatter.add.f32 [tilespmem:s30], [sflag:$0x3], $0x80, s9, s29, $0xb8;
	[tilespmem:$0x1EC00] =	vst v63  }
0xbf: {  	_ =	swait.ge [sflag:s14], $0x4000  }
0xc0: {  	[sflag:s14] =	ssyncset.done $0x0  }
0xc1: {  	s9 =	sor.u32 $0x14200, s26;
	[sflag:s14] =	ssyncadd.s32 $0xFFFFC000  }
0xc2: {  	[tilespmem:s30], [sflag:$0x1] =	stream.indirect.gather [hbm4b:s1+s29], $0x80, s9, s29, $0xb8;
	[tilespmem:$0x1EC00] =	vst v63  }
0xc3: {  	_ =	swait.ge [sflag:s2], $0x4000  }
0xc4: {  	[sflag:s2] =	ssyncset.done $0x0  }
0xc5: {  	s9 =	sadd.s32 $0x14680, s17;
	[sflag:s2] =	ssyncadd.s32 $0xFFFFC000  }
0xc6: {  	[spmem:s3] =	stream.indirect.scatter.add.f32 [tilespmem:s31], [sflag:$0x3], $0x80, s9, s29, $0xb8;
	[tilespmem:$0x1EC00] =	vst v63  }
0xc7: {  	_ =	swait.ge [sflag:s14], $0x4000  }
0xc8: {  	[sflag:s14] =	ssyncset.done $0x0  }
0xc9: {  	s9 =	sor.u32 $0x14300, s26;
	[sflag:s14] =	ssyncadd.s32 $0xFFFFC000  }
0xca: {  	[tilespmem:s31], [sflag:$0x1] =	stream.indirect.gather [hbm4b:s1+s29], $0x80, s9, s29, $0xb8;
	[tilespmem:$0x1EC00] =	vst v63  }
0xcb: {  	_ =	swait.ge [sflag:s2], $0x4000  }
0xcc: {  	[sflag:s2] =	ssyncset.done $0x0  }
0xcd: {  	s9 =	sadd.s32 $0x14700, s17;
	[sflag:s2] =	ssyncadd.s32 $0xFFFFC000  }
0xce: {  	[spmem:s3] =	stream.indirect.scatter.add.f32 [tilespmem:s30], [sflag:$0x3], $0x80, s9, s29, $0xb8;
	[tilespmem:$0x1EC00] =	vst v63  }
0xcf: {  	_ =	swait.ge [sflag:s14], $0x4000  }
0xd0: {  	[sflag:s14] =	ssyncset.done $0x0  }
0xd1: {  	[sflag:s14] =	ssyncadd.s32 $0xFFFFC000  }
0xd2: {  	[tilespmem:s30], [sflag:$0x1] =	stream.indirect.gather [hbm4b:s1+s29], $0x80, s7, s29, $0xb8;
	[tilespmem:$0x1EC00] =	vst v63  }
0xd3: {  	_ =	swait.ge [sflag:s2], $0x4000  }
.Ltmp0:
0xd4: {  	[sflag:s2] =	ssyncset.done $0x0;
	(pc) =	sbr.rel @p0 .LBB2_2-.Ltmp0, $4  }
0xd5: {  	s7 =	sadd.s32 $0x14780, s17;
	[sflag:s2] =	ssyncadd.s32 $0xFFFFC000  }
0xd6: {  	[spmem:s3] =	stream.indirect.scatter.add.f32 [tilespmem:s31], [sflag:$0x3], $0x80, s7, s29, $0xb8;
	[tilespmem:$0x1EC00] =	vst v63  }
0xd7: {  	s6 =	sadd.s32 $0x80, s6;
	_ =	swait.ge [sflag:s14], $0x4000  }
0xd8: {  	s15 =	sadd.s32 $0x2000, s15;
	s26 =	sand.u32 $0x80, s6;
	[sflag:s14] =	ssyncset.done $0x0  }
0xd9: {  	s7 =	sxor.u32 $0x80, s26;
	s0 =	sshrl.u32 s15, $0x3;
	[sflag:s14] =	ssyncadd.s32 $0xFFFFC000  }
0xda: {  	[tilespmem:s31], [sflag:$0x1] =	stream.indirect.gather [hbm4b:s1+s29], $0x80, s25, s29, $0xb8;
	[tilespmem:$0x1EC00] =	vst v63  }
0xdb: {  	s6 =	sor.u32 $0x13C00, s7;
	s9 =	sadd.s32 s5, s0  }
0xdc: {  	[tilespmem:s6], [sflag:$0x2] =	stream.linear.gather [hbm4b:s9+s4], $0x80, $0x38;
	[tilespmem:$0x1EC00] =	vst v63  }
0xdd: {  	s0 =	sor.u32 $0x13D00, s7;
	s10 =	sadd.s32 $0x80, s9  }
0xde: {  	[tilespmem:s0], [sflag:$0x2] =	stream.linear.gather [hbm4b:s10+s4], $0x80, $0x38;
	[tilespmem:$0x1EC00] =	vst v63  }
0xdf: {  	s11 =	sor.u32 $0x13E00, s7;
	s25 =	sadd.s32 $0x100, s9  }
0xe0: {  	[tilespmem:s11], [sflag:$0x2] =	stream.linear.gather [hbm4b:s25+s4], $0x80, $0x38;
	[tilespmem:$0x1EC00] =	vst v63  }
0xe1: {  	s16 =	sor.u32 $0x13F00, s7;
	s15 =	sadd.s32 $0x180, s9  }
0xe2: {  	[tilespmem:s16], [sflag:$0x2] =	stream.linear.gather [hbm4b:s15+s4], $0x80, $0x38;
	[tilespmem:$0x1EC00] =	vst v63  }
0xe3: {  	s17 =	sadd.s32 $0x200, s9;
	s25 =	sor.u32 $0x14000, s7  }
0xe4: {  	[tilespmem:s25], [sflag:$0x2] =	stream.linear.gather [hbm4b:s17+s4], $0x80, $0x38;
	[tilespmem:$0x1EC00] =	vst v63  }
0xe5: {  	s11 =	sadd.s32 $0x280, s9;
	s15 =	sor.u32 $0x14100, s7  }
0xe6: {  	[tilespmem:s15], [sflag:$0x2] =	stream.linear.gather [hbm4b:s11+s4], $0x80, $0x38;
	[tilespmem:$0x1EC00] =	vst v63  }
0xe7: {  	s16 =	sadd.s32 $0x300, s9;
	s17 =	sor.u32 $0x14200, s7  }
0xe8: {  	[tilespmem:s17], [sflag:$0x2] =	stream.linear.gather [hbm4b:s16+s4], $0x80, $0x38;
	[tilespmem:$0x1EC00] =	vst v63  }
0xe9: {  	s9 =	sadd.s32 $0x380, s9;
	s7 =	sor.u32 $0x14300, s7  }
0xea: {  	[tilespmem:s7], [sflag:$0x2] =	stream.linear.gather [hbm4b:s9+s4], $0x80, $0x38;
	[tilespmem:$0x1EC00] =	vst v63  }
0xeb: {  	_ =	swait.ge [sflag:s2], $0x4000  }
0xec: {  	s7 =	sshra.s32 s28, $0x2;
	[sflag:s2] =	ssyncset.done $0x0  }
0xed: {  	s25 =	sadd.s32 $0x14400, s7;
	[sflag:s2] =	ssyncadd.s32 $0xFFFFC000  }
0xee: {  	[spmem:s3] =	stream.indirect.scatter.add.f32 [tilespmem:s30], [sflag:$0x3], $0x80, s25, s29, $0xb8;
	[tilespmem:$0x1EC00] =	vst v63  }
0xef: {  	_ =	swait.ge [sflag:s14], $0x4000  }
0xf0: {  	[sflag:s14] =	ssyncset.done $0x0  }
0xf1: {  	s28 =	sor.u32 $0x13E00, s26;
	[sflag:s14] =	ssyncadd.s32 $0xFFFFC000  }
0xf2: {  	[tilespmem:s30], [sflag:$0x1] =	stream.indirect.gather [hbm4b:s1+s29], $0x80, s28, s29, $0xb8;
	[tilespmem:$0x1EC00] =	vst v63  }
0xf3: {  	_ =	swait.ge [sflag:s13], $0x400  }
0xf4: {  	[sflag:s13] =	ssyncset.done $0x0  }
0xf5: {  	[sflag:s13] =	ssyncadd.s32 $0xFFFFFC00  }
0xf6: {  	_ =	swait.ge [sflag:s2], $0x4000  }
0xf7: {  	[sflag:s2] =	ssyncset.done $0x0  }
0xf8: {  	s10 =	sadd.s32 $0x14480, s7;
	[sflag:s2] =	ssyncadd.s32 $0xFFFFC000  }
0xf9: {  	[spmem:s3] =	stream.indirect.scatter.add.f32 [tilespmem:s31], [sflag:$0x3], $0x80, s10, s29, $0xb8;
	[tilespmem:$0x1EC00] =	vst v63  }
0xfa: {  	_ =	swait.ge [sflag:s14], $0x4000  }
0xfb: {  	[sflag:s14] =	ssyncset.done $0x0  }
0xfc: {  	s11 =	sor.u32 $0x13F00, s26;
	[sflag:s14] =	ssyncadd.s32 $0xFFFFC000  }
0xfd: {  	[tilespmem:s31], [sflag:$0x1] =	stream.indirect.gather [hbm4b:s1+s29], $0x80, s11, s29, $0xb8;
	[tilespmem:$0x1EC00] =	vst v63  }
0xfe: {  	_ =	swait.ge [sflag:s2], $0x4000  }
0xff: {  	[sflag:s2] =	ssyncset.done $0x0  }
0x100: {  	s15 =	sadd.s32 $0x14500, s7;
	[sflag:s2] =	ssyncadd.s32 $0xFFFFC000  }
0x101: {  	[spmem:s3] =	stream.indirect.scatter.add.f32 [tilespmem:s30], [sflag:$0x3], $0x80, s15, s29, $0xb8;
	[tilespmem:$0x1EC00] =	vst v63  }
0x102: {  	_ =	swait.ge [sflag:s14], $0x4000  }
0x103: {  	[sflag:s14] =	ssyncset.done $0x0  }
0x104: {  	s16 =	sor.u32 $0x14000, s26;
	[sflag:s14] =	ssyncadd.s32 $0xFFFFC000  }
0x105: {  	[tilespmem:s30], [sflag:$0x1] =	stream.indirect.gather [hbm4b:s1+s29], $0x80, s16, s29, $0xb8;
	[tilespmem:$0x1EC00] =	vst v63  }
0x106: {  	_ =	swait.ge [sflag:s2], $0x4000  }
0x107: {  	[sflag:s2] =	ssyncset.done $0x0  }
0x108: {  	s17 =	sadd.s32 $0x14580, s7;
	[sflag:s2] =	ssyncadd.s32 $0xFFFFC000  }
0x109: {  	[spmem:s3] =	stream.indirect.scatter.add.f32 [tilespmem:s31], [sflag:$0x3], $0x80, s17, s29, $0xb8;
	[tilespmem:$0x1EC00] =	vst v63  }
0x10a: {  	_ =	swait.ge [sflag:s14], $0x4000  }
0x10b: {  	[sflag:s14] =	ssyncset.done $0x0  }
0x10c: {  	s25 =	sor.u32 $0x14100, s26;
	[sflag:s14] =	ssyncadd.s32 $0xFFFFC000  }
0x10d: {  	[tilespmem:s31], [sflag:$0x1] =	stream.indirect.gather [hbm4b:s1+s29], $0x80, s25, s29, $0xb8;
	[tilespmem:$0x1EC00] =	vst v63  }
0x10e: {  	_ =	swait.ge [sflag:s2], $0x4000  }
0x10f: {  	[sflag:s2] =	ssyncset.done $0x0  }
0x110: {  	s28 =	sadd.s32 $0x14600, s7;
	[sflag:s2] =	ssyncadd.s32 $0xFFFFC000  }
0x111: {  	[spmem:s3] =	stream.indirect.scatter.add.f32 [tilespmem:s30], [sflag:$0x3], $0x80, s28, s29, $0xb8;
	[tilespmem:$0x1EC00] =	vst v63  }
0x112: {  	_ =	swait.ge [sflag:s14], $0x4000  }
0x113: {  	[sflag:s14] =	ssyncset.done $0x0  }
0x114: {  	s10 =	sor.u32 $0x14200, s26;
	[sflag:s14] =	ssyncadd.s32 $0xFFFFC000  }
0x115: {  	[tilespmem:s30], [sflag:$0x1] =	stream.indirect.gather [hbm4b:s1+s29], $0x80, s10, s29, $0xb8;
	[tilespmem:$0x1EC00] =	vst v63  }
0x116: {  	_ =	swait.ge [sflag:s2], $0x4000  }
0x117: {  	[sflag:s2] =	ssyncset.done $0x0  }
0x118: {  	s11 =	sadd.s32 $0x14680, s7;
	[sflag:s2] =	ssyncadd.s32 $0xFFFFC000  }
0x119: {  	[spmem:s3] =	stream.indirect.scatter.add.f32 [tilespmem:s31], [sflag:$0x3], $0x80, s11, s29, $0xb8;
	[tilespmem:$0x1EC00] =	vst v63  }
0x11a: {  	_ =	swait.ge [sflag:s14], $0x4000  }
0x11b: {  	[sflag:s14] =	ssyncset.done $0x0  }
0x11c: {  	s15 =	sor.u32 $0x14300, s26;
	[sflag:s14] =	ssyncadd.s32 $0xFFFFC000  }
0x11d: {  	[tilespmem:s31], [sflag:$0x1] =	stream.indirect.gather [hbm4b:s1+s29], $0x80, s15, s29, $0xb8;
	[tilespmem:$0x1EC00] =	vst v63  }
0x11e: {  	_ =	swait.ge [sflag:s2], $0x4000  }
0x11f: {  	[sflag:s2] =	ssyncset.done $0x0  }
0x120: {  	s16 =	sadd.s32 $0x14700, s7;
	[sflag:s2] =	ssyncadd.s32 $0xFFFFC000  }
0x121: {  	[spmem:s3] =	stream.indirect.scatter.add.f32 [tilespmem:s30], [sflag:$0x3], $0x80, s16, s29, $0xb8;
	[tilespmem:$0x1EC00] =	vst v63  }
0x122: {  	_ =	swait.ge [sflag:s14], $0x4000  }
0x123: {  	[sflag:s14] =	ssyncset.done $0x0  }
0x124: {  	[sflag:s14] =	ssyncadd.s32 $0xFFFFC000  }
0x125: {  	[tilespmem:s30], [sflag:$0x1] =	stream.indirect.gather [hbm4b:s1+s29], $0x80, s6, s29, $0xb8;
	[tilespmem:$0x1EC00] =	vst v63  }
0x126: {  	_ =	swait.ge [sflag:s2], $0x4000  }
0x127: {  	[sflag:s2] =	ssyncset.done $0x0  }
0x128: {  	s17 =	sadd.s32 $0x14780, s7;
	[sflag:s2] =	ssyncadd.s32 $0xFFFFC000  }
0x129: {  	[spmem:s3] =	stream.indirect.scatter.add.f32 [tilespmem:s31], [sflag:$0x3], $0x80, s17, s29, $0xb8;
	[tilespmem:$0x1EC00] =	vst v63  }
0x12a: {  	_ =	swait.ge [sflag:s14], $0x4000  }
0x12b: {  	[sflag:s14] =	ssyncset.done $0x0  }
0x12c: {  	[sflag:s14] =	ssyncadd.s32 $0xFFFFC000  }
0x12d: {  	[tilespmem:s31], [sflag:$0x1] =	stream.indirect.gather [hbm4b:s1+s29], $0x80, s0, s29, $0xb8;
	[tilespmem:$0x1EC00] =	vst v63  }
0x12e: {  	_ =	swait.ge [sflag:s2], $0x4000  }
0x12f: {  	[sflag:s2] =	ssyncset.done $0x0  }
0x130: {  	s25 =	simm.s32 $0x16800;
	[sflag:s2] =	ssyncadd.s32 $0xFFFFC000  }
0x131: {  	[spmem:s3] =	stream.indirect.scatter.add.f32 [tilespmem:s30], [sflag:$0x3], $0x80, s25, s29, $0xb8;
	[tilespmem:$0x1EC00] =	vst v63  }
0x132: {  	_ =	swait.ge [sflag:s14], $0x4000  }
0x133: {  	[sflag:s14] =	ssyncset.done $0x0  }
0x134: {  	s26 =	simm.s32 $0x13E80;
	[sflag:s14] =	ssyncadd.s32 $0xFFFFC000  }
0x135: {  	[tilespmem:s30], [sflag:$0x1] =	stream.indirect.gather [hbm4b:s1+s29], $0x80, s26, s29, $0xb8;
	[tilespmem:$0x1EC00] =	vst v63  }
0x136: {  	_ =	swait.ge [sflag:s2], $0x4000  }
0x137: {  	[sflag:s2] =	ssyncset.done $0x0  }
0x138: {  	s28 =	simm.s32 $0x16880;
	[sflag:s2] =	ssyncadd.s32 $0xFFFFC000  }
0x139: {  	[spmem:s3] =	stream.indirect.scatter.add.f32 [tilespmem:s31], [sflag:$0x3], $0x80, s28, s29, $0xb8;
	[tilespmem:$0x1EC00] =	vst v63  }
0x13a: {  	_ =	swait.ge [sflag:s14], $0x4000  }
0x13b: {  	[sflag:s14] =	ssyncset.done $0x0  }
0x13c: {  	s6 =	simm.s32 $0x13F80;
	[sflag:s14] =	ssyncadd.s32 $0xFFFFC000  }
0x13d: {  	[tilespmem:s31], [sflag:$0x1] =	stream.indirect.gather [hbm4b:s1+s29], $0x80, s6, s29, $0xb8;
	[tilespmem:$0x1EC00] =	vst v63  }
0x13e: {  	_ =	swait.ge [sflag:s2], $0x4000  }
0x13f: {  	[sflag:s2] =	ssyncset.done $0x0  }
0x140: {  	s7 =	simm.s32 $0x16900;
	[sflag:s2] =	ssyncadd.s32 $0xFFFFC000  }
0x141: {  	[spmem:s3] =	stream.indirect.scatter.add.f32 [tilespmem:s30], [sflag:$0x3], $0x80, s7, s29, $0xb8;
	[tilespmem:$0x1EC00] =	vst v63  }
0x142: {  	_ =	swait.ge [sflag:s14], $0x4000  }
0x143: {  	[sflag:s14] =	ssyncset.done $0x0  }
0x144: {  	s9 =	simm.s32 $0x14080;
	[sflag:s14] =	ssyncadd.s32 $0xFFFFC000  }
0x145: {  	[tilespmem:s30], [sflag:$0x1] =	stream.indirect.gather [hbm4b:s1+s29], $0x80, s9, s29, $0xb8;
	[tilespmem:$0x1EC00] =	vst v63  }
0x146: {  	_ =	swait.ge [sflag:s2], $0x4000  }
0x147: {  	[sflag:s2] =	ssyncset.done $0x0  }
0x148: {  	s10 =	simm.s32 $0x16980;
	[sflag:s2] =	ssyncadd.s32 $0xFFFFC000  }
0x149: {  	[spmem:s3] =	stream.indirect.scatter.add.f32 [tilespmem:s31], [sflag:$0x3], $0x80, s10, s29, $0xb8;
	[tilespmem:$0x1EC00] =	vst v63  }
0x14a: {  	_ =	swait.ge [sflag:s14], $0x4000  }
0x14b: {  	[sflag:s14] =	ssyncset.done $0x0  }
0x14c: {  	s11 =	simm.s32 $0x14180;
	[sflag:s14] =	ssyncadd.s32 $0xFFFFC000  }
0x14d: {  	[tilespmem:s31], [sflag:$0x1] =	stream.indirect.gather [hbm4b:s1+s29], $0x80, s11, s29, $0xb8;
	[tilespmem:$0x1EC00] =	vst v63  }
0x14e: {  	_ =	swait.ge [sflag:s2], $0x4000  }
0x14f: {  	[sflag:s2] =	ssyncset.done $0x0  }
0x150: {  	s15 =	simm.s32 $0x16A00;
	[sflag:s2] =	ssyncadd.s32 $0xFFFFC000  }
0x151: {  	[spmem:s3] =	stream.indirect.scatter.add.f32 [tilespmem:s30], [sflag:$0x3], $0x80, s15, s29, $0xb8;
	[tilespmem:$0x1EC00] =	vst v63  }
0x152: {  	_ =	swait.ge [sflag:s14], $0x4000  }
0x153: {  	[sflag:s14] =	ssyncset.done $0x0  }
0x154: {  	s16 =	simm.s32 $0x14280;
	[sflag:s14] =	ssyncadd.s32 $0xFFFFC000  }
0x155: {  	[tilespmem:s30], [sflag:$0x1] =	stream.indirect.gather [hbm4b:s1+s29], $0x80, s16, s29, $0xb8;
	[tilespmem:$0x1EC00] =	vst v63  }
0x156: {  	_ =	swait.ge [sflag:s2], $0x4000  }
0x157: {  	[sflag:s2] =	ssyncset.done $0x0  }
0x158: {  	s17 =	simm.s32 $0x16A80;
	[sflag:s2] =	ssyncadd.s32 $0xFFFFC000  }
0x159: {  	[spmem:s3] =	stream.indirect.scatter.add.f32 [tilespmem:s31], [sflag:$0x3], $0x80, s17, s29, $0xb8;
	[tilespmem:$0x1EC00] =	vst v63  }
0x15a: {  	_ =	swait.ge [sflag:s14], $0x4000  }
0x15b: {  	[sflag:s14] =	ssyncset.done $0x0  }
0x15c: {  	[sflag:s14] =	ssyncadd.s32 $0xFFFFC000  }
0x15d: {  	_ =	swait.ge [sflag:s2], $0x4000  }
0x15e: {  	[sflag:s2] =	ssyncset.done $0x0  }
0x15f: {  	s25 =	simm.s32 $0x16B00;
	[sflag:s2] =	ssyncadd.s32 $0xFFFFC000  }
0x160: {  	[spmem:s3] =	stream.indirect.scatter.add.f32 [tilespmem:s30], [sflag:$0x3], $0x80, s25, s29, $0xb8;
	[tilespmem:$0x1EC00] =	vst v63  }
0x161: {  	_ =	swait.ge [sflag:s14], $0x4000  }
0x162: {  	[sflag:s14] =	ssyncset.done $0x0  }
0x163: {  	[sflag:s14] =	ssyncadd.s32 $0xFFFFC000  }
0x164: {  	[bflag:$0x0] =	sbarrier.arrive $0xFFFF  }
0x165: {  	s26 =	rddreg [dreg:$0x7]  }
0x166: {  	[hbm:s26], [sflag:s21] =	dma.local [spmem:s23], $0x2780  }
0x167: {  	_ =	swait.ge [sflag:s14], $0x2780  }
0x168: {  	s19 =	sadd.s32 $0x1, s19;
	s28 =	rddreg [dreg:$0x8]  }
0x169: {  	p0 =	sne.s32 s19, s28  }
.Ltmp1:
0x16a: {  	_ = 	snop;
	(pc) =	sbr.rel @p0 .LBB2_1-.Ltmp1, $3  }
0x16b: {  	_ =	sdelay $0x1  }
0x16c: {  	[sflag:s14] =	ssyncset.done $0x0  }
0x16d: {  	[sflag:s14] =	ssyncadd.s32 $0xFFFFD880  }
0x16e: {  	_ =	sfence.sel $0x180000  }
0x16f: {  	[bflag:$0x0] =	sbarrier.arrive $0xFFFF  }
0x170: {  	_ =	strace $0x90000047  }
0x171: {  	s0 =	stileid.u32;
	[bflag:$0x2] =	sbarrier.arrive $0xFFFF  }
0x172: {  	p0 =	sne.s32 s0, $0x0;
	s0 =	rddreg [dreg:$0x3]  }
0x173: {  	s0 =	sadd.s32 @!p0 $0x100000, s0  }
0x174: {  	[sflag:s0] =	ssyncadd.tile.s32 @!p0 $0x1;
	_ =	shalt  }
.Lfunc_end2:
_tile_overlayer_lowered:
.L_overlay_start_2:
0x175: {  	(tag) =	ssettag $0x2  }
0x176: {  	s0 =	rddreg [dreg:$0x0];
	s2 =	stileid.u32  }
0x177: {  	s1 =	rddreg [dreg:$0x1];
	p0 =	sne.s32 s2, $0x0  }
0x178: {  	s3 =	rddreg [dreg:$0x2];
	[bflag:$0x3] =	sbarrier.arrive $0xFFFF;
	s2 =	simm.s32 @!p0 $0x1C03  }
0x179: {  	[timem:s3], [sflag:s2] =	dma.local @!p0 [hbm:s0], s1  }
0x17a: {  	s0 =	simm.s32 @!p0 $0x3  }
0x17b: {  	_ =	swait.ge @!p0 [sflag:s0], s1  }
0x17c: {  	s1 =	ssub.s32 @!p0 $0x0, s1;
	[sflag:s0] =	ssyncset.done @!p0 $0x0  }
0x17d: {  	[sflag:s0] =	ssyncadd.s32 @!p0 s1  }
0x17e: {  	[bflag:$0x3] =	sbarrier.arrive $0xFFFF  }
0x17f: {  	_ =	shalt  }

</sc_bundles>
